<compile_context>
chip_gen: v7x
topology: tpu7x:2x2x1
jax: 0.10.2.dev20260603
libtpu: 0.0.44.dev20260713+nightly
codegen_flags: <defaults>
</compile_context>

<pallas_src>
import functools

import jax
import jax.numpy as jnp
from jax import lax
from jax.experimental import pallas as pl
from jax.experimental.pallas import tpu as pltpu
from jax.experimental.pallas import tpu_sc as plsc

N = 10000
NP = 10000
E = 320000
ER = E // 128
C = 128
RB = 2000


def _mesh():
    return plsc.VectorSubcoreMesh(core_axis_name="c", subcore_axis_name="s")


ROWS_T = 78
CH = 3
NCH = ROWS_T // CH
NPAIR = NCH // 2 - 1


def _deg_kernel(e4):

    @functools.partial(
        pl.kernel,
        mesh=_mesh(),
        out_type=jax.ShapeDtypeStruct((2, NP, C), jnp.float32),
        scratch_types=[
            pltpu.VMEM_SHARED((NP, C), jnp.float32),
            pltpu.VMEM((128, C), jnp.float32),
            pltpu.VMEM((80, 1, 128), jnp.int32),
            pltpu.SemaphoreType.DMA,
            pltpu.SemaphoreType.DMA,
        ],
    )
    def k(ei_hbm, zdum_hbm, out_hbm, acc, buf, didx, sem0, sem1):
        c = lax.axis_index("c")
        s = lax.axis_index("s")
        sems = (sem0, sem1)
        zeroi = jnp.zeros((16,), jnp.float32)
        onesi = jnp.ones((16,), jnp.float32)

        def zb(i, _):
            buf[i // 8, pl.ds((i % 8) * 16, 16)] = zeroi
            return 0

        lax.fori_loop(0, 1024, zb, 0)
        for j in range(4):
            pltpu.sync_copy(buf, acc.at[pl.ds(s * 624 + j * 128, 128)])
        pltpu.sync_copy(buf.at[pl.ds(0, 112)],
                        acc.at[pl.ds(s * 624 + 512, 112)])

        @pl.when(s == 0)
        def _():
            pltpu.sync_copy(buf.at[pl.ds(0, 16)], acc.at[pl.ds(9984, 16)])

        def ob(i, _):
            buf[i // 8, pl.ds((i % 8) * 16, 16)] = onesi
            return 0

        lax.fori_loop(0, 1024, ob, 0)
        base = c * (ER // 2) + s * ROWS_T
        pltpu.sync_copy(ei_hbm.at[1, pl.ds(base, ROWS_T)],
                        didx.at[pl.ds(0, ROWS_T)])

        @pl.when(s < 2)
        def _():
            pltpu.sync_copy(ei_hbm.at[1, c * (ER // 2) + 16 * ROWS_T + s],
                            didx.at[ROWS_T])

        plsc.subcore_barrier()

        def scat(j, b):
            for kk in range(CH):
                pltpu.async_copy(buf, acc.at[didx.at[j * CH + kk, 0]],
                                 sems[b], add=True)

        def wait_s(b):
            for kk in range(CH):
                pltpu.make_async_copy(zdum_hbm.at[pl.ds(0, 128)], buf,
                                      sems[b]).wait()

        scat(0, 0)
        scat(1, 1)

        def pair(j2, _):
            j = 2 * j2
            wait_s(0)
            scat(j + 2, 0)
            wait_s(1)
            scat(j + 3, 1)
            return 0

        lax.fori_loop(0, NPAIR, pair, 0)
        wait_s(0)
        wait_s(1)

        @pl.when(s < 2)
        def _():
            pltpu.async_copy(buf, acc.at[didx.at[ROWS_T, 0]], sem0, add=True)
            pltpu.make_async_copy(zdum_hbm.at[pl.ds(0, 128)], buf,
                                  sem0).wait()

        plsc.subcore_barrier()
        pltpu.sync_copy(acc.at[pl.ds(s * 624, 624)],
                        out_hbm.at[c, pl.ds(s * 624, 624)])

        @pl.when(s == 0)
        def _():
            pltpu.sync_copy(acc.at[pl.ds(9984, 16)],
                            out_hbm.at[c, pl.ds(9984, 16)])

    return k(e4, jnp.zeros((128, 128), jnp.float32))


def _agg_kernel(hs, e4):

    @functools.partial(
        pl.kernel,
        mesh=_mesh(),
        out_type=jax.ShapeDtypeStruct((2, NP, C), jnp.float32),
        scratch_types=[
            pltpu.VMEM_SHARED((NP, C), jnp.float32),
            pltpu.VMEM((128, C), jnp.float32),
            pltpu.VMEM((128, C), jnp.float32),
            pltpu.VMEM((40, 1, 128), jnp.int32),
            pltpu.VMEM((40, 1, 128), jnp.int32),
            pltpu.SemaphoreType.DMA,
            pltpu.SemaphoreType.DMA,
            pltpu.SemaphoreType.DMA,
            pltpu.SemaphoreType.DMA,
        ],
    )
    def k(hs_hbm, ei_hbm, out_hbm, acc, rows0, rows1,
          sidx, didx, sg0, sg1, ss0, ss1):
        c = lax.axis_index("c")
        s = lax.axis_index("s")
        rows = (rows0, rows1)
        sg = (sg0, sg1)
        ss = (ss0, ss1)
        zero16 = jnp.zeros((16,), jnp.float32)

        def zb(i, _):
            rows0[i // 8, pl.ds((i % 8) * 16, 16)] = zero16
            return 0

        lax.fori_loop(0, 1024, zb, 0)
        for j in range(4):
            pltpu.sync_copy(rows0, acc.at[pl.ds(s * 624 + j * 128, 128)])
        pltpu.sync_copy(rows0.at[pl.ds(0, 112)],
                        acc.at[pl.ds(s * 624 + 512, 112)])

        @pl.when(s == 0)
        def _():
            pltpu.sync_copy(rows0.at[pl.ds(0, 16)], acc.at[pl.ds(9984, 16)])

        plsc.subcore_barrier()

        base = c * (ER // 2) + s * ROWS_T

        def gath(j, b):
            pltpu.async_copy(hs_hbm.at[sidx.at[j, 0]], rows[b], sg[b])

        def scat(j, b):
            pltpu.async_copy(rows[b], acc.at[didx.at[j, 0]], ss[b], add=True)

        def wait_g(b):
            pltpu.make_async_copy(hs_hbm.at[pl.ds(0, 128)], rows[b],
                                  sg[b]).wait()

        def wait_s(b):
            pltpu.make_async_copy(hs_hbm.at[pl.ds(0, 128)], rows[b],
                                  ss[b]).wait()

        def phase(row_base, nrows):
            pltpu.sync_copy(ei_hbm.at[0, pl.ds(base + row_base, nrows)],
                            sidx.at[pl.ds(0, nrows)])
            pltpu.sync_copy(ei_hbm.at[1, pl.ds(base + row_base, nrows)],
                            didx.at[pl.ds(0, nrows)])
            gath(0, 0)
            gath(1, 1)

            def pair(j2, _):
                j = 2 * j2
                wait_g(0)
                scat(j, 0)
                wait_s(0)
                gath(j + 2, 0)
                wait_g(1)
                scat(j + 1, 1)
                wait_s(1)
                gath(j + 3, 1)
                return 0

            lax.fori_loop(0, nrows // 2 - 1, pair, 0)
            wait_g(0)
            scat(nrows - 2, 0)
            wait_g(1)
            scat(nrows - 1, 1)
            wait_s(0)
            wait_s(1)

        phase(0, 40)
        phase(40, 38)

        @pl.when(s < 2)
        def _():
            xr = c * (ER // 2) + 16 * ROWS_T + s
            pltpu.sync_copy(ei_hbm.at[0, xr], sidx.at[0])
            pltpu.sync_copy(ei_hbm.at[1, xr], didx.at[0])
            gath(0, 0)
            wait_g(0)
            scat(0, 0)
            wait_s(0)

        plsc.subcore_barrier()
        pltpu.sync_copy(acc.at[pl.ds(s * 624, 624)],
                        out_hbm.at[c, pl.ds(s * 624, 624)])

        @pl.when(s == 0)
        def _():
            pltpu.sync_copy(acc.at[pl.ds(9984, 16)],
                            out_hbm.at[c, pl.ds(9984, 16)])

    return k(hs, e4)


def _dinv_of(d_ref):
    return lax.rsqrt(1.0 + d_ref[0, :, 0:1] + d_ref[1, :, 0:1])


def _tc_a(x, W1, degp):
    def body(x_ref, w_ref, d_ref, o_ref, v_ref):
        dinv = _dinv_of(d_ref)
        h = jnp.dot(x_ref[...], w_ref[...], preferred_element_type=jnp.float32)
        o_ref[...] = h * dinv
        v_ref[...] = jnp.broadcast_to(dinv, (RB, C))

    return pl.pallas_call(
        body,
        grid=(NP // RB,),
        in_specs=[
            pl.BlockSpec((RB, C), lambda i: (i, 0)),
            pl.BlockSpec((C, C), lambda i: (0, 0)),
            pl.BlockSpec((2, RB, C), lambda i: (0, i, 0)),
        ],
        out_specs=[pl.BlockSpec((RB, C), lambda i: (i, 0)),
                   pl.BlockSpec((RB, C), lambda i: (i, 0))],
        out_shape=[jax.ShapeDtypeStruct((NP, C), jnp.float32),
                   jax.ShapeDtypeStruct((NP, C), jnp.float32)],
    )(x, W1, degp)


def _tc_b(agg, h1s, dinvb, b1, W2):
    def body(a_ref, h_ref, d_ref, b_ref, w_ref, o_ref):
        dinv = d_ref[...]
        t = (a_ref[0] + a_ref[1] + h_ref[...]) * dinv + b_ref[...]
        t = jnp.maximum(t, 0.0)
        o_ref[...] = jnp.dot(t, w_ref[...],
                             preferred_element_type=jnp.float32) * dinv

    return pl.pallas_call(
        body,
        grid=(NP // RB,),
        in_specs=[
            pl.BlockSpec((2, RB, C), lambda i: (0, i, 0)),
            pl.BlockSpec((RB, C), lambda i: (i, 0)),
            pl.BlockSpec((RB, C), lambda i: (i, 0)),
            pl.BlockSpec((1, C), lambda i: (0, 0)),
            pl.BlockSpec((C, C), lambda i: (0, 0)),
        ],
        out_specs=pl.BlockSpec((RB, C), lambda i: (i, 0)),
        out_shape=jax.ShapeDtypeStruct((NP, C), jnp.float32),
    )(agg, h1s, dinvb, b1, W2)


def _tc_c(agg, h2s, dinvb, b2):
    def body(a_ref, h_ref, d_ref, b_ref, o_ref):
        o_ref[...] = (a_ref[0] + a_ref[1] + h_ref[...]) * d_ref[...] + b_ref[...]

    return pl.pallas_call(
        body,
        grid=(NP // RB,),
        in_specs=[
            pl.BlockSpec((2, RB, C), lambda i: (0, i, 0)),
            pl.BlockSpec((RB, C), lambda i: (i, 0)),
            pl.BlockSpec((RB, C), lambda i: (i, 0)),
            pl.BlockSpec((1, C), lambda i: (0, 0)),
        ],
        out_specs=pl.BlockSpec((RB, C), lambda i: (i, 0)),
        out_shape=jax.ShapeDtypeStruct((NP, C), jnp.float32),
    )(agg, h2s, dinvb, b2)


def kernel(x, edge_index, W1, b1, W2, b2):
    e4 = edge_index.astype(jnp.int32).reshape(2, ER, 1, 128)

    degp = _deg_kernel(e4)
    h1s, dinvb = _tc_a(x, W1, degp)
    agg1 = _agg_kernel(h1s, e4)
    h2s = _tc_b(agg1, h1s, dinvb, b1.reshape(1, C), W2)
    agg2 = _agg_kernel(h2s, e4)
    outp = _tc_c(agg2, h2s, dinvb, b2.reshape(1, C))
    return outp

# --- scband reference (transcript-rebuilt; emitter-appended) ---
"""Pipeline reference for scband-gcn-90915867721778 (READ-ONLY COPY).

The authoritative reference and input builder live on the scoring server;
editing this copy changes nothing except your own understanding.
"""

import jax, jax.numpy as jnp
import numpy as np

NUM_NODES = 10000
NUM_EDGES = 320000
IN_CH = 128
HID_CH = 128
OUT_CH = 128


def setup_inputs(seed: int = 0) -> dict:
    key = jax.random.key(seed)
    k1, k2, k3, k4, k5, k6 = jax.random.split(key, 6)
    x = jax.random.normal(k1, (NUM_NODES, IN_CH), dtype=jnp.float32)
    edge_index = jax.random.randint(k2, (2, NUM_EDGES), 0, NUM_NODES, dtype=jnp.int64)
    # Glorot-style init for the two GCNConv layers
    W1 = jax.random.normal(k3, (IN_CH, HID_CH), dtype=jnp.float32) * (1.0 / np.sqrt(IN_CH))
    b1 = jnp.zeros((HID_CH,), dtype=jnp.float32)
    W2 = jax.random.normal(k4, (HID_CH, OUT_CH), dtype=jnp.float32) * (1.0 / np.sqrt(HID_CH))
    b2 = jnp.zeros((OUT_CH,), dtype=jnp.float32)
    return {"x": x, "edge_index": edge_index, "W1": W1, "b1": b1, "W2": W2, "b2": b2}


def _gcn_conv(x, W, b, src, dst, num_nodes):
    # h = D^{-1/2} (A + I) D^{-1/2} X W + b  (Kipf & Welling GCN layer)
    h = x @ W
    deg = jnp.zeros((num_nodes,), dtype=jnp.float32).at[dst].add(1.0)
    dinv = jnp.where(deg > 0, jax.lax.rsqrt(deg), 0.0)
    norm = dinv[src] * dinv[dst]
    msgs = h[src] * norm[:, None]
    out = jnp.zeros((num_nodes, h.shape[1]), dtype=h.dtype).at[dst].add(msgs)
    return out + b


def reference(x, edge_index, W1, b1, W2, b2):
    num_nodes = x.shape[0]
    loops = jnp.arange(num_nodes, dtype=edge_index.dtype)
    src = jnp.concatenate([edge_index[0], loops])
    dst = jnp.concatenate([edge_index[1], loops])
    h = _gcn_conv(x, W1, b1, src, dst, num_nodes)
    h = jax.nn.relu(h)
    out = _gcn_conv(h, W2, b2, src, dst, num_nodes)
    return out

if __name__ == "__main__":
    import jax
    _d = setup_inputs()
    print(jax.jit(kernel)(*tuple(_d.values())))

</pallas_src>

<mosaic_0001>
#map = affine_map<(d0, d1) -> (0, 0)>
#map1 = affine_map<(d0, d1) -> (0, 0, 0, 0)>
#map2 = affine_map<(d0, d1) -> (0, 0, 0)>
module attributes {stable_mosaic.version = 14 : i64} {
  func.func @k(%arg0: i32, %arg1: i32, %arg2: memref<10000x128xf32, #tpu.memory_space<hbm>>, %arg3: memref<2x2500x1x128xi32, #tpu.memory_space<hbm>>, %arg4: memref<2x10000x128xf32, #tpu.memory_space<hbm>>, %arg5: memref<10000x128xf32, #tpu.memory_space<vmem_shared>>, %arg6: memref<128x128xf32, #tpu.memory_space<vmem>>, %arg7: memref<128x128xf32, #tpu.memory_space<vmem>>, %arg8: memref<40x1x128xi32, #tpu.memory_space<vmem>>, %arg9: memref<40x1x128xi32, #tpu.memory_space<vmem>>, %arg10: memref<!tpu.dma_semaphore, #tpu.memory_space<semaphore_mem>>, %arg11: memref<!tpu.dma_semaphore, #tpu.memory_space<semaphore_mem>>, %arg12: memref<!tpu.dma_semaphore, #tpu.memory_space<semaphore_mem>>, %arg13: memref<!tpu.dma_semaphore, #tpu.memory_space<semaphore_mem>>) attributes {dimension_semantics = [#tpu.dimension_semantics<core_parallel>, #tpu.dimension_semantics<subcore_parallel>], iteration_bounds = array<i64: 2, 16>, scalar_prefetch = 0 : i64, scratch_operands = 9 : i64, tpu.core_type = #tpu.core_type<sc_vector_subcore>, window_params = [{transform_indices = #map}, {transform_indices = #map1}, {transform_indices = #map2}]} {
    %broadcast_in_dim3A = arith.constant 0.000000e+00 : f32
    %broadcast_in_dim3A_0 = vector.broadcast %broadcast_in_dim3A : f32 to vector<16xf32>
    %scan3A = arith.constant 0 : i32
    %scan3A_1 = arith.constant 0 : i32
    %scan3A_2 = arith.constant 1024 : i32
    %scan3A_3 = arith.addi %scan3A_1, %scan3A_2 : i32
    %scan3A_4 = arith.constant 1 : i32
    %scan3A_5 = scf.for %scan3A_181 = %scan3A_1 to %scan3A_3 step %scan3A_4 iter_args(%scan3A_182 = %scan3A) -> (i32)  : i32 {
      %jit3A = arith.constant 8 : i32
      %div3A = arith.divsi %scan3A_181, %jit3A : i32
      %sign3A = arith.constant 0 : i32
      %sign3A_183 = arith.cmpi sgt, %scan3A_181, %sign3A : i32
      %sign3A_184 = arith.extui %sign3A_183 : i1 to i32
      %sign3A_185 = arith.constant 0 : i32
      %sign3A_186 = arith.cmpi slt, %scan3A_181, %sign3A_185 : i32
      %sign3A_187 = arith.extui %sign3A_186 : i1 to i32
      %sign3A_188 = arith.subi %sign3A_184, %sign3A_187 : i32
      %sign3A_189 = arith.constant 0 : i32
      %sign3A_190 = arith.cmpi sgt, %jit3A, %sign3A_189 : i32
      %sign3A_191 = arith.extui %sign3A_190 : i1 to i32
      %sign3A_192 = arith.constant 0 : i32
      %sign3A_193 = arith.cmpi slt, %jit3A, %sign3A_192 : i32
      %sign3A_194 = arith.extui %sign3A_193 : i1 to i32
      %sign3A_195 = arith.subi %sign3A_191, %sign3A_194 : i32
      %ne3A = arith.cmpi ne, %sign3A_188, %sign3A_195 : i32
      %rem3A = arith.remsi %scan3A_181, %jit3A : i32
      %ne3A_196 = arith.constant 0 : i32
      %ne3A_197 = arith.cmpi ne, %rem3A, %ne3A_196 : i32
      %and3A = arith.andi %ne3A, %ne3A_197 : i1
      %sub3A = arith.constant 1 : i32
      %sub3A_198 = arith.subi %div3A, %sub3A : i32
      %select_n3A = arith.select %and3A, %sub3A_198, %div3A : i32
      %jit3A_199 = arith.constant 8 : i32
      %eq3A_200 = arith.constant 0 : i32
      %eq3A_201 = arith.cmpi eq, %jit3A_199, %eq3A_200 : i32
      %jit3A_202 = arith.constant 1 : i32
      %select_n3A_203 = arith.select %eq3A_201, %jit3A_202, %jit3A_199 : i32
      %rem3A_204 = arith.remsi %scan3A_181, %select_n3A_203 : i32
      %ne3A_205 = arith.constant 0 : i32
      %ne3A_206 = arith.cmpi ne, %rem3A_204, %ne3A_205 : i32
      %lt3A_207 = arith.constant 0 : i32
      %lt3A_208 = arith.cmpi slt, %rem3A_204, %lt3A_207 : i32
      %lt3A_209 = arith.constant 0 : i32
      %lt3A_210 = arith.cmpi slt, %select_n3A_203, %lt3A_209 : i32
      %ne3A_211 = arith.xori %lt3A_208, %lt3A_210 : i1
      %and3A_212 = arith.andi %ne3A_211, %ne3A_206 : i1
      %add3A_213 = arith.addi %rem3A_204, %select_n3A_203 : i32
      %select_n3A_214 = arith.select %and3A_212, %add3A_213, %rem3A_204 : i32
      %mul3A_215 = arith.constant 16 : i32
      %mul3A_216 = arith.muli %select_n3A_214, %mul3A_215 : i32
      %swap3A = arith.index_cast %select_n3A : i32 to index
      %swap3A_217 = arith.index_cast %mul3A_216 : i32 to index
      %swap3A_218 = tpu.vector_load %arg6[%swap3A, %swap3A_217] {strides = array<i32>} : memref<128x128xf32, #tpu.memory_space<vmem>>, vector<1x16xf32>,
      %swap3A_219 = vector.shape_cast %swap3A_218 : vector<1x16xf32> to vector<16xf32>
      %swap3A_220 = vector.shape_cast %broadcast_in_dim3A_0 : vector<16xf32> to vector<1x16xf32>
      tpu.vector_store %arg6[%swap3A, %swap3A_217], %swap3A_220 {strides = array<i32>} : memref<128x128xf32, #tpu.memory_space<vmem>>, vector<1x16xf32>,
      %scan3A_221 = arith.constant 0 : i32
      scf.yield %scan3A_221 : i32
    }
    %scan3A_6 = arith.constant 1024 : i32
    %mul3A = arith.constant 624 : i32
    %mul3A_7 = arith.muli %arg1, %mul3A : i32
    %add3A = arith.constant 0 : i32
    %add3A_8 = arith.addi %mul3A_7, %add3A : i32
    "tpu.region"() ({
      %run_scoped3A_181 = tpu.sem_alloc : memref<!tpu.dma_semaphore, #tpu.memory_space<semaphore_mem>>
      %dma_start3A_182 = arith.constant 0 : i32
      %dma_start3A_183 = tpu.memref_slice %arg5[%add3A_8, %dma_start3A_182] : memref<10000x128xf32, #tpu.memory_space<vmem_shared>> -> memref<128x128xf32, #tpu.memory_space<vmem_shared>>
      %dma_start3A_184 = arith.constant 0 : i32
      %dma_start3A_185 = tpu.memref_slice %arg5[%add3A_8, %dma_start3A_184] : memref<10000x128xf32, #tpu.memory_space<vmem_shared>> -> memref<128x128xf32, #tpu.memory_space<vmem_shared>>
      tpu.enqueue_dma source(%arg6 : memref<128x128xf32, #tpu.memory_space<vmem>>) target(%dma_start3A_185 : memref<128x128xf32, #tpu.memory_space<vmem_shared>>) target_semaphore(%run_scoped3A_181 : memref<!tpu.dma_semaphore, #tpu.memory_space<semaphore_mem>>)
      %dma_wait3A_186 = arith.constant 0 : i32
      %dma_wait3A_187 = tpu.memref_slice %arg5[%add3A_8, %dma_wait3A_186] : memref<10000x128xf32, #tpu.memory_space<vmem_shared>> -> memref<128x128xf32, #tpu.memory_space<vmem_shared>>
      %dma_wait3A_188 = arith.constant 0 : i32
      %dma_wait3A_189 = tpu.memref_slice %arg5[%add3A_8, %dma_wait3A_188] : memref<10000x128xf32, #tpu.memory_space<vmem_shared>> -> memref<128x128xf32, #tpu.memory_space<vmem_shared>>
      tpu.wait_dma2 semaphore(%run_scoped3A_181 : memref<!tpu.dma_semaphore, #tpu.memory_space<semaphore_mem>>) src(%arg6 : memref<128x128xf32, #tpu.memory_space<vmem>>) dst(%dma_wait3A_189 : memref<128x128xf32, #tpu.memory_space<vmem_shared>>)
      tpu.yield
    }) : () -> ()
    %mul3A_9 = arith.constant 624 : i32
    %mul3A_10 = arith.muli %arg1, %mul3A_9 : i32
    %add3A_11 = arith.constant 128 : i32
    %add3A_12 = arith.addi %mul3A_10, %add3A_11 : i32
    "tpu.region"() ({
      %run_scoped3A_181 = tpu.sem_alloc : memref<!tpu.dma_semaphore, #tpu.memory_space<semaphore_mem>>
      %dma_start3A_182 = arith.constant 0 : i32
      %dma_start3A_183 = tpu.memref_slice %arg5[%add3A_12, %dma_start3A_182] : memref<10000x128xf32, #tpu.memory_space<vmem_shared>> -> memref<128x128xf32, #tpu.memory_space<vmem_shared>>
      %dma_start3A_184 = arith.constant 0 : i32
      %dma_start3A_185 = tpu.memref_slice %arg5[%add3A_12, %dma_start3A_184] : memref<10000x128xf32, #tpu.memory_space<vmem_shared>> -> memref<128x128xf32, #tpu.memory_space<vmem_shared>>
      tpu.enqueue_dma source(%arg6 : memref<128x128xf32, #tpu.memory_space<vmem>>) target(%dma_start3A_185 : memref<128x128xf32, #tpu.memory_space<vmem_shared>>) target_semaphore(%run_scoped3A_181 : memref<!tpu.dma_semaphore, #tpu.memory_space<semaphore_mem>>)
      %dma_wait3A_186 = arith.constant 0 : i32
      %dma_wait3A_187 = tpu.memref_slice %arg5[%add3A_12, %dma_wait3A_186] : memref<10000x128xf32, #tpu.memory_space<vmem_shared>> -> memref<128x128xf32, #tpu.memory_space<vmem_shared>>
      %dma_wait3A_188 = arith.constant 0 : i32
      %dma_wait3A_189 = tpu.memref_slice %arg5[%add3A_12, %dma_wait3A_188] : memref<10000x128xf32, #tpu.memory_space<vmem_shared>> -> memref<128x128xf32, #tpu.memory_space<vmem_shared>>
      tpu.wait_dma2 semaphore(%run_scoped3A_181 : memref<!tpu.dma_semaphore, #tpu.memory_space<semaphore_mem>>) src(%arg6 : memref<128x128xf32, #tpu.memory_space<vmem>>) dst(%dma_wait3A_189 : memref<128x128xf32, #tpu.memory_space<vmem_shared>>)
      tpu.yield
    }) : () -> ()
    %mul3A_13 = arith.constant 624 : i32
    %mul3A_14 = arith.muli %arg1, %mul3A_13 : i32
    %add3A_15 = arith.constant 256 : i32
    %add3A_16 = arith.addi %mul3A_14, %add3A_15 : i32
    "tpu.region"() ({
      %run_scoped3A_181 = tpu.sem_alloc : memref<!tpu.dma_semaphore, #tpu.memory_space<semaphore_mem>>
      %dma_start3A_182 = arith.constant 0 : i32
      %dma_start3A_183 = tpu.memref_slice %arg5[%add3A_16, %dma_start3A_182] : memref<10000x128xf32, #tpu.memory_space<vmem_shared>> -> memref<128x128xf32, #tpu.memory_space<vmem_shared>>
      %dma_start3A_184 = arith.constant 0 : i32
      %dma_start3A_185 = tpu.memref_slice %arg5[%add3A_16, %dma_start3A_184] : memref<10000x128xf32, #tpu.memory_space<vmem_shared>> -> memref<128x128xf32, #tpu.memory_space<vmem_shared>>
      tpu.enqueue_dma source(%arg6 : memref<128x128xf32, #tpu.memory_space<vmem>>) target(%dma_start3A_185 : memref<128x128xf32, #tpu.memory_space<vmem_shared>>) target_semaphore(%run_scoped3A_181 : memref<!tpu.dma_semaphore, #tpu.memory_space<semaphore_mem>>)
      %dma_wait3A_186 = arith.constant 0 : i32
      %dma_wait3A_187 = tpu.memref_slice %arg5[%add3A_16, %dma_wait3A_186] : memref<10000x128xf32, #tpu.memory_space<vmem_shared>> -> memref<128x128xf32, #tpu.memory_space<vmem_shared>>
      %dma_wait3A_188 = arith.constant 0 : i32
      %dma_wait3A_189 = tpu.memref_slice %arg5[%add3A_16, %dma_wait3A_188] : memref<10000x128xf32, #tpu.memory_space<vmem_shared>> -> memref<128x128xf32, #tpu.memory_space<vmem_shared>>
      tpu.wait_dma2 semaphore(%run_scoped3A_181 : memref<!tpu.dma_semaphore, #tpu.memory_space<semaphore_mem>>) src(%arg6 : memref<128x128xf32, #tpu.memory_space<vmem>>) dst(%dma_wait3A_189 : memref<128x128xf32, #tpu.memory_space<vmem_shared>>)
      tpu.yield
    }) : () -> ()
    %mul3A_17 = arith.constant 624 : i32
    %mul3A_18 = arith.muli %arg1, %mul3A_17 : i32
    %add3A_19 = arith.constant 384 : i32
    %add3A_20 = arith.addi %mul3A_18, %add3A_19 : i32
    "tpu.region"() ({
      %run_scoped3A_181 = tpu.sem_alloc : memref<!tpu.dma_semaphore, #tpu.memory_space<semaphore_mem>>
      %dma_start3A_182 = arith.constant 0 : i32
      %dma_start3A_183 = tpu.memref_slice %arg5[%add3A_20, %dma_start3A_182] : memref<10000x128xf32, #tpu.memory_space<vmem_shared>> -> memref<128x128xf32, #tpu.memory_space<vmem_shared>>
      %dma_start3A_184 = arith.constant 0 : i32
      %dma_start3A_185 = tpu.memref_slice %arg5[%add3A_20, %dma_start3A_184] : memref<10000x128xf32, #tpu.memory_space<vmem_shared>> -> memref<128x128xf32, #tpu.memory_space<vmem_shared>>
      tpu.enqueue_dma source(%arg6 : memref<128x128xf32, #tpu.memory_space<vmem>>) target(%dma_start3A_185 : memref<128x128xf32, #tpu.memory_space<vmem_shared>>) target_semaphore(%run_scoped3A_181 : memref<!tpu.dma_semaphore, #tpu.memory_space<semaphore_mem>>)
      %dma_wait3A_186 = arith.constant 0 : i32
      %dma_wait3A_187 = tpu.memref_slice %arg5[%add3A_20, %dma_wait3A_186] : memref<10000x128xf32, #tpu.memory_space<vmem_shared>> -> memref<128x128xf32, #tpu.memory_space<vmem_shared>>
      %dma_wait3A_188 = arith.constant 0 : i32
      %dma_wait3A_189 = tpu.memref_slice %arg5[%add3A_20, %dma_wait3A_188] : memref<10000x128xf32, #tpu.memory_space<vmem_shared>> -> memref<128x128xf32, #tpu.memory_space<vmem_shared>>
      tpu.wait_dma2 semaphore(%run_scoped3A_181 : memref<!tpu.dma_semaphore, #tpu.memory_space<semaphore_mem>>) src(%arg6 : memref<128x128xf32, #tpu.memory_space<vmem>>) dst(%dma_wait3A_189 : memref<128x128xf32, #tpu.memory_space<vmem_shared>>)
      tpu.yield
    }) : () -> ()
    %mul3A_21 = arith.constant 624 : i32
    %mul3A_22 = arith.muli %arg1, %mul3A_21 : i32
    %add3A_23 = arith.constant 512 : i32
    %add3A_24 = arith.addi %mul3A_22, %add3A_23 : i32
    "tpu.region"() ({
      %run_scoped3A_181 = tpu.sem_alloc : memref<!tpu.dma_semaphore, #tpu.memory_space<semaphore_mem>>
      %dma_start3A_182 = arith.constant 0 : i32
      %dma_start3A_183 = arith.constant 0 : i32
      %dma_start3A_184 = tpu.memref_slice %arg6[%dma_start3A_182, %dma_start3A_183] : memref<128x128xf32, #tpu.memory_space<vmem>> -> memref<112x128xf32, #tpu.memory_space<vmem>>
      %dma_start3A_185 = arith.constant 0 : i32
      %dma_start3A_186 = tpu.memref_slice %arg5[%add3A_24, %dma_start3A_185] : memref<10000x128xf32, #tpu.memory_space<vmem_shared>> -> memref<112x128xf32, #tpu.memory_space<vmem_shared>>
      %dma_start3A_187 = arith.constant 0 : i32
      %dma_start3A_188 = tpu.memref_slice %arg5[%add3A_24, %dma_start3A_187] : memref<10000x128xf32, #tpu.memory_space<vmem_shared>> -> memref<112x128xf32, #tpu.memory_space<vmem_shared>>
      %dma_start3A_189 = arith.constant 0 : i32
      %dma_start3A_190 = arith.constant 0 : i32
      %dma_start3A_191 = tpu.memref_slice %arg6[%dma_start3A_189, %dma_start3A_190] : memref<128x128xf32, #tpu.memory_space<vmem>> -> memref<112x128xf32, #tpu.memory_space<vmem>>
      tpu.enqueue_dma source(%dma_start3A_191 : memref<112x128xf32, #tpu.memory_space<vmem>>) target(%dma_start3A_188 : memref<112x128xf32, #tpu.memory_space<vmem_shared>>) target_semaphore(%run_scoped3A_181 : memref<!tpu.dma_semaphore, #tpu.memory_space<semaphore_mem>>)
      %dma_wait3A_192 = arith.constant 0 : i32
      %dma_wait3A_193 = arith.constant 0 : i32
      %dma_wait3A_194 = tpu.memref_slice %arg6[%dma_wait3A_192, %dma_wait3A_193] : memref<128x128xf32, #tpu.memory_space<vmem>> -> memref<112x128xf32, #tpu.memory_space<vmem>>
      %dma_wait3A_195 = arith.constant 0 : i32
      %dma_wait3A_196 = tpu.memref_slice %arg5[%add3A_24, %dma_wait3A_195] : memref<10000x128xf32, #tpu.memory_space<vmem_shared>> -> memref<112x128xf32, #tpu.memory_space<vmem_shared>>
      %dma_wait3A_197 = arith.constant 0 : i32
      %dma_wait3A_198 = tpu.memref_slice %arg5[%add3A_24, %dma_wait3A_197] : memref<10000x128xf32, #tpu.memory_space<vmem_shared>> -> memref<112x128xf32, #tpu.memory_space<vmem_shared>>
      %dma_wait3A_199 = arith.constant 0 : i32
      %dma_wait3A_200 = arith.constant 0 : i32
      %dma_wait3A_201 = tpu.memref_slice %arg6[%dma_wait3A_199, %dma_wait3A_200] : memref<128x128xf32, #tpu.memory_space<vmem>> -> memref<112x128xf32, #tpu.memory_space<vmem>>
      tpu.wait_dma2 semaphore(%run_scoped3A_181 : memref<!tpu.dma_semaphore, #tpu.memory_space<semaphore_mem>>) src(%dma_wait3A_201 : memref<112x128xf32, #tpu.memory_space<vmem>>) dst(%dma_wait3A_198 : memref<112x128xf32, #tpu.memory_space<vmem_shared>>)
      tpu.yield
    }) : () -> ()
    %eq3A = arith.constant 0 : i32
    %eq3A_25 = arith.cmpi eq, %arg1, %eq3A : i32
    %convert_element_type3A = arith.extui %eq3A_25 : i1 to i32
    %cond3A = arith.constant 0 : i32
    %cond3A_26 = arith.cmpi ne, %convert_element_type3A, %cond3A : i32
    scf.if %cond3A_26 {
      "tpu.region"() ({
        %run_scoped3A_181 = tpu.sem_alloc : memref<!tpu.dma_semaphore, #tpu.memory_space<semaphore_mem>>
        %dma_start3A_182 = arith.constant 0 : i32
        %dma_start3A_183 = arith.constant 0 : i32
        %dma_start3A_184 = tpu.memref_slice %arg6[%dma_start3A_182, %dma_start3A_183] : memref<128x128xf32, #tpu.memory_space<vmem>> -> memref<16x128xf32, #tpu.memory_space<vmem>>
        %dma_start3A_185 = arith.constant 9984 : i32
        %dma_start3A_186 = arith.constant 0 : i32
        %dma_start3A_187 = tpu.memref_slice %arg5[%dma_start3A_185, %dma_start3A_186] : memref<10000x128xf32, #tpu.memory_space<vmem_shared>> -> memref<16x128xf32, #tpu.memory_space<vmem_shared>>
        %dma_start3A_188 = arith.constant 9984 : i32
        %dma_start3A_189 = arith.constant 0 : i32
        %dma_start3A_190 = tpu.memref_slice %arg5[%dma_start3A_188, %dma_start3A_189] : memref<10000x128xf32, #tpu.memory_space<vmem_shared>> -> memref<16x128xf32, #tpu.memory_space<vmem_shared>>
        %dma_start3A_191 = arith.constant 0 : i32
        %dma_start3A_192 = arith.constant 0 : i32
        %dma_start3A_193 = tpu.memref_slice %arg6[%dma_start3A_191, %dma_start3A_192] : memref<128x128xf32, #tpu.memory_space<vmem>> -> memref<16x128xf32, #tpu.memory_space<vmem>>
        tpu.enqueue_dma source(%dma_start3A_193 : memref<16x128xf32, #tpu.memory_space<vmem>>) target(%dma_start3A_190 : memref<16x128xf32, #tpu.memory_space<vmem_shared>>) target_semaphore(%run_scoped3A_181 : memref<!tpu.dma_semaphore, #tpu.memory_space<semaphore_mem>>)
        %dma_wait3A_194 = arith.constant 0 : i32
        %dma_wait3A_195 = arith.constant 0 : i32
        %dma_wait3A_196 = tpu.memref_slice %arg6[%dma_wait3A_194, %dma_wait3A_195] : memref<128x128xf32, #tpu.memory_space<vmem>> -> memref<16x128xf32, #tpu.memory_space<vmem>>
        %dma_wait3A_197 = arith.constant 9984 : i32
        %dma_wait3A_198 = arith.constant 0 : i32
        %dma_wait3A_199 = tpu.memref_slice %arg5[%dma_wait3A_197, %dma_wait3A_198] : memref<10000x128xf32, #tpu.memory_space<vmem_shared>> -> memref<16x128xf32, #tpu.memory_space<vmem_shared>>
        %dma_wait3A_200 = arith.constant 9984 : i32
        %dma_wait3A_201 = arith.constant 0 : i32
        %dma_wait3A_202 = tpu.memref_slice %arg5[%dma_wait3A_200, %dma_wait3A_201] : memref<10000x128xf32, #tpu.memory_space<vmem_shared>> -> memref<16x128xf32, #tpu.memory_space<vmem_shared>>
        %dma_wait3A_203 = arith.constant 0 : i32
        %dma_wait3A_204 = arith.constant 0 : i32
        %dma_wait3A_205 = tpu.memref_slice %arg6[%dma_wait3A_203, %dma_wait3A_204] : memref<128x128xf32, #tpu.memory_space<vmem>> -> memref<16x128xf32, #tpu.memory_space<vmem>>
        tpu.wait_dma2 semaphore(%run_scoped3A_181 : memref<!tpu.dma_semaphore, #tpu.memory_space<semaphore_mem>>) src(%dma_wait3A_205 : memref<16x128xf32, #tpu.memory_space<vmem>>) dst(%dma_wait3A_202 : memref<16x128xf32, #tpu.memory_space<vmem_shared>>)
        tpu.yield
      }) : () -> ()
    } else {
    }
    %barrier3A = arith.constant 0 : index
    tpu.barrier barrier_id(%barrier3A)
    %mul3A_27 = arith.constant 1250 : i32
    %mul3A_28 = arith.muli %arg0, %mul3A_27 : i32
    %mul3A_29 = arith.constant 78 : i32
    %mul3A_30 = arith.muli %arg1, %mul3A_29 : i32
    %add3A_31 = arith.addi %mul3A_28, %mul3A_30 : i32
    %add3A_32 = arith.constant 0 : i32
    %add3A_33 = arith.addi %add3A_31, %add3A_32 : i32
    %run_scoped3A = arith.constant 0 : i32
    "tpu.region"() ({
      %run_scoped3A_181 = tpu.sem_alloc : memref<!tpu.dma_semaphore, #tpu.memory_space<semaphore_mem>>
      %dma_start3A_182 = arith.constant 0 : i32
      %dma_start3A_183 = arith.constant 0 : i32
      %dma_start3A_184 = arith.constant 0 : i32
      %dma_start3A_185 = tpu.memref_slice %arg8[%dma_start3A_182, %dma_start3A_183, %dma_start3A_184] : memref<40x1x128xi32, #tpu.memory_space<vmem>> -> memref<40x1x128xi32, #tpu.memory_space<vmem>>
      %dma_start3A_186 = arith.constant 0 : i32
      %dma_start3A_187 = arith.constant 0 : i32
      %dma_start3A_188 = tpu.memref_slice %arg3[%run_scoped3A, %add3A_33, %dma_start3A_186, %dma_start3A_187] : memref<2x2500x1x128xi32, #tpu.memory_space<hbm>> -> memref<1x40x1x128xi32, #tpu.memory_space<hbm>>
      %dma_start3A_189 = tpu.memref_squeeze %dma_start3A_188 : memref<1x40x1x128xi32, #tpu.memory_space<hbm>> -> memref<40x1x128xi32, #tpu.memory_space<hbm>>
      %dma_start3A_190 = arith.constant 0 : i32
      %dma_start3A_191 = arith.constant 0 : i32
      %dma_start3A_192 = arith.constant 0 : i32
      %dma_start3A_193 = tpu.memref_slice %arg8[%dma_start3A_190, %dma_start3A_191, %dma_start3A_192] : memref<40x1x128xi32, #tpu.memory_space<vmem>> -> memref<40x1x128xi32, #tpu.memory_space<vmem>>
      %dma_start3A_194 = arith.constant 0 : i32
      %dma_start3A_195 = arith.constant 0 : i32
      %dma_start3A_196 = tpu.memref_slice %arg3[%run_scoped3A, %add3A_33, %dma_start3A_194, %dma_start3A_195] : memref<2x2500x1x128xi32, #tpu.memory_space<hbm>> -> memref<1x40x1x128xi32, #tpu.memory_space<hbm>>
      %dma_start3A_197 = tpu.memref_squeeze %dma_start3A_196 : memref<1x40x1x128xi32, #tpu.memory_space<hbm>> -> memref<40x1x128xi32, #tpu.memory_space<hbm>>
      tpu.enqueue_dma source(%dma_start3A_197 : memref<40x1x128xi32, #tpu.memory_space<hbm>>) target(%dma_start3A_193 : memref<40x1x128xi32, #tpu.memory_space<vmem>>) target_semaphore(%run_scoped3A_181 : memref<!tpu.dma_semaphore, #tpu.memory_space<semaphore_mem>>)
      %dma_wait3A_198 = arith.constant 0 : i32
      %dma_wait3A_199 = arith.constant 0 : i32
      %dma_wait3A_200 = arith.constant 0 : i32
      %dma_wait3A_201 = tpu.memref_slice %arg8[%dma_wait3A_198, %dma_wait3A_199, %dma_wait3A_200] : memref<40x1x128xi32, #tpu.memory_space<vmem>> -> memref<40x1x128xi32, #tpu.memory_space<vmem>>
      %dma_wait3A_202 = arith.constant 0 : i32
      %dma_wait3A_203 = arith.constant 0 : i32
      %dma_wait3A_204 = tpu.memref_slice %arg3[%run_scoped3A, %add3A_33, %dma_wait3A_202, %dma_wait3A_203] : memref<2x2500x1x128xi32, #tpu.memory_space<hbm>> -> memref<1x40x1x128xi32, #tpu.memory_space<hbm>>
      %dma_wait3A_205 = tpu.memref_squeeze %dma_wait3A_204 : memref<1x40x1x128xi32, #tpu.memory_space<hbm>> -> memref<40x1x128xi32, #tpu.memory_space<hbm>>
      %dma_wait3A_206 = arith.constant 0 : i32
      %dma_wait3A_207 = arith.constant 0 : i32
      %dma_wait3A_208 = arith.constant 0 : i32
      %dma_wait3A_209 = tpu.memref_slice %arg8[%dma_wait3A_206, %dma_wait3A_207, %dma_wait3A_208] : memref<40x1x128xi32, #tpu.memory_space<vmem>> -> memref<40x1x128xi32, #tpu.memory_space<vmem>>
      %dma_wait3A_210 = arith.constant 0 : i32
      %dma_wait3A_211 = arith.constant 0 : i32
      %dma_wait3A_212 = tpu.memref_slice %arg3[%run_scoped3A, %add3A_33, %dma_wait3A_210, %dma_wait3A_211] : memref<2x2500x1x128xi32, #tpu.memory_space<hbm>> -> memref<1x40x1x128xi32, #tpu.memory_space<hbm>>
      %dma_wait3A_213 = tpu.memref_squeeze %dma_wait3A_212 : memref<1x40x1x128xi32, #tpu.memory_space<hbm>> -> memref<40x1x128xi32, #tpu.memory_space<hbm>>
      tpu.wait_dma2 semaphore(%run_scoped3A_181 : memref<!tpu.dma_semaphore, #tpu.memory_space<semaphore_mem>>) src(%dma_wait3A_213 : memref<40x1x128xi32, #tpu.memory_space<hbm>>) dst(%dma_wait3A_209 : memref<40x1x128xi32, #tpu.memory_space<vmem>>)
      tpu.yield
    }) : () -> ()
    %add3A_34 = arith.constant 0 : i32
    %add3A_35 = arith.addi %add3A_31, %add3A_34 : i32
    %run_scoped3A_36 = arith.constant 1 : i32
    "tpu.region"() ({
      %run_scoped3A_181 = tpu.sem_alloc : memref<!tpu.dma_semaphore, #tpu.memory_space<semaphore_mem>>
      %dma_start3A_182 = arith.constant 0 : i32
      %dma_start3A_183 = arith.constant 0 : i32
      %dma_start3A_184 = arith.constant 0 : i32
      %dma_start3A_185 = tpu.memref_slice %arg9[%dma_start3A_182, %dma_start3A_183, %dma_start3A_184] : memref<40x1x128xi32, #tpu.memory_space<vmem>> -> memref<40x1x128xi32, #tpu.memory_space<vmem>>
      %dma_start3A_186 = arith.constant 0 : i32
      %dma_start3A_187 = arith.constant 0 : i32
      %dma_start3A_188 = tpu.memref_slice %arg3[%run_scoped3A_36, %add3A_35, %dma_start3A_186, %dma_start3A_187] : memref<2x2500x1x128xi32, #tpu.memory_space<hbm>> -> memref<1x40x1x128xi32, #tpu.memory_space<hbm>>
      %dma_start3A_189 = tpu.memref_squeeze %dma_start3A_188 : memref<1x40x1x128xi32, #tpu.memory_space<hbm>> -> memref<40x1x128xi32, #tpu.memory_space<hbm>>
      %dma_start3A_190 = arith.constant 0 : i32
      %dma_start3A_191 = arith.constant 0 : i32
      %dma_start3A_192 = arith.constant 0 : i32
      %dma_start3A_193 = tpu.memref_slice %arg9[%dma_start3A_190, %dma_start3A_191, %dma_start3A_192] : memref<40x1x128xi32, #tpu.memory_space<vmem>> -> memref<40x1x128xi32, #tpu.memory_space<vmem>>
      %dma_start3A_194 = arith.constant 0 : i32
      %dma_start3A_195 = arith.constant 0 : i32
      %dma_start3A_196 = tpu.memref_slice %arg3[%run_scoped3A_36, %add3A_35, %dma_start3A_194, %dma_start3A_195] : memref<2x2500x1x128xi32, #tpu.memory_space<hbm>> -> memref<1x40x1x128xi32, #tpu.memory_space<hbm>>
      %dma_start3A_197 = tpu.memref_squeeze %dma_start3A_196 : memref<1x40x1x128xi32, #tpu.memory_space<hbm>> -> memref<40x1x128xi32, #tpu.memory_space<hbm>>
      tpu.enqueue_dma source(%dma_start3A_197 : memref<40x1x128xi32, #tpu.memory_space<hbm>>) target(%dma_start3A_193 : memref<40x1x128xi32, #tpu.memory_space<vmem>>) target_semaphore(%run_scoped3A_181 : memref<!tpu.dma_semaphore, #tpu.memory_space<semaphore_mem>>)
      %dma_wait3A_198 = arith.constant 0 : i32
      %dma_wait3A_199 = arith.constant 0 : i32
      %dma_wait3A_200 = arith.constant 0 : i32
      %dma_wait3A_201 = tpu.memref_slice %arg9[%dma_wait3A_198, %dma_wait3A_199, %dma_wait3A_200] : memref<40x1x128xi32, #tpu.memory_space<vmem>> -> memref<40x1x128xi32, #tpu.memory_space<vmem>>
      %dma_wait3A_202 = arith.constant 0 : i32
      %dma_wait3A_203 = arith.constant 0 : i32
      %dma_wait3A_204 = tpu.memref_slice %arg3[%run_scoped3A_36, %add3A_35, %dma_wait3A_202, %dma_wait3A_203] : memref<2x2500x1x128xi32, #tpu.memory_space<hbm>> -> memref<1x40x1x128xi32, #tpu.memory_space<hbm>>
      %dma_wait3A_205 = tpu.memref_squeeze %dma_wait3A_204 : memref<1x40x1x128xi32, #tpu.memory_space<hbm>> -> memref<40x1x128xi32, #tpu.memory_space<hbm>>
      %dma_wait3A_206 = arith.constant 0 : i32
      %dma_wait3A_207 = arith.constant 0 : i32
      %dma_wait3A_208 = arith.constant 0 : i32
      %dma_wait3A_209 = tpu.memref_slice %arg9[%dma_wait3A_206, %dma_wait3A_207, %dma_wait3A_208] : memref<40x1x128xi32, #tpu.memory_space<vmem>> -> memref<40x1x128xi32, #tpu.memory_space<vmem>>
      %dma_wait3A_210 = arith.constant 0 : i32
      %dma_wait3A_211 = arith.constant 0 : i32
      %dma_wait3A_212 = tpu.memref_slice %arg3[%run_scoped3A_36, %add3A_35, %dma_wait3A_210, %dma_wait3A_211] : memref<2x2500x1x128xi32, #tpu.memory_space<hbm>> -> memref<1x40x1x128xi32, #tpu.memory_space<hbm>>
      %dma_wait3A_213 = tpu.memref_squeeze %dma_wait3A_212 : memref<1x40x1x128xi32, #tpu.memory_space<hbm>> -> memref<40x1x128xi32, #tpu.memory_space<hbm>>
      tpu.wait_dma2 semaphore(%run_scoped3A_181 : memref<!tpu.dma_semaphore, #tpu.memory_space<semaphore_mem>>) src(%dma_wait3A_213 : memref<40x1x128xi32, #tpu.memory_space<hbm>>) dst(%dma_wait3A_209 : memref<40x1x128xi32, #tpu.memory_space<vmem>>)
      tpu.yield
    }) : () -> ()
    %dma_start3A = arith.constant 0 : i32
    %dma_start3A_37 = arith.constant 0 : i32
    %dma_start3A_38 = arith.constant 0 : i32
    %dma_start3A_39 = tpu.memref_slice %arg8[%dma_start3A, %dma_start3A_37, %dma_start3A_38] : memref<40x1x128xi32, #tpu.memory_space<vmem>> -> memref<1x1x128xi32, #tpu.memory_space<vmem>>
    %dma_start3A_40 = tpu.memref_squeeze %dma_start3A_39 : memref<1x1x128xi32, #tpu.memory_space<vmem>> -> memref<128xi32, #tpu.memory_space<vmem>>
    %dma_start3A_41 = arith.constant 0 : i32
    %dma_start3A_42 = arith.constant 0 : i32
    %dma_start3A_43 = tpu.memref_slice %arg2[%dma_start3A_41, %dma_start3A_42] : memref<10000x128xf32, #tpu.memory_space<hbm>> -> memref<10000x128xf32, #tpu.memory_space<hbm>>
    tpu.enqueue_indirect_dma source(%dma_start3A_43 : memref<10000x128xf32, #tpu.memory_space<hbm>>) target(%arg6 : memref<128x128xf32, #tpu.memory_space<vmem>>) offsets(%dma_start3A_40 : memref<128xi32, #tpu.memory_space<vmem>>) semaphore(%arg10 : memref<!tpu.dma_semaphore, #tpu.memory_space<semaphore_mem>>)
    %dma_start3A_44 = arith.constant 1 : i32
    %dma_start3A_45 = arith.constant 0 : i32
    %dma_start3A_46 = arith.constant 0 : i32
    %dma_start3A_47 = tpu.memref_slice %arg8[%dma_start3A_44, %dma_start3A_45, %dma_start3A_46] : memref<40x1x128xi32, #tpu.memory_space<vmem>> -> memref<1x1x128xi32, #tpu.memory_space<vmem>>
    %dma_start3A_48 = tpu.memref_squeeze %dma_start3A_47 : memref<1x1x128xi32, #tpu.memory_space<vmem>> -> memref<128xi32, #tpu.memory_space<vmem>>
    %dma_start3A_49 = arith.constant 0 : i32
    %dma_start3A_50 = arith.constant 0 : i32
    %dma_start3A_51 = tpu.memref_slice %arg2[%dma_start3A_49, %dma_start3A_50] : memref<10000x128xf32, #tpu.memory_space<hbm>> -> memref<10000x128xf32, #tpu.memory_space<hbm>>
    tpu.enqueue_indirect_dma source(%dma_start3A_51 : memref<10000x128xf32, #tpu.memory_space<hbm>>) target(%arg7 : memref<128x128xf32, #tpu.memory_space<vmem>>) offsets(%dma_start3A_48 : memref<128xi32, #tpu.memory_space<vmem>>) semaphore(%arg11 : memref<!tpu.dma_semaphore, #tpu.memory_space<semaphore_mem>>)
    %scan3A_52 = arith.constant 0 : i32
    %scan3A_53 = arith.constant 0 : i32
    %scan3A_54 = arith.constant 19 : i32
    %scan3A_55 = arith.addi %scan3A_53, %scan3A_54 : i32
    %scan3A_56 = arith.constant 1 : i32
    %scan3A_57 = scf.for %scan3A_181 = %scan3A_53 to %scan3A_55 step %scan3A_56 iter_args(%scan3A_182 = %scan3A_52) -> (i32)  : i32 {
      %mul3A_183 = arith.constant 2 : i32
      %mul3A_184 = arith.muli %mul3A_183, %scan3A_181 : i32
      %dma_wait3A_185 = arith.constant 0 : i32
      %dma_wait3A_186 = arith.constant 0 : i32
      %dma_wait3A_187 = tpu.memref_slice %arg2[%dma_wait3A_185, %dma_wait3A_186] : memref<10000x128xf32, #tpu.memory_space<hbm>> -> memref<128x128xf32, #tpu.memory_space<hbm>>
      %dma_wait3A_188 = arith.constant 0 : i32
      %dma_wait3A_189 = arith.constant 0 : i32
      %dma_wait3A_190 = tpu.memref_slice %arg2[%dma_wait3A_188, %dma_wait3A_189] : memref<10000x128xf32, #tpu.memory_space<hbm>> -> memref<128x128xf32, #tpu.memory_space<hbm>>
      tpu.wait_dma2 semaphore(%arg10 : memref<!tpu.dma_semaphore, #tpu.memory_space<semaphore_mem>>) src(%dma_wait3A_190 : memref<128x128xf32, #tpu.memory_space<hbm>>) dst(%arg6 : memref<128x128xf32, #tpu.memory_space<vmem>>)
      %dma_start3A_191 = arith.constant 0 : i32
      %dma_start3A_192 = arith.constant 0 : i32
      %dma_start3A_193 = tpu.memref_slice %arg9[%mul3A_184, %dma_start3A_191, %dma_start3A_192] : memref<40x1x128xi32, #tpu.memory_space<vmem>> -> memref<1x1x128xi32, #tpu.memory_space<vmem>>
      %dma_start3A_194 = tpu.memref_squeeze %dma_start3A_193 : memref<1x1x128xi32, #tpu.memory_space<vmem>> -> memref<128xi32, #tpu.memory_space<vmem>>
      %dma_start3A_195 = arith.constant 0 : i32
      %dma_start3A_196 = arith.constant 0 : i32
      %dma_start3A_197 = tpu.memref_slice %arg5[%dma_start3A_195, %dma_start3A_196] : memref<10000x128xf32, #tpu.memory_space<vmem_shared>> -> memref<10000x128xf32, #tpu.memory_space<vmem_shared>>
      tpu.enqueue_indirect_dma source(%arg6 : memref<128x128xf32, #tpu.memory_space<vmem>>) target(%dma_start3A_197 : memref<10000x128xf32, #tpu.memory_space<vmem_shared>>) offsets(%dma_start3A_194 : memref<128xi32, #tpu.memory_space<vmem>>) semaphore(%arg12 : memref<!tpu.dma_semaphore, #tpu.memory_space<semaphore_mem>>) {add = true}
      %dma_wait3A_198 = arith.constant 0 : i32
      %dma_wait3A_199 = arith.constant 0 : i32
      %dma_wait3A_200 = tpu.memref_slice %arg2[%dma_wait3A_198, %dma_wait3A_199] : memref<10000x128xf32, #tpu.memory_space<hbm>> -> memref<128x128xf32, #tpu.memory_space<hbm>>
      %dma_wait3A_201 = arith.constant 0 : i32
      %dma_wait3A_202 = arith.constant 0 : i32
      %dma_wait3A_203 = tpu.memref_slice %arg2[%dma_wait3A_201, %dma_wait3A_202] : memref<10000x128xf32, #tpu.memory_space<hbm>> -> memref<128x128xf32, #tpu.memory_space<hbm>>
      tpu.wait_dma2 semaphore(%arg12 : memref<!tpu.dma_semaphore, #tpu.memory_space<semaphore_mem>>) src(%dma_wait3A_203 : memref<128x128xf32, #tpu.memory_space<hbm>>) dst(%arg6 : memref<128x128xf32, #tpu.memory_space<vmem>>)
      %add3A_204 = arith.constant 2 : i32
      %add3A_205 = arith.addi %mul3A_184, %add3A_204 : i32
      %dma_start3A_206 = arith.constant 0 : i32
      %dma_start3A_207 = arith.constant 0 : i32
      %dma_start3A_208 = tpu.memref_slice %arg8[%add3A_205, %dma_start3A_206, %dma_start3A_207] : memref<40x1x128xi32, #tpu.memory_space<vmem>> -> memref<1x1x128xi32, #tpu.memory_space<vmem>>
      %dma_start3A_209 = tpu.memref_squeeze %dma_start3A_208 : memref<1x1x128xi32, #tpu.memory_space<vmem>> -> memref<128xi32, #tpu.memory_space<vmem>>
      %dma_start3A_210 = arith.constant 0 : i32
      %dma_start3A_211 = arith.constant 0 : i32
      %dma_start3A_212 = tpu.memref_slice %arg2[%dma_start3A_210, %dma_start3A_211] : memref<10000x128xf32, #tpu.memory_space<hbm>> -> memref<10000x128xf32, #tpu.memory_space<hbm>>
      tpu.enqueue_indirect_dma source(%dma_start3A_212 : memref<10000x128xf32, #tpu.memory_space<hbm>>) target(%arg6 : memref<128x128xf32, #tpu.memory_space<vmem>>) offsets(%dma_start3A_209 : memref<128xi32, #tpu.memory_space<vmem>>) semaphore(%arg10 : memref<!tpu.dma_semaphore, #tpu.memory_space<semaphore_mem>>)
      %dma_wait3A_213 = arith.constant 0 : i32
      %dma_wait3A_214 = arith.constant 0 : i32
      %dma_wait3A_215 = tpu.memref_slice %arg2[%dma_wait3A_213, %dma_wait3A_214] : memref<10000x128xf32, #tpu.memory_space<hbm>> -> memref<128x128xf32, #tpu.memory_space<hbm>>
      %dma_wait3A_216 = arith.constant 0 : i32
      %dma_wait3A_217 = arith.constant 0 : i32
      %dma_wait3A_218 = tpu.memref_slice %arg2[%dma_wait3A_216, %dma_wait3A_217] : memref<10000x128xf32, #tpu.memory_space<hbm>> -> memref<128x128xf32, #tpu.memory_space<hbm>>
      tpu.wait_dma2 semaphore(%arg11 : memref<!tpu.dma_semaphore, #tpu.memory_space<semaphore_mem>>) src(%dma_wait3A_218 : memref<128x128xf32, #tpu.memory_space<hbm>>) dst(%arg7 : memref<128x128xf32, #tpu.memory_space<vmem>>)
      %add3A_219 = arith.constant 1 : i32
      %add3A_220 = arith.addi %mul3A_184, %add3A_219 : i32
      %dma_start3A_221 = arith.constant 0 : i32
      %dma_start3A_222 = arith.constant 0 : i32
      %dma_start3A_223 = tpu.memref_slice %arg9[%add3A_220, %dma_start3A_221, %dma_start3A_222] : memref<40x1x128xi32, #tpu.memory_space<vmem>> -> memref<1x1x128xi32, #tpu.memory_space<vmem>>
      %dma_start3A_224 = tpu.memref_squeeze %dma_start3A_223 : memref<1x1x128xi32, #tpu.memory_space<vmem>> -> memref<128xi32, #tpu.memory_space<vmem>>
      %dma_start3A_225 = arith.constant 0 : i32
      %dma_start3A_226 = arith.constant 0 : i32
      %dma_start3A_227 = tpu.memref_slice %arg5[%dma_start3A_225, %dma_start3A_226] : memref<10000x128xf32, #tpu.memory_space<vmem_shared>> -> memref<10000x128xf32, #tpu.memory_space<vmem_shared>>
      tpu.enqueue_indirect_dma source(%arg7 : memref<128x128xf32, #tpu.memory_space<vmem>>) target(%dma_start3A_227 : memref<10000x128xf32, #tpu.memory_space<vmem_shared>>) offsets(%dma_start3A_224 : memref<128xi32, #tpu.memory_space<vmem>>) semaphore(%arg13 : memref<!tpu.dma_semaphore, #tpu.memory_space<semaphore_mem>>) {add = true}
      %dma_wait3A_228 = arith.constant 0 : i32
      %dma_wait3A_229 = arith.constant 0 : i32
      %dma_wait3A_230 = tpu.memref_slice %arg2[%dma_wait3A_228, %dma_wait3A_229] : memref<10000x128xf32, #tpu.memory_space<hbm>> -> memref<128x128xf32, #tpu.memory_space<hbm>>
      %dma_wait3A_231 = arith.constant 0 : i32
      %dma_wait3A_232 = arith.constant 0 : i32
      %dma_wait3A_233 = tpu.memref_slice %arg2[%dma_wait3A_231, %dma_wait3A_232] : memref<10000x128xf32, #tpu.memory_space<hbm>> -> memref<128x128xf32, #tpu.memory_space<hbm>>
      tpu.wait_dma2 semaphore(%arg13 : memref<!tpu.dma_semaphore, #tpu.memory_space<semaphore_mem>>) src(%dma_wait3A_233 : memref<128x128xf32, #tpu.memory_space<hbm>>) dst(%arg7 : memref<128x128xf32, #tpu.memory_space<vmem>>)
      %add3A_234 = arith.constant 3 : i32
      %add3A_235 = arith.addi %mul3A_184, %add3A_234 : i32
      %dma_start3A_236 = arith.constant 0 : i32
      %dma_start3A_237 = arith.constant 0 : i32
      %dma_start3A_238 = tpu.memref_slice %arg8[%add3A_235, %dma_start3A_236, %dma_start3A_237] : memref<40x1x128xi32, #tpu.memory_space<vmem>> -> memref<1x1x128xi32, #tpu.memory_space<vmem>>
      %dma_start3A_239 = tpu.memref_squeeze %dma_start3A_238 : memref<1x1x128xi32, #tpu.memory_space<vmem>> -> memref<128xi32, #tpu.memory_space<vmem>>
      %dma_start3A_240 = arith.constant 0 : i32
      %dma_start3A_241 = arith.constant 0 : i32
      %dma_start3A_242 = tpu.memref_slice %arg2[%dma_start3A_240, %dma_start3A_241] : memref<10000x128xf32, #tpu.memory_space<hbm>> -> memref<10000x128xf32, #tpu.memory_space<hbm>>
      tpu.enqueue_indirect_dma source(%dma_start3A_242 : memref<10000x128xf32, #tpu.memory_space<hbm>>) target(%arg7 : memref<128x128xf32, #tpu.memory_space<vmem>>) offsets(%dma_start3A_239 : memref<128xi32, #tpu.memory_space<vmem>>) semaphore(%arg11 : memref<!tpu.dma_semaphore, #tpu.memory_space<semaphore_mem>>)
      %scan3A_243 = arith.constant 0 : i32
      scf.yield %scan3A_243 : i32
    }
    %scan3A_58 = arith.constant 19 : i32
    %dma_wait3A = arith.constant 0 : i32
    %dma_wait3A_59 = arith.constant 0 : i32
    %dma_wait3A_60 = tpu.memref_slice %arg2[%dma_wait3A, %dma_wait3A_59] : memref<10000x128xf32, #tpu.memory_space<hbm>> -> memref<128x128xf32, #tpu.memory_space<hbm>>
    %dma_wait3A_61 = arith.constant 0 : i32
    %dma_wait3A_62 = arith.constant 0 : i32
    %dma_wait3A_63 = tpu.memref_slice %arg2[%dma_wait3A_61, %dma_wait3A_62] : memref<10000x128xf32, #tpu.memory_space<hbm>> -> memref<128x128xf32, #tpu.memory_space<hbm>>
    tpu.wait_dma2 semaphore(%arg10 : memref<!tpu.dma_semaphore, #tpu.memory_space<semaphore_mem>>) src(%dma_wait3A_63 : memref<128x128xf32, #tpu.memory_space<hbm>>) dst(%arg6 : memref<128x128xf32, #tpu.memory_space<vmem>>)
    %dma_start3A_64 = arith.constant 38 : i32
    %dma_start3A_65 = arith.constant 0 : i32
    %dma_start3A_66 = arith.constant 0 : i32
    %dma_start3A_67 = tpu.memref_slice %arg9[%dma_start3A_64, %dma_start3A_65, %dma_start3A_66] : memref<40x1x128xi32, #tpu.memory_space<vmem>> -> memref<1x1x128xi32, #tpu.memory_space<vmem>>
    %dma_start3A_68 = tpu.memref_squeeze %dma_start3A_67 : memref<1x1x128xi32, #tpu.memory_space<vmem>> -> memref<128xi32, #tpu.memory_space<vmem>>
    %dma_start3A_69 = arith.constant 0 : i32
    %dma_start3A_70 = arith.constant 0 : i32
    %dma_start3A_71 = tpu.memref_slice %arg5[%dma_start3A_69, %dma_start3A_70] : memref<10000x128xf32, #tpu.memory_space<vmem_shared>> -> memref<10000x128xf32, #tpu.memory_space<vmem_shared>>
    tpu.enqueue_indirect_dma source(%arg6 : memref<128x128xf32, #tpu.memory_space<vmem>>) target(%dma_start3A_71 : memref<10000x128xf32, #tpu.memory_space<vmem_shared>>) offsets(%dma_start3A_68 : memref<128xi32, #tpu.memory_space<vmem>>) semaphore(%arg12 : memref<!tpu.dma_semaphore, #tpu.memory_space<semaphore_mem>>) {add = true}
    %dma_wait3A_72 = arith.constant 0 : i32
    %dma_wait3A_73 = arith.constant 0 : i32
    %dma_wait3A_74 = tpu.memref_slice %arg2[%dma_wait3A_72, %dma_wait3A_73] : memref<10000x128xf32, #tpu.memory_space<hbm>> -> memref<128x128xf32, #tpu.memory_space<hbm>>
    %dma_wait3A_75 = arith.constant 0 : i32
    %dma_wait3A_76 = arith.constant 0 : i32
    %dma_wait3A_77 = tpu.memref_slice %arg2[%dma_wait3A_75, %dma_wait3A_76] : memref<10000x128xf32, #tpu.memory_space<hbm>> -> memref<128x128xf32, #tpu.memory_space<hbm>>
    tpu.wait_dma2 semaphore(%arg11 : memref<!tpu.dma_semaphore, #tpu.memory_space<semaphore_mem>>) src(%dma_wait3A_77 : memref<128x128xf32, #tpu.memory_space<hbm>>) dst(%arg7 : memref<128x128xf32, #tpu.memory_space<vmem>>)
    %dma_start3A_78 = arith.constant 39 : i32
    %dma_start3A_79 = arith.constant 0 : i32
    %dma_start3A_80 = arith.constant 0 : i32
    %dma_start3A_81 = tpu.memref_slice %arg9[%dma_start3A_78, %dma_start3A_79, %dma_start3A_80] : memref<40x1x128xi32, #tpu.memory_space<vmem>> -> memref<1x1x128xi32, #tpu.memory_space<vmem>>
    %dma_start3A_82 = tpu.memref_squeeze %dma_start3A_81 : memref<1x1x128xi32, #tpu.memory_space<vmem>> -> memref<128xi32, #tpu.memory_space<vmem>>
    %dma_start3A_83 = arith.constant 0 : i32
    %dma_start3A_84 = arith.constant 0 : i32
    %dma_start3A_85 = tpu.memref_slice %arg5[%dma_start3A_83, %dma_start3A_84] : memref<10000x128xf32, #tpu.memory_space<vmem_shared>> -> memref<10000x128xf32, #tpu.memory_space<vmem_shared>>
    tpu.enqueue_indirect_dma source(%arg7 : memref<128x128xf32, #tpu.memory_space<vmem>>) target(%dma_start3A_85 : memref<10000x128xf32, #tpu.memory_space<vmem_shared>>) offsets(%dma_start3A_82 : memref<128xi32, #tpu.memory_space<vmem>>) semaphore(%arg13 : memref<!tpu.dma_semaphore, #tpu.memory_space<semaphore_mem>>) {add = true}
    %dma_wait3A_86 = arith.constant 0 : i32
    %dma_wait3A_87 = arith.constant 0 : i32
    %dma_wait3A_88 = tpu.memref_slice %arg2[%dma_wait3A_86, %dma_wait3A_87] : memref<10000x128xf32, #tpu.memory_space<hbm>> -> memref<128x128xf32, #tpu.memory_space<hbm>>
    %dma_wait3A_89 = arith.constant 0 : i32
    %dma_wait3A_90 = arith.constant 0 : i32
    %dma_wait3A_91 = tpu.memref_slice %arg2[%dma_wait3A_89, %dma_wait3A_90] : memref<10000x128xf32, #tpu.memory_space<hbm>> -> memref<128x128xf32, #tpu.memory_space<hbm>>
    tpu.wait_dma2 semaphore(%arg12 : memref<!tpu.dma_semaphore, #tpu.memory_space<semaphore_mem>>) src(%dma_wait3A_91 : memref<128x128xf32, #tpu.memory_space<hbm>>) dst(%arg6 : memref<128x128xf32, #tpu.memory_space<vmem>>)
    %dma_wait3A_92 = arith.constant 0 : i32
    %dma_wait3A_93 = arith.constant 0 : i32
    %dma_wait3A_94 = tpu.memref_slice %arg2[%dma_wait3A_92, %dma_wait3A_93] : memref<10000x128xf32, #tpu.memory_space<hbm>> -> memref<128x128xf32, #tpu.memory_space<hbm>>
    %dma_wait3A_95 = arith.constant 0 : i32
    %dma_wait3A_96 = arith.constant 0 : i32
    %dma_wait3A_97 = tpu.memref_slice %arg2[%dma_wait3A_95, %dma_wait3A_96] : memref<10000x128xf32, #tpu.memory_space<hbm>> -> memref<128x128xf32, #tpu.memory_space<hbm>>
    tpu.wait_dma2 semaphore(%arg13 : memref<!tpu.dma_semaphore, #tpu.memory_space<semaphore_mem>>) src(%dma_wait3A_97 : memref<128x128xf32, #tpu.memory_space<hbm>>) dst(%arg7 : memref<128x128xf32, #tpu.memory_space<vmem>>)
    %add3A_98 = arith.constant 40 : i32
    %add3A_99 = arith.addi %add3A_31, %add3A_98 : i32
    %run_scoped3A_100 = arith.constant 0 : i32
    "tpu.region"() ({
      %run_scoped3A_181 = tpu.sem_alloc : memref<!tpu.dma_semaphore, #tpu.memory_space<semaphore_mem>>
      %dma_start3A_182 = arith.constant 0 : i32
      %dma_start3A_183 = arith.constant 0 : i32
      %dma_start3A_184 = arith.constant 0 : i32
      %dma_start3A_185 = tpu.memref_slice %arg8[%dma_start3A_182, %dma_start3A_183, %dma_start3A_184] : memref<40x1x128xi32, #tpu.memory_space<vmem>> -> memref<38x1x128xi32, #tpu.memory_space<vmem>>
      %dma_start3A_186 = arith.constant 0 : i32
      %dma_start3A_187 = arith.constant 0 : i32
      %dma_start3A_188 = tpu.memref_slice %arg3[%run_scoped3A_100, %add3A_99, %dma_start3A_186, %dma_start3A_187] : memref<2x2500x1x128xi32, #tpu.memory_space<hbm>> -> memref<1x38x1x128xi32, #tpu.memory_space<hbm>>
      %dma_start3A_189 = tpu.memref_squeeze %dma_start3A_188 : memref<1x38x1x128xi32, #tpu.memory_space<hbm>> -> memref<38x1x128xi32, #tpu.memory_space<hbm>>
      %dma_start3A_190 = arith.constant 0 : i32
      %dma_start3A_191 = arith.constant 0 : i32
      %dma_start3A_192 = arith.constant 0 : i32
      %dma_start3A_193 = tpu.memref_slice %arg8[%dma_start3A_190, %dma_start3A_191, %dma_start3A_192] : memref<40x1x128xi32, #tpu.memory_space<vmem>> -> memref<38x1x128xi32, #tpu.memory_space<vmem>>
      %dma_start3A_194 = arith.constant 0 : i32
      %dma_start3A_195 = arith.constant 0 : i32
      %dma_start3A_196 = tpu.memref_slice %arg3[%run_scoped3A_100, %add3A_99, %dma_start3A_194, %dma_start3A_195] : memref<2x2500x1x128xi32, #tpu.memory_space<hbm>> -> memref<1x38x1x128xi32, #tpu.memory_space<hbm>>
      %dma_start3A_197 = tpu.memref_squeeze %dma_start3A_196 : memref<1x38x1x128xi32, #tpu.memory_space<hbm>> -> memref<38x1x128xi32, #tpu.memory_space<hbm>>
      tpu.enqueue_dma source(%dma_start3A_197 : memref<38x1x128xi32, #tpu.memory_space<hbm>>) target(%dma_start3A_193 : memref<38x1x128xi32, #tpu.memory_space<vmem>>) target_semaphore(%run_scoped3A_181 : memref<!tpu.dma_semaphore, #tpu.memory_space<semaphore_mem>>)
      %dma_wait3A_198 = arith.constant 0 : i32
      %dma_wait3A_199 = arith.constant 0 : i32
      %dma_wait3A_200 = arith.constant 0 : i32
      %dma_wait3A_201 = tpu.memref_slice %arg8[%dma_wait3A_198, %dma_wait3A_199, %dma_wait3A_200] : memref<40x1x128xi32, #tpu.memory_space<vmem>> -> memref<38x1x128xi32, #tpu.memory_space<vmem>>
      %dma_wait3A_202 = arith.constant 0 : i32
      %dma_wait3A_203 = arith.constant 0 : i32
      %dma_wait3A_204 = tpu.memref_slice %arg3[%run_scoped3A_100, %add3A_99, %dma_wait3A_202, %dma_wait3A_203] : memref<2x2500x1x128xi32, #tpu.memory_space<hbm>> -> memref<1x38x1x128xi32, #tpu.memory_space<hbm>>
      %dma_wait3A_205 = tpu.memref_squeeze %dma_wait3A_204 : memref<1x38x1x128xi32, #tpu.memory_space<hbm>> -> memref<38x1x128xi32, #tpu.memory_space<hbm>>
      %dma_wait3A_206 = arith.constant 0 : i32
      %dma_wait3A_207 = arith.constant 0 : i32
      %dma_wait3A_208 = arith.constant 0 : i32
      %dma_wait3A_209 = tpu.memref_slice %arg8[%dma_wait3A_206, %dma_wait3A_207, %dma_wait3A_208] : memref<40x1x128xi32, #tpu.memory_space<vmem>> -> memref<38x1x128xi32, #tpu.memory_space<vmem>>
      %dma_wait3A_210 = arith.constant 0 : i32
      %dma_wait3A_211 = arith.constant 0 : i32
      %dma_wait3A_212 = tpu.memref_slice %arg3[%run_scoped3A_100, %add3A_99, %dma_wait3A_210, %dma_wait3A_211] : memref<2x2500x1x128xi32, #tpu.memory_space<hbm>> -> memref<1x38x1x128xi32, #tpu.memory_space<hbm>>
      %dma_wait3A_213 = tpu.memref_squeeze %dma_wait3A_212 : memref<1x38x1x128xi32, #tpu.memory_space<hbm>> -> memref<38x1x128xi32, #tpu.memory_space<hbm>>
      tpu.wait_dma2 semaphore(%run_scoped3A_181 : memref<!tpu.dma_semaphore, #tpu.memory_space<semaphore_mem>>) src(%dma_wait3A_213 : memref<38x1x128xi32, #tpu.memory_space<hbm>>) dst(%dma_wait3A_209 : memref<38x1x128xi32, #tpu.memory_space<vmem>>)
      tpu.yield
    }) : () -> ()
    %add3A_101 = arith.constant 40 : i32
    %add3A_102 = arith.addi %add3A_31, %add3A_101 : i32
    %run_scoped3A_103 = arith.constant 1 : i32
    "tpu.region"() ({
      %run_scoped3A_181 = tpu.sem_alloc : memref<!tpu.dma_semaphore, #tpu.memory_space<semaphore_mem>>
      %dma_start3A_182 = arith.constant 0 : i32
      %dma_start3A_183 = arith.constant 0 : i32
      %dma_start3A_184 = arith.constant 0 : i32
      %dma_start3A_185 = tpu.memref_slice %arg9[%dma_start3A_182, %dma_start3A_183, %dma_start3A_184] : memref<40x1x128xi32, #tpu.memory_space<vmem>> -> memref<38x1x128xi32, #tpu.memory_space<vmem>>
      %dma_start3A_186 = arith.constant 0 : i32
      %dma_start3A_187 = arith.constant 0 : i32
      %dma_start3A_188 = tpu.memref_slice %arg3[%run_scoped3A_103, %add3A_102, %dma_start3A_186, %dma_start3A_187] : memref<2x2500x1x128xi32, #tpu.memory_space<hbm>> -> memref<1x38x1x128xi32, #tpu.memory_space<hbm>>
      %dma_start3A_189 = tpu.memref_squeeze %dma_start3A_188 : memref<1x38x1x128xi32, #tpu.memory_space<hbm>> -> memref<38x1x128xi32, #tpu.memory_space<hbm>>
      %dma_start3A_190 = arith.constant 0 : i32
      %dma_start3A_191 = arith.constant 0 : i32
      %dma_start3A_192 = arith.constant 0 : i32
      %dma_start3A_193 = tpu.memref_slice %arg9[%dma_start3A_190, %dma_start3A_191, %dma_start3A_192] : memref<40x1x128xi32, #tpu.memory_space<vmem>> -> memref<38x1x128xi32, #tpu.memory_space<vmem>>
      %dma_start3A_194 = arith.constant 0 : i32
      %dma_start3A_195 = arith.constant 0 : i32
      %dma_start3A_196 = tpu.memref_slice %arg3[%run_scoped3A_103, %add3A_102, %dma_start3A_194, %dma_start3A_195] : memref<2x2500x1x128xi32, #tpu.memory_space<hbm>> -> memref<1x38x1x128xi32, #tpu.memory_space<hbm>>
      %dma_start3A_197 = tpu.memref_squeeze %dma_start3A_196 : memref<1x38x1x128xi32, #tpu.memory_space<hbm>> -> memref<38x1x128xi32, #tpu.memory_space<hbm>>
      tpu.enqueue_dma source(%dma_start3A_197 : memref<38x1x128xi32, #tpu.memory_space<hbm>>) target(%dma_start3A_193 : memref<38x1x128xi32, #tpu.memory_space<vmem>>) target_semaphore(%run_scoped3A_181 : memref<!tpu.dma_semaphore, #tpu.memory_space<semaphore_mem>>)
      %dma_wait3A_198 = arith.constant 0 : i32
      %dma_wait3A_199 = arith.constant 0 : i32
      %dma_wait3A_200 = arith.constant 0 : i32
      %dma_wait3A_201 = tpu.memref_slice %arg9[%dma_wait3A_198, %dma_wait3A_199, %dma_wait3A_200] : memref<40x1x128xi32, #tpu.memory_space<vmem>> -> memref<38x1x128xi32, #tpu.memory_space<vmem>>
      %dma_wait3A_202 = arith.constant 0 : i32
      %dma_wait3A_203 = arith.constant 0 : i32
      %dma_wait3A_204 = tpu.memref_slice %arg3[%run_scoped3A_103, %add3A_102, %dma_wait3A_202, %dma_wait3A_203] : memref<2x2500x1x128xi32, #tpu.memory_space<hbm>> -> memref<1x38x1x128xi32, #tpu.memory_space<hbm>>
      %dma_wait3A_205 = tpu.memref_squeeze %dma_wait3A_204 : memref<1x38x1x128xi32, #tpu.memory_space<hbm>> -> memref<38x1x128xi32, #tpu.memory_space<hbm>>
      %dma_wait3A_206 = arith.constant 0 : i32
      %dma_wait3A_207 = arith.constant 0 : i32
      %dma_wait3A_208 = arith.constant 0 : i32
      %dma_wait3A_209 = tpu.memref_slice %arg9[%dma_wait3A_206, %dma_wait3A_207, %dma_wait3A_208] : memref<40x1x128xi32, #tpu.memory_space<vmem>> -> memref<38x1x128xi32, #tpu.memory_space<vmem>>
      %dma_wait3A_210 = arith.constant 0 : i32
      %dma_wait3A_211 = arith.constant 0 : i32
      %dma_wait3A_212 = tpu.memref_slice %arg3[%run_scoped3A_103, %add3A_102, %dma_wait3A_210, %dma_wait3A_211] : memref<2x2500x1x128xi32, #tpu.memory_space<hbm>> -> memref<1x38x1x128xi32, #tpu.memory_space<hbm>>
      %dma_wait3A_213 = tpu.memref_squeeze %dma_wait3A_212 : memref<1x38x1x128xi32, #tpu.memory_space<hbm>> -> memref<38x1x128xi32, #tpu.memory_space<hbm>>
      tpu.wait_dma2 semaphore(%run_scoped3A_181 : memref<!tpu.dma_semaphore, #tpu.memory_space<semaphore_mem>>) src(%dma_wait3A_213 : memref<38x1x128xi32, #tpu.memory_space<hbm>>) dst(%dma_wait3A_209 : memref<38x1x128xi32, #tpu.memory_space<vmem>>)
      tpu.yield
    }) : () -> ()
    %dma_start3A_104 = arith.constant 0 : i32
    %dma_start3A_105 = arith.constant 0 : i32
    %dma_start3A_106 = arith.constant 0 : i32
    %dma_start3A_107 = tpu.memref_slice %arg8[%dma_start3A_104, %dma_start3A_105, %dma_start3A_106] : memref<40x1x128xi32, #tpu.memory_space<vmem>> -> memref<1x1x128xi32, #tpu.memory_space<vmem>>
    %dma_start3A_108 = tpu.memref_squeeze %dma_start3A_107 : memref<1x1x128xi32, #tpu.memory_space<vmem>> -> memref<128xi32, #tpu.memory_space<vmem>>
    %dma_start3A_109 = arith.constant 0 : i32
    %dma_start3A_110 = arith.constant 0 : i32
    %dma_start3A_111 = tpu.memref_slice %arg2[%dma_start3A_109, %dma_start3A_110] : memref<10000x128xf32, #tpu.memory_space<hbm>> -> memref<10000x128xf32, #tpu.memory_space<hbm>>
    tpu.enqueue_indirect_dma source(%dma_start3A_111 : memref<10000x128xf32, #tpu.memory_space<hbm>>) target(%arg6 : memref<128x128xf32, #tpu.memory_space<vmem>>) offsets(%dma_start3A_108 : memref<128xi32, #tpu.memory_space<vmem>>) semaphore(%arg10 : memref<!tpu.dma_semaphore, #tpu.memory_space<semaphore_mem>>)
    %dma_start3A_112 = arith.constant 1 : i32
    %dma_start3A_113 = arith.constant 0 : i32
    %dma_start3A_114 = arith.constant 0 : i32
    %dma_start3A_115 = tpu.memref_slice %arg8[%dma_start3A_112, %dma_start3A_113, %dma_start3A_114] : memref<40x1x128xi32, #tpu.memory_space<vmem>> -> memref<1x1x128xi32, #tpu.memory_space<vmem>>
    %dma_start3A_116 = tpu.memref_squeeze %dma_start3A_115 : memref<1x1x128xi32, #tpu.memory_space<vmem>> -> memref<128xi32, #tpu.memory_space<vmem>>
    %dma_start3A_117 = arith.constant 0 : i32
    %dma_start3A_118 = arith.constant 0 : i32
    %dma_start3A_119 = tpu.memref_slice %arg2[%dma_start3A_117, %dma_start3A_118] : memref<10000x128xf32, #tpu.memory_space<hbm>> -> memref<10000x128xf32, #tpu.memory_space<hbm>>
    tpu.enqueue_indirect_dma source(%dma_start3A_119 : memref<10000x128xf32, #tpu.memory_space<hbm>>) target(%arg7 : memref<128x128xf32, #tpu.memory_space<vmem>>) offsets(%dma_start3A_116 : memref<128xi32, #tpu.memory_space<vmem>>) semaphore(%arg11 : memref<!tpu.dma_semaphore, #tpu.memory_space<semaphore_mem>>)
    %scan3A_120 = arith.constant 0 : i32
    %scan3A_121 = arith.constant 0 : i32
    %scan3A_122 = arith.constant 18 : i32
    %scan3A_123 = arith.addi %scan3A_121, %scan3A_122 : i32
    %scan3A_124 = arith.constant 1 : i32
    %scan3A_125 = scf.for %scan3A_181 = %scan3A_121 to %scan3A_123 step %scan3A_124 iter_args(%scan3A_182 = %scan3A_120) -> (i32)  : i32 {
      %mul3A_183 = arith.constant 2 : i32
      %mul3A_184 = arith.muli %mul3A_183, %scan3A_181 : i32
      %dma_wait3A_185 = arith.constant 0 : i32
      %dma_wait3A_186 = arith.constant 0 : i32
      %dma_wait3A_187 = tpu.memref_slice %arg2[%dma_wait3A_185, %dma_wait3A_186] : memref<10000x128xf32, #tpu.memory_space<hbm>> -> memref<128x128xf32, #tpu.memory_space<hbm>>
      %dma_wait3A_188 = arith.constant 0 : i32
      %dma_wait3A_189 = arith.constant 0 : i32
      %dma_wait3A_190 = tpu.memref_slice %arg2[%dma_wait3A_188, %dma_wait3A_189] : memref<10000x128xf32, #tpu.memory_space<hbm>> -> memref<128x128xf32, #tpu.memory_space<hbm>>
      tpu.wait_dma2 semaphore(%arg10 : memref<!tpu.dma_semaphore, #tpu.memory_space<semaphore_mem>>) src(%dma_wait3A_190 : memref<128x128xf32, #tpu.memory_space<hbm>>) dst(%arg6 : memref<128x128xf32, #tpu.memory_space<vmem>>)
      %dma_start3A_191 = arith.constant 0 : i32
      %dma_start3A_192 = arith.constant 0 : i32
      %dma_start3A_193 = tpu.memref_slice %arg9[%mul3A_184, %dma_start3A_191, %dma_start3A_192] : memref<40x1x128xi32, #tpu.memory_space<vmem>> -> memref<1x1x128xi32, #tpu.memory_space<vmem>>
      %dma_start3A_194 = tpu.memref_squeeze %dma_start3A_193 : memref<1x1x128xi32, #tpu.memory_space<vmem>> -> memref<128xi32, #tpu.memory_space<vmem>>
      %dma_start3A_195 = arith.constant 0 : i32
      %dma_start3A_196 = arith.constant 0 : i32
      %dma_start3A_197 = tpu.memref_slice %arg5[%dma_start3A_195, %dma_start3A_196] : memref<10000x128xf32, #tpu.memory_space<vmem_shared>> -> memref<10000x128xf32, #tpu.memory_space<vmem_shared>>
      tpu.enqueue_indirect_dma source(%arg6 : memref<128x128xf32, #tpu.memory_space<vmem>>) target(%dma_start3A_197 : memref<10000x128xf32, #tpu.memory_space<vmem_shared>>) offsets(%dma_start3A_194 : memref<128xi32, #tpu.memory_space<vmem>>) semaphore(%arg12 : memref<!tpu.dma_semaphore, #tpu.memory_space<semaphore_mem>>) {add = true}
      %dma_wait3A_198 = arith.constant 0 : i32
      %dma_wait3A_199 = arith.constant 0 : i32
      %dma_wait3A_200 = tpu.memref_slice %arg2[%dma_wait3A_198, %dma_wait3A_199] : memref<10000x128xf32, #tpu.memory_space<hbm>> -> memref<128x128xf32, #tpu.memory_space<hbm>>
      %dma_wait3A_201 = arith.constant 0 : i32
      %dma_wait3A_202 = arith.constant 0 : i32
      %dma_wait3A_203 = tpu.memref_slice %arg2[%dma_wait3A_201, %dma_wait3A_202] : memref<10000x128xf32, #tpu.memory_space<hbm>> -> memref<128x128xf32, #tpu.memory_space<hbm>>
      tpu.wait_dma2 semaphore(%arg12 : memref<!tpu.dma_semaphore, #tpu.memory_space<semaphore_mem>>) src(%dma_wait3A_203 : memref<128x128xf32, #tpu.memory_space<hbm>>) dst(%arg6 : memref<128x128xf32, #tpu.memory_space<vmem>>)
      %add3A_204 = arith.constant 2 : i32
      %add3A_205 = arith.addi %mul3A_184, %add3A_204 : i32
      %dma_start3A_206 = arith.constant 0 : i32
      %dma_start3A_207 = arith.constant 0 : i32
      %dma_start3A_208 = tpu.memref_slice %arg8[%add3A_205, %dma_start3A_206, %dma_start3A_207] : memref<40x1x128xi32, #tpu.memory_space<vmem>> -> memref<1x1x128xi32, #tpu.memory_space<vmem>>
      %dma_start3A_209 = tpu.memref_squeeze %dma_start3A_208 : memref<1x1x128xi32, #tpu.memory_space<vmem>> -> memref<128xi32, #tpu.memory_space<vmem>>
      %dma_start3A_210 = arith.constant 0 : i32
      %dma_start3A_211 = arith.constant 0 : i32
      %dma_start3A_212 = tpu.memref_slice %arg2[%dma_start3A_210, %dma_start3A_211] : memref<10000x128xf32, #tpu.memory_space<hbm>> -> memref<10000x128xf32, #tpu.memory_space<hbm>>
      tpu.enqueue_indirect_dma source(%dma_start3A_212 : memref<10000x128xf32, #tpu.memory_space<hbm>>) target(%arg6 : memref<128x128xf32, #tpu.memory_space<vmem>>) offsets(%dma_start3A_209 : memref<128xi32, #tpu.memory_space<vmem>>) semaphore(%arg10 : memref<!tpu.dma_semaphore, #tpu.memory_space<semaphore_mem>>)
      %dma_wait3A_213 = arith.constant 0 : i32
      %dma_wait3A_214 = arith.constant 0 : i32
      %dma_wait3A_215 = tpu.memref_slice %arg2[%dma_wait3A_213, %dma_wait3A_214] : memref<10000x128xf32, #tpu.memory_space<hbm>> -> memref<128x128xf32, #tpu.memory_space<hbm>>
      %dma_wait3A_216 = arith.constant 0 : i32
      %dma_wait3A_217 = arith.constant 0 : i32
      %dma_wait3A_218 = tpu.memref_slice %arg2[%dma_wait3A_216, %dma_wait3A_217] : memref<10000x128xf32, #tpu.memory_space<hbm>> -> memref<128x128xf32, #tpu.memory_space<hbm>>
      tpu.wait_dma2 semaphore(%arg11 : memref<!tpu.dma_semaphore, #tpu.memory_space<semaphore_mem>>) src(%dma_wait3A_218 : memref<128x128xf32, #tpu.memory_space<hbm>>) dst(%arg7 : memref<128x128xf32, #tpu.memory_space<vmem>>)
      %add3A_219 = arith.constant 1 : i32
      %add3A_220 = arith.addi %mul3A_184, %add3A_219 : i32
      %dma_start3A_221 = arith.constant 0 : i32
      %dma_start3A_222 = arith.constant 0 : i32
      %dma_start3A_223 = tpu.memref_slice %arg9[%add3A_220, %dma_start3A_221, %dma_start3A_222] : memref<40x1x128xi32, #tpu.memory_space<vmem>> -> memref<1x1x128xi32, #tpu.memory_space<vmem>>
      %dma_start3A_224 = tpu.memref_squeeze %dma_start3A_223 : memref<1x1x128xi32, #tpu.memory_space<vmem>> -> memref<128xi32, #tpu.memory_space<vmem>>
      %dma_start3A_225 = arith.constant 0 : i32
      %dma_start3A_226 = arith.constant 0 : i32
      %dma_start3A_227 = tpu.memref_slice %arg5[%dma_start3A_225, %dma_start3A_226] : memref<10000x128xf32, #tpu.memory_space<vmem_shared>> -> memref<10000x128xf32, #tpu.memory_space<vmem_shared>>
      tpu.enqueue_indirect_dma source(%arg7 : memref<128x128xf32, #tpu.memory_space<vmem>>) target(%dma_start3A_227 : memref<10000x128xf32, #tpu.memory_space<vmem_shared>>) offsets(%dma_start3A_224 : memref<128xi32, #tpu.memory_space<vmem>>) semaphore(%arg13 : memref<!tpu.dma_semaphore, #tpu.memory_space<semaphore_mem>>) {add = true}
      %dma_wait3A_228 = arith.constant 0 : i32
      %dma_wait3A_229 = arith.constant 0 : i32
      %dma_wait3A_230 = tpu.memref_slice %arg2[%dma_wait3A_228, %dma_wait3A_229] : memref<10000x128xf32, #tpu.memory_space<hbm>> -> memref<128x128xf32, #tpu.memory_space<hbm>>
      %dma_wait3A_231 = arith.constant 0 : i32
      %dma_wait3A_232 = arith.constant 0 : i32
      %dma_wait3A_233 = tpu.memref_slice %arg2[%dma_wait3A_231, %dma_wait3A_232] : memref<10000x128xf32, #tpu.memory_space<hbm>> -> memref<128x128xf32, #tpu.memory_space<hbm>>
      tpu.wait_dma2 semaphore(%arg13 : memref<!tpu.dma_semaphore, #tpu.memory_space<semaphore_mem>>) src(%dma_wait3A_233 : memref<128x128xf32, #tpu.memory_space<hbm>>) dst(%arg7 : memref<128x128xf32, #tpu.memory_space<vmem>>)
      %add3A_234 = arith.constant 3 : i32
      %add3A_235 = arith.addi %mul3A_184, %add3A_234 : i32
      %dma_start3A_236 = arith.constant 0 : i32
      %dma_start3A_237 = arith.constant 0 : i32
      %dma_start3A_238 = tpu.memref_slice %arg8[%add3A_235, %dma_start3A_236, %dma_start3A_237] : memref<40x1x128xi32, #tpu.memory_space<vmem>> -> memref<1x1x128xi32, #tpu.memory_space<vmem>>
      %dma_start3A_239 = tpu.memref_squeeze %dma_start3A_238 : memref<1x1x128xi32, #tpu.memory_space<vmem>> -> memref<128xi32, #tpu.memory_space<vmem>>
      %dma_start3A_240 = arith.constant 0 : i32
      %dma_start3A_241 = arith.constant 0 : i32
      %dma_start3A_242 = tpu.memref_slice %arg2[%dma_start3A_240, %dma_start3A_241] : memref<10000x128xf32, #tpu.memory_space<hbm>> -> memref<10000x128xf32, #tpu.memory_space<hbm>>
      tpu.enqueue_indirect_dma source(%dma_start3A_242 : memref<10000x128xf32, #tpu.memory_space<hbm>>) target(%arg7 : memref<128x128xf32, #tpu.memory_space<vmem>>) offsets(%dma_start3A_239 : memref<128xi32, #tpu.memory_space<vmem>>) semaphore(%arg11 : memref<!tpu.dma_semaphore, #tpu.memory_space<semaphore_mem>>)
      %scan3A_243 = arith.constant 0 : i32
      scf.yield %scan3A_243 : i32
    }
    %scan3A_126 = arith.constant 18 : i32
    %dma_wait3A_127 = arith.constant 0 : i32
    %dma_wait3A_128 = arith.constant 0 : i32
    %dma_wait3A_129 = tpu.memref_slice %arg2[%dma_wait3A_127, %dma_wait3A_128] : memref<10000x128xf32, #tpu.memory_space<hbm>> -> memref<128x128xf32, #tpu.memory_space<hbm>>
    %dma_wait3A_130 = arith.constant 0 : i32
    %dma_wait3A_131 = arith.constant 0 : i32
    %dma_wait3A_132 = tpu.memref_slice %arg2[%dma_wait3A_130, %dma_wait3A_131] : memref<10000x128xf32, #tpu.memory_space<hbm>> -> memref<128x128xf32, #tpu.memory_space<hbm>>
    tpu.wait_dma2 semaphore(%arg10 : memref<!tpu.dma_semaphore, #tpu.memory_space<semaphore_mem>>) src(%dma_wait3A_132 : memref<128x128xf32, #tpu.memory_space<hbm>>) dst(%arg6 : memref<128x128xf32, #tpu.memory_space<vmem>>)
    %dma_start3A_133 = arith.constant 36 : i32
    %dma_start3A_134 = arith.constant 0 : i32
    %dma_start3A_135 = arith.constant 0 : i32
    %dma_start3A_136 = tpu.memref_slice %arg9[%dma_start3A_133, %dma_start3A_134, %dma_start3A_135] : memref<40x1x128xi32, #tpu.memory_space<vmem>> -> memref<1x1x128xi32, #tpu.memory_space<vmem>>
    %dma_start3A_137 = tpu.memref_squeeze %dma_start3A_136 : memref<1x1x128xi32, #tpu.memory_space<vmem>> -> memref<128xi32, #tpu.memory_space<vmem>>
    %dma_start3A_138 = arith.constant 0 : i32
    %dma_start3A_139 = arith.constant 0 : i32
    %dma_start3A_140 = tpu.memref_slice %arg5[%dma_start3A_138, %dma_start3A_139] : memref<10000x128xf32, #tpu.memory_space<vmem_shared>> -> memref<10000x128xf32, #tpu.memory_space<vmem_shared>>
    tpu.enqueue_indirect_dma source(%arg6 : memref<128x128xf32, #tpu.memory_space<vmem>>) target(%dma_start3A_140 : memref<10000x128xf32, #tpu.memory_space<vmem_shared>>) offsets(%dma_start3A_137 : memref<128xi32, #tpu.memory_space<vmem>>) semaphore(%arg12 : memref<!tpu.dma_semaphore, #tpu.memory_space<semaphore_mem>>) {add = true}
    %dma_wait3A_141 = arith.constant 0 : i32
    %dma_wait3A_142 = arith.constant 0 : i32
    %dma_wait3A_143 = tpu.memref_slice %arg2[%dma_wait3A_141, %dma_wait3A_142] : memref<10000x128xf32, #tpu.memory_space<hbm>> -> memref<128x128xf32, #tpu.memory_space<hbm>>
    %dma_wait3A_144 = arith.constant 0 : i32
    %dma_wait3A_145 = arith.constant 0 : i32
    %dma_wait3A_146 = tpu.memref_slice %arg2[%dma_wait3A_144, %dma_wait3A_145] : memref<10000x128xf32, #tpu.memory_space<hbm>> -> memref<128x128xf32, #tpu.memory_space<hbm>>
    tpu.wait_dma2 semaphore(%arg11 : memref<!tpu.dma_semaphore, #tpu.memory_space<semaphore_mem>>) src(%dma_wait3A_146 : memref<128x128xf32, #tpu.memory_space<hbm>>) dst(%arg7 : memref<128x128xf32, #tpu.memory_space<vmem>>)
    %dma_start3A_147 = arith.constant 37 : i32
    %dma_start3A_148 = arith.constant 0 : i32
    %dma_start3A_149 = arith.constant 0 : i32
    %dma_start3A_150 = tpu.memref_slice %arg9[%dma_start3A_147, %dma_start3A_148, %dma_start3A_149] : memref<40x1x128xi32, #tpu.memory_space<vmem>> -> memref<1x1x128xi32, #tpu.memory_space<vmem>>
    %dma_start3A_151 = tpu.memref_squeeze %dma_start3A_150 : memref<1x1x128xi32, #tpu.memory_space<vmem>> -> memref<128xi32, #tpu.memory_space<vmem>>
    %dma_start3A_152 = arith.constant 0 : i32
    %dma_start3A_153 = arith.constant 0 : i32
    %dma_start3A_154 = tpu.memref_slice %arg5[%dma_start3A_152, %dma_start3A_153] : memref<10000x128xf32, #tpu.memory_space<vmem_shared>> -> memref<10000x128xf32, #tpu.memory_space<vmem_shared>>
    tpu.enqueue_indirect_dma source(%arg7 : memref<128x128xf32, #tpu.memory_space<vmem>>) target(%dma_start3A_154 : memref<10000x128xf32, #tpu.memory_space<vmem_shared>>) offsets(%dma_start3A_151 : memref<128xi32, #tpu.memory_space<vmem>>) semaphore(%arg13 : memref<!tpu.dma_semaphore, #tpu.memory_space<semaphore_mem>>) {add = true}
    %dma_wait3A_155 = arith.constant 0 : i32
    %dma_wait3A_156 = arith.constant 0 : i32
    %dma_wait3A_157 = tpu.memref_slice %arg2[%dma_wait3A_155, %dma_wait3A_156] : memref<10000x128xf32, #tpu.memory_space<hbm>> -> memref<128x128xf32, #tpu.memory_space<hbm>>
    %dma_wait3A_158 = arith.constant 0 : i32
    %dma_wait3A_159 = arith.constant 0 : i32
    %dma_wait3A_160 = tpu.memref_slice %arg2[%dma_wait3A_158, %dma_wait3A_159] : memref<10000x128xf32, #tpu.memory_space<hbm>> -> memref<128x128xf32, #tpu.memory_space<hbm>>
    tpu.wait_dma2 semaphore(%arg12 : memref<!tpu.dma_semaphore, #tpu.memory_space<semaphore_mem>>) src(%dma_wait3A_160 : memref<128x128xf32, #tpu.memory_space<hbm>>) dst(%arg6 : memref<128x128xf32, #tpu.memory_space<vmem>>)
    %dma_wait3A_161 = arith.constant 0 : i32
    %dma_wait3A_162 = arith.constant 0 : i32
    %dma_wait3A_163 = tpu.memref_slice %arg2[%dma_wait3A_161, %dma_wait3A_162] : memref<10000x128xf32, #tpu.memory_space<hbm>> -> memref<128x128xf32, #tpu.memory_space<hbm>>
    %dma_wait3A_164 = arith.constant 0 : i32
    %dma_wait3A_165 = arith.constant 0 : i32
    %dma_wait3A_166 = tpu.memref_slice %arg2[%dma_wait3A_164, %dma_wait3A_165] : memref<10000x128xf32, #tpu.memory_space<hbm>> -> memref<128x128xf32, #tpu.memory_space<hbm>>
    tpu.wait_dma2 semaphore(%arg13 : memref<!tpu.dma_semaphore, #tpu.memory_space<semaphore_mem>>) src(%dma_wait3A_166 : memref<128x128xf32, #tpu.memory_space<hbm>>) dst(%arg7 : memref<128x128xf32, #tpu.memory_space<vmem>>)
    %lt3A = arith.constant 2 : i32
    %lt3A_167 = arith.cmpi slt, %arg1, %lt3A : i32
    %convert_element_type3A_168 = arith.extui %lt3A_167 : i1 to i32
    %cond3A_169 = arith.constant 0 : i32
    %cond3A_170 = arith.cmpi ne, %convert_element_type3A_168, %cond3A_169 : i32
    scf.if %cond3A_170 {
      %mul3A_181 = arith.constant 1250 : i32
      %mul3A_182 = arith.muli %arg0, %mul3A_181 : i32
      %add3A_183 = arith.constant 1248 : i32
      %add3A_184 = arith.addi %mul3A_182, %add3A_183 : i32
      %add3A_185 = arith.addi %add3A_184, %arg1 : i32
      %run_scoped3A_186 = arith.constant 0 : i32
      %run_scoped3A_187 = arith.constant 0 : i32
      "tpu.region"() ({
        %run_scoped3A_218 = tpu.sem_alloc : memref<!tpu.dma_semaphore, #tpu.memory_space<semaphore_mem>>
        %dma_start3A_219 = arith.constant 0 : i32
        %dma_start3A_220 = arith.constant 0 : i32
        %dma_start3A_221 = tpu.memref_slice %arg8[%run_scoped3A_187, %dma_start3A_219, %dma_start3A_220] : memref<40x1x128xi32, #tpu.memory_space<vmem>> -> memref<1x1x128xi32, #tpu.memory_space<vmem>>
        %dma_start3A_222 = tpu.memref_squeeze %dma_start3A_221 : memref<1x1x128xi32, #tpu.memory_space<vmem>> -> memref<1x128xi32, #tpu.memory_space<vmem>>
        %dma_start3A_223 = arith.constant 0 : i32
        %dma_start3A_224 = arith.constant 0 : i32
        %dma_start3A_225 = tpu.memref_slice %arg3[%run_scoped3A_186, %add3A_185, %dma_start3A_223, %dma_start3A_224] : memref<2x2500x1x128xi32, #tpu.memory_space<hbm>> -> memref<1x1x1x128xi32, #tpu.memory_space<hbm>>
        %dma_start3A_226 = tpu.memref_squeeze %dma_start3A_225 : memref<1x1x1x128xi32, #tpu.memory_space<hbm>> -> memref<1x128xi32, #tpu.memory_space<hbm>>
        %dma_start3A_227 = arith.constant 0 : i32
        %dma_start3A_228 = arith.constant 0 : i32
        %dma_start3A_229 = tpu.memref_slice %arg8[%run_scoped3A_187, %dma_start3A_227, %dma_start3A_228] : memref<40x1x128xi32, #tpu.memory_space<vmem>> -> memref<1x1x128xi32, #tpu.memory_space<vmem>>
        %dma_start3A_230 = tpu.memref_squeeze %dma_start3A_229 : memref<1x1x128xi32, #tpu.memory_space<vmem>> -> memref<1x128xi32, #tpu.memory_space<vmem>>
        %dma_start3A_231 = arith.constant 0 : i32
        %dma_start3A_232 = arith.constant 0 : i32
        %dma_start3A_233 = tpu.memref_slice %arg3[%run_scoped3A_186, %add3A_185, %dma_start3A_231, %dma_start3A_232] : memref<2x2500x1x128xi32, #tpu.memory_space<hbm>> -> memref<1x1x1x128xi32, #tpu.memory_space<hbm>>
        %dma_start3A_234 = tpu.memref_squeeze %dma_start3A_233 : memref<1x1x1x128xi32, #tpu.memory_space<hbm>> -> memref<1x128xi32, #tpu.memory_space<hbm>>
        tpu.enqueue_dma source(%dma_start3A_234 : memref<1x128xi32, #tpu.memory_space<hbm>>) target(%dma_start3A_230 : memref<1x128xi32, #tpu.memory_space<vmem>>) target_semaphore(%run_scoped3A_218 : memref<!tpu.dma_semaphore, #tpu.memory_space<semaphore_mem>>)
        %dma_wait3A_235 = arith.constant 0 : i32
        %dma_wait3A_236 = arith.constant 0 : i32
        %dma_wait3A_237 = tpu.memref_slice %arg8[%run_scoped3A_187, %dma_wait3A_235, %dma_wait3A_236] : memref<40x1x128xi32, #tpu.memory_space<vmem>> -> memref<1x1x128xi32, #tpu.memory_space<vmem>>
        %dma_wait3A_238 = tpu.memref_squeeze %dma_wait3A_237 : memref<1x1x128xi32, #tpu.memory_space<vmem>> -> memref<1x128xi32, #tpu.memory_space<vmem>>
        %dma_wait3A_239 = arith.constant 0 : i32
        %dma_wait3A_240 = arith.constant 0 : i32
        %dma_wait3A_241 = tpu.memref_slice %arg3[%run_scoped3A_186, %add3A_185, %dma_wait3A_239, %dma_wait3A_240] : memref<2x2500x1x128xi32, #tpu.memory_space<hbm>> -> memref<1x1x1x128xi32, #tpu.memory_space<hbm>>
        %dma_wait3A_242 = tpu.memref_squeeze %dma_wait3A_241 : memref<1x1x1x128xi32, #tpu.memory_space<hbm>> -> memref<1x128xi32, #tpu.memory_space<hbm>>
        %dma_wait3A_243 = arith.constant 0 : i32
        %dma_wait3A_244 = arith.constant 0 : i32
        %dma_wait3A_245 = tpu.memref_slice %arg8[%run_scoped3A_187, %dma_wait3A_243, %dma_wait3A_244] : memref<40x1x128xi32, #tpu.memory_space<vmem>> -> memref<1x1x128xi32, #tpu.memory_space<vmem>>
        %dma_wait3A_246 = tpu.memref_squeeze %dma_wait3A_245 : memref<1x1x128xi32, #tpu.memory_space<vmem>> -> memref<1x128xi32, #tpu.memory_space<vmem>>
        %dma_wait3A_247 = arith.constant 0 : i32
        %dma_wait3A_248 = arith.constant 0 : i32
        %dma_wait3A_249 = tpu.memref_slice %arg3[%run_scoped3A_186, %add3A_185, %dma_wait3A_247, %dma_wait3A_248] : memref<2x2500x1x128xi32, #tpu.memory_space<hbm>> -> memref<1x1x1x128xi32, #tpu.memory_space<hbm>>
        %dma_wait3A_250 = tpu.memref_squeeze %dma_wait3A_249 : memref<1x1x1x128xi32, #tpu.memory_space<hbm>> -> memref<1x128xi32, #tpu.memory_space<hbm>>
        tpu.wait_dma2 semaphore(%run_scoped3A_218 : memref<!tpu.dma_semaphore, #tpu.memory_space<semaphore_mem>>) src(%dma_wait3A_250 : memref<1x128xi32, #tpu.memory_space<hbm>>) dst(%dma_wait3A_246 : memref<1x128xi32, #tpu.memory_space<vmem>>)
        tpu.yield
      }) : () -> ()
      %run_scoped3A_188 = arith.constant 1 : i32
      %run_scoped3A_189 = arith.constant 0 : i32
      "tpu.region"() ({
        %run_scoped3A_218 = tpu.sem_alloc : memref<!tpu.dma_semaphore, #tpu.memory_space<semaphore_mem>>
        %dma_start3A_219 = arith.constant 0 : i32
        %dma_start3A_220 = arith.constant 0 : i32
        %dma_start3A_221 = tpu.memref_slice %arg9[%run_scoped3A_189, %dma_start3A_219, %dma_start3A_220] : memref<40x1x128xi32, #tpu.memory_space<vmem>> -> memref<1x1x128xi32, #tpu.memory_space<vmem>>
        %dma_start3A_222 = tpu.memref_squeeze %dma_start3A_221 : memref<1x1x128xi32, #tpu.memory_space<vmem>> -> memref<1x128xi32, #tpu.memory_space<vmem>>
        %dma_start3A_223 = arith.constant 0 : i32
        %dma_start3A_224 = arith.constant 0 : i32
        %dma_start3A_225 = tpu.memref_slice %arg3[%run_scoped3A_188, %add3A_185, %dma_start3A_223, %dma_start3A_224] : memref<2x2500x1x128xi32, #tpu.memory_space<hbm>> -> memref<1x1x1x128xi32, #tpu.memory_space<hbm>>
        %dma_start3A_226 = tpu.memref_squeeze %dma_start3A_225 : memref<1x1x1x128xi32, #tpu.memory_space<hbm>> -> memref<1x128xi32, #tpu.memory_space<hbm>>
        %dma_start3A_227 = arith.constant 0 : i32
        %dma_start3A_228 = arith.constant 0 : i32
        %dma_start3A_229 = tpu.memref_slice %arg9[%run_scoped3A_189, %dma_start3A_227, %dma_start3A_228] : memref<40x1x128xi32, #tpu.memory_space<vmem>> -> memref<1x1x128xi32, #tpu.memory_space<vmem>>
        %dma_start3A_230 = tpu.memref_squeeze %dma_start3A_229 : memref<1x1x128xi32, #tpu.memory_space<vmem>> -> memref<1x128xi32, #tpu.memory_space<vmem>>
        %dma_start3A_231 = arith.constant 0 : i32
        %dma_start3A_232 = arith.constant 0 : i32
        %dma_start3A_233 = tpu.memref_slice %arg3[%run_scoped3A_188, %add3A_185, %dma_start3A_231, %dma_start3A_232] : memref<2x2500x1x128xi32, #tpu.memory_space<hbm>> -> memref<1x1x1x128xi32, #tpu.memory_space<hbm>>
        %dma_start3A_234 = tpu.memref_squeeze %dma_start3A_233 : memref<1x1x1x128xi32, #tpu.memory_space<hbm>> -> memref<1x128xi32, #tpu.memory_space<hbm>>
        tpu.enqueue_dma source(%dma_start3A_234 : memref<1x128xi32, #tpu.memory_space<hbm>>) target(%dma_start3A_230 : memref<1x128xi32, #tpu.memory_space<vmem>>) target_semaphore(%run_scoped3A_218 : memref<!tpu.dma_semaphore, #tpu.memory_space<semaphore_mem>>)
        %dma_wait3A_235 = arith.constant 0 : i32
        %dma_wait3A_236 = arith.constant 0 : i32
        %dma_wait3A_237 = tpu.memref_slice %arg9[%run_scoped3A_189, %dma_wait3A_235, %dma_wait3A_236] : memref<40x1x128xi32, #tpu.memory_space<vmem>> -> memref<1x1x128xi32, #tpu.memory_space<vmem>>
        %dma_wait3A_238 = tpu.memref_squeeze %dma_wait3A_237 : memref<1x1x128xi32, #tpu.memory_space<vmem>> -> memref<1x128xi32, #tpu.memory_space<vmem>>
        %dma_wait3A_239 = arith.constant 0 : i32
        %dma_wait3A_240 = arith.constant 0 : i32
        %dma_wait3A_241 = tpu.memref_slice %arg3[%run_scoped3A_188, %add3A_185, %dma_wait3A_239, %dma_wait3A_240] : memref<2x2500x1x128xi32, #tpu.memory_space<hbm>> -> memref<1x1x1x128xi32, #tpu.memory_space<hbm>>
        %dma_wait3A_242 = tpu.memref_squeeze %dma_wait3A_241 : memref<1x1x1x128xi32, #tpu.memory_space<hbm>> -> memref<1x128xi32, #tpu.memory_space<hbm>>
        %dma_wait3A_243 = arith.constant 0 : i32
        %dma_wait3A_244 = arith.constant 0 : i32
        %dma_wait3A_245 = tpu.memref_slice %arg9[%run_scoped3A_189, %dma_wait3A_243, %dma_wait3A_244] : memref<40x1x128xi32, #tpu.memory_space<vmem>> -> memref<1x1x128xi32, #tpu.memory_space<vmem>>
        %dma_wait3A_246 = tpu.memref_squeeze %dma_wait3A_245 : memref<1x1x128xi32, #tpu.memory_space<vmem>> -> memref<1x128xi32, #tpu.memory_space<vmem>>
        %dma_wait3A_247 = arith.constant 0 : i32
        %dma_wait3A_248 = arith.constant 0 : i32
        %dma_wait3A_249 = tpu.memref_slice %arg3[%run_scoped3A_188, %add3A_185, %dma_wait3A_247, %dma_wait3A_248] : memref<2x2500x1x128xi32, #tpu.memory_space<hbm>> -> memref<1x1x1x128xi32, #tpu.memory_space<hbm>>
        %dma_wait3A_250 = tpu.memref_squeeze %dma_wait3A_249 : memref<1x1x1x128xi32, #tpu.memory_space<hbm>> -> memref<1x128xi32, #tpu.memory_space<hbm>>
        tpu.wait_dma2 semaphore(%run_scoped3A_218 : memref<!tpu.dma_semaphore, #tpu.memory_space<semaphore_mem>>) src(%dma_wait3A_250 : memref<1x128xi32, #tpu.memory_space<hbm>>) dst(%dma_wait3A_246 : memref<1x128xi32, #tpu.memory_space<vmem>>)
        tpu.yield
      }) : () -> ()
      %dma_start3A_190 = arith.constant 0 : i32
      %dma_start3A_191 = arith.constant 0 : i32
      %dma_start3A_192 = arith.constant 0 : i32
      %dma_start3A_193 = tpu.memref_slice %arg8[%dma_start3A_190, %dma_start3A_191, %dma_start3A_192] : memref<40x1x128xi32, #tpu.memory_space<vmem>> -> memref<1x1x128xi32, #tpu.memory_space<vmem>>
      %dma_start3A_194 = tpu.memref_squeeze %dma_start3A_193 : memref<1x1x128xi32, #tpu.memory_space<vmem>> -> memref<128xi32, #tpu.memory_space<vmem>>
      %dma_start3A_195 = arith.constant 0 : i32
      %dma_start3A_196 = arith.constant 0 : i32
      %dma_start3A_197 = tpu.memref_slice %arg2[%dma_start3A_195, %dma_start3A_196] : memref<10000x128xf32, #tpu.memory_space<hbm>> -> memref<10000x128xf32, #tpu.memory_space<hbm>>
      tpu.enqueue_indirect_dma source(%dma_start3A_197 : memref<10000x128xf32, #tpu.memory_space<hbm>>) target(%arg6 : memref<128x128xf32, #tpu.memory_space<vmem>>) offsets(%dma_start3A_194 : memref<128xi32, #tpu.memory_space<vmem>>) semaphore(%arg10 : memref<!tpu.dma_semaphore, #tpu.memory_space<semaphore_mem>>)
      %dma_wait3A_198 = arith.constant 0 : i32
      %dma_wait3A_199 = arith.constant 0 : i32
      %dma_wait3A_200 = tpu.memref_slice %arg2[%dma_wait3A_198, %dma_wait3A_199] : memref<10000x128xf32, #tpu.memory_space<hbm>> -> memref<128x128xf32, #tpu.memory_space<hbm>>
      %dma_wait3A_201 = arith.constant 0 : i32
      %dma_wait3A_202 = arith.constant 0 : i32
      %dma_wait3A_203 = tpu.memref_slice %arg2[%dma_wait3A_201, %dma_wait3A_202] : memref<10000x128xf32, #tpu.memory_space<hbm>> -> memref<128x128xf32, #tpu.memory_space<hbm>>
      tpu.wait_dma2 semaphore(%arg10 : memref<!tpu.dma_semaphore, #tpu.memory_space<semaphore_mem>>) src(%dma_wait3A_203 : memref<128x128xf32, #tpu.memory_space<hbm>>) dst(%arg6 : memref<128x128xf32, #tpu.memory_space<vmem>>)
      %dma_start3A_204 = arith.constant 0 : i32
      %dma_start3A_205 = arith.constant 0 : i32
      %dma_start3A_206 = arith.constant 0 : i32
      %dma_start3A_207 = tpu.memref_slice %arg9[%dma_start3A_204, %dma_start3A_205, %dma_start3A_206] : memref<40x1x128xi32, #tpu.memory_space<vmem>> -> memref<1x1x128xi32, #tpu.memory_space<vmem>>
      %dma_start3A_208 = tpu.memref_squeeze %dma_start3A_207 : memref<1x1x128xi32, #tpu.memory_space<vmem>> -> memref<128xi32, #tpu.memory_space<vmem>>
      %dma_start3A_209 = arith.constant 0 : i32
      %dma_start3A_210 = arith.constant 0 : i32
      %dma_start3A_211 = tpu.memref_slice %arg5[%dma_start3A_209, %dma_start3A_210] : memref<10000x128xf32, #tpu.memory_space<vmem_shared>> -> memref<10000x128xf32, #tpu.memory_space<vmem_shared>>
      tpu.enqueue_indirect_dma source(%arg6 : memref<128x128xf32, #tpu.memory_space<vmem>>) target(%dma_start3A_211 : memref<10000x128xf32, #tpu.memory_space<vmem_shared>>) offsets(%dma_start3A_208 : memref<128xi32, #tpu.memory_space<vmem>>) semaphore(%arg12 : memref<!tpu.dma_semaphore, #tpu.memory_space<semaphore_mem>>) {add = true}
      %dma_wait3A_212 = arith.constant 0 : i32
      %dma_wait3A_213 = arith.constant 0 : i32
      %dma_wait3A_214 = tpu.memref_slice %arg2[%dma_wait3A_212, %dma_wait3A_213] : memref<10000x128xf32, #tpu.memory_space<hbm>> -> memref<128x128xf32, #tpu.memory_space<hbm>>
      %dma_wait3A_215 = arith.constant 0 : i32
      %dma_wait3A_216 = arith.constant 0 : i32
      %dma_wait3A_217 = tpu.memref_slice %arg2[%dma_wait3A_215, %dma_wait3A_216] : memref<10000x128xf32, #tpu.memory_space<hbm>> -> memref<128x128xf32, #tpu.memory_space<hbm>>
      tpu.wait_dma2 semaphore(%arg12 : memref<!tpu.dma_semaphore, #tpu.memory_space<semaphore_mem>>) src(%dma_wait3A_217 : memref<128x128xf32, #tpu.memory_space<hbm>>) dst(%arg6 : memref<128x128xf32, #tpu.memory_space<vmem>>)
    } else {
    }
    %barrier3A_171 = arith.constant 0 : index
    tpu.barrier barrier_id(%barrier3A_171)
    %mul3A_172 = arith.constant 624 : i32
    %mul3A_173 = arith.muli %arg1, %mul3A_172 : i32
    %mul3A_174 = arith.constant 624 : i32
    %mul3A_175 = arith.muli %arg1, %mul3A_174 : i32
    "tpu.region"() ({
      %run_scoped3A_181 = tpu.sem_alloc : memref<!tpu.dma_semaphore, #tpu.memory_space<semaphore_mem>>
      %dma_start3A_182 = arith.constant 0 : i32
      %dma_start3A_183 = tpu.memref_slice %arg4[%arg0, %mul3A_175, %dma_start3A_182] : memref<2x10000x128xf32, #tpu.memory_space<hbm>> -> memref<1x624x128xf32, #tpu.memory_space<hbm>>
      %dma_start3A_184 = tpu.memref_squeeze %dma_start3A_183 : memref<1x624x128xf32, #tpu.memory_space<hbm>> -> memref<624x128xf32, #tpu.memory_space<hbm>>
      %dma_start3A_185 = arith.constant 0 : i32
      %dma_start3A_186 = tpu.memref_slice %arg5[%mul3A_173, %dma_start3A_185] : memref<10000x128xf32, #tpu.memory_space<vmem_shared>> -> memref<624x128xf32, #tpu.memory_space<vmem_shared>>
      tpu.enqueue_dma source(%dma_start3A_186 : memref<624x128xf32, #tpu.memory_space<vmem_shared>>) target(%dma_start3A_184 : memref<624x128xf32, #tpu.memory_space<hbm>>) target_semaphore(%run_scoped3A_181 : memref<!tpu.dma_semaphore, #tpu.memory_space<semaphore_mem>>)
      %dma_wait3A_187 = arith.constant 0 : i32
      %dma_wait3A_188 = tpu.memref_slice %arg4[%arg0, %mul3A_175, %dma_wait3A_187] : memref<2x10000x128xf32, #tpu.memory_space<hbm>> -> memref<1x624x128xf32, #tpu.memory_space<hbm>>
      %dma_wait3A_189 = tpu.memref_squeeze %dma_wait3A_188 : memref<1x624x128xf32, #tpu.memory_space<hbm>> -> memref<624x128xf32, #tpu.memory_space<hbm>>
      %dma_wait3A_190 = arith.constant 0 : i32
      %dma_wait3A_191 = tpu.memref_slice %arg5[%mul3A_173, %dma_wait3A_190] : memref<10000x128xf32, #tpu.memory_space<vmem_shared>> -> memref<624x128xf32, #tpu.memory_space<vmem_shared>>
      tpu.wait_dma2 semaphore(%run_scoped3A_181 : memref<!tpu.dma_semaphore, #tpu.memory_space<semaphore_mem>>) src(%dma_wait3A_191 : memref<624x128xf32, #tpu.memory_space<vmem_shared>>) dst(%dma_wait3A_189 : memref<624x128xf32, #tpu.memory_space<hbm>>)
      tpu.yield
    }) : () -> ()
    %eq3A_176 = arith.constant 0 : i32
    %eq3A_177 = arith.cmpi eq, %arg1, %eq3A_176 : i32
    %convert_element_type3A_178 = arith.extui %eq3A_177 : i1 to i32
    %cond3A_179 = arith.constant 0 : i32
    %cond3A_180 = arith.cmpi ne, %convert_element_type3A_178, %cond3A_179 : i32
    scf.if %cond3A_180 {
      "tpu.region"() ({
        %run_scoped3A_181 = tpu.sem_alloc : memref<!tpu.dma_semaphore, #tpu.memory_space<semaphore_mem>>
        %dma_start3A_182 = arith.constant 9984 : i32
        %dma_start3A_183 = arith.constant 0 : i32
        %dma_start3A_184 = tpu.memref_slice %arg4[%arg0, %dma_start3A_182, %dma_start3A_183] : memref<2x10000x128xf32, #tpu.memory_space<hbm>> -> memref<1x16x128xf32, #tpu.memory_space<hbm>>
        %dma_start3A_185 = tpu.memref_squeeze %dma_start3A_184 : memref<1x16x128xf32, #tpu.memory_space<hbm>> -> memref<16x128xf32, #tpu.memory_space<hbm>>
        %dma_start3A_186 = arith.constant 9984 : i32
        %dma_start3A_187 = arith.constant 0 : i32
        %dma_start3A_188 = tpu.memref_slice %arg5[%dma_start3A_186, %dma_start3A_187] : memref<10000x128xf32, #tpu.memory_space<vmem_shared>> -> memref<16x128xf32, #tpu.memory_space<vmem_shared>>
        tpu.enqueue_dma source(%dma_start3A_188 : memref<16x128xf32, #tpu.memory_space<vmem_shared>>) target(%dma_start3A_185 : memref<16x128xf32, #tpu.memory_space<hbm>>) target_semaphore(%run_scoped3A_181 : memref<!tpu.dma_semaphore, #tpu.memory_space<semaphore_mem>>)
        %dma_wait3A_189 = arith.constant 9984 : i32
        %dma_wait3A_190 = arith.constant 0 : i32
        %dma_wait3A_191 = tpu.memref_slice %arg4[%arg0, %dma_wait3A_189, %dma_wait3A_190] : memref<2x10000x128xf32, #tpu.memory_space<hbm>> -> memref<1x16x128xf32, #tpu.memory_space<hbm>>
        %dma_wait3A_192 = tpu.memref_squeeze %dma_wait3A_191 : memref<1x16x128xf32, #tpu.memory_space<hbm>> -> memref<16x128xf32, #tpu.memory_space<hbm>>
        %dma_wait3A_193 = arith.constant 9984 : i32
        %dma_wait3A_194 = arith.constant 0 : i32
        %dma_wait3A_195 = tpu.memref_slice %arg5[%dma_wait3A_193, %dma_wait3A_194] : memref<10000x128xf32, #tpu.memory_space<vmem_shared>> -> memref<16x128xf32, #tpu.memory_space<vmem_shared>>
        tpu.wait_dma2 semaphore(%run_scoped3A_181 : memref<!tpu.dma_semaphore, #tpu.memory_space<semaphore_mem>>) src(%dma_wait3A_195 : memref<16x128xf32, #tpu.memory_space<vmem_shared>>) dst(%dma_wait3A_192 : memref<16x128xf32, #tpu.memory_space<hbm>>)
        tpu.yield
      }) : () -> ()
    } else {
    }
    return
  }
}

#map = affine_map<(d0, d1) -> (0, 0)>
#map1 = affine_map<(d0, d1) -> (0, 0, 0, 0)>
#map2 = affine_map<(d0, d1) -> (0, 0, 0)>
module attributes {stable_mosaic.version = 14 : i64} {
  func.func @k(%arg0: i32, %arg1: i32, %arg2: memref<10000x128xf32, #tpu.memory_space<hbm>>, %arg3: memref<2x2500x1x128xi32, #tpu.memory_space<hbm>>, %arg4: memref<2x10000x128xf32, #tpu.memory_space<hbm>>, %arg5: memref<10000x128xf32, #tpu.memory_space<vmem_shared>>, %arg6: memref<128x128xf32, #tpu.memory_space<vmem>>, %arg7: memref<128x128xf32, #tpu.memory_space<vmem>>, %arg8: memref<40x1x128xi32, #tpu.memory_space<vmem>>, %arg9: memref<40x1x128xi32, #tpu.memory_space<vmem>>, %arg10: memref<!tpu.dma_semaphore, #tpu.memory_space<semaphore_mem>>, %arg11: memref<!tpu.dma_semaphore, #tpu.memory_space<semaphore_mem>>, %arg12: memref<!tpu.dma_semaphore, #tpu.memory_space<semaphore_mem>>, %arg13: memref<!tpu.dma_semaphore, #tpu.memory_space<semaphore_mem>>) attributes {dimension_semantics = [#tpu.dimension_semantics<core_parallel>, #tpu.dimension_semantics<subcore_parallel>], iteration_bounds = array<i64: 2, 16>, scalar_prefetch = 0 : i64, scratch_operands = 9 : i64, tpu.core_type = #tpu.core_type<sc_vector_subcore>, window_params = [{transform_indices = #map}, {transform_indices = #map1}, {transform_indices = #map2}]} {
    %broadcast_in_dim3A = arith.constant 0.000000e+00 : f32
    %broadcast_in_dim3A_0 = vector.broadcast %broadcast_in_dim3A : f32 to vector<16xf32>
    %scan3A = arith.constant 0 : i32
    %scan3A_1 = arith.constant 0 : i32
    %scan3A_2 = arith.constant 1024 : i32
    %scan3A_3 = arith.addi %scan3A_1, %scan3A_2 : i32
    %scan3A_4 = arith.constant 1 : i32
    %scan3A_5 = scf.for %scan3A_181 = %scan3A_1 to %scan3A_3 step %scan3A_4 iter_args(%scan3A_182 = %scan3A) -> (i32)  : i32 {
      %jit3A = arith.constant 8 : i32
      %div3A = arith.divsi %scan3A_181, %jit3A : i32
      %sign3A = arith.constant 0 : i32
      %sign3A_183 = arith.cmpi sgt, %scan3A_181, %sign3A : i32
      %sign3A_184 = arith.extui %sign3A_183 : i1 to i32
      %sign3A_185 = arith.constant 0 : i32
      %sign3A_186 = arith.cmpi slt, %scan3A_181, %sign3A_185 : i32
      %sign3A_187 = arith.extui %sign3A_186 : i1 to i32
      %sign3A_188 = arith.subi %sign3A_184, %sign3A_187 : i32
      %sign3A_189 = arith.constant 0 : i32
      %sign3A_190 = arith.cmpi sgt, %jit3A, %sign3A_189 : i32
      %sign3A_191 = arith.extui %sign3A_190 : i1 to i32
      %sign3A_192 = arith.constant 0 : i32
      %sign3A_193 = arith.cmpi slt, %jit3A, %sign3A_192 : i32
      %sign3A_194 = arith.extui %sign3A_193 : i1 to i32
      %sign3A_195 = arith.subi %sign3A_191, %sign3A_194 : i32
      %ne3A = arith.cmpi ne, %sign3A_188, %sign3A_195 : i32
      %rem3A = arith.remsi %scan3A_181, %jit3A : i32
      %ne3A_196 = arith.constant 0 : i32
      %ne3A_197 = arith.cmpi ne, %rem3A, %ne3A_196 : i32
      %and3A = arith.andi %ne3A, %ne3A_197 : i1
      %sub3A = arith.constant 1 : i32
      %sub3A_198 = arith.subi %div3A, %sub3A : i32
      %select_n3A = arith.select %and3A, %sub3A_198, %div3A : i32
      %jit3A_199 = arith.constant 8 : i32
      %eq3A_200 = arith.constant 0 : i32
      %eq3A_201 = arith.cmpi eq, %jit3A_199, %eq3A_200 : i32
      %jit3A_202 = arith.constant 1 : i32
      %select_n3A_203 = arith.select %eq3A_201, %jit3A_202, %jit3A_199 : i32
      %rem3A_204 = arith.remsi %scan3A_181, %select_n3A_203 : i32
      %ne3A_205 = arith.constant 0 : i32
      %ne3A_206 = arith.cmpi ne, %rem3A_204, %ne3A_205 : i32
      %lt3A_207 = arith.constant 0 : i32
      %lt3A_208 = arith.cmpi slt, %rem3A_204, %lt3A_207 : i32
      %lt3A_209 = arith.constant 0 : i32
      %lt3A_210 = arith.cmpi slt, %select_n3A_203, %lt3A_209 : i32
      %ne3A_211 = arith.xori %lt3A_208, %lt3A_210 : i1
      %and3A_212 = arith.andi %ne3A_211, %ne3A_206 : i1
      %add3A_213 = arith.addi %rem3A_204, %select_n3A_203 : i32
      %select_n3A_214 = arith.select %and3A_212, %add3A_213, %rem3A_204 : i32
      %mul3A_215 = arith.constant 16 : i32
      %mul3A_216 = arith.muli %select_n3A_214, %mul3A_215 : i32
      %swap3A = arith.index_cast %select_n3A : i32 to index
      %swap3A_217 = arith.index_cast %mul3A_216 : i32 to index
      %swap3A_218 = tpu.vector_load %arg6[%swap3A, %swap3A_217] {strides = array<i32>} : memref<128x128xf32, #tpu.memory_space<vmem>>, vector<1x16xf32>,
      %swap3A_219 = vector.shape_cast %swap3A_218 : vector<1x16xf32> to vector<16xf32>
      %swap3A_220 = vector.shape_cast %broadcast_in_dim3A_0 : vector<16xf32> to vector<1x16xf32>
      tpu.vector_store %arg6[%swap3A, %swap3A_217], %swap3A_220 {strides = array<i32>} : memref<128x128xf32, #tpu.memory_space<vmem>>, vector<1x16xf32>,
      %scan3A_221 = arith.constant 0 : i32
      scf.yield %scan3A_221 : i32
    }
    %scan3A_6 = arith.constant 1024 : i32
    %mul3A = arith.constant 624 : i32
    %mul3A_7 = arith.muli %arg1, %mul3A : i32
    %add3A = arith.constant 0 : i32
    %add3A_8 = arith.addi %mul3A_7, %add3A : i32
    "tpu.region"() ({
      %run_scoped3A_181 = tpu.sem_alloc : memref<!tpu.dma_semaphore, #tpu.memory_space<semaphore_mem>>
      %dma_start3A_182 = arith.constant 0 : i32
      %dma_start3A_183 = tpu.memref_slice %arg5[%add3A_8, %dma_start3A_182] : memref<10000x128xf32, #tpu.memory_space<vmem_shared>> -> memref<128x128xf32, #tpu.memory_space<vmem_shared>>
      %dma_start3A_184 = arith.constant 0 : i32
      %dma_start3A_185 = tpu.memref_slice %arg5[%add3A_8, %dma_start3A_184] : memref<10000x128xf32, #tpu.memory_space<vmem_shared>> -> memref<128x128xf32, #tpu.memory_space<vmem_shared>>
      tpu.enqueue_dma source(%arg6 : memref<128x128xf32, #tpu.memory_space<vmem>>) target(%dma_start3A_185 : memref<128x128xf32, #tpu.memory_space<vmem_shared>>) target_semaphore(%run_scoped3A_181 : memref<!tpu.dma_semaphore, #tpu.memory_space<semaphore_mem>>)
      %dma_wait3A_186 = arith.constant 0 : i32
      %dma_wait3A_187 = tpu.memref_slice %arg5[%add3A_8, %dma_wait3A_186] : memref<10000x128xf32, #tpu.memory_space<vmem_shared>> -> memref<128x128xf32, #tpu.memory_space<vmem_shared>>
      %dma_wait3A_188 = arith.constant 0 : i32
      %dma_wait3A_189 = tpu.memref_slice %arg5[%add3A_8, %dma_wait3A_188] : memref<10000x128xf32, #tpu.memory_space<vmem_shared>> -> memref<128x128xf32, #tpu.memory_space<vmem_shared>>
      tpu.wait_dma2 semaphore(%run_scoped3A_181 : memref<!tpu.dma_semaphore, #tpu.memory_space<semaphore_mem>>) src(%arg6 : memref<128x128xf32, #tpu.memory_space<vmem>>) dst(%dma_wait3A_189 : memref<128x128xf32, #tpu.memory_space<vmem_shared>>)
      tpu.yield
    }) : () -> ()
    %mul3A_9 = arith.constant 624 : i32
    %mul3A_10 = arith.muli %arg1, %mul3A_9 : i32
    %add3A_11 = arith.constant 128 : i32
    %add3A_12 = arith.addi %mul3A_10, %add3A_11 : i32
    "tpu.region"() ({
      %run_scoped3A_181 = tpu.sem_alloc : memref<!tpu.dma_semaphore, #tpu.memory_space<semaphore_mem>>
      %dma_start3A_182 = arith.constant 0 : i32
      %dma_start3A_183 = tpu.memref_slice %arg5[%add3A_12, %dma_start3A_182] : memref<10000x128xf32, #tpu.memory_space<vmem_shared>> -> memref<128x128xf32, #tpu.memory_space<vmem_shared>>
      %dma_start3A_184 = arith.constant 0 : i32
      %dma_start3A_185 = tpu.memref_slice %arg5[%add3A_12, %dma_start3A_184] : memref<10000x128xf32, #tpu.memory_space<vmem_shared>> -> memref<128x128xf32, #tpu.memory_space<vmem_shared>>
      tpu.enqueue_dma source(%arg6 : memref<128x128xf32, #tpu.memory_space<vmem>>) target(%dma_start3A_185 : memref<128x128xf32, #tpu.memory_space<vmem_shared>>) target_semaphore(%run_scoped3A_181 : memref<!tpu.dma_semaphore, #tpu.memory_space<semaphore_mem>>)
      %dma_wait3A_186 = arith.constant 0 : i32
      %dma_wait3A_187 = tpu.memref_slice %arg5[%add3A_12, %dma_wait3A_186] : memref<10000x128xf32, #tpu.memory_space<vmem_shared>> -> memref<128x128xf32, #tpu.memory_space<vmem_shared>>
      %dma_wait3A_188 = arith.constant 0 : i32
      %dma_wait3A_189 = tpu.memref_slice %arg5[%add3A_12, %dma_wait3A_188] : memref<10000x128xf32, #tpu.memory_space<vmem_shared>> -> memref<128x128xf32, #tpu.memory_space<vmem_shared>>
      tpu.wait_dma2 semaphore(%run_scoped3A_181 : memref<!tpu.dma_semaphore, #tpu.memory_space<semaphore_mem>>) src(%arg6 : memref<128x128xf32, #tpu.memory_space<vmem>>) dst(%dma_wait3A_189 : memref<128x128xf32, #tpu.memory_space<vmem_shared>>)
      tpu.yield
    }) : () -> ()
    %mul3A_13 = arith.constant 624 : i32
    %mul3A_14 = arith.muli %arg1, %mul3A_13 : i32
    %add3A_15 = arith.constant 256 : i32
    %add3A_16 = arith.addi %mul3A_14, %add3A_15 : i32
    "tpu.region"() ({
      %run_scoped3A_181 = tpu.sem_alloc : memref<!tpu.dma_semaphore, #tpu.memory_space<semaphore_mem>>
      %dma_start3A_182 = arith.constant 0 : i32
      %dma_start3A_183 = tpu.memref_slice %arg5[%add3A_16, %dma_start3A_182] : memref<10000x128xf32, #tpu.memory_space<vmem_shared>> -> memref<128x128xf32, #tpu.memory_space<vmem_shared>>
      %dma_start3A_184 = arith.constant 0 : i32
      %dma_start3A_185 = tpu.memref_slice %arg5[%add3A_16, %dma_start3A_184] : memref<10000x128xf32, #tpu.memory_space<vmem_shared>> -> memref<128x128xf32, #tpu.memory_space<vmem_shared>>
      tpu.enqueue_dma source(%arg6 : memref<128x128xf32, #tpu.memory_space<vmem>>) target(%dma_start3A_185 : memref<128x128xf32, #tpu.memory_space<vmem_shared>>) target_semaphore(%run_scoped3A_181 : memref<!tpu.dma_semaphore, #tpu.memory_space<semaphore_mem>>)
      %dma_wait3A_186 = arith.constant 0 : i32
      %dma_wait3A_187 = tpu.memref_slice %arg5[%add3A_16, %dma_wait3A_186] : memref<10000x128xf32, #tpu.memory_space<vmem_shared>> -> memref<128x128xf32, #tpu.memory_space<vmem_shared>>
      %dma_wait3A_188 = arith.constant 0 : i32
      %dma_wait3A_189 = tpu.memref_slice %arg5[%add3A_16, %dma_wait3A_188] : memref<10000x128xf32, #tpu.memory_space<vmem_shared>> -> memref<128x128xf32, #tpu.memory_space<vmem_shared>>
      tpu.wait_dma2 semaphore(%run_scoped3A_181 : memref<!tpu.dma_semaphore, #tpu.memory_space<semaphore_mem>>) src(%arg6 : memref<128x128xf32, #tpu.memory_space<vmem>>) dst(%dma_wait3A_189 : memref<128x128xf32, #tpu.memory_space<vmem_shared>>)
      tpu.yield
    }) : () -> ()
    %mul3A_17 = arith.constant 624 : i32
    %mul3A_18 = arith.muli %arg1, %mul3A_17 : i32
    %add3A_19 = arith.constant 384 : i32
    %add3A_20 = arith.addi %mul3A_18, %add3A_19 : i32
    "tpu.region"() ({
      %run_scoped3A_181 = tpu.sem_alloc : memref<!tpu.dma_semaphore, #tpu.memory_space<semaphore_mem>>
      %dma_start3A_182 = arith.constant 0 : i32
      %dma_start3A_183 = tpu.memref_slice %arg5[%add3A_20, %dma_start3A_182] : memref<10000x128xf32, #tpu.memory_space<vmem_shared>> -> memref<128x128xf32, #tpu.memory_space<vmem_shared>>
      %dma_start3A_184 = arith.constant 0 : i32
      %dma_start3A_185 = tpu.memref_slice %arg5[%add3A_20, %dma_start3A_184] : memref<10000x128xf32, #tpu.memory_space<vmem_shared>> -> memref<128x128xf32, #tpu.memory_space<vmem_shared>>
      tpu.enqueue_dma source(%arg6 : memref<128x128xf32, #tpu.memory_space<vmem>>) target(%dma_start3A_185 : memref<128x128xf32, #tpu.memory_space<vmem_shared>>) target_semaphore(%run_scoped3A_181 : memref<!tpu.dma_semaphore, #tpu.memory_space<semaphore_mem>>)
      %dma_wait3A_186 = arith.constant 0 : i32
      %dma_wait3A_187 = tpu.memref_slice %arg5[%add3A_20, %dma_wait3A_186] : memref<10000x128xf32, #tpu.memory_space<vmem_shared>> -> memref<128x128xf32, #tpu.memory_space<vmem_shared>>
      %dma_wait3A_188 = arith.constant 0 : i32
      %dma_wait3A_189 = tpu.memref_slice %arg5[%add3A_20, %dma_wait3A_188] : memref<10000x128xf32, #tpu.memory_space<vmem_shared>> -> memref<128x128xf32, #tpu.memory_space<vmem_shared>>
      tpu.wait_dma2 semaphore(%run_scoped3A_181 : memref<!tpu.dma_semaphore, #tpu.memory_space<semaphore_mem>>) src(%arg6 : memref<128x128xf32, #tpu.memory_space<vmem>>) dst(%dma_wait3A_189 : memref<128x128xf32, #tpu.memory_space<vmem_shared>>)
      tpu.yield
    }) : () -> ()
    %mul3A_21 = arith.constant 624 : i32
    %mul3A_22 = arith.muli %arg1, %mul3A_21 : i32
    %add3A_23 = arith.constant 512 : i32
    %add3A_24 = arith.addi %mul3A_22, %add3A_23 : i32
    "tpu.region"() ({
      %run_scoped3A_181 = tpu.sem_alloc : memref<!tpu.dma_semaphore, #tpu.memory_space<semaphore_mem>>
      %dma_start3A_182 = arith.constant 0 : i32
      %dma_start3A_183 = arith.constant 0 : i32
      %dma_start3A_184 = tpu.memref_slice %arg6[%dma_start3A_182, %dma_start3A_183] : memref<128x128xf32, #tpu.memory_space<vmem>> -> memref<112x128xf32, #tpu.memory_space<vmem>>
      %dma_start3A_185 = arith.constant 0 : i32
      %dma_start3A_186 = tpu.memref_slice %arg5[%add3A_24, %dma_start3A_185] : memref<10000x128xf32, #tpu.memory_space<vmem_shared>> -> memref<112x128xf32, #tpu.memory_space<vmem_shared>>
      %dma_start3A_187 = arith.constant 0 : i32
      %dma_start3A_188 = tpu.memref_slice %arg5[%add3A_24, %dma_start3A_187] : memref<10000x128xf32, #tpu.memory_space<vmem_shared>> -> memref<112x128xf32, #tpu.memory_space<vmem_shared>>
      %dma_start3A_189 = arith.constant 0 : i32
      %dma_start3A_190 = arith.constant 0 : i32
      %dma_start3A_191 = tpu.memref_slice %arg6[%dma_start3A_189, %dma_start3A_190] : memref<128x128xf32, #tpu.memory_space<vmem>> -> memref<112x128xf32, #tpu.memory_space<vmem>>
      tpu.enqueue_dma source(%dma_start3A_191 : memref<112x128xf32, #tpu.memory_space<vmem>>) target(%dma_start3A_188 : memref<112x128xf32, #tpu.memory_space<vmem_shared>>) target_semaphore(%run_scoped3A_181 : memref<!tpu.dma_semaphore, #tpu.memory_space<semaphore_mem>>)
      %dma_wait3A_192 = arith.constant 0 : i32
      %dma_wait3A_193 = arith.constant 0 : i32
      %dma_wait3A_194 = tpu.memref_slice %arg6[%dma_wait3A_192, %dma_wait3A_193] : memref<128x128xf32, #tpu.memory_space<vmem>> -> memref<112x128xf32, #tpu.memory_space<vmem>>
      %dma_wait3A_195 = arith.constant 0 : i32
      %dma_wait3A_196 = tpu.memref_slice %arg5[%add3A_24, %dma_wait3A_195] : memref<10000x128xf32, #tpu.memory_space<vmem_shared>> -> memref<112x128xf32, #tpu.memory_space<vmem_shared>>
      %dma_wait3A_197 = arith.constant 0 : i32
      %dma_wait3A_198 = tpu.memref_slice %arg5[%add3A_24, %dma_wait3A_197] : memref<10000x128xf32, #tpu.memory_space<vmem_shared>> -> memref<112x128xf32, #tpu.memory_space<vmem_shared>>
      %dma_wait3A_199 = arith.constant 0 : i32
      %dma_wait3A_200 = arith.constant 0 : i32
      %dma_wait3A_201 = tpu.memref_slice %arg6[%dma_wait3A_199, %dma_wait3A_200] : memref<128x128xf32, #tpu.memory_space<vmem>> -> memref<112x128xf32, #tpu.memory_space<vmem>>
      tpu.wait_dma2 semaphore(%run_scoped3A_181 : memref<!tpu.dma_semaphore, #tpu.memory_space<semaphore_mem>>) src(%dma_wait3A_201 : memref<112x128xf32, #tpu.memory_space<vmem>>) dst(%dma_wait3A_198 : memref<112x128xf32, #tpu.memory_space<vmem_shared>>)
      tpu.yield
    }) : () -> ()
    %eq3A = arith.constant 0 : i32
    %eq3A_25 = arith.cmpi eq, %arg1, %eq3A : i32
    %convert_element_type3A = arith.extui %eq3A_25 : i1 to i32
    %cond3A = arith.constant 0 : i32
    %cond3A_26 = arith.cmpi ne, %convert_element_type3A, %cond3A : i32
    scf.if %cond3A_26 {
      "tpu.region"() ({
        %run_scoped3A_181 = tpu.sem_alloc : memref<!tpu.dma_semaphore, #tpu.memory_space<semaphore_mem>>
        %dma_start3A_182 = arith.constant 0 : i32
        %dma_start3A_183 = arith.constant 0 : i32
        %dma_start3A_184 = tpu.memref_slice %arg6[%dma_start3A_182, %dma_start3A_183] : memref<128x128xf32, #tpu.memory_space<vmem>> -> memref<16x128xf32, #tpu.memory_space<vmem>>
        %dma_start3A_185 = arith.constant 9984 : i32
        %dma_start3A_186 = arith.constant 0 : i32
        %dma_start3A_187 = tpu.memref_slice %arg5[%dma_start3A_185, %dma_start3A_186] : memref<10000x128xf32, #tpu.memory_space<vmem_shared>> -> memref<16x128xf32, #tpu.memory_space<vmem_shared>>
        %dma_start3A_188 = arith.constant 9984 : i32
        %dma_start3A_189 = arith.constant 0 : i32
        %dma_start3A_190 = tpu.memref_slice %arg5[%dma_start3A_188, %dma_start3A_189] : memref<10000x128xf32, #tpu.memory_space<vmem_shared>> -> memref<16x128xf32, #tpu.memory_space<vmem_shared>>
        %dma_start3A_191 = arith.constant 0 : i32
        %dma_start3A_192 = arith.constant 0 : i32
        %dma_start3A_193 = tpu.memref_slice %arg6[%dma_start3A_191, %dma_start3A_192] : memref<128x128xf32, #tpu.memory_space<vmem>> -> memref<16x128xf32, #tpu.memory_space<vmem>>
        tpu.enqueue_dma source(%dma_start3A_193 : memref<16x128xf32, #tpu.memory_space<vmem>>) target(%dma_start3A_190 : memref<16x128xf32, #tpu.memory_space<vmem_shared>>) target_semaphore(%run_scoped3A_181 : memref<!tpu.dma_semaphore, #tpu.memory_space<semaphore_mem>>)
        %dma_wait3A_194 = arith.constant 0 : i32
        %dma_wait3A_195 = arith.constant 0 : i32
        %dma_wait3A_196 = tpu.memref_slice %arg6[%dma_wait3A_194, %dma_wait3A_195] : memref<128x128xf32, #tpu.memory_space<vmem>> -> memref<16x128xf32, #tpu.memory_space<vmem>>
        %dma_wait3A_197 = arith.constant 9984 : i32
        %dma_wait3A_198 = arith.constant 0 : i32
        %dma_wait3A_199 = tpu.memref_slice %arg5[%dma_wait3A_197, %dma_wait3A_198] : memref<10000x128xf32, #tpu.memory_space<vmem_shared>> -> memref<16x128xf32, #tpu.memory_space<vmem_shared>>
        %dma_wait3A_200 = arith.constant 9984 : i32
        %dma_wait3A_201 = arith.constant 0 : i32
        %dma_wait3A_202 = tpu.memref_slice %arg5[%dma_wait3A_200, %dma_wait3A_201] : memref<10000x128xf32, #tpu.memory_space<vmem_shared>> -> memref<16x128xf32, #tpu.memory_space<vmem_shared>>
        %dma_wait3A_203 = arith.constant 0 : i32
        %dma_wait3A_204 = arith.constant 0 : i32
        %dma_wait3A_205 = tpu.memref_slice %arg6[%dma_wait3A_203, %dma_wait3A_204] : memref<128x128xf32, #tpu.memory_space<vmem>> -> memref<16x128xf32, #tpu.memory_space<vmem>>
        tpu.wait_dma2 semaphore(%run_scoped3A_181 : memref<!tpu.dma_semaphore, #tpu.memory_space<semaphore_mem>>) src(%dma_wait3A_205 : memref<16x128xf32, #tpu.memory_space<vmem>>) dst(%dma_wait3A_202 : memref<16x128xf32, #tpu.memory_space<vmem_shared>>)
        tpu.yield
      }) : () -> ()
    } else {
    }
    %barrier3A = arith.constant 0 : index
    tpu.barrier barrier_id(%barrier3A)
    %mul3A_27 = arith.constant 1250 : i32
    %mul3A_28 = arith.muli %arg0, %mul3A_27 : i32
    %mul3A_29 = arith.constant 78 : i32
    %mul3A_30 = arith.muli %arg1, %mul3A_29 : i32
    %add3A_31 = arith.addi %mul3A_28, %mul3A_30 : i32
    %add3A_32 = arith.constant 0 : i32
    %add3A_33 = arith.addi %add3A_31, %add3A_32 : i32
    %run_scoped3A = arith.constant 0 : i32
    "tpu.region"() ({
      %run_scoped3A_181 = tpu.sem_alloc : memref<!tpu.dma_semaphore, #tpu.memory_space<semaphore_mem>>
      %dma_start3A_182 = arith.constant 0 : i32
      %dma_start3A_183 = arith.constant 0 : i32
      %dma_start3A_184 = arith.constant 0 : i32
      %dma_start3A_185 = tpu.memref_slice %arg8[%dma_start3A_182, %dma_start3A_183, %dma_start3A_184] : memref<40x1x128xi32, #tpu.memory_space<vmem>> -> memref<40x1x128xi32, #tpu.memory_space<vmem>>
      %dma_start3A_186 = arith.constant 0 : i32
      %dma_start3A_187 = arith.constant 0 : i32
      %dma_start3A_188 = tpu.memref_slice %arg3[%run_scoped3A, %add3A_33, %dma_start3A_186, %dma_start3A_187] : memref<2x2500x1x128xi32, #tpu.memory_space<hbm>> -> memref<1x40x1x128xi32, #tpu.memory_space<hbm>>
      %dma_start3A_189 = tpu.memref_squeeze %dma_start3A_188 : memref<1x40x1x128xi32, #tpu.memory_space<hbm>> -> memref<40x1x128xi32, #tpu.memory_space<hbm>>
      %dma_start3A_190 = arith.constant 0 : i32
      %dma_start3A_191 = arith.constant 0 : i32
      %dma_start3A_192 = arith.constant 0 : i32
      %dma_start3A_193 = tpu.memref_slice %arg8[%dma_start3A_190, %dma_start3A_191, %dma_start3A_192] : memref<40x1x128xi32, #tpu.memory_space<vmem>> -> memref<40x1x128xi32, #tpu.memory_space<vmem>>
      %dma_start3A_194 = arith.constant 0 : i32
      %dma_start3A_195 = arith.constant 0 : i32
      %dma_start3A_196 = tpu.memref_slice %arg3[%run_scoped3A, %add3A_33, %dma_start3A_194, %dma_start3A_195] : memref<2x2500x1x128xi32, #tpu.memory_space<hbm>> -> memref<1x40x1x128xi32, #tpu.memory_space<hbm>>
      %dma_start3A_197 = tpu.memref_squeeze %dma_start3A_196 : memref<1x40x1x128xi32, #tpu.memory_space<hbm>> -> memref<40x1x128xi32, #tpu.memory_space<hbm>>
      tpu.enqueue_dma source(%dma_start3A_197 : memref<40x1x128xi32, #tpu.memory_space<hbm>>) target(%dma_start3A_193 : memref<40x1x128xi32, #tpu.memory_space<vmem>>) target_semaphore(%run_scoped3A_181 : memref<!tpu.dma_semaphore, #tpu.memory_space<semaphore_mem>>)
      %dma_wait3A_198 = arith.constant 0 : i32
      %dma_wait3A_199 = arith.constant 0 : i32
      %dma_wait3A_200 = arith.constant 0 : i32
      %dma_wait3A_201 = tpu.memref_slice %arg8[%dma_wait3A_198, %dma_wait3A_199, %dma_wait3A_200] : memref<40x1x128xi32, #tpu.memory_space<vmem>> -> memref<40x1x128xi32, #tpu.memory_space<vmem>>
      %dma_wait3A_202 = arith.constant 0 : i32
      %dma_wait3A_203 = arith.constant 0 : i32
      %dma_wait3A_204 = tpu.memref_slice %arg3[%run_scoped3A, %add3A_33, %dma_wait3A_202, %dma_wait3A_203] : memref<2x2500x1x128xi32, #tpu.memory_space<hbm>> -> memref<1x40x1x128xi32, #tpu.memory_space<hbm>>
      %dma_wait3A_205 = tpu.memref_squeeze %dma_wait3A_204 : memref<1x40x1x128xi32, #tpu.memory_space<hbm>> -> memref<40x1x128xi32, #tpu.memory_space<hbm>>
      %dma_wait3A_206 = arith.constant 0 : i32
      %dma_wait3A_207 = arith.constant 0 : i32
      %dma_wait3A_208 = arith.constant 0 : i32
      %dma_wait3A_209 = tpu.memref_slice %arg8[%dma_wait3A_206, %dma_wait3A_207, %dma_wait3A_208] : memref<40x1x128xi32, #tpu.memory_space<vmem>> -> memref<40x1x128xi32, #tpu.memory_space<vmem>>
      %dma_wait3A_210 = arith.constant 0 : i32
      %dma_wait3A_211 = arith.constant 0 : i32
      %dma_wait3A_212 = tpu.memref_slice %arg3[%run_scoped3A, %add3A_33, %dma_wait3A_210, %dma_wait3A_211] : memref<2x2500x1x128xi32, #tpu.memory_space<hbm>> -> memref<1x40x1x128xi32, #tpu.memory_space<hbm>>
      %dma_wait3A_213 = tpu.memref_squeeze %dma_wait3A_212 : memref<1x40x1x128xi32, #tpu.memory_space<hbm>> -> memref<40x1x128xi32, #tpu.memory_space<hbm>>
      tpu.wait_dma2 semaphore(%run_scoped3A_181 : memref<!tpu.dma_semaphore, #tpu.memory_space<semaphore_mem>>) src(%dma_wait3A_213 : memref<40x1x128xi32, #tpu.memory_space<hbm>>) dst(%dma_wait3A_209 : memref<40x1x128xi32, #tpu.memory_space<vmem>>)
      tpu.yield
    }) : () -> ()
    %add3A_34 = arith.constant 0 : i32
    %add3A_35 = arith.addi %add3A_31, %add3A_34 : i32
    %run_scoped3A_36 = arith.constant 1 : i32
    "tpu.region"() ({
      %run_scoped3A_181 = tpu.sem_alloc : memref<!tpu.dma_semaphore, #tpu.memory_space<semaphore_mem>>
      %dma_start3A_182 = arith.constant 0 : i32
      %dma_start3A_183 = arith.constant 0 : i32
      %dma_start3A_184 = arith.constant 0 : i32
      %dma_start3A_185 = tpu.memref_slice %arg9[%dma_start3A_182, %dma_start3A_183, %dma_start3A_184] : memref<40x1x128xi32, #tpu.memory_space<vmem>> -> memref<40x1x128xi32, #tpu.memory_space<vmem>>
      %dma_start3A_186 = arith.constant 0 : i32
      %dma_start3A_187 = arith.constant 0 : i32
      %dma_start3A_188 = tpu.memref_slice %arg3[%run_scoped3A_36, %add3A_35, %dma_start3A_186, %dma_start3A_187] : memref<2x2500x1x128xi32, #tpu.memory_space<hbm>> -> memref<1x40x1x128xi32, #tpu.memory_space<hbm>>
      %dma_start3A_189 = tpu.memref_squeeze %dma_start3A_188 : memref<1x40x1x128xi32, #tpu.memory_space<hbm>> -> memref<40x1x128xi32, #tpu.memory_space<hbm>>
      %dma_start3A_190 = arith.constant 0 : i32
      %dma_start3A_191 = arith.constant 0 : i32
      %dma_start3A_192 = arith.constant 0 : i32
      %dma_start3A_193 = tpu.memref_slice %arg9[%dma_start3A_190, %dma_start3A_191, %dma_start3A_192] : memref<40x1x128xi32, #tpu.memory_space<vmem>> -> memref<40x1x128xi32, #tpu.memory_space<vmem>>
      %dma_start3A_194 = arith.constant 0 : i32
      %dma_start3A_195 = arith.constant 0 : i32
      %dma_start3A_196 = tpu.memref_slice %arg3[%run_scoped3A_36, %add3A_35, %dma_start3A_194, %dma_start3A_195] : memref<2x2500x1x128xi32, #tpu.memory_space<hbm>> -> memref<1x40x1x128xi32, #tpu.memory_space<hbm>>
      %dma_start3A_197 = tpu.memref_squeeze %dma_start3A_196 : memref<1x40x1x128xi32, #tpu.memory_space<hbm>> -> memref<40x1x128xi32, #tpu.memory_space<hbm>>
      tpu.enqueue_dma source(%dma_start3A_197 : memref<40x1x128xi32, #tpu.memory_space<hbm>>) target(%dma_start3A_193 : memref<40x1x128xi32, #tpu.memory_space<vmem>>) target_semaphore(%run_scoped3A_181 : memref<!tpu.dma_semaphore, #tpu.memory_space<semaphore_mem>>)
      %dma_wait3A_198 = arith.constant 0 : i32
      %dma_wait3A_199 = arith.constant 0 : i32
      %dma_wait3A_200 = arith.constant 0 : i32
      %dma_wait3A_201 = tpu.memref_slice %arg9[%dma_wait3A_198, %dma_wait3A_199, %dma_wait3A_200] : memref<40x1x128xi32, #tpu.memory_space<vmem>> -> memref<40x1x128xi32, #tpu.memory_space<vmem>>
      %dma_wait3A_202 = arith.constant 0 : i32
      %dma_wait3A_203 = arith.constant 0 : i32
      %dma_wait3A_204 = tpu.memref_slice %arg3[%run_scoped3A_36, %add3A_35, %dma_wait3A_202, %dma_wait3A_203] : memref<2x2500x1x128xi32, #tpu.memory_space<hbm>> -> memref<1x40x1x128xi32, #tpu.memory_space<hbm>>
      %dma_wait3A_205 = tpu.memref_squeeze %dma_wait3A_204 : memref<1x40x1x128xi32, #tpu.memory_space<hbm>> -> memref<40x1x128xi32, #tpu.memory_space<hbm>>
      %dma_wait3A_206 = arith.constant 0 : i32
      %dma_wait3A_207 = arith.constant 0 : i32
      %dma_wait3A_208 = arith.constant 0 : i32
      %dma_wait3A_209 = tpu.memref_slice %arg9[%dma_wait3A_206, %dma_wait3A_207, %dma_wait3A_208] : memref<40x1x128xi32, #tpu.memory_space<vmem>> -> memref<40x1x128xi32, #tpu.memory_space<vmem>>
      %dma_wait3A_210 = arith.constant 0 : i32
      %dma_wait3A_211 = arith.constant 0 : i32
      %dma_wait3A_212 = tpu.memref_slice %arg3[%run_scoped3A_36, %add3A_35, %dma_wait3A_210, %dma_wait3A_211] : memref<2x2500x1x128xi32, #tpu.memory_space<hbm>> -> memref<1x40x1x128xi32, #tpu.memory_space<hbm>>
      %dma_wait3A_213 = tpu.memref_squeeze %dma_wait3A_212 : memref<1x40x1x128xi32, #tpu.memory_space<hbm>> -> memref<40x1x128xi32, #tpu.memory_space<hbm>>
      tpu.wait_dma2 semaphore(%run_scoped3A_181 : memref<!tpu.dma_semaphore, #tpu.memory_space<semaphore_mem>>) src(%dma_wait3A_213 : memref<40x1x128xi32, #tpu.memory_space<hbm>>) dst(%dma_wait3A_209 : memref<40x1x128xi32, #tpu.memory_space<vmem>>)
      tpu.yield
    }) : () -> ()
    %dma_start3A = arith.constant 0 : i32
    %dma_start3A_37 = arith.constant 0 : i32
    %dma_start3A_38 = arith.constant 0 : i32
    %dma_start3A_39 = tpu.memref_slice %arg8[%dma_start3A, %dma_start3A_37, %dma_start3A_38] : memref<40x1x128xi32, #tpu.memory_space<vmem>> -> memref<1x1x128xi32, #tpu.memory_space<vmem>>
    %dma_start3A_40 = tpu.memref_squeeze %dma_start3A_39 : memref<1x1x128xi32, #tpu.memory_space<vmem>> -> memref<128xi32, #tpu.memory_space<vmem>>
    %dma_start3A_41 = arith.constant 0 : i32
    %dma_start3A_42 = arith.constant 0 : i32
    %dma_start3A_43 = tpu.memref_slice %arg2[%dma_start3A_41, %dma_start3A_42] : memref<10000x128xf32, #tpu.memory_space<hbm>> -> memref<10000x128xf32, #tpu.memory_space<hbm>>
    tpu.enqueue_indirect_dma source(%dma_start3A_43 : memref<10000x128xf32, #tpu.memory_space<hbm>>) target(%arg6 : memref<128x128xf32, #tpu.memory_space<vmem>>) offsets(%dma_start3A_40 : memref<128xi32, #tpu.memory_space<vmem>>) semaphore(%arg10 : memref<!tpu.dma_semaphore, #tpu.memory_space<semaphore_mem>>)
    %dma_start3A_44 = arith.constant 1 : i32
    %dma_start3A_45 = arith.constant 0 : i32
    %dma_start3A_46 = arith.constant 0 : i32
    %dma_start3A_47 = tpu.memref_slice %arg8[%dma_start3A_44, %dma_start3A_45, %dma_start3A_46] : memref<40x1x128xi32, #tpu.memory_space<vmem>> -> memref<1x1x128xi32, #tpu.memory_space<vmem>>
    %dma_start3A_48 = tpu.memref_squeeze %dma_start3A_47 : memref<1x1x128xi32, #tpu.memory_space<vmem>> -> memref<128xi32, #tpu.memory_space<vmem>>
    %dma_start3A_49 = arith.constant 0 : i32
    %dma_start3A_50 = arith.constant 0 : i32
    %dma_start3A_51 = tpu.memref_slice %arg2[%dma_start3A_49, %dma_start3A_50] : memref<10000x128xf32, #tpu.memory_space<hbm>> -> memref<10000x128xf32, #tpu.memory_space<hbm>>
    tpu.enqueue_indirect_dma source(%dma_start3A_51 : memref<10000x128xf32, #tpu.memory_space<hbm>>) target(%arg7 : memref<128x128xf32, #tpu.memory_space<vmem>>) offsets(%dma_start3A_48 : memref<128xi32, #tpu.memory_space<vmem>>) semaphore(%arg11 : memref<!tpu.dma_semaphore, #tpu.memory_space<semaphore_mem>>)
    %scan3A_52 = arith.constant 0 : i32
    %scan3A_53 = arith.constant 0 : i32
    %scan3A_54 = arith.constant 19 : i32
    %scan3A_55 = arith.addi %scan3A_53, %scan3A_54 : i32
    %scan3A_56 = arith.constant 1 : i32
    %scan3A_57 = scf.for %scan3A_181 = %scan3A_53 to %scan3A_55 step %scan3A_56 iter_args(%scan3A_182 = %scan3A_52) -> (i32)  : i32 {
      %mul3A_183 = arith.constant 2 : i32
      %mul3A_184 = arith.muli %mul3A_183, %scan3A_181 : i32
      %dma_wait3A_185 = arith.constant 0 : i32
      %dma_wait3A_186 = arith.constant 0 : i32
      %dma_wait3A_187 = tpu.memref_slice %arg2[%dma_wait3A_185, %dma_wait3A_186] : memref<10000x128xf32, #tpu.memory_space<hbm>> -> memref<128x128xf32, #tpu.memory_space<hbm>>
      %dma_wait3A_188 = arith.constant 0 : i32
      %dma_wait3A_189 = arith.constant 0 : i32
      %dma_wait3A_190 = tpu.memref_slice %arg2[%dma_wait3A_188, %dma_wait3A_189] : memref<10000x128xf32, #tpu.memory_space<hbm>> -> memref<128x128xf32, #tpu.memory_space<hbm>>
      tpu.wait_dma2 semaphore(%arg10 : memref<!tpu.dma_semaphore, #tpu.memory_space<semaphore_mem>>) src(%dma_wait3A_190 : memref<128x128xf32, #tpu.memory_space<hbm>>) dst(%arg6 : memref<128x128xf32, #tpu.memory_space<vmem>>)
      %dma_start3A_191 = arith.constant 0 : i32
      %dma_start3A_192 = arith.constant 0 : i32
      %dma_start3A_193 = tpu.memref_slice %arg9[%mul3A_184, %dma_start3A_191, %dma_start3A_192] : memref<40x1x128xi32, #tpu.memory_space<vmem>> -> memref<1x1x128xi32, #tpu.memory_space<vmem>>
      %dma_start3A_194 = tpu.memref_squeeze %dma_start3A_193 : memref<1x1x128xi32, #tpu.memory_space<vmem>> -> memref<128xi32, #tpu.memory_space<vmem>>
      %dma_start3A_195 = arith.constant 0 : i32
      %dma_start3A_196 = arith.constant 0 : i32
      %dma_start3A_197 = tpu.memref_slice %arg5[%dma_start3A_195, %dma_start3A_196] : memref<10000x128xf32, #tpu.memory_space<vmem_shared>> -> memref<10000x128xf32, #tpu.memory_space<vmem_shared>>
      tpu.enqueue_indirect_dma source(%arg6 : memref<128x128xf32, #tpu.memory_space<vmem>>) target(%dma_start3A_197 : memref<10000x128xf32, #tpu.memory_space<vmem_shared>>) offsets(%dma_start3A_194 : memref<128xi32, #tpu.memory_space<vmem>>) semaphore(%arg12 : memref<!tpu.dma_semaphore, #tpu.memory_space<semaphore_mem>>) {add = true}
      %dma_wait3A_198 = arith.constant 0 : i32
      %dma_wait3A_199 = arith.constant 0 : i32
      %dma_wait3A_200 = tpu.memref_slice %arg2[%dma_wait3A_198, %dma_wait3A_199] : memref<10000x128xf32, #tpu.memory_space<hbm>> -> memref<128x128xf32, #tpu.memory_space<hbm>>
      %dma_wait3A_201 = arith.constant 0 : i32
      %dma_wait3A_202 = arith.constant 0 : i32
      %dma_wait3A_203 = tpu.memref_slice %arg2[%dma_wait3A_201, %dma_wait3A_202] : memref<10000x128xf32, #tpu.memory_space<hbm>> -> memref<128x128xf32, #tpu.memory_space<hbm>>
      tpu.wait_dma2 semaphore(%arg12 : memref<!tpu.dma_semaphore, #tpu.memory_space<semaphore_mem>>) src(%dma_wait3A_203 : memref<128x128xf32, #tpu.memory_space<hbm>>) dst(%arg6 : memref<128x128xf32, #tpu.memory_space<vmem>>)
      %add3A_204 = arith.constant 2 : i32
      %add3A_205 = arith.addi %mul3A_184, %add3A_204 : i32
      %dma_start3A_206 = arith.constant 0 : i32
      %dma_start3A_207 = arith.constant 0 : i32
      %dma_start3A_208 = tpu.memref_slice %arg8[%add3A_205, %dma_start3A_206, %dma_start3A_207] : memref<40x1x128xi32, #tpu.memory_space<vmem>> -> memref<1x1x128xi32, #tpu.memory_space<vmem>>
      %dma_start3A_209 = tpu.memref_squeeze %dma_start3A_208 : memref<1x1x128xi32, #tpu.memory_space<vmem>> -> memref<128xi32, #tpu.memory_space<vmem>>
      %dma_start3A_210 = arith.constant 0 : i32
      %dma_start3A_211 = arith.constant 0 : i32
      %dma_start3A_212 = tpu.memref_slice %arg2[%dma_start3A_210, %dma_start3A_211] : memref<10000x128xf32, #tpu.memory_space<hbm>> -> memref<10000x128xf32, #tpu.memory_space<hbm>>
      tpu.enqueue_indirect_dma source(%dma_start3A_212 : memref<10000x128xf32, #tpu.memory_space<hbm>>) target(%arg6 : memref<128x128xf32, #tpu.memory_space<vmem>>) offsets(%dma_start3A_209 : memref<128xi32, #tpu.memory_space<vmem>>) semaphore(%arg10 : memref<!tpu.dma_semaphore, #tpu.memory_space<semaphore_mem>>)
      %dma_wait3A_213 = arith.constant 0 : i32
      %dma_wait3A_214 = arith.constant 0 : i32
      %dma_wait3A_215 = tpu.memref_slice %arg2[%dma_wait3A_213, %dma_wait3A_214] : memref<10000x128xf32, #tpu.memory_space<hbm>> -> memref<128x128xf32, #tpu.memory_space<hbm>>
      %dma_wait3A_216 = arith.constant 0 : i32
      %dma_wait3A_217 = arith.constant 0 : i32
      %dma_wait3A_218 = tpu.memref_slice %arg2[%dma_wait3A_216, %dma_wait3A_217] : memref<10000x128xf32, #tpu.memory_space<hbm>> -> memref<128x128xf32, #tpu.memory_space<hbm>>
      tpu.wait_dma2 semaphore(%arg11 : memref<!tpu.dma_semaphore, #tpu.memory_space<semaphore_mem>>) src(%dma_wait3A_218 : memref<128x128xf32, #tpu.memory_space<hbm>>) dst(%arg7 : memref<128x128xf32, #tpu.memory_space<vmem>>)
      %add3A_219 = arith.constant 1 : i32
      %add3A_220 = arith.addi %mul3A_184, %add3A_219 : i32
      %dma_start3A_221 = arith.constant 0 : i32
      %dma_start3A_222 = arith.constant 0 : i32
      %dma_start3A_223 = tpu.memref_slice %arg9[%add3A_220, %dma_start3A_221, %dma_start3A_222] : memref<40x1x128xi32, #tpu.memory_space<vmem>> -> memref<1x1x128xi32, #tpu.memory_space<vmem>>
      %dma_start3A_224 = tpu.memref_squeeze %dma_start3A_223 : memref<1x1x128xi32, #tpu.memory_space<vmem>> -> memref<128xi32, #tpu.memory_space<vmem>>
      %dma_start3A_225 = arith.constant 0 : i32
      %dma_start3A_226 = arith.constant 0 : i32
      %dma_start3A_227 = tpu.memref_slice %arg5[%dma_start3A_225, %dma_start3A_226] : memref<10000x128xf32, #tpu.memory_space<vmem_shared>> -> memref<10000x128xf32, #tpu.memory_space<vmem_shared>>
      tpu.enqueue_indirect_dma source(%arg7 : memref<128x128xf32, #tpu.memory_space<vmem>>) target(%dma_start3A_227 : memref<10000x128xf32, #tpu.memory_space<vmem_shared>>) offsets(%dma_start3A_224 : memref<128xi32, #tpu.memory_space<vmem>>) semaphore(%arg13 : memref<!tpu.dma_semaphore, #tpu.memory_space<semaphore_mem>>) {add = true}
      %dma_wait3A_228 = arith.constant 0 : i32
      %dma_wait3A_229 = arith.constant 0 : i32
      %dma_wait3A_230 = tpu.memref_slice %arg2[%dma_wait3A_228, %dma_wait3A_229] : memref<10000x128xf32, #tpu.memory_space<hbm>> -> memref<128x128xf32, #tpu.memory_space<hbm>>
      %dma_wait3A_231 = arith.constant 0 : i32
      %dma_wait3A_232 = arith.constant 0 : i32
      %dma_wait3A_233 = tpu.memref_slice %arg2[%dma_wait3A_231, %dma_wait3A_232] : memref<10000x128xf32, #tpu.memory_space<hbm>> -> memref<128x128xf32, #tpu.memory_space<hbm>>
      tpu.wait_dma2 semaphore(%arg13 : memref<!tpu.dma_semaphore, #tpu.memory_space<semaphore_mem>>) src(%dma_wait3A_233 : memref<128x128xf32, #tpu.memory_space<hbm>>) dst(%arg7 : memref<128x128xf32, #tpu.memory_space<vmem>>)
      %add3A_234 = arith.constant 3 : i32
      %add3A_235 = arith.addi %mul3A_184, %add3A_234 : i32
      %dma_start3A_236 = arith.constant 0 : i32
      %dma_start3A_237 = arith.constant 0 : i32
      %dma_start3A_238 = tpu.memref_slice %arg8[%add3A_235, %dma_start3A_236, %dma_start3A_237] : memref<40x1x128xi32, #tpu.memory_space<vmem>> -> memref<1x1x128xi32, #tpu.memory_space<vmem>>
      %dma_start3A_239 = tpu.memref_squeeze %dma_start3A_238 : memref<1x1x128xi32, #tpu.memory_space<vmem>> -> memref<128xi32, #tpu.memory_space<vmem>>
      %dma_start3A_240 = arith.constant 0 : i32
      %dma_start3A_241 = arith.constant 0 : i32
      %dma_start3A_242 = tpu.memref_slice %arg2[%dma_start3A_240, %dma_start3A_241] : memref<10000x128xf32, #tpu.memory_space<hbm>> -> memref<10000x128xf32, #tpu.memory_space<hbm>>
      tpu.enqueue_indirect_dma source(%dma_start3A_242 : memref<10000x128xf32, #tpu.memory_space<hbm>>) target(%arg7 : memref<128x128xf32, #tpu.memory_space<vmem>>) offsets(%dma_start3A_239 : memref<128xi32, #tpu.memory_space<vmem>>) semaphore(%arg11 : memref<!tpu.dma_semaphore, #tpu.memory_space<semaphore_mem>>)
      %scan3A_243 = arith.constant 0 : i32
      scf.yield %scan3A_243 : i32
    }
    %scan3A_58 = arith.constant 19 : i32
    %dma_wait3A = arith.constant 0 : i32
    %dma_wait3A_59 = arith.constant 0 : i32
    %dma_wait3A_60 = tpu.memref_slice %arg2[%dma_wait3A, %dma_wait3A_59] : memref<10000x128xf32, #tpu.memory_space<hbm>> -> memref<128x128xf32, #tpu.memory_space<hbm>>
    %dma_wait3A_61 = arith.constant 0 : i32
    %dma_wait3A_62 = arith.constant 0 : i32
    %dma_wait3A_63 = tpu.memref_slice %arg2[%dma_wait3A_61, %dma_wait3A_62] : memref<10000x128xf32, #tpu.memory_space<hbm>> -> memref<128x128xf32, #tpu.memory_space<hbm>>
    tpu.wait_dma2 semaphore(%arg10 : memref<!tpu.dma_semaphore, #tpu.memory_space<semaphore_mem>>) src(%dma_wait3A_63 : memref<128x128xf32, #tpu.memory_space<hbm>>) dst(%arg6 : memref<128x128xf32, #tpu.memory_space<vmem>>)
    %dma_start3A_64 = arith.constant 38 : i32
    %dma_start3A_65 = arith.constant 0 : i32
    %dma_start3A_66 = arith.constant 0 : i32
    %dma_start3A_67 = tpu.memref_slice %arg9[%dma_start3A_64, %dma_start3A_65, %dma_start3A_66] : memref<40x1x128xi32, #tpu.memory_space<vmem>> -> memref<1x1x128xi32, #tpu.memory_space<vmem>>
    %dma_start3A_68 = tpu.memref_squeeze %dma_start3A_67 : memref<1x1x128xi32, #tpu.memory_space<vmem>> -> memref<128xi32, #tpu.memory_space<vmem>>
    %dma_start3A_69 = arith.constant 0 : i32
    %dma_start3A_70 = arith.constant 0 : i32
    %dma_start3A_71 = tpu.memref_slice %arg5[%dma_start3A_69, %dma_start3A_70] : memref<10000x128xf32, #tpu.memory_space<vmem_shared>> -> memref<10000x128xf32, #tpu.memory_space<vmem_shared>>
    tpu.enqueue_indirect_dma source(%arg6 : memref<128x128xf32, #tpu.memory_space<vmem>>) target(%dma_start3A_71 : memref<10000x128xf32, #tpu.memory_space<vmem_shared>>) offsets(%dma_start3A_68 : memref<128xi32, #tpu.memory_space<vmem>>) semaphore(%arg12 : memref<!tpu.dma_semaphore, #tpu.memory_space<semaphore_mem>>) {add = true}
    %dma_wait3A_72 = arith.constant 0 : i32
    %dma_wait3A_73 = arith.constant 0 : i32
    %dma_wait3A_74 = tpu.memref_slice %arg2[%dma_wait3A_72, %dma_wait3A_73] : memref<10000x128xf32, #tpu.memory_space<hbm>> -> memref<128x128xf32, #tpu.memory_space<hbm>>
    %dma_wait3A_75 = arith.constant 0 : i32
    %dma_wait3A_76 = arith.constant 0 : i32
    %dma_wait3A_77 = tpu.memref_slice %arg2[%dma_wait3A_75, %dma_wait3A_76] : memref<10000x128xf32, #tpu.memory_space<hbm>> -> memref<128x128xf32, #tpu.memory_space<hbm>>
    tpu.wait_dma2 semaphore(%arg11 : memref<!tpu.dma_semaphore, #tpu.memory_space<semaphore_mem>>) src(%dma_wait3A_77 : memref<128x128xf32, #tpu.memory_space<hbm>>) dst(%arg7 : memref<128x128xf32, #tpu.memory_space<vmem>>)
    %dma_start3A_78 = arith.constant 39 : i32
    %dma_start3A_79 = arith.constant 0 : i32
    %dma_start3A_80 = arith.constant 0 : i32
    %dma_start3A_81 = tpu.memref_slice %arg9[%dma_start3A_78, %dma_start3A_79, %dma_start3A_80] : memref<40x1x128xi32, #tpu.memory_space<vmem>> -> memref<1x1x128xi32, #tpu.memory_space<vmem>>
    %dma_start3A_82 = tpu.memref_squeeze %dma_start3A_81 : memref<1x1x128xi32, #tpu.memory_space<vmem>> -> memref<128xi32, #tpu.memory_space<vmem>>
    %dma_start3A_83 = arith.constant 0 : i32
    %dma_start3A_84 = arith.constant 0 : i32
    %dma_start3A_85 = tpu.memref_slice %arg5[%dma_start3A_83, %dma_start3A_84] : memref<10000x128xf32, #tpu.memory_space<vmem_shared>> -> memref<10000x128xf32, #tpu.memory_space<vmem_shared>>
    tpu.enqueue_indirect_dma source(%arg7 : memref<128x128xf32, #tpu.memory_space<vmem>>) target(%dma_start3A_85 : memref<10000x128xf32, #tpu.memory_space<vmem_shared>>) offsets(%dma_start3A_82 : memref<128xi32, #tpu.memory_space<vmem>>) semaphore(%arg13 : memref<!tpu.dma_semaphore, #tpu.memory_space<semaphore_mem>>) {add = true}
    %dma_wait3A_86 = arith.constant 0 : i32
    %dma_wait3A_87 = arith.constant 0 : i32
    %dma_wait3A_88 = tpu.memref_slice %arg2[%dma_wait3A_86, %dma_wait3A_87] : memref<10000x128xf32, #tpu.memory_space<hbm>> -> memref<128x128xf32, #tpu.memory_space<hbm>>
    %dma_wait3A_89 = arith.constant 0 : i32
    %dma_wait3A_90 = arith.constant 0 : i32
    %dma_wait3A_91 = tpu.memref_slice %arg2[%dma_wait3A_89, %dma_wait3A_90] : memref<10000x128xf32, #tpu.memory_space<hbm>> -> memref<128x128xf32, #tpu.memory_space<hbm>>
    tpu.wait_dma2 semaphore(%arg12 : memref<!tpu.dma_semaphore, #tpu.memory_space<semaphore_mem>>) src(%dma_wait3A_91 : memref<128x128xf32, #tpu.memory_space<hbm>>) dst(%arg6 : memref<128x128xf32, #tpu.memory_space<vmem>>)
    %dma_wait3A_92 = arith.constant 0 : i32
    %dma_wait3A_93 = arith.constant 0 : i32
    %dma_wait3A_94 = tpu.memref_slice %arg2[%dma_wait3A_92, %dma_wait3A_93] : memref<10000x128xf32, #tpu.memory_space<hbm>> -> memref<128x128xf32, #tpu.memory_space<hbm>>
    %dma_wait3A_95 = arith.constant 0 : i32
    %dma_wait3A_96 = arith.constant 0 : i32
    %dma_wait3A_97 = tpu.memref_slice %arg2[%dma_wait3A_95, %dma_wait3A_96] : memref<10000x128xf32, #tpu.memory_space<hbm>> -> memref<128x128xf32, #tpu.memory_space<hbm>>
    tpu.wait_dma2 semaphore(%arg13 : memref<!tpu.dma_semaphore, #tpu.memory_space<semaphore_mem>>) src(%dma_wait3A_97 : memref<128x128xf32, #tpu.memory_space<hbm>>) dst(%arg7 : memref<128x128xf32, #tpu.memory_space<vmem>>)
    %add3A_98 = arith.constant 40 : i32
    %add3A_99 = arith.addi %add3A_31, %add3A_98 : i32
    %run_scoped3A_100 = arith.constant 0 : i32
    "tpu.region"() ({
      %run_scoped3A_181 = tpu.sem_alloc : memref<!tpu.dma_semaphore, #tpu.memory_space<semaphore_mem>>
      %dma_start3A_182 = arith.constant 0 : i32
      %dma_start3A_183 = arith.constant 0 : i32
      %dma_start3A_184 = arith.constant 0 : i32
      %dma_start3A_185 = tpu.memref_slice %arg8[%dma_start3A_182, %dma_start3A_183, %dma_start3A_184] : memref<40x1x128xi32, #tpu.memory_space<vmem>> -> memref<38x1x128xi32, #tpu.memory_space<vmem>>
      %dma_start3A_186 = arith.constant 0 : i32
      %dma_start3A_187 = arith.constant 0 : i32
      %dma_start3A_188 = tpu.memref_slice %arg3[%run_scoped3A_100, %add3A_99, %dma_start3A_186, %dma_start3A_187] : memref<2x2500x1x128xi32, #tpu.memory_space<hbm>> -> memref<1x38x1x128xi32, #tpu.memory_space<hbm>>
      %dma_start3A_189 = tpu.memref_squeeze %dma_start3A_188 : memref<1x38x1x128xi32, #tpu.memory_space<hbm>> -> memref<38x1x128xi32, #tpu.memory_space<hbm>>
      %dma_start3A_190 = arith.constant 0 : i32
      %dma_start3A_191 = arith.constant 0 : i32
      %dma_start3A_192 = arith.constant 0 : i32
      %dma_start3A_193 = tpu.memref_slice %arg8[%dma_start3A_190, %dma_start3A_191, %dma_start3A_192] : memref<40x1x128xi32, #tpu.memory_space<vmem>> -> memref<38x1x128xi32, #tpu.memory_space<vmem>>
      %dma_start3A_194 = arith.constant 0 : i32
      %dma_start3A_195 = arith.constant 0 : i32
      %dma_start3A_196 = tpu.memref_slice %arg3[%run_scoped3A_100, %add3A_99, %dma_start3A_194, %dma_start3A_195] : memref<2x2500x1x128xi32, #tpu.memory_space<hbm>> -> memref<1x38x1x128xi32, #tpu.memory_space<hbm>>
      %dma_start3A_197 = tpu.memref_squeeze %dma_start3A_196 : memref<1x38x1x128xi32, #tpu.memory_space<hbm>> -> memref<38x1x128xi32, #tpu.memory_space<hbm>>
      tpu.enqueue_dma source(%dma_start3A_197 : memref<38x1x128xi32, #tpu.memory_space<hbm>>) target(%dma_start3A_193 : memref<38x1x128xi32, #tpu.memory_space<vmem>>) target_semaphore(%run_scoped3A_181 : memref<!tpu.dma_semaphore, #tpu.memory_space<semaphore_mem>>)
      %dma_wait3A_198 = arith.constant 0 : i32
      %dma_wait3A_199 = arith.constant 0 : i32
      %dma_wait3A_200 = arith.constant 0 : i32
      %dma_wait3A_201 = tpu.memref_slice %arg8[%dma_wait3A_198, %dma_wait3A_199, %dma_wait3A_200] : memref<40x1x128xi32, #tpu.memory_space<vmem>> -> memref<38x1x128xi32, #tpu.memory_space<vmem>>
      %dma_wait3A_202 = arith.constant 0 : i32
      %dma_wait3A_203 = arith.constant 0 : i32
      %dma_wait3A_204 = tpu.memref_slice %arg3[%run_scoped3A_100, %add3A_99, %dma_wait3A_202, %dma_wait3A_203] : memref<2x2500x1x128xi32, #tpu.memory_space<hbm>> -> memref<1x38x1x128xi32, #tpu.memory_space<hbm>>
      %dma_wait3A_205 = tpu.memref_squeeze %dma_wait3A_204 : memref<1x38x1x128xi32, #tpu.memory_space<hbm>> -> memref<38x1x128xi32, #tpu.memory_space<hbm>>
      %dma_wait3A_206 = arith.constant 0 : i32
      %dma_wait3A_207 = arith.constant 0 : i32
      %dma_wait3A_208 = arith.constant 0 : i32
      %dma_wait3A_209 = tpu.memref_slice %arg8[%dma_wait3A_206, %dma_wait3A_207, %dma_wait3A_208] : memref<40x1x128xi32, #tpu.memory_space<vmem>> -> memref<38x1x128xi32, #tpu.memory_space<vmem>>
      %dma_wait3A_210 = arith.constant 0 : i32
      %dma_wait3A_211 = arith.constant 0 : i32
      %dma_wait3A_212 = tpu.memref_slice %arg3[%run_scoped3A_100, %add3A_99, %dma_wait3A_210, %dma_wait3A_211] : memref<2x2500x1x128xi32, #tpu.memory_space<hbm>> -> memref<1x38x1x128xi32, #tpu.memory_space<hbm>>
      %dma_wait3A_213 = tpu.memref_squeeze %dma_wait3A_212 : memref<1x38x1x128xi32, #tpu.memory_space<hbm>> -> memref<38x1x128xi32, #tpu.memory_space<hbm>>
      tpu.wait_dma2 semaphore(%run_scoped3A_181 : memref<!tpu.dma_semaphore, #tpu.memory_space<semaphore_mem>>) src(%dma_wait3A_213 : memref<38x1x128xi32, #tpu.memory_space<hbm>>) dst(%dma_wait3A_209 : memref<38x1x128xi32, #tpu.memory_space<vmem>>)
      tpu.yield
    }) : () -> ()
    %add3A_101 = arith.constant 40 : i32
    %add3A_102 = arith.addi %add3A_31, %add3A_101 : i32
    %run_scoped3A_103 = arith.constant 1 : i32
    "tpu.region"() ({
      %run_scoped3A_181 = tpu.sem_alloc : memref<!tpu.dma_semaphore, #tpu.memory_space<semaphore_mem>>
      %dma_start3A_182 = arith.constant 0 : i32
      %dma_start3A_183 = arith.constant 0 : i32
      %dma_start3A_184 = arith.constant 0 : i32
      %dma_start3A_185 = tpu.memref_slice %arg9[%dma_start3A_182, %dma_start3A_183, %dma_start3A_184] : memref<40x1x128xi32, #tpu.memory_space<vmem>> -> memref<38x1x128xi32, #tpu.memory_space<vmem>>
      %dma_start3A_186 = arith.constant 0 : i32
      %dma_start3A_187 = arith.constant 0 : i32
      %dma_start3A_188 = tpu.memref_slice %arg3[%run_scoped3A_103, %add3A_102, %dma_start3A_186, %dma_start3A_187] : memref<2x2500x1x128xi32, #tpu.memory_space<hbm>> -> memref<1x38x1x128xi32, #tpu.memory_space<hbm>>
      %dma_start3A_189 = tpu.memref_squeeze %dma_start3A_188 : memref<1x38x1x128xi32, #tpu.memory_space<hbm>> -> memref<38x1x128xi32, #tpu.memory_space<hbm>>
      %dma_start3A_190 = arith.constant 0 : i32
      %dma_start3A_191 = arith.constant 0 : i32
      %dma_start3A_192 = arith.constant 0 : i32
      %dma_start3A_193 = tpu.memref_slice %arg9[%dma_start3A_190, %dma_start3A_191, %dma_start3A_192] : memref<40x1x128xi32, #tpu.memory_space<vmem>> -> memref<38x1x128xi32, #tpu.memory_space<vmem>>
      %dma_start3A_194 = arith.constant 0 : i32
      %dma_start3A_195 = arith.constant 0 : i32
      %dma_start3A_196 = tpu.memref_slice %arg3[%run_scoped3A_103, %add3A_102, %dma_start3A_194, %dma_start3A_195] : memref<2x2500x1x128xi32, #tpu.memory_space<hbm>> -> memref<1x38x1x128xi32, #tpu.memory_space<hbm>>
      %dma_start3A_197 = tpu.memref_squeeze %dma_start3A_196 : memref<1x38x1x128xi32, #tpu.memory_space<hbm>> -> memref<38x1x128xi32, #tpu.memory_space<hbm>>
      tpu.enqueue_dma source(%dma_start3A_197 : memref<38x1x128xi32, #tpu.memory_space<hbm>>) target(%dma_start3A_193 : memref<38x1x128xi32, #tpu.memory_space<vmem>>) target_semaphore(%run_scoped3A_181 : memref<!tpu.dma_semaphore, #tpu.memory_space<semaphore_mem>>)
      %dma_wait3A_198 = arith.constant 0 : i32
      %dma_wait3A_199 = arith.constant 0 : i32
      %dma_wait3A_200 = arith.constant 0 : i32
      %dma_wait3A_201 = tpu.memref_slice %arg9[%dma_wait3A_198, %dma_wait3A_199, %dma_wait3A_200] : memref<40x1x128xi32, #tpu.memory_space<vmem>> -> memref<38x1x128xi32, #tpu.memory_space<vmem>>
      %dma_wait3A_202 = arith.constant 0 : i32
      %dma_wait3A_203 = arith.constant 0 : i32
      %dma_wait3A_204 = tpu.memref_slice %arg3[%run_scoped3A_103, %add3A_102, %dma_wait3A_202, %dma_wait3A_203] : memref<2x2500x1x128xi32, #tpu.memory_space<hbm>> -> memref<1x38x1x128xi32, #tpu.memory_space<hbm>>
      %dma_wait3A_205 = tpu.memref_squeeze %dma_wait3A_204 : memref<1x38x1x128xi32, #tpu.memory_space<hbm>> -> memref<38x1x128xi32, #tpu.memory_space<hbm>>
      %dma_wait3A_206 = arith.constant 0 : i32
      %dma_wait3A_207 = arith.constant 0 : i32
      %dma_wait3A_208 = arith.constant 0 : i32
      %dma_wait3A_209 = tpu.memref_slice %arg9[%dma_wait3A_206, %dma_wait3A_207, %dma_wait3A_208] : memref<40x1x128xi32, #tpu.memory_space<vmem>> -> memref<38x1x128xi32, #tpu.memory_space<vmem>>
      %dma_wait3A_210 = arith.constant 0 : i32
      %dma_wait3A_211 = arith.constant 0 : i32
      %dma_wait3A_212 = tpu.memref_slice %arg3[%run_scoped3A_103, %add3A_102, %dma_wait3A_210, %dma_wait3A_211] : memref<2x2500x1x128xi32, #tpu.memory_space<hbm>> -> memref<1x38x1x128xi32, #tpu.memory_space<hbm>>
      %dma_wait3A_213 = tpu.memref_squeeze %dma_wait3A_212 : memref<1x38x1x128xi32, #tpu.memory_space<hbm>> -> memref<38x1x128xi32, #tpu.memory_space<hbm>>
      tpu.wait_dma2 semaphore(%run_scoped3A_181 : memref<!tpu.dma_semaphore, #tpu.memory_space<semaphore_mem>>) src(%dma_wait3A_213 : memref<38x1x128xi32, #tpu.memory_space<hbm>>) dst(%dma_wait3A_209 : memref<38x1x128xi32, #tpu.memory_space<vmem>>)
      tpu.yield
    }) : () -> ()
    %dma_start3A_104 = arith.constant 0 : i32
    %dma_start3A_105 = arith.constant 0 : i32
    %dma_start3A_106 = arith.constant 0 : i32
    %dma_start3A_107 = tpu.memref_slice %arg8[%dma_start3A_104, %dma_start3A_105, %dma_start3A_106] : memref<40x1x128xi32, #tpu.memory_space<vmem>> -> memref<1x1x128xi32, #tpu.memory_space<vmem>>
    %dma_start3A_108 = tpu.memref_squeeze %dma_start3A_107 : memref<1x1x128xi32, #tpu.memory_space<vmem>> -> memref<128xi32, #tpu.memory_space<vmem>>
    %dma_start3A_109 = arith.constant 0 : i32
    %dma_start3A_110 = arith.constant 0 : i32
    %dma_start3A_111 = tpu.memref_slice %arg2[%dma_start3A_109, %dma_start3A_110] : memref<10000x128xf32, #tpu.memory_space<hbm>> -> memref<10000x128xf32, #tpu.memory_space<hbm>>
    tpu.enqueue_indirect_dma source(%dma_start3A_111 : memref<10000x128xf32, #tpu.memory_space<hbm>>) target(%arg6 : memref<128x128xf32, #tpu.memory_space<vmem>>) offsets(%dma_start3A_108 : memref<128xi32, #tpu.memory_space<vmem>>) semaphore(%arg10 : memref<!tpu.dma_semaphore, #tpu.memory_space<semaphore_mem>>)
    %dma_start3A_112 = arith.constant 1 : i32
    %dma_start3A_113 = arith.constant 0 : i32
    %dma_start3A_114 = arith.constant 0 : i32
    %dma_start3A_115 = tpu.memref_slice %arg8[%dma_start3A_112, %dma_start3A_113, %dma_start3A_114] : memref<40x1x128xi32, #tpu.memory_space<vmem>> -> memref<1x1x128xi32, #tpu.memory_space<vmem>>
    %dma_start3A_116 = tpu.memref_squeeze %dma_start3A_115 : memref<1x1x128xi32, #tpu.memory_space<vmem>> -> memref<128xi32, #tpu.memory_space<vmem>>
    %dma_start3A_117 = arith.constant 0 : i32
    %dma_start3A_118 = arith.constant 0 : i32
    %dma_start3A_119 = tpu.memref_slice %arg2[%dma_start3A_117, %dma_start3A_118] : memref<10000x128xf32, #tpu.memory_space<hbm>> -> memref<10000x128xf32, #tpu.memory_space<hbm>>
    tpu.enqueue_indirect_dma source(%dma_start3A_119 : memref<10000x128xf32, #tpu.memory_space<hbm>>) target(%arg7 : memref<128x128xf32, #tpu.memory_space<vmem>>) offsets(%dma_start3A_116 : memref<128xi32, #tpu.memory_space<vmem>>) semaphore(%arg11 : memref<!tpu.dma_semaphore, #tpu.memory_space<semaphore_mem>>)
    %scan3A_120 = arith.constant 0 : i32
    %scan3A_121 = arith.constant 0 : i32
    %scan3A_122 = arith.constant 18 : i32
    %scan3A_123 = arith.addi %scan3A_121, %scan3A_122 : i32
    %scan3A_124 = arith.constant 1 : i32
    %scan3A_125 = scf.for %scan3A_181 = %scan3A_121 to %scan3A_123 step %scan3A_124 iter_args(%scan3A_182 = %scan3A_120) -> (i32)  : i32 {
      %mul3A_183 = arith.constant 2 : i32
      %mul3A_184 = arith.muli %mul3A_183, %scan3A_181 : i32
      %dma_wait3A_185 = arith.constant 0 : i32
      %dma_wait3A_186 = arith.constant 0 : i32
      %dma_wait3A_187 = tpu.memref_slice %arg2[%dma_wait3A_185, %dma_wait3A_186] : memref<10000x128xf32, #tpu.memory_space<hbm>> -> memref<128x128xf32, #tpu.memory_space<hbm>>
      %dma_wait3A_188 = arith.constant 0 : i32
      %dma_wait3A_189 = arith.constant 0 : i32
      %dma_wait3A_190 = tpu.memref_slice %arg2[%dma_wait3A_188, %dma_wait3A_189] : memref<10000x128xf32, #tpu.memory_space<hbm>> -> memref<128x128xf32, #tpu.memory_space<hbm>>
      tpu.wait_dma2 semaphore(%arg10 : memref<!tpu.dma_semaphore, #tpu.memory_space<semaphore_mem>>) src(%dma_wait3A_190 : memref<128x128xf32, #tpu.memory_space<hbm>>) dst(%arg6 : memref<128x128xf32, #tpu.memory_space<vmem>>)
      %dma_start3A_191 = arith.constant 0 : i32
      %dma_start3A_192 = arith.constant 0 : i32
      %dma_start3A_193 = tpu.memref_slice %arg9[%mul3A_184, %dma_start3A_191, %dma_start3A_192] : memref<40x1x128xi32, #tpu.memory_space<vmem>> -> memref<1x1x128xi32, #tpu.memory_space<vmem>>
      %dma_start3A_194 = tpu.memref_squeeze %dma_start3A_193 : memref<1x1x128xi32, #tpu.memory_space<vmem>> -> memref<128xi32, #tpu.memory_space<vmem>>
      %dma_start3A_195 = arith.constant 0 : i32
      %dma_start3A_196 = arith.constant 0 : i32
      %dma_start3A_197 = tpu.memref_slice %arg5[%dma_start3A_195, %dma_start3A_196] : memref<10000x128xf32, #tpu.memory_space<vmem_shared>> -> memref<10000x128xf32, #tpu.memory_space<vmem_shared>>
      tpu.enqueue_indirect_dma source(%arg6 : memref<128x128xf32, #tpu.memory_space<vmem>>) target(%dma_start3A_197 : memref<10000x128xf32, #tpu.memory_space<vmem_shared>>) offsets(%dma_start3A_194 : memref<128xi32, #tpu.memory_space<vmem>>) semaphore(%arg12 : memref<!tpu.dma_semaphore, #tpu.memory_space<semaphore_mem>>) {add = true}
      %dma_wait3A_198 = arith.constant 0 : i32
      %dma_wait3A_199 = arith.constant 0 : i32
      %dma_wait3A_200 = tpu.memref_slice %arg2[%dma_wait3A_198, %dma_wait3A_199] : memref<10000x128xf32, #tpu.memory_space<hbm>> -> memref<128x128xf32, #tpu.memory_space<hbm>>
      %dma_wait3A_201 = arith.constant 0 : i32
      %dma_wait3A_202 = arith.constant 0 : i32
      %dma_wait3A_203 = tpu.memref_slice %arg2[%dma_wait3A_201, %dma_wait3A_202] : memref<10000x128xf32, #tpu.memory_space<hbm>> -> memref<128x128xf32, #tpu.memory_space<hbm>>
      tpu.wait_dma2 semaphore(%arg12 : memref<!tpu.dma_semaphore, #tpu.memory_space<semaphore_mem>>) src(%dma_wait3A_203 : memref<128x128xf32, #tpu.memory_space<hbm>>) dst(%arg6 : memref<128x128xf32, #tpu.memory_space<vmem>>)
      %add3A_204 = arith.constant 2 : i32
      %add3A_205 = arith.addi %mul3A_184, %add3A_204 : i32
      %dma_start3A_206 = arith.constant 0 : i32
      %dma_start3A_207 = arith.constant 0 : i32
      %dma_start3A_208 = tpu.memref_slice %arg8[%add3A_205, %dma_start3A_206, %dma_start3A_207] : memref<40x1x128xi32, #tpu.memory_space<vmem>> -> memref<1x1x128xi32, #tpu.memory_space<vmem>>
      %dma_start3A_209 = tpu.memref_squeeze %dma_start3A_208 : memref<1x1x128xi32, #tpu.memory_space<vmem>> -> memref<128xi32, #tpu.memory_space<vmem>>
      %dma_start3A_210 = arith.constant 0 : i32
      %dma_start3A_211 = arith.constant 0 : i32
      %dma_start3A_212 = tpu.memref_slice %arg2[%dma_start3A_210, %dma_start3A_211] : memref<10000x128xf32, #tpu.memory_space<hbm>> -> memref<10000x128xf32, #tpu.memory_space<hbm>>
      tpu.enqueue_indirect_dma source(%dma_start3A_212 : memref<10000x128xf32, #tpu.memory_space<hbm>>) target(%arg6 : memref<128x128xf32, #tpu.memory_space<vmem>>) offsets(%dma_start3A_209 : memref<128xi32, #tpu.memory_space<vmem>>) semaphore(%arg10 : memref<!tpu.dma_semaphore, #tpu.memory_space<semaphore_mem>>)
      %dma_wait3A_213 = arith.constant 0 : i32
      %dma_wait3A_214 = arith.constant 0 : i32
      %dma_wait3A_215 = tpu.memref_slice %arg2[%dma_wait3A_213, %dma_wait3A_214] : memref<10000x128xf32, #tpu.memory_space<hbm>> -> memref<128x128xf32, #tpu.memory_space<hbm>>
      %dma_wait3A_216 = arith.constant 0 : i32
      %dma_wait3A_217 = arith.constant 0 : i32
      %dma_wait3A_218 = tpu.memref_slice %arg2[%dma_wait3A_216, %dma_wait3A_217] : memref<10000x128xf32, #tpu.memory_space<hbm>> -> memref<128x128xf32, #tpu.memory_space<hbm>>
      tpu.wait_dma2 semaphore(%arg11 : memref<!tpu.dma_semaphore, #tpu.memory_space<semaphore_mem>>) src(%dma_wait3A_218 : memref<128x128xf32, #tpu.memory_space<hbm>>) dst(%arg7 : memref<128x128xf32, #tpu.memory_space<vmem>>)
      %add3A_219 = arith.constant 1 : i32
      %add3A_220 = arith.addi %mul3A_184, %add3A_219 : i32
      %dma_start3A_221 = arith.constant 0 : i32
      %dma_start3A_222 = arith.constant 0 : i32
      %dma_start3A_223 = tpu.memref_slice %arg9[%add3A_220, %dma_start3A_221, %dma_start3A_222] : memref<40x1x128xi32, #tpu.memory_space<vmem>> -> memref<1x1x128xi32, #tpu.memory_space<vmem>>
      %dma_start3A_224 = tpu.memref_squeeze %dma_start3A_223 : memref<1x1x128xi32, #tpu.memory_space<vmem>> -> memref<128xi32, #tpu.memory_space<vmem>>
      %dma_start3A_225 = arith.constant 0 : i32
      %dma_start3A_226 = arith.constant 0 : i32
      %dma_start3A_227 = tpu.memref_slice %arg5[%dma_start3A_225, %dma_start3A_226] : memref<10000x128xf32, #tpu.memory_space<vmem_shared>> -> memref<10000x128xf32, #tpu.memory_space<vmem_shared>>
      tpu.enqueue_indirect_dma source(%arg7 : memref<128x128xf32, #tpu.memory_space<vmem>>) target(%dma_start3A_227 : memref<10000x128xf32, #tpu.memory_space<vmem_shared>>) offsets(%dma_start3A_224 : memref<128xi32, #tpu.memory_space<vmem>>) semaphore(%arg13 : memref<!tpu.dma_semaphore, #tpu.memory_space<semaphore_mem>>) {add = true}
      %dma_wait3A_228 = arith.constant 0 : i32
      %dma_wait3A_229 = arith.constant 0 : i32
      %dma_wait3A_230 = tpu.memref_slice %arg2[%dma_wait3A_228, %dma_wait3A_229] : memref<10000x128xf32, #tpu.memory_space<hbm>> -> memref<128x128xf32, #tpu.memory_space<hbm>>
      %dma_wait3A_231 = arith.constant 0 : i32
      %dma_wait3A_232 = arith.constant 0 : i32
      %dma_wait3A_233 = tpu.memref_slice %arg2[%dma_wait3A_231, %dma_wait3A_232] : memref<10000x128xf32, #tpu.memory_space<hbm>> -> memref<128x128xf32, #tpu.memory_space<hbm>>
      tpu.wait_dma2 semaphore(%arg13 : memref<!tpu.dma_semaphore, #tpu.memory_space<semaphore_mem>>) src(%dma_wait3A_233 : memref<128x128xf32, #tpu.memory_space<hbm>>) dst(%arg7 : memref<128x128xf32, #tpu.memory_space<vmem>>)
      %add3A_234 = arith.constant 3 : i32
      %add3A_235 = arith.addi %mul3A_184, %add3A_234 : i32
      %dma_start3A_236 = arith.constant 0 : i32
      %dma_start3A_237 = arith.constant 0 : i32
      %dma_start3A_238 = tpu.memref_slice %arg8[%add3A_235, %dma_start3A_236, %dma_start3A_237] : memref<40x1x128xi32, #tpu.memory_space<vmem>> -> memref<1x1x128xi32, #tpu.memory_space<vmem>>
      %dma_start3A_239 = tpu.memref_squeeze %dma_start3A_238 : memref<1x1x128xi32, #tpu.memory_space<vmem>> -> memref<128xi32, #tpu.memory_space<vmem>>
      %dma_start3A_240 = arith.constant 0 : i32
      %dma_start3A_241 = arith.constant 0 : i32
      %dma_start3A_242 = tpu.memref_slice %arg2[%dma_start3A_240, %dma_start3A_241] : memref<10000x128xf32, #tpu.memory_space<hbm>> -> memref<10000x128xf32, #tpu.memory_space<hbm>>
      tpu.enqueue_indirect_dma source(%dma_start3A_242 : memref<10000x128xf32, #tpu.memory_space<hbm>>) target(%arg7 : memref<128x128xf32, #tpu.memory_space<vmem>>) offsets(%dma_start3A_239 : memref<128xi32, #tpu.memory_space<vmem>>) semaphore(%arg11 : memref<!tpu.dma_semaphore, #tpu.memory_space<semaphore_mem>>)
      %scan3A_243 = arith.constant 0 : i32
      scf.yield %scan3A_243 : i32
    }
    %scan3A_126 = arith.constant 18 : i32
    %dma_wait3A_127 = arith.constant 0 : i32
    %dma_wait3A_128 = arith.constant 0 : i32
    %dma_wait3A_129 = tpu.memref_slice %arg2[%dma_wait3A_127, %dma_wait3A_128] : memref<10000x128xf32, #tpu.memory_space<hbm>> -> memref<128x128xf32, #tpu.memory_space<hbm>>
    %dma_wait3A_130 = arith.constant 0 : i32
    %dma_wait3A_131 = arith.constant 0 : i32
    %dma_wait3A_132 = tpu.memref_slice %arg2[%dma_wait3A_130, %dma_wait3A_131] : memref<10000x128xf32, #tpu.memory_space<hbm>> -> memref<128x128xf32, #tpu.memory_space<hbm>>
    tpu.wait_dma2 semaphore(%arg10 : memref<!tpu.dma_semaphore, #tpu.memory_space<semaphore_mem>>) src(%dma_wait3A_132 : memref<128x128xf32, #tpu.memory_space<hbm>>) dst(%arg6 : memref<128x128xf32, #tpu.memory_space<vmem>>)
    %dma_start3A_133 = arith.constant 36 : i32
    %dma_start3A_134 = arith.constant 0 : i32
    %dma_start3A_135 = arith.constant 0 : i32
    %dma_start3A_136 = tpu.memref_slice %arg9[%dma_start3A_133, %dma_start3A_134, %dma_start3A_135] : memref<40x1x128xi32, #tpu.memory_space<vmem>> -> memref<1x1x128xi32, #tpu.memory_space<vmem>>
    %dma_start3A_137 = tpu.memref_squeeze %dma_start3A_136 : memref<1x1x128xi32, #tpu.memory_space<vmem>> -> memref<128xi32, #tpu.memory_space<vmem>>
    %dma_start3A_138 = arith.constant 0 : i32
    %dma_start3A_139 = arith.constant 0 : i32
    %dma_start3A_140 = tpu.memref_slice %arg5[%dma_start3A_138, %dma_start3A_139] : memref<10000x128xf32, #tpu.memory_space<vmem_shared>> -> memref<10000x128xf32, #tpu.memory_space<vmem_shared>>
    tpu.enqueue_indirect_dma source(%arg6 : memref<128x128xf32, #tpu.memory_space<vmem>>) target(%dma_start3A_140 : memref<10000x128xf32, #tpu.memory_space<vmem_shared>>) offsets(%dma_start3A_137 : memref<128xi32, #tpu.memory_space<vmem>>) semaphore(%arg12 : memref<!tpu.dma_semaphore, #tpu.memory_space<semaphore_mem>>) {add = true}
    %dma_wait3A_141 = arith.constant 0 : i32
    %dma_wait3A_142 = arith.constant 0 : i32
    %dma_wait3A_143 = tpu.memref_slice %arg2[%dma_wait3A_141, %dma_wait3A_142] : memref<10000x128xf32, #tpu.memory_space<hbm>> -> memref<128x128xf32, #tpu.memory_space<hbm>>
    %dma_wait3A_144 = arith.constant 0 : i32
    %dma_wait3A_145 = arith.constant 0 : i32
    %dma_wait3A_146 = tpu.memref_slice %arg2[%dma_wait3A_144, %dma_wait3A_145] : memref<10000x128xf32, #tpu.memory_space<hbm>> -> memref<128x128xf32, #tpu.memory_space<hbm>>
    tpu.wait_dma2 semaphore(%arg11 : memref<!tpu.dma_semaphore, #tpu.memory_space<semaphore_mem>>) src(%dma_wait3A_146 : memref<128x128xf32, #tpu.memory_space<hbm>>) dst(%arg7 : memref<128x128xf32, #tpu.memory_space<vmem>>)
    %dma_start3A_147 = arith.constant 37 : i32
    %dma_start3A_148 = arith.constant 0 : i32
    %dma_start3A_149 = arith.constant 0 : i32
    %dma_start3A_150 = tpu.memref_slice %arg9[%dma_start3A_147, %dma_start3A_148, %dma_start3A_149] : memref<40x1x128xi32, #tpu.memory_space<vmem>> -> memref<1x1x128xi32, #tpu.memory_space<vmem>>
    %dma_start3A_151 = tpu.memref_squeeze %dma_start3A_150 : memref<1x1x128xi32, #tpu.memory_space<vmem>> -> memref<128xi32, #tpu.memory_space<vmem>>
    %dma_start3A_152 = arith.constant 0 : i32
    %dma_start3A_153 = arith.constant 0 : i32
    %dma_start3A_154 = tpu.memref_slice %arg5[%dma_start3A_152, %dma_start3A_153] : memref<10000x128xf32, #tpu.memory_space<vmem_shared>> -> memref<10000x128xf32, #tpu.memory_space<vmem_shared>>
    tpu.enqueue_indirect_dma source(%arg7 : memref<128x128xf32, #tpu.memory_space<vmem>>) target(%dma_start3A_154 : memref<10000x128xf32, #tpu.memory_space<vmem_shared>>) offsets(%dma_start3A_151 : memref<128xi32, #tpu.memory_space<vmem>>) semaphore(%arg13 : memref<!tpu.dma_semaphore, #tpu.memory_space<semaphore_mem>>) {add = true}
    %dma_wait3A_155 = arith.constant 0 : i32
    %dma_wait3A_156 = arith.constant 0 : i32
    %dma_wait3A_157 = tpu.memref_slice %arg2[%dma_wait3A_155, %dma_wait3A_156] : memref<10000x128xf32, #tpu.memory_space<hbm>> -> memref<128x128xf32, #tpu.memory_space<hbm>>
    %dma_wait3A_158 = arith.constant 0 : i32
    %dma_wait3A_159 = arith.constant 0 : i32
    %dma_wait3A_160 = tpu.memref_slice %arg2[%dma_wait3A_158, %dma_wait3A_159] : memref<10000x128xf32, #tpu.memory_space<hbm>> -> memref<128x128xf32, #tpu.memory_space<hbm>>
    tpu.wait_dma2 semaphore(%arg12 : memref<!tpu.dma_semaphore, #tpu.memory_space<semaphore_mem>>) src(%dma_wait3A_160 : memref<128x128xf32, #tpu.memory_space<hbm>>) dst(%arg6 : memref<128x128xf32, #tpu.memory_space<vmem>>)
    %dma_wait3A_161 = arith.constant 0 : i32
    %dma_wait3A_162 = arith.constant 0 : i32
    %dma_wait3A_163 = tpu.memref_slice %arg2[%dma_wait3A_161, %dma_wait3A_162] : memref<10000x128xf32, #tpu.memory_space<hbm>> -> memref<128x128xf32, #tpu.memory_space<hbm>>
    %dma_wait3A_164 = arith.constant 0 : i32
    %dma_wait3A_165 = arith.constant 0 : i32
    %dma_wait3A_166 = tpu.memref_slice %arg2[%dma_wait3A_164, %dma_wait3A_165] : memref<10000x128xf32, #tpu.memory_space<hbm>> -> memref<128x128xf32, #tpu.memory_space<hbm>>
    tpu.wait_dma2 semaphore(%arg13 : memref<!tpu.dma_semaphore, #tpu.memory_space<semaphore_mem>>) src(%dma_wait3A_166 : memref<128x128xf32, #tpu.memory_space<hbm>>) dst(%arg7 : memref<128x128xf32, #tpu.memory_space<vmem>>)
    %lt3A = arith.constant 2 : i32
    %lt3A_167 = arith.cmpi slt, %arg1, %lt3A : i32
    %convert_element_type3A_168 = arith.extui %lt3A_167 : i1 to i32
    %cond3A_169 = arith.constant 0 : i32
    %cond3A_170 = arith.cmpi ne, %convert_element_type3A_168, %cond3A_169 : i32
    scf.if %cond3A_170 {
      %mul3A_181 = arith.constant 1250 : i32
      %mul3A_182 = arith.muli %arg0, %mul3A_181 : i32
      %add3A_183 = arith.constant 1248 : i32
      %add3A_184 = arith.addi %mul3A_182, %add3A_183 : i32
      %add3A_185 = arith.addi %add3A_184, %arg1 : i32
      %run_scoped3A_186 = arith.constant 0 : i32
      %run_scoped3A_187 = arith.constant 0 : i32
      "tpu.region"() ({
        %run_scoped3A_218 = tpu.sem_alloc : memref<!tpu.dma_semaphore, #tpu.memory_space<semaphore_mem>>
        %dma_start3A_219 = arith.constant 0 : i32
        %dma_start3A_220 = arith.constant 0 : i32
        %dma_start3A_221 = tpu.memref_slice %arg8[%run_scoped3A_187, %dma_start3A_219, %dma_start3A_220] : memref<40x1x128xi32, #tpu.memory_space<vmem>> -> memref<1x1x128xi32, #tpu.memory_space<vmem>>
        %dma_start3A_222 = tpu.memref_squeeze %dma_start3A_221 : memref<1x1x128xi32, #tpu.memory_space<vmem>> -> memref<1x128xi32, #tpu.memory_space<vmem>>
        %dma_start3A_223 = arith.constant 0 : i32
        %dma_start3A_224 = arith.constant 0 : i32
        %dma_start3A_225 = tpu.memref_slice %arg3[%run_scoped3A_186, %add3A_185, %dma_start3A_223, %dma_start3A_224] : memref<2x2500x1x128xi32, #tpu.memory_space<hbm>> -> memref<1x1x1x128xi32, #tpu.memory_space<hbm>>
        %dma_start3A_226 = tpu.memref_squeeze %dma_start3A_225 : memref<1x1x1x128xi32, #tpu.memory_space<hbm>> -> memref<1x128xi32, #tpu.memory_space<hbm>>
        %dma_start3A_227 = arith.constant 0 : i32
        %dma_start3A_228 = arith.constant 0 : i32
        %dma_start3A_229 = tpu.memref_slice %arg8[%run_scoped3A_187, %dma_start3A_227, %dma_start3A_228] : memref<40x1x128xi32, #tpu.memory_space<vmem>> -> memref<1x1x128xi32, #tpu.memory_space<vmem>>
        %dma_start3A_230 = tpu.memref_squeeze %dma_start3A_229 : memref<1x1x128xi32, #tpu.memory_space<vmem>> -> memref<1x128xi32, #tpu.memory_space<vmem>>
        %dma_start3A_231 = arith.constant 0 : i32
        %dma_start3A_232 = arith.constant 0 : i32
        %dma_start3A_233 = tpu.memref_slice %arg3[%run_scoped3A_186, %add3A_185, %dma_start3A_231, %dma_start3A_232] : memref<2x2500x1x128xi32, #tpu.memory_space<hbm>> -> memref<1x1x1x128xi32, #tpu.memory_space<hbm>>
        %dma_start3A_234 = tpu.memref_squeeze %dma_start3A_233 : memref<1x1x1x128xi32, #tpu.memory_space<hbm>> -> memref<1x128xi32, #tpu.memory_space<hbm>>
        tpu.enqueue_dma source(%dma_start3A_234 : memref<1x128xi32, #tpu.memory_space<hbm>>) target(%dma_start3A_230 : memref<1x128xi32, #tpu.memory_space<vmem>>) target_semaphore(%run_scoped3A_218 : memref<!tpu.dma_semaphore, #tpu.memory_space<semaphore_mem>>)
        %dma_wait3A_235 = arith.constant 0 : i32
        %dma_wait3A_236 = arith.constant 0 : i32
        %dma_wait3A_237 = tpu.memref_slice %arg8[%run_scoped3A_187, %dma_wait3A_235, %dma_wait3A_236] : memref<40x1x128xi32, #tpu.memory_space<vmem>> -> memref<1x1x128xi32, #tpu.memory_space<vmem>>
        %dma_wait3A_238 = tpu.memref_squeeze %dma_wait3A_237 : memref<1x1x128xi32, #tpu.memory_space<vmem>> -> memref<1x128xi32, #tpu.memory_space<vmem>>
        %dma_wait3A_239 = arith.constant 0 : i32
        %dma_wait3A_240 = arith.constant 0 : i32
        %dma_wait3A_241 = tpu.memref_slice %arg3[%run_scoped3A_186, %add3A_185, %dma_wait3A_239, %dma_wait3A_240] : memref<2x2500x1x128xi32, #tpu.memory_space<hbm>> -> memref<1x1x1x128xi32, #tpu.memory_space<hbm>>
        %dma_wait3A_242 = tpu.memref_squeeze %dma_wait3A_241 : memref<1x1x1x128xi32, #tpu.memory_space<hbm>> -> memref<1x128xi32, #tpu.memory_space<hbm>>
        %dma_wait3A_243 = arith.constant 0 : i32
        %dma_wait3A_244 = arith.constant 0 : i32
        %dma_wait3A_245 = tpu.memref_slice %arg8[%run_scoped3A_187, %dma_wait3A_243, %dma_wait3A_244] : memref<40x1x128xi32, #tpu.memory_space<vmem>> -> memref<1x1x128xi32, #tpu.memory_space<vmem>>
        %dma_wait3A_246 = tpu.memref_squeeze %dma_wait3A_245 : memref<1x1x128xi32, #tpu.memory_space<vmem>> -> memref<1x128xi32, #tpu.memory_space<vmem>>
        %dma_wait3A_247 = arith.constant 0 : i32
        %dma_wait3A_248 = arith.constant 0 : i32
        %dma_wait3A_249 = tpu.memref_slice %arg3[%run_scoped3A_186, %add3A_185, %dma_wait3A_247, %dma_wait3A_248] : memref<2x2500x1x128xi32, #tpu.memory_space<hbm>> -> memref<1x1x1x128xi32, #tpu.memory_space<hbm>>
        %dma_wait3A_250 = tpu.memref_squeeze %dma_wait3A_249 : memref<1x1x1x128xi32, #tpu.memory_space<hbm>> -> memref<1x128xi32, #tpu.memory_space<hbm>>
        tpu.wait_dma2 semaphore(%run_scoped3A_218 : memref<!tpu.dma_semaphore, #tpu.memory_space<semaphore_mem>>) src(%dma_wait3A_250 : memref<1x128xi32, #tpu.memory_space<hbm>>) dst(%dma_wait3A_246 : memref<1x128xi32, #tpu.memory_space<vmem>>)
        tpu.yield
      }) : () -> ()
      %run_scoped3A_188 = arith.constant 1 : i32
      %run_scoped3A_189 = arith.constant 0 : i32
      "tpu.region"() ({
        %run_scoped3A_218 = tpu.sem_alloc : memref<!tpu.dma_semaphore, #tpu.memory_space<semaphore_mem>>
        %dma_start3A_219 = arith.constant 0 : i32
        %dma_start3A_220 = arith.constant 0 : i32
        %dma_start3A_221 = tpu.memref_slice %arg9[%run_scoped3A_189, %dma_start3A_219, %dma_start3A_220] : memref<40x1x128xi32, #tpu.memory_space<vmem>> -> memref<1x1x128xi32, #tpu.memory_space<vmem>>
        %dma_start3A_222 = tpu.memref_squeeze %dma_start3A_221 : memref<1x1x128xi32, #tpu.memory_space<vmem>> -> memref<1x128xi32, #tpu.memory_space<vmem>>
        %dma_start3A_223 = arith.constant 0 : i32
        %dma_start3A_224 = arith.constant 0 : i32
        %dma_start3A_225 = tpu.memref_slice %arg3[%run_scoped3A_188, %add3A_185, %dma_start3A_223, %dma_start3A_224] : memref<2x2500x1x128xi32, #tpu.memory_space<hbm>> -> memref<1x1x1x128xi32, #tpu.memory_space<hbm>>
        %dma_start3A_226 = tpu.memref_squeeze %dma_start3A_225 : memref<1x1x1x128xi32, #tpu.memory_space<hbm>> -> memref<1x128xi32, #tpu.memory_space<hbm>>
        %dma_start3A_227 = arith.constant 0 : i32
        %dma_start3A_228 = arith.constant 0 : i32
        %dma_start3A_229 = tpu.memref_slice %arg9[%run_scoped3A_189, %dma_start3A_227, %dma_start3A_228] : memref<40x1x128xi32, #tpu.memory_space<vmem>> -> memref<1x1x128xi32, #tpu.memory_space<vmem>>
        %dma_start3A_230 = tpu.memref_squeeze %dma_start3A_229 : memref<1x1x128xi32, #tpu.memory_space<vmem>> -> memref<1x128xi32, #tpu.memory_space<vmem>>
        %dma_start3A_231 = arith.constant 0 : i32
        %dma_start3A_232 = arith.constant 0 : i32
        %dma_start3A_233 = tpu.memref_slice %arg3[%run_scoped3A_188, %add3A_185, %dma_start3A_231, %dma_start3A_232] : memref<2x2500x1x128xi32, #tpu.memory_space<hbm>> -> memref<1x1x1x128xi32, #tpu.memory_space<hbm>>
        %dma_start3A_234 = tpu.memref_squeeze %dma_start3A_233 : memref<1x1x1x128xi32, #tpu.memory_space<hbm>> -> memref<1x128xi32, #tpu.memory_space<hbm>>
        tpu.enqueue_dma source(%dma_start3A_234 : memref<1x128xi32, #tpu.memory_space<hbm>>) target(%dma_start3A_230 : memref<1x128xi32, #tpu.memory_space<vmem>>) target_semaphore(%run_scoped3A_218 : memref<!tpu.dma_semaphore, #tpu.memory_space<semaphore_mem>>)
        %dma_wait3A_235 = arith.constant 0 : i32
        %dma_wait3A_236 = arith.constant 0 : i32
        %dma_wait3A_237 = tpu.memref_slice %arg9[%run_scoped3A_189, %dma_wait3A_235, %dma_wait3A_236] : memref<40x1x128xi32, #tpu.memory_space<vmem>> -> memref<1x1x128xi32, #tpu.memory_space<vmem>>
        %dma_wait3A_238 = tpu.memref_squeeze %dma_wait3A_237 : memref<1x1x128xi32, #tpu.memory_space<vmem>> -> memref<1x128xi32, #tpu.memory_space<vmem>>
        %dma_wait3A_239 = arith.constant 0 : i32
        %dma_wait3A_240 = arith.constant 0 : i32
        %dma_wait3A_241 = tpu.memref_slice %arg3[%run_scoped3A_188, %add3A_185, %dma_wait3A_239, %dma_wait3A_240] : memref<2x2500x1x128xi32, #tpu.memory_space<hbm>> -> memref<1x1x1x128xi32, #tpu.memory_space<hbm>>
        %dma_wait3A_242 = tpu.memref_squeeze %dma_wait3A_241 : memref<1x1x1x128xi32, #tpu.memory_space<hbm>> -> memref<1x128xi32, #tpu.memory_space<hbm>>
        %dma_wait3A_243 = arith.constant 0 : i32
        %dma_wait3A_244 = arith.constant 0 : i32
        %dma_wait3A_245 = tpu.memref_slice %arg9[%run_scoped3A_189, %dma_wait3A_243, %dma_wait3A_244] : memref<40x1x128xi32, #tpu.memory_space<vmem>> -> memref<1x1x128xi32, #tpu.memory_space<vmem>>
        %dma_wait3A_246 = tpu.memref_squeeze %dma_wait3A_245 : memref<1x1x128xi32, #tpu.memory_space<vmem>> -> memref<1x128xi32, #tpu.memory_space<vmem>>
        %dma_wait3A_247 = arith.constant 0 : i32
        %dma_wait3A_248 = arith.constant 0 : i32
        %dma_wait3A_249 = tpu.memref_slice %arg3[%run_scoped3A_188, %add3A_185, %dma_wait3A_247, %dma_wait3A_248] : memref<2x2500x1x128xi32, #tpu.memory_space<hbm>> -> memref<1x1x1x128xi32, #tpu.memory_space<hbm>>
        %dma_wait3A_250 = tpu.memref_squeeze %dma_wait3A_249 : memref<1x1x1x128xi32, #tpu.memory_space<hbm>> -> memref<1x128xi32, #tpu.memory_space<hbm>>
        tpu.wait_dma2 semaphore(%run_scoped3A_218 : memref<!tpu.dma_semaphore, #tpu.memory_space<semaphore_mem>>) src(%dma_wait3A_250 : memref<1x128xi32, #tpu.memory_space<hbm>>) dst(%dma_wait3A_246 : memref<1x128xi32, #tpu.memory_space<vmem>>)
        tpu.yield
      }) : () -> ()
      %dma_start3A_190 = arith.constant 0 : i32
      %dma_start3A_191 = arith.constant 0 : i32
      %dma_start3A_192 = arith.constant 0 : i32
      %dma_start3A_193 = tpu.memref_slice %arg8[%dma_start3A_190, %dma_start3A_191, %dma_start3A_192] : memref<40x1x128xi32, #tpu.memory_space<vmem>> -> memref<1x1x128xi32, #tpu.memory_space<vmem>>
      %dma_start3A_194 = tpu.memref_squeeze %dma_start3A_193 : memref<1x1x128xi32, #tpu.memory_space<vmem>> -> memref<128xi32, #tpu.memory_space<vmem>>
      %dma_start3A_195 = arith.constant 0 : i32
      %dma_start3A_196 = arith.constant 0 : i32
      %dma_start3A_197 = tpu.memref_slice %arg2[%dma_start3A_195, %dma_start3A_196] : memref<10000x128xf32, #tpu.memory_space<hbm>> -> memref<10000x128xf32, #tpu.memory_space<hbm>>
      tpu.enqueue_indirect_dma source(%dma_start3A_197 : memref<10000x128xf32, #tpu.memory_space<hbm>>) target(%arg6 : memref<128x128xf32, #tpu.memory_space<vmem>>) offsets(%dma_start3A_194 : memref<128xi32, #tpu.memory_space<vmem>>) semaphore(%arg10 : memref<!tpu.dma_semaphore, #tpu.memory_space<semaphore_mem>>)
      %dma_wait3A_198 = arith.constant 0 : i32
      %dma_wait3A_199 = arith.constant 0 : i32
      %dma_wait3A_200 = tpu.memref_slice %arg2[%dma_wait3A_198, %dma_wait3A_199] : memref<10000x128xf32, #tpu.memory_space<hbm>> -> memref<128x128xf32, #tpu.memory_space<hbm>>
      %dma_wait3A_201 = arith.constant 0 : i32
      %dma_wait3A_202 = arith.constant 0 : i32
      %dma_wait3A_203 = tpu.memref_slice %arg2[%dma_wait3A_201, %dma_wait3A_202] : memref<10000x128xf32, #tpu.memory_space<hbm>> -> memref<128x128xf32, #tpu.memory_space<hbm>>
      tpu.wait_dma2 semaphore(%arg10 : memref<!tpu.dma_semaphore, #tpu.memory_space<semaphore_mem>>) src(%dma_wait3A_203 : memref<128x128xf32, #tpu.memory_space<hbm>>) dst(%arg6 : memref<128x128xf32, #tpu.memory_space<vmem>>)
      %dma_start3A_204 = arith.constant 0 : i32
      %dma_start3A_205 = arith.constant 0 : i32
      %dma_start3A_206 = arith.constant 0 : i32
      %dma_start3A_207 = tpu.memref_slice %arg9[%dma_start3A_204, %dma_start3A_205, %dma_start3A_206] : memref<40x1x128xi32, #tpu.memory_space<vmem>> -> memref<1x1x128xi32, #tpu.memory_space<vmem>>
      %dma_start3A_208 = tpu.memref_squeeze %dma_start3A_207 : memref<1x1x128xi32, #tpu.memory_space<vmem>> -> memref<128xi32, #tpu.memory_space<vmem>>
      %dma_start3A_209 = arith.constant 0 : i32
      %dma_start3A_210 = arith.constant 0 : i32
      %dma_start3A_211 = tpu.memref_slice %arg5[%dma_start3A_209, %dma_start3A_210] : memref<10000x128xf32, #tpu.memory_space<vmem_shared>> -> memref<10000x128xf32, #tpu.memory_space<vmem_shared>>
      tpu.enqueue_indirect_dma source(%arg6 : memref<128x128xf32, #tpu.memory_space<vmem>>) target(%dma_start3A_211 : memref<10000x128xf32, #tpu.memory_space<vmem_shared>>) offsets(%dma_start3A_208 : memref<128xi32, #tpu.memory_space<vmem>>) semaphore(%arg12 : memref<!tpu.dma_semaphore, #tpu.memory_space<semaphore_mem>>) {add = true}
      %dma_wait3A_212 = arith.constant 0 : i32
      %dma_wait3A_213 = arith.constant 0 : i32
      %dma_wait3A_214 = tpu.memref_slice %arg2[%dma_wait3A_212, %dma_wait3A_213] : memref<10000x128xf32, #tpu.memory_space<hbm>> -> memref<128x128xf32, #tpu.memory_space<hbm>>
      %dma_wait3A_215 = arith.constant 0 : i32
      %dma_wait3A_216 = arith.constant 0 : i32
      %dma_wait3A_217 = tpu.memref_slice %arg2[%dma_wait3A_215, %dma_wait3A_216] : memref<10000x128xf32, #tpu.memory_space<hbm>> -> memref<128x128xf32, #tpu.memory_space<hbm>>
      tpu.wait_dma2 semaphore(%arg12 : memref<!tpu.dma_semaphore, #tpu.memory_space<semaphore_mem>>) src(%dma_wait3A_217 : memref<128x128xf32, #tpu.memory_space<hbm>>) dst(%arg6 : memref<128x128xf32, #tpu.memory_space<vmem>>)
    } else {
    }
    %barrier3A_171 = arith.constant 0 : index
    tpu.barrier barrier_id(%barrier3A_171)
    %mul3A_172 = arith.constant 624 : i32
    %mul3A_173 = arith.muli %arg1, %mul3A_172 : i32
    %mul3A_174 = arith.constant 624 : i32
    %mul3A_175 = arith.muli %arg1, %mul3A_174 : i32
    "tpu.region"() ({
      %run_scoped3A_181 = tpu.sem_alloc : memref<!tpu.dma_semaphore, #tpu.memory_space<semaphore_mem>>
      %dma_start3A_182 = arith.constant 0 : i32
      %dma_start3A_183 = tpu.memref_slice %arg4[%arg0, %mul3A_175, %dma_start3A_182] : memref<2x10000x128xf32, #tpu.memory_space<hbm>> -> memref<1x624x128xf32, #tpu.memory_space<hbm>>
      %dma_start3A_184 = tpu.memref_squeeze %dma_start3A_183 : memref<1x624x128xf32, #tpu.memory_space<hbm>> -> memref<624x128xf32, #tpu.memory_space<hbm>>
      %dma_start3A_185 = arith.constant 0 : i32
      %dma_start3A_186 = tpu.memref_slice %arg5[%mul3A_173, %dma_start3A_185] : memref<10000x128xf32, #tpu.memory_space<vmem_shared>> -> memref<624x128xf32, #tpu.memory_space<vmem_shared>>
      tpu.enqueue_dma source(%dma_start3A_186 : memref<624x128xf32, #tpu.memory_space<vmem_shared>>) target(%dma_start3A_184 : memref<624x128xf32, #tpu.memory_space<hbm>>) target_semaphore(%run_scoped3A_181 : memref<!tpu.dma_semaphore, #tpu.memory_space<semaphore_mem>>)
      %dma_wait3A_187 = arith.constant 0 : i32
      %dma_wait3A_188 = tpu.memref_slice %arg4[%arg0, %mul3A_175, %dma_wait3A_187] : memref<2x10000x128xf32, #tpu.memory_space<hbm>> -> memref<1x624x128xf32, #tpu.memory_space<hbm>>
      %dma_wait3A_189 = tpu.memref_squeeze %dma_wait3A_188 : memref<1x624x128xf32, #tpu.memory_space<hbm>> -> memref<624x128xf32, #tpu.memory_space<hbm>>
      %dma_wait3A_190 = arith.constant 0 : i32
      %dma_wait3A_191 = tpu.memref_slice %arg5[%mul3A_173, %dma_wait3A_190] : memref<10000x128xf32, #tpu.memory_space<vmem_shared>> -> memref<624x128xf32, #tpu.memory_space<vmem_shared>>
      tpu.wait_dma2 semaphore(%run_scoped3A_181 : memref<!tpu.dma_semaphore, #tpu.memory_space<semaphore_mem>>) src(%dma_wait3A_191 : memref<624x128xf32, #tpu.memory_space<vmem_shared>>) dst(%dma_wait3A_189 : memref<624x128xf32, #tpu.memory_space<hbm>>)
      tpu.yield
    }) : () -> ()
    %eq3A_176 = arith.constant 0 : i32
    %eq3A_177 = arith.cmpi eq, %arg1, %eq3A_176 : i32
    %convert_element_type3A_178 = arith.extui %eq3A_177 : i1 to i32
    %cond3A_179 = arith.constant 0 : i32
    %cond3A_180 = arith.cmpi ne, %convert_element_type3A_178, %cond3A_179 : i32
    scf.if %cond3A_180 {
      "tpu.region"() ({
        %run_scoped3A_181 = tpu.sem_alloc : memref<!tpu.dma_semaphore, #tpu.memory_space<semaphore_mem>>
        %dma_start3A_182 = arith.constant 9984 : i32
        %dma_start3A_183 = arith.constant 0 : i32
        %dma_start3A_184 = tpu.memref_slice %arg4[%arg0, %dma_start3A_182, %dma_start3A_183] : memref<2x10000x128xf32, #tpu.memory_space<hbm>> -> memref<1x16x128xf32, #tpu.memory_space<hbm>>
        %dma_start3A_185 = tpu.memref_squeeze %dma_start3A_184 : memref<1x16x128xf32, #tpu.memory_space<hbm>> -> memref<16x128xf32, #tpu.memory_space<hbm>>
        %dma_start3A_186 = arith.constant 9984 : i32
        %dma_start3A_187 = arith.constant 0 : i32
        %dma_start3A_188 = tpu.memref_slice %arg5[%dma_start3A_186, %dma_start3A_187] : memref<10000x128xf32, #tpu.memory_space<vmem_shared>> -> memref<16x128xf32, #tpu.memory_space<vmem_shared>>
        tpu.enqueue_dma source(%dma_start3A_188 : memref<16x128xf32, #tpu.memory_space<vmem_shared>>) target(%dma_start3A_185 : memref<16x128xf32, #tpu.memory_space<hbm>>) target_semaphore(%run_scoped3A_181 : memref<!tpu.dma_semaphore, #tpu.memory_space<semaphore_mem>>)
        %dma_wait3A_189 = arith.constant 9984 : i32
        %dma_wait3A_190 = arith.constant 0 : i32
        %dma_wait3A_191 = tpu.memref_slice %arg4[%arg0, %dma_wait3A_189, %dma_wait3A_190] : memref<2x10000x128xf32, #tpu.memory_space<hbm>> -> memref<1x16x128xf32, #tpu.memory_space<hbm>>
        %dma_wait3A_192 = tpu.memref_squeeze %dma_wait3A_191 : memref<1x16x128xf32, #tpu.memory_space<hbm>> -> memref<16x128xf32, #tpu.memory_space<hbm>>
        %dma_wait3A_193 = arith.constant 9984 : i32
        %dma_wait3A_194 = arith.constant 0 : i32
        %dma_wait3A_195 = tpu.memref_slice %arg5[%dma_wait3A_193, %dma_wait3A_194] : memref<10000x128xf32, #tpu.memory_space<vmem_shared>> -> memref<16x128xf32, #tpu.memory_space<vmem_shared>>
        tpu.wait_dma2 semaphore(%run_scoped3A_181 : memref<!tpu.dma_semaphore, #tpu.memory_space<semaphore_mem>>) src(%dma_wait3A_195 : memref<16x128xf32, #tpu.memory_space<vmem_shared>>) dst(%dma_wait3A_192 : memref<16x128xf32, #tpu.memory_space<hbm>>)
        tpu.yield
      }) : () -> ()
    } else {
    }
    return
  }
}

#map = affine_map<(d0, d1) -> (0, 0, 0, 0)>
#map1 = affine_map<(d0, d1) -> (0, 0)>
#map2 = affine_map<(d0, d1) -> (0, 0, 0)>
module attributes {stable_mosaic.version = 14 : i64} {
  func.func @k(%arg0: i32, %arg1: i32, %arg2: memref<2x2500x1x128xi32, #tpu.memory_space<hbm>>, %arg3: memref<128x128xf32, #tpu.memory_space<hbm>>, %arg4: memref<2x10000x128xf32, #tpu.memory_space<hbm>>, %arg5: memref<10000x128xf32, #tpu.memory_space<vmem_shared>>, %arg6: memref<128x128xf32, #tpu.memory_space<vmem>>, %arg7: memref<80x1x128xi32, #tpu.memory_space<vmem>>, %arg8: memref<!tpu.dma_semaphore, #tpu.memory_space<semaphore_mem>>, %arg9: memref<!tpu.dma_semaphore, #tpu.memory_space<semaphore_mem>>) attributes {dimension_semantics = [#tpu.dimension_semantics<core_parallel>, #tpu.dimension_semantics<subcore_parallel>], iteration_bounds = array<i64: 2, 16>, scalar_prefetch = 0 : i64, scratch_operands = 5 : i64, tpu.core_type = #tpu.core_type<sc_vector_subcore>, window_params = [{transform_indices = #map}, {transform_indices = #map1}, {transform_indices = #map2}]} {
    %broadcast_in_dim3A = arith.constant 0.000000e+00 : f32
    %broadcast_in_dim3A_0 = vector.broadcast %broadcast_in_dim3A : f32 to vector<16xf32>
    %broadcast_in_dim3A_1 = arith.constant 1.000000e+00 : f32
    %broadcast_in_dim3A_2 = vector.broadcast %broadcast_in_dim3A_1 : f32 to vector<16xf32>
    %scan3A = arith.constant 0 : i32
    %scan3A_3 = arith.constant 0 : i32
    %scan3A_4 = arith.constant 1024 : i32
    %scan3A_5 = arith.addi %scan3A_3, %scan3A_4 : i32
    %scan3A_6 = arith.constant 1 : i32
    %scan3A_7 = scf.for %scan3A_149 = %scan3A_3 to %scan3A_5 step %scan3A_6 iter_args(%scan3A_150 = %scan3A) -> (i32)  : i32 {
      %jit3A = arith.constant 8 : i32
      %div3A = arith.divsi %scan3A_149, %jit3A : i32
      %sign3A = arith.constant 0 : i32
      %sign3A_151 = arith.cmpi sgt, %scan3A_149, %sign3A : i32
      %sign3A_152 = arith.extui %sign3A_151 : i1 to i32
      %sign3A_153 = arith.constant 0 : i32
      %sign3A_154 = arith.cmpi slt, %scan3A_149, %sign3A_153 : i32
      %sign3A_155 = arith.extui %sign3A_154 : i1 to i32
      %sign3A_156 = arith.subi %sign3A_152, %sign3A_155 : i32
      %sign3A_157 = arith.constant 0 : i32
      %sign3A_158 = arith.cmpi sgt, %jit3A, %sign3A_157 : i32
      %sign3A_159 = arith.extui %sign3A_158 : i1 to i32
      %sign3A_160 = arith.constant 0 : i32
      %sign3A_161 = arith.cmpi slt, %jit3A, %sign3A_160 : i32
      %sign3A_162 = arith.extui %sign3A_161 : i1 to i32
      %sign3A_163 = arith.subi %sign3A_159, %sign3A_162 : i32
      %ne3A = arith.cmpi ne, %sign3A_156, %sign3A_163 : i32
      %rem3A = arith.remsi %scan3A_149, %jit3A : i32
      %ne3A_164 = arith.constant 0 : i32
      %ne3A_165 = arith.cmpi ne, %rem3A, %ne3A_164 : i32
      %and3A = arith.andi %ne3A, %ne3A_165 : i1
      %sub3A = arith.constant 1 : i32
      %sub3A_166 = arith.subi %div3A, %sub3A : i32
      %select_n3A = arith.select %and3A, %sub3A_166, %div3A : i32
      %jit3A_167 = arith.constant 8 : i32
      %eq3A_168 = arith.constant 0 : i32
      %eq3A_169 = arith.cmpi eq, %jit3A_167, %eq3A_168 : i32
      %jit3A_170 = arith.constant 1 : i32
      %select_n3A_171 = arith.select %eq3A_169, %jit3A_170, %jit3A_167 : i32
      %rem3A_172 = arith.remsi %scan3A_149, %select_n3A_171 : i32
      %ne3A_173 = arith.constant 0 : i32
      %ne3A_174 = arith.cmpi ne, %rem3A_172, %ne3A_173 : i32
      %lt3A_175 = arith.constant 0 : i32
      %lt3A_176 = arith.cmpi slt, %rem3A_172, %lt3A_175 : i32
      %lt3A_177 = arith.constant 0 : i32
      %lt3A_178 = arith.cmpi slt, %select_n3A_171, %lt3A_177 : i32
      %ne3A_179 = arith.xori %lt3A_176, %lt3A_178 : i1
      %and3A_180 = arith.andi %ne3A_179, %ne3A_174 : i1
      %add3A_181 = arith.addi %rem3A_172, %select_n3A_171 : i32
      %select_n3A_182 = arith.select %and3A_180, %add3A_181, %rem3A_172 : i32
      %mul3A_183 = arith.constant 16 : i32
      %mul3A_184 = arith.muli %select_n3A_182, %mul3A_183 : i32
      %swap3A = arith.index_cast %select_n3A : i32 to index
      %swap3A_185 = arith.index_cast %mul3A_184 : i32 to index
      %swap3A_186 = tpu.vector_load %arg6[%swap3A, %swap3A_185] {strides = array<i32>} : memref<128x128xf32, #tpu.memory_space<vmem>>, vector<1x16xf32>,
      %swap3A_187 = vector.shape_cast %swap3A_186 : vector<1x16xf32> to vector<16xf32>
      %swap3A_188 = vector.shape_cast %broadcast_in_dim3A_0 : vector<16xf32> to vector<1x16xf32>
      tpu.vector_store %arg6[%swap3A, %swap3A_185], %swap3A_188 {strides = array<i32>} : memref<128x128xf32, #tpu.memory_space<vmem>>, vector<1x16xf32>,
      %scan3A_189 = arith.constant 0 : i32
      scf.yield %scan3A_189 : i32
    }
    %scan3A_8 = arith.constant 1024 : i32
    %mul3A = arith.constant 624 : i32
    %mul3A_9 = arith.muli %arg1, %mul3A : i32
    %add3A = arith.constant 0 : i32
    %add3A_10 = arith.addi %mul3A_9, %add3A : i32
    "tpu.region"() ({
      %run_scoped3A_149 = tpu.sem_alloc : memref<!tpu.dma_semaphore, #tpu.memory_space<semaphore_mem>>
      %dma_start3A_150 = arith.constant 0 : i32
      %dma_start3A_151 = tpu.memref_slice %arg5[%add3A_10, %dma_start3A_150] : memref<10000x128xf32, #tpu.memory_space<vmem_shared>> -> memref<128x128xf32, #tpu.memory_space<vmem_shared>>
      %dma_start3A_152 = arith.constant 0 : i32
      %dma_start3A_153 = tpu.memref_slice %arg5[%add3A_10, %dma_start3A_152] : memref<10000x128xf32, #tpu.memory_space<vmem_shared>> -> memref<128x128xf32, #tpu.memory_space<vmem_shared>>
      tpu.enqueue_dma source(%arg6 : memref<128x128xf32, #tpu.memory_space<vmem>>) target(%dma_start3A_153 : memref<128x128xf32, #tpu.memory_space<vmem_shared>>) target_semaphore(%run_scoped3A_149 : memref<!tpu.dma_semaphore, #tpu.memory_space<semaphore_mem>>)
      %dma_wait3A_154 = arith.constant 0 : i32
      %dma_wait3A_155 = tpu.memref_slice %arg5[%add3A_10, %dma_wait3A_154] : memref<10000x128xf32, #tpu.memory_space<vmem_shared>> -> memref<128x128xf32, #tpu.memory_space<vmem_shared>>
      %dma_wait3A_156 = arith.constant 0 : i32
      %dma_wait3A_157 = tpu.memref_slice %arg5[%add3A_10, %dma_wait3A_156] : memref<10000x128xf32, #tpu.memory_space<vmem_shared>> -> memref<128x128xf32, #tpu.memory_space<vmem_shared>>
      tpu.wait_dma2 semaphore(%run_scoped3A_149 : memref<!tpu.dma_semaphore, #tpu.memory_space<semaphore_mem>>) src(%arg6 : memref<128x128xf32, #tpu.memory_space<vmem>>) dst(%dma_wait3A_157 : memref<128x128xf32, #tpu.memory_space<vmem_shared>>)
      tpu.yield
    }) : () -> ()
    %mul3A_11 = arith.constant 624 : i32
    %mul3A_12 = arith.muli %arg1, %mul3A_11 : i32
    %add3A_13 = arith.constant 128 : i32
    %add3A_14 = arith.addi %mul3A_12, %add3A_13 : i32
    "tpu.region"() ({
      %run_scoped3A_149 = tpu.sem_alloc : memref<!tpu.dma_semaphore, #tpu.memory_space<semaphore_mem>>
      %dma_start3A_150 = arith.constant 0 : i32
      %dma_start3A_151 = tpu.memref_slice %arg5[%add3A_14, %dma_start3A_150] : memref<10000x128xf32, #tpu.memory_space<vmem_shared>> -> memref<128x128xf32, #tpu.memory_space<vmem_shared>>
      %dma_start3A_152 = arith.constant 0 : i32
      %dma_start3A_153 = tpu.memref_slice %arg5[%add3A_14, %dma_start3A_152] : memref<10000x128xf32, #tpu.memory_space<vmem_shared>> -> memref<128x128xf32, #tpu.memory_space<vmem_shared>>
      tpu.enqueue_dma source(%arg6 : memref<128x128xf32, #tpu.memory_space<vmem>>) target(%dma_start3A_153 : memref<128x128xf32, #tpu.memory_space<vmem_shared>>) target_semaphore(%run_scoped3A_149 : memref<!tpu.dma_semaphore, #tpu.memory_space<semaphore_mem>>)
      %dma_wait3A_154 = arith.constant 0 : i32
      %dma_wait3A_155 = tpu.memref_slice %arg5[%add3A_14, %dma_wait3A_154] : memref<10000x128xf32, #tpu.memory_space<vmem_shared>> -> memref<128x128xf32, #tpu.memory_space<vmem_shared>>
      %dma_wait3A_156 = arith.constant 0 : i32
      %dma_wait3A_157 = tpu.memref_slice %arg5[%add3A_14, %dma_wait3A_156] : memref<10000x128xf32, #tpu.memory_space<vmem_shared>> -> memref<128x128xf32, #tpu.memory_space<vmem_shared>>
      tpu.wait_dma2 semaphore(%run_scoped3A_149 : memref<!tpu.dma_semaphore, #tpu.memory_space<semaphore_mem>>) src(%arg6 : memref<128x128xf32, #tpu.memory_space<vmem>>) dst(%dma_wait3A_157 : memref<128x128xf32, #tpu.memory_space<vmem_shared>>)
      tpu.yield
    }) : () -> ()
    %mul3A_15 = arith.constant 624 : i32
    %mul3A_16 = arith.muli %arg1, %mul3A_15 : i32
    %add3A_17 = arith.constant 256 : i32
    %add3A_18 = arith.addi %mul3A_16, %add3A_17 : i32
    "tpu.region"() ({
      %run_scoped3A_149 = tpu.sem_alloc : memref<!tpu.dma_semaphore, #tpu.memory_space<semaphore_mem>>
      %dma_start3A_150 = arith.constant 0 : i32
      %dma_start3A_151 = tpu.memref_slice %arg5[%add3A_18, %dma_start3A_150] : memref<10000x128xf32, #tpu.memory_space<vmem_shared>> -> memref<128x128xf32, #tpu.memory_space<vmem_shared>>
      %dma_start3A_152 = arith.constant 0 : i32
      %dma_start3A_153 = tpu.memref_slice %arg5[%add3A_18, %dma_start3A_152] : memref<10000x128xf32, #tpu.memory_space<vmem_shared>> -> memref<128x128xf32, #tpu.memory_space<vmem_shared>>
      tpu.enqueue_dma source(%arg6 : memref<128x128xf32, #tpu.memory_space<vmem>>) target(%dma_start3A_153 : memref<128x128xf32, #tpu.memory_space<vmem_shared>>) target_semaphore(%run_scoped3A_149 : memref<!tpu.dma_semaphore, #tpu.memory_space<semaphore_mem>>)
      %dma_wait3A_154 = arith.constant 0 : i32
      %dma_wait3A_155 = tpu.memref_slice %arg5[%add3A_18, %dma_wait3A_154] : memref<10000x128xf32, #tpu.memory_space<vmem_shared>> -> memref<128x128xf32, #tpu.memory_space<vmem_shared>>
      %dma_wait3A_156 = arith.constant 0 : i32
      %dma_wait3A_157 = tpu.memref_slice %arg5[%add3A_18, %dma_wait3A_156] : memref<10000x128xf32, #tpu.memory_space<vmem_shared>> -> memref<128x128xf32, #tpu.memory_space<vmem_shared>>
      tpu.wait_dma2 semaphore(%run_scoped3A_149 : memref<!tpu.dma_semaphore, #tpu.memory_space<semaphore_mem>>) src(%arg6 : memref<128x128xf32, #tpu.memory_space<vmem>>) dst(%dma_wait3A_157 : memref<128x128xf32, #tpu.memory_space<vmem_shared>>)
      tpu.yield
    }) : () -> ()
    %mul3A_19 = arith.constant 624 : i32
    %mul3A_20 = arith.muli %arg1, %mul3A_19 : i32
    %add3A_21 = arith.constant 384 : i32
    %add3A_22 = arith.addi %mul3A_20, %add3A_21 : i32
    "tpu.region"() ({
      %run_scoped3A_149 = tpu.sem_alloc : memref<!tpu.dma_semaphore, #tpu.memory_space<semaphore_mem>>
      %dma_start3A_150 = arith.constant 0 : i32
      %dma_start3A_151 = tpu.memref_slice %arg5[%add3A_22, %dma_start3A_150] : memref<10000x128xf32, #tpu.memory_space<vmem_shared>> -> memref<128x128xf32, #tpu.memory_space<vmem_shared>>
      %dma_start3A_152 = arith.constant 0 : i32
      %dma_start3A_153 = tpu.memref_slice %arg5[%add3A_22, %dma_start3A_152] : memref<10000x128xf32, #tpu.memory_space<vmem_shared>> -> memref<128x128xf32, #tpu.memory_space<vmem_shared>>
      tpu.enqueue_dma source(%arg6 : memref<128x128xf32, #tpu.memory_space<vmem>>) target(%dma_start3A_153 : memref<128x128xf32, #tpu.memory_space<vmem_shared>>) target_semaphore(%run_scoped3A_149 : memref<!tpu.dma_semaphore, #tpu.memory_space<semaphore_mem>>)
      %dma_wait3A_154 = arith.constant 0 : i32
      %dma_wait3A_155 = tpu.memref_slice %arg5[%add3A_22, %dma_wait3A_154] : memref<10000x128xf32, #tpu.memory_space<vmem_shared>> -> memref<128x128xf32, #tpu.memory_space<vmem_shared>>
      %dma_wait3A_156 = arith.constant 0 : i32
      %dma_wait3A_157 = tpu.memref_slice %arg5[%add3A_22, %dma_wait3A_156] : memref<10000x128xf32, #tpu.memory_space<vmem_shared>> -> memref<128x128xf32, #tpu.memory_space<vmem_shared>>
      tpu.wait_dma2 semaphore(%run_scoped3A_149 : memref<!tpu.dma_semaphore, #tpu.memory_space<semaphore_mem>>) src(%arg6 : memref<128x128xf32, #tpu.memory_space<vmem>>) dst(%dma_wait3A_157 : memref<128x128xf32, #tpu.memory_space<vmem_shared>>)
      tpu.yield
    }) : () -> ()
    %mul3A_23 = arith.constant 624 : i32
    %mul3A_24 = arith.muli %arg1, %mul3A_23 : i32
    %add3A_25 = arith.constant 512 : i32
    %add3A_26 = arith.addi %mul3A_24, %add3A_25 : i32
    "tpu.region"() ({
      %run_scoped3A_149 = tpu.sem_alloc : memref<!tpu.dma_semaphore, #tpu.memory_space<semaphore_mem>>
      %dma_start3A_150 = arith.constant 0 : i32
      %dma_start3A_151 = arith.constant 0 : i32
      %dma_start3A_152 = tpu.memref_slice %arg6[%dma_start3A_150, %dma_start3A_151] : memref<128x128xf32, #tpu.memory_space<vmem>> -> memref<112x128xf32, #tpu.memory_space<vmem>>
      %dma_start3A_153 = arith.constant 0 : i32
      %dma_start3A_154 = tpu.memref_slice %arg5[%add3A_26, %dma_start3A_153] : memref<10000x128xf32, #tpu.memory_space<vmem_shared>> -> memref<112x128xf32, #tpu.memory_space<vmem_shared>>
      %dma_start3A_155 = arith.constant 0 : i32
      %dma_start3A_156 = tpu.memref_slice %arg5[%add3A_26, %dma_start3A_155] : memref<10000x128xf32, #tpu.memory_space<vmem_shared>> -> memref<112x128xf32, #tpu.memory_space<vmem_shared>>
      %dma_start3A_157 = arith.constant 0 : i32
      %dma_start3A_158 = arith.constant 0 : i32
      %dma_start3A_159 = tpu.memref_slice %arg6[%dma_start3A_157, %dma_start3A_158] : memref<128x128xf32, #tpu.memory_space<vmem>> -> memref<112x128xf32, #tpu.memory_space<vmem>>
      tpu.enqueue_dma source(%dma_start3A_159 : memref<112x128xf32, #tpu.memory_space<vmem>>) target(%dma_start3A_156 : memref<112x128xf32, #tpu.memory_space<vmem_shared>>) target_semaphore(%run_scoped3A_149 : memref<!tpu.dma_semaphore, #tpu.memory_space<semaphore_mem>>)
      %dma_wait3A_160 = arith.constant 0 : i32
      %dma_wait3A_161 = arith.constant 0 : i32
      %dma_wait3A_162 = tpu.memref_slice %arg6[%dma_wait3A_160, %dma_wait3A_161] : memref<128x128xf32, #tpu.memory_space<vmem>> -> memref<112x128xf32, #tpu.memory_space<vmem>>
      %dma_wait3A_163 = arith.constant 0 : i32
      %dma_wait3A_164 = tpu.memref_slice %arg5[%add3A_26, %dma_wait3A_163] : memref<10000x128xf32, #tpu.memory_space<vmem_shared>> -> memref<112x128xf32, #tpu.memory_space<vmem_shared>>
      %dma_wait3A_165 = arith.constant 0 : i32
      %dma_wait3A_166 = tpu.memref_slice %arg5[%add3A_26, %dma_wait3A_165] : memref<10000x128xf32, #tpu.memory_space<vmem_shared>> -> memref<112x128xf32, #tpu.memory_space<vmem_shared>>
      %dma_wait3A_167 = arith.constant 0 : i32
      %dma_wait3A_168 = arith.constant 0 : i32
      %dma_wait3A_169 = tpu.memref_slice %arg6[%dma_wait3A_167, %dma_wait3A_168] : memref<128x128xf32, #tpu.memory_space<vmem>> -> memref<112x128xf32, #tpu.memory_space<vmem>>
      tpu.wait_dma2 semaphore(%run_scoped3A_149 : memref<!tpu.dma_semaphore, #tpu.memory_space<semaphore_mem>>) src(%dma_wait3A_169 : memref<112x128xf32, #tpu.memory_space<vmem>>) dst(%dma_wait3A_166 : memref<112x128xf32, #tpu.memory_space<vmem_shared>>)
      tpu.yield
    }) : () -> ()
    %eq3A = arith.constant 0 : i32
    %eq3A_27 = arith.cmpi eq, %arg1, %eq3A : i32
    %convert_element_type3A = arith.extui %eq3A_27 : i1 to i32
    %cond3A = arith.constant 0 : i32
    %cond3A_28 = arith.cmpi ne, %convert_element_type3A, %cond3A : i32
    scf.if %cond3A_28 {
      "tpu.region"() ({
        %run_scoped3A_149 = tpu.sem_alloc : memref<!tpu.dma_semaphore, #tpu.memory_space<semaphore_mem>>
        %dma_start3A_150 = arith.constant 0 : i32
        %dma_start3A_151 = arith.constant 0 : i32
        %dma_start3A_152 = tpu.memref_slice %arg6[%dma_start3A_150, %dma_start3A_151] : memref<128x128xf32, #tpu.memory_space<vmem>> -> memref<16x128xf32, #tpu.memory_space<vmem>>
        %dma_start3A_153 = arith.constant 9984 : i32
        %dma_start3A_154 = arith.constant 0 : i32
        %dma_start3A_155 = tpu.memref_slice %arg5[%dma_start3A_153, %dma_start3A_154] : memref<10000x128xf32, #tpu.memory_space<vmem_shared>> -> memref<16x128xf32, #tpu.memory_space<vmem_shared>>
        %dma_start3A_156 = arith.constant 9984 : i32
        %dma_start3A_157 = arith.constant 0 : i32
        %dma_start3A_158 = tpu.memref_slice %arg5[%dma_start3A_156, %dma_start3A_157] : memref<10000x128xf32, #tpu.memory_space<vmem_shared>> -> memref<16x128xf32, #tpu.memory_space<vmem_shared>>
        %dma_start3A_159 = arith.constant 0 : i32
        %dma_start3A_160 = arith.constant 0 : i32
        %dma_start3A_161 = tpu.memref_slice %arg6[%dma_start3A_159, %dma_start3A_160] : memref<128x128xf32, #tpu.memory_space<vmem>> -> memref<16x128xf32, #tpu.memory_space<vmem>>
        tpu.enqueue_dma source(%dma_start3A_161 : memref<16x128xf32, #tpu.memory_space<vmem>>) target(%dma_start3A_158 : memref<16x128xf32, #tpu.memory_space<vmem_shared>>) target_semaphore(%run_scoped3A_149 : memref<!tpu.dma_semaphore, #tpu.memory_space<semaphore_mem>>)
        %dma_wait3A_162 = arith.constant 0 : i32
        %dma_wait3A_163 = arith.constant 0 : i32
        %dma_wait3A_164 = tpu.memref_slice %arg6[%dma_wait3A_162, %dma_wait3A_163] : memref<128x128xf32, #tpu.memory_space<vmem>> -> memref<16x128xf32, #tpu.memory_space<vmem>>
        %dma_wait3A_165 = arith.constant 9984 : i32
        %dma_wait3A_166 = arith.constant 0 : i32
        %dma_wait3A_167 = tpu.memref_slice %arg5[%dma_wait3A_165, %dma_wait3A_166] : memref<10000x128xf32, #tpu.memory_space<vmem_shared>> -> memref<16x128xf32, #tpu.memory_space<vmem_shared>>
        %dma_wait3A_168 = arith.constant 9984 : i32
        %dma_wait3A_169 = arith.constant 0 : i32
        %dma_wait3A_170 = tpu.memref_slice %arg5[%dma_wait3A_168, %dma_wait3A_169] : memref<10000x128xf32, #tpu.memory_space<vmem_shared>> -> memref<16x128xf32, #tpu.memory_space<vmem_shared>>
        %dma_wait3A_171 = arith.constant 0 : i32
        %dma_wait3A_172 = arith.constant 0 : i32
        %dma_wait3A_173 = tpu.memref_slice %arg6[%dma_wait3A_171, %dma_wait3A_172] : memref<128x128xf32, #tpu.memory_space<vmem>> -> memref<16x128xf32, #tpu.memory_space<vmem>>
        tpu.wait_dma2 semaphore(%run_scoped3A_149 : memref<!tpu.dma_semaphore, #tpu.memory_space<semaphore_mem>>) src(%dma_wait3A_173 : memref<16x128xf32, #tpu.memory_space<vmem>>) dst(%dma_wait3A_170 : memref<16x128xf32, #tpu.memory_space<vmem_shared>>)
        tpu.yield
      }) : () -> ()
    } else {
    }
    %scan3A_29 = arith.constant 0 : i32
    %scan3A_30 = arith.constant 0 : i32
    %scan3A_31 = arith.constant 1024 : i32
    %scan3A_32 = arith.addi %scan3A_30, %scan3A_31 : i32
    %scan3A_33 = arith.constant 1 : i32
    %scan3A_34 = scf.for %scan3A_149 = %scan3A_30 to %scan3A_32 step %scan3A_33 iter_args(%scan3A_150 = %scan3A_29) -> (i32)  : i32 {
      %jit3A = arith.constant 8 : i32
      %div3A = arith.divsi %scan3A_149, %jit3A : i32
      %sign3A = arith.constant 0 : i32
      %sign3A_151 = arith.cmpi sgt, %scan3A_149, %sign3A : i32
      %sign3A_152 = arith.extui %sign3A_151 : i1 to i32
      %sign3A_153 = arith.constant 0 : i32
      %sign3A_154 = arith.cmpi slt, %scan3A_149, %sign3A_153 : i32
      %sign3A_155 = arith.extui %sign3A_154 : i1 to i32
      %sign3A_156 = arith.subi %sign3A_152, %sign3A_155 : i32
      %sign3A_157 = arith.constant 0 : i32
      %sign3A_158 = arith.cmpi sgt, %jit3A, %sign3A_157 : i32
      %sign3A_159 = arith.extui %sign3A_158 : i1 to i32
      %sign3A_160 = arith.constant 0 : i32
      %sign3A_161 = arith.cmpi slt, %jit3A, %sign3A_160 : i32
      %sign3A_162 = arith.extui %sign3A_161 : i1 to i32
      %sign3A_163 = arith.subi %sign3A_159, %sign3A_162 : i32
      %ne3A = arith.cmpi ne, %sign3A_156, %sign3A_163 : i32
      %rem3A = arith.remsi %scan3A_149, %jit3A : i32
      %ne3A_164 = arith.constant 0 : i32
      %ne3A_165 = arith.cmpi ne, %rem3A, %ne3A_164 : i32
      %and3A = arith.andi %ne3A, %ne3A_165 : i1
      %sub3A = arith.constant 1 : i32
      %sub3A_166 = arith.subi %div3A, %sub3A : i32
      %select_n3A = arith.select %and3A, %sub3A_166, %div3A : i32
      %jit3A_167 = arith.constant 8 : i32
      %eq3A_168 = arith.constant 0 : i32
      %eq3A_169 = arith.cmpi eq, %jit3A_167, %eq3A_168 : i32
      %jit3A_170 = arith.constant 1 : i32
      %select_n3A_171 = arith.select %eq3A_169, %jit3A_170, %jit3A_167 : i32
      %rem3A_172 = arith.remsi %scan3A_149, %select_n3A_171 : i32
      %ne3A_173 = arith.constant 0 : i32
      %ne3A_174 = arith.cmpi ne, %rem3A_172, %ne3A_173 : i32
      %lt3A_175 = arith.constant 0 : i32
      %lt3A_176 = arith.cmpi slt, %rem3A_172, %lt3A_175 : i32
      %lt3A_177 = arith.constant 0 : i32
      %lt3A_178 = arith.cmpi slt, %select_n3A_171, %lt3A_177 : i32
      %ne3A_179 = arith.xori %lt3A_176, %lt3A_178 : i1
      %and3A_180 = arith.andi %ne3A_179, %ne3A_174 : i1
      %add3A_181 = arith.addi %rem3A_172, %select_n3A_171 : i32
      %select_n3A_182 = arith.select %and3A_180, %add3A_181, %rem3A_172 : i32
      %mul3A_183 = arith.constant 16 : i32
      %mul3A_184 = arith.muli %select_n3A_182, %mul3A_183 : i32
      %swap3A = arith.index_cast %select_n3A : i32 to index
      %swap3A_185 = arith.index_cast %mul3A_184 : i32 to index
      %swap3A_186 = tpu.vector_load %arg6[%swap3A, %swap3A_185] {strides = array<i32>} : memref<128x128xf32, #tpu.memory_space<vmem>>, vector<1x16xf32>,
      %swap3A_187 = vector.shape_cast %swap3A_186 : vector<1x16xf32> to vector<16xf32>
      %swap3A_188 = vector.shape_cast %broadcast_in_dim3A_2 : vector<16xf32> to vector<1x16xf32>
      tpu.vector_store %arg6[%swap3A, %swap3A_185], %swap3A_188 {strides = array<i32>} : memref<128x128xf32, #tpu.memory_space<vmem>>, vector<1x16xf32>,
      %scan3A_189 = arith.constant 0 : i32
      scf.yield %scan3A_189 : i32
    }
    %scan3A_35 = arith.constant 1024 : i32
    %mul3A_36 = arith.constant 1250 : i32
    %mul3A_37 = arith.muli %arg0, %mul3A_36 : i32
    %mul3A_38 = arith.constant 78 : i32
    %mul3A_39 = arith.muli %arg1, %mul3A_38 : i32
    %add3A_40 = arith.addi %mul3A_37, %mul3A_39 : i32
    %run_scoped3A = arith.constant 1 : i32
    "tpu.region"() ({
      %run_scoped3A_149 = tpu.sem_alloc : memref<!tpu.dma_semaphore, #tpu.memory_space<semaphore_mem>>
      %dma_start3A_150 = arith.constant 0 : i32
      %dma_start3A_151 = arith.constant 0 : i32
      %dma_start3A_152 = arith.constant 0 : i32
      %dma_start3A_153 = tpu.memref_slice %arg7[%dma_start3A_150, %dma_start3A_151, %dma_start3A_152] : memref<80x1x128xi32, #tpu.memory_space<vmem>> -> memref<78x1x128xi32, #tpu.memory_space<vmem>>
      %dma_start3A_154 = arith.constant 0 : i32
      %dma_start3A_155 = arith.constant 0 : i32
      %dma_start3A_156 = tpu.memref_slice %arg2[%run_scoped3A, %add3A_40, %dma_start3A_154, %dma_start3A_155] : memref<2x2500x1x128xi32, #tpu.memory_space<hbm>> -> memref<1x78x1x128xi32, #tpu.memory_space<hbm>>
      %dma_start3A_157 = tpu.memref_squeeze %dma_start3A_156 : memref<1x78x1x128xi32, #tpu.memory_space<hbm>> -> memref<78x1x128xi32, #tpu.memory_space<hbm>>
      %dma_start3A_158 = arith.constant 0 : i32
      %dma_start3A_159 = arith.constant 0 : i32
      %dma_start3A_160 = arith.constant 0 : i32
      %dma_start3A_161 = tpu.memref_slice %arg7[%dma_start3A_158, %dma_start3A_159, %dma_start3A_160] : memref<80x1x128xi32, #tpu.memory_space<vmem>> -> memref<78x1x128xi32, #tpu.memory_space<vmem>>
      %dma_start3A_162 = arith.constant 0 : i32
      %dma_start3A_163 = arith.constant 0 : i32
      %dma_start3A_164 = tpu.memref_slice %arg2[%run_scoped3A, %add3A_40, %dma_start3A_162, %dma_start3A_163] : memref<2x2500x1x128xi32, #tpu.memory_space<hbm>> -> memref<1x78x1x128xi32, #tpu.memory_space<hbm>>
      %dma_start3A_165 = tpu.memref_squeeze %dma_start3A_164 : memref<1x78x1x128xi32, #tpu.memory_space<hbm>> -> memref<78x1x128xi32, #tpu.memory_space<hbm>>
      tpu.enqueue_dma source(%dma_start3A_165 : memref<78x1x128xi32, #tpu.memory_space<hbm>>) target(%dma_start3A_161 : memref<78x1x128xi32, #tpu.memory_space<vmem>>) target_semaphore(%run_scoped3A_149 : memref<!tpu.dma_semaphore, #tpu.memory_space<semaphore_mem>>)
      %dma_wait3A_166 = arith.constant 0 : i32
      %dma_wait3A_167 = arith.constant 0 : i32
      %dma_wait3A_168 = arith.constant 0 : i32
      %dma_wait3A_169 = tpu.memref_slice %arg7[%dma_wait3A_166, %dma_wait3A_167, %dma_wait3A_168] : memref<80x1x128xi32, #tpu.memory_space<vmem>> -> memref<78x1x128xi32, #tpu.memory_space<vmem>>
      %dma_wait3A_170 = arith.constant 0 : i32
      %dma_wait3A_171 = arith.constant 0 : i32
      %dma_wait3A_172 = tpu.memref_slice %arg2[%run_scoped3A, %add3A_40, %dma_wait3A_170, %dma_wait3A_171] : memref<2x2500x1x128xi32, #tpu.memory_space<hbm>> -> memref<1x78x1x128xi32, #tpu.memory_space<hbm>>
      %dma_wait3A_173 = tpu.memref_squeeze %dma_wait3A_172 : memref<1x78x1x128xi32, #tpu.memory_space<hbm>> -> memref<78x1x128xi32, #tpu.memory_space<hbm>>
      %dma_wait3A_174 = arith.constant 0 : i32
      %dma_wait3A_175 = arith.constant 0 : i32
      %dma_wait3A_176 = arith.constant 0 : i32
      %dma_wait3A_177 = tpu.memref_slice %arg7[%dma_wait3A_174, %dma_wait3A_175, %dma_wait3A_176] : memref<80x1x128xi32, #tpu.memory_space<vmem>> -> memref<78x1x128xi32, #tpu.memory_space<vmem>>
      %dma_wait3A_178 = arith.constant 0 : i32
      %dma_wait3A_179 = arith.constant 0 : i32
      %dma_wait3A_180 = tpu.memref_slice %arg2[%run_scoped3A, %add3A_40, %dma_wait3A_178, %dma_wait3A_179] : memref<2x2500x1x128xi32, #tpu.memory_space<hbm>> -> memref<1x78x1x128xi32, #tpu.memory_space<hbm>>
      %dma_wait3A_181 = tpu.memref_squeeze %dma_wait3A_180 : memref<1x78x1x128xi32, #tpu.memory_space<hbm>> -> memref<78x1x128xi32, #tpu.memory_space<hbm>>
      tpu.wait_dma2 semaphore(%run_scoped3A_149 : memref<!tpu.dma_semaphore, #tpu.memory_space<semaphore_mem>>) src(%dma_wait3A_181 : memref<78x1x128xi32, #tpu.memory_space<hbm>>) dst(%dma_wait3A_177 : memref<78x1x128xi32, #tpu.memory_space<vmem>>)
      tpu.yield
    }) : () -> ()
    %lt3A = arith.constant 2 : i32
    %lt3A_41 = arith.cmpi slt, %arg1, %lt3A : i32
    %convert_element_type3A_42 = arith.extui %lt3A_41 : i1 to i32
    %cond3A_43 = arith.constant 0 : i32
    %cond3A_44 = arith.cmpi ne, %convert_element_type3A_42, %cond3A_43 : i32
    scf.if %cond3A_44 {
      %mul3A_149 = arith.constant 1250 : i32
      %mul3A_150 = arith.muli %arg0, %mul3A_149 : i32
      %add3A_151 = arith.constant 1248 : i32
      %add3A_152 = arith.addi %mul3A_150, %add3A_151 : i32
      %add3A_153 = arith.addi %add3A_152, %arg1 : i32
      %run_scoped3A_154 = arith.constant 1 : i32
      %run_scoped3A_155 = arith.constant 78 : i32
      "tpu.region"() ({
        %run_scoped3A_156 = tpu.sem_alloc : memref<!tpu.dma_semaphore, #tpu.memory_space<semaphore_mem>>
        %dma_start3A_157 = arith.constant 0 : i32
        %dma_start3A_158 = arith.constant 0 : i32
        %dma_start3A_159 = tpu.memref_slice %arg7[%run_scoped3A_155, %dma_start3A_157, %dma_start3A_158] : memref<80x1x128xi32, #tpu.memory_space<vmem>> -> memref<1x1x128xi32, #tpu.memory_space<vmem>>
        %dma_start3A_160 = tpu.memref_squeeze %dma_start3A_159 : memref<1x1x128xi32, #tpu.memory_space<vmem>> -> memref<1x128xi32, #tpu.memory_space<vmem>>
        %dma_start3A_161 = arith.constant 0 : i32
        %dma_start3A_162 = arith.constant 0 : i32
        %dma_start3A_163 = tpu.memref_slice %arg2[%run_scoped3A_154, %add3A_153, %dma_start3A_161, %dma_start3A_162] : memref<2x2500x1x128xi32, #tpu.memory_space<hbm>> -> memref<1x1x1x128xi32, #tpu.memory_space<hbm>>
        %dma_start3A_164 = tpu.memref_squeeze %dma_start3A_163 : memref<1x1x1x128xi32, #tpu.memory_space<hbm>> -> memref<1x128xi32, #tpu.memory_space<hbm>>
        %dma_start3A_165 = arith.constant 0 : i32
        %dma_start3A_166 = arith.constant 0 : i32
        %dma_start3A_167 = tpu.memref_slice %arg7[%run_scoped3A_155, %dma_start3A_165, %dma_start3A_166] : memref<80x1x128xi32, #tpu.memory_space<vmem>> -> memref<1x1x128xi32, #tpu.memory_space<vmem>>
        %dma_start3A_168 = tpu.memref_squeeze %dma_start3A_167 : memref<1x1x128xi32, #tpu.memory_space<vmem>> -> memref<1x128xi32, #tpu.memory_space<vmem>>
        %dma_start3A_169 = arith.constant 0 : i32
        %dma_start3A_170 = arith.constant 0 : i32
        %dma_start3A_171 = tpu.memref_slice %arg2[%run_scoped3A_154, %add3A_153, %dma_start3A_169, %dma_start3A_170] : memref<2x2500x1x128xi32, #tpu.memory_space<hbm>> -> memref<1x1x1x128xi32, #tpu.memory_space<hbm>>
        %dma_start3A_172 = tpu.memref_squeeze %dma_start3A_171 : memref<1x1x1x128xi32, #tpu.memory_space<hbm>> -> memref<1x128xi32, #tpu.memory_space<hbm>>
        tpu.enqueue_dma source(%dma_start3A_172 : memref<1x128xi32, #tpu.memory_space<hbm>>) target(%dma_start3A_168 : memref<1x128xi32, #tpu.memory_space<vmem>>) target_semaphore(%run_scoped3A_156 : memref<!tpu.dma_semaphore, #tpu.memory_space<semaphore_mem>>)
        %dma_wait3A_173 = arith.constant 0 : i32
        %dma_wait3A_174 = arith.constant 0 : i32
        %dma_wait3A_175 = tpu.memref_slice %arg7[%run_scoped3A_155, %dma_wait3A_173, %dma_wait3A_174] : memref<80x1x128xi32, #tpu.memory_space<vmem>> -> memref<1x1x128xi32, #tpu.memory_space<vmem>>
        %dma_wait3A_176 = tpu.memref_squeeze %dma_wait3A_175 : memref<1x1x128xi32, #tpu.memory_space<vmem>> -> memref<1x128xi32, #tpu.memory_space<vmem>>
        %dma_wait3A_177 = arith.constant 0 : i32
        %dma_wait3A_178 = arith.constant 0 : i32
        %dma_wait3A_179 = tpu.memref_slice %arg2[%run_scoped3A_154, %add3A_153, %dma_wait3A_177, %dma_wait3A_178] : memref<2x2500x1x128xi32, #tpu.memory_space<hbm>> -> memref<1x1x1x128xi32, #tpu.memory_space<hbm>>
        %dma_wait3A_180 = tpu.memref_squeeze %dma_wait3A_179 : memref<1x1x1x128xi32, #tpu.memory_space<hbm>> -> memref<1x128xi32, #tpu.memory_space<hbm>>
        %dma_wait3A_181 = arith.constant 0 : i32
        %dma_wait3A_182 = arith.constant 0 : i32
        %dma_wait3A_183 = tpu.memref_slice %arg7[%run_scoped3A_155, %dma_wait3A_181, %dma_wait3A_182] : memref<80x1x128xi32, #tpu.memory_space<vmem>> -> memref<1x1x128xi32, #tpu.memory_space<vmem>>
        %dma_wait3A_184 = tpu.memref_squeeze %dma_wait3A_183 : memref<1x1x128xi32, #tpu.memory_space<vmem>> -> memref<1x128xi32, #tpu.memory_space<vmem>>
        %dma_wait3A_185 = arith.constant 0 : i32
        %dma_wait3A_186 = arith.constant 0 : i32
        %dma_wait3A_187 = tpu.memref_slice %arg2[%run_scoped3A_154, %add3A_153, %dma_wait3A_185, %dma_wait3A_186] : memref<2x2500x1x128xi32, #tpu.memory_space<hbm>> -> memref<1x1x1x128xi32, #tpu.memory_space<hbm>>
        %dma_wait3A_188 = tpu.memref_squeeze %dma_wait3A_187 : memref<1x1x1x128xi32, #tpu.memory_space<hbm>> -> memref<1x128xi32, #tpu.memory_space<hbm>>
        tpu.wait_dma2 semaphore(%run_scoped3A_156 : memref<!tpu.dma_semaphore, #tpu.memory_space<semaphore_mem>>) src(%dma_wait3A_188 : memref<1x128xi32, #tpu.memory_space<hbm>>) dst(%dma_wait3A_184 : memref<1x128xi32, #tpu.memory_space<vmem>>)
        tpu.yield
      }) : () -> ()
    } else {
    }
    %barrier3A = arith.constant 0 : index
    tpu.barrier barrier_id(%barrier3A)
    %dma_start3A = arith.constant 0 : i32
    %dma_start3A_45 = arith.constant 0 : i32
    %dma_start3A_46 = arith.constant 0 : i32
    %dma_start3A_47 = tpu.memref_slice %arg7[%dma_start3A, %dma_start3A_45, %dma_start3A_46] : memref<80x1x128xi32, #tpu.memory_space<vmem>> -> memref<1x1x128xi32, #tpu.memory_space<vmem>>
    %dma_start3A_48 = tpu.memref_squeeze %dma_start3A_47 : memref<1x1x128xi32, #tpu.memory_space<vmem>> -> memref<128xi32, #tpu.memory_space<vmem>>
    %dma_start3A_49 = arith.constant 0 : i32
    %dma_start3A_50 = arith.constant 0 : i32
    %dma_start3A_51 = tpu.memref_slice %arg5[%dma_start3A_49, %dma_start3A_50] : memref<10000x128xf32, #tpu.memory_space<vmem_shared>> -> memref<10000x128xf32, #tpu.memory_space<vmem_shared>>
    tpu.enqueue_indirect_dma source(%arg6 : memref<128x128xf32, #tpu.memory_space<vmem>>) target(%dma_start3A_51 : memref<10000x128xf32, #tpu.memory_space<vmem_shared>>) offsets(%dma_start3A_48 : memref<128xi32, #tpu.memory_space<vmem>>) semaphore(%arg8 : memref<!tpu.dma_semaphore, #tpu.memory_space<semaphore_mem>>) {add = true}
    %dma_start3A_52 = arith.constant 1 : i32
    %dma_start3A_53 = arith.constant 0 : i32
    %dma_start3A_54 = arith.constant 0 : i32
    %dma_start3A_55 = tpu.memref_slice %arg7[%dma_start3A_52, %dma_start3A_53, %dma_start3A_54] : memref<80x1x128xi32, #tpu.memory_space<vmem>> -> memref<1x1x128xi32, #tpu.memory_space<vmem>>
    %dma_start3A_56 = tpu.memref_squeeze %dma_start3A_55 : memref<1x1x128xi32, #tpu.memory_space<vmem>> -> memref<128xi32, #tpu.memory_space<vmem>>
    %dma_start3A_57 = arith.constant 0 : i32
    %dma_start3A_58 = arith.constant 0 : i32
    %dma_start3A_59 = tpu.memref_slice %arg5[%dma_start3A_57, %dma_start3A_58] : memref<10000x128xf32, #tpu.memory_space<vmem_shared>> -> memref<10000x128xf32, #tpu.memory_space<vmem_shared>>
    tpu.enqueue_indirect_dma source(%arg6 : memref<128x128xf32, #tpu.memory_space<vmem>>) target(%dma_start3A_59 : memref<10000x128xf32, #tpu.memory_space<vmem_shared>>) offsets(%dma_start3A_56 : memref<128xi32, #tpu.memory_space<vmem>>) semaphore(%arg8 : memref<!tpu.dma_semaphore, #tpu.memory_space<semaphore_mem>>) {add = true}
    %dma_start3A_60 = arith.constant 2 : i32
    %dma_start3A_61 = arith.constant 0 : i32
    %dma_start3A_62 = arith.constant 0 : i32
    %dma_start3A_63 = tpu.memref_slice %arg7[%dma_start3A_60, %dma_start3A_61, %dma_start3A_62] : memref<80x1x128xi32, #tpu.memory_space<vmem>> -> memref<1x1x128xi32, #tpu.memory_space<vmem>>
    %dma_start3A_64 = tpu.memref_squeeze %dma_start3A_63 : memref<1x1x128xi32, #tpu.memory_space<vmem>> -> memref<128xi32, #tpu.memory_space<vmem>>
    %dma_start3A_65 = arith.constant 0 : i32
    %dma_start3A_66 = arith.constant 0 : i32
    %dma_start3A_67 = tpu.memref_slice %arg5[%dma_start3A_65, %dma_start3A_66] : memref<10000x128xf32, #tpu.memory_space<vmem_shared>> -> memref<10000x128xf32, #tpu.memory_space<vmem_shared>>
    tpu.enqueue_indirect_dma source(%arg6 : memref<128x128xf32, #tpu.memory_space<vmem>>) target(%dma_start3A_67 : memref<10000x128xf32, #tpu.memory_space<vmem_shared>>) offsets(%dma_start3A_64 : memref<128xi32, #tpu.memory_space<vmem>>) semaphore(%arg8 : memref<!tpu.dma_semaphore, #tpu.memory_space<semaphore_mem>>) {add = true}
    %dma_start3A_68 = arith.constant 3 : i32
    %dma_start3A_69 = arith.constant 0 : i32
    %dma_start3A_70 = arith.constant 0 : i32
    %dma_start3A_71 = tpu.memref_slice %arg7[%dma_start3A_68, %dma_start3A_69, %dma_start3A_70] : memref<80x1x128xi32, #tpu.memory_space<vmem>> -> memref<1x1x128xi32, #tpu.memory_space<vmem>>
    %dma_start3A_72 = tpu.memref_squeeze %dma_start3A_71 : memref<1x1x128xi32, #tpu.memory_space<vmem>> -> memref<128xi32, #tpu.memory_space<vmem>>
    %dma_start3A_73 = arith.constant 0 : i32
    %dma_start3A_74 = arith.constant 0 : i32
    %dma_start3A_75 = tpu.memref_slice %arg5[%dma_start3A_73, %dma_start3A_74] : memref<10000x128xf32, #tpu.memory_space<vmem_shared>> -> memref<10000x128xf32, #tpu.memory_space<vmem_shared>>
    tpu.enqueue_indirect_dma source(%arg6 : memref<128x128xf32, #tpu.memory_space<vmem>>) target(%dma_start3A_75 : memref<10000x128xf32, #tpu.memory_space<vmem_shared>>) offsets(%dma_start3A_72 : memref<128xi32, #tpu.memory_space<vmem>>) semaphore(%arg9 : memref<!tpu.dma_semaphore, #tpu.memory_space<semaphore_mem>>) {add = true}
    %dma_start3A_76 = arith.constant 4 : i32
    %dma_start3A_77 = arith.constant 0 : i32
    %dma_start3A_78 = arith.constant 0 : i32
    %dma_start3A_79 = tpu.memref_slice %arg7[%dma_start3A_76, %dma_start3A_77, %dma_start3A_78] : memref<80x1x128xi32, #tpu.memory_space<vmem>> -> memref<1x1x128xi32, #tpu.memory_space<vmem>>
    %dma_start3A_80 = tpu.memref_squeeze %dma_start3A_79 : memref<1x1x128xi32, #tpu.memory_space<vmem>> -> memref<128xi32, #tpu.memory_space<vmem>>
    %dma_start3A_81 = arith.constant 0 : i32
    %dma_start3A_82 = arith.constant 0 : i32
    %dma_start3A_83 = tpu.memref_slice %arg5[%dma_start3A_81, %dma_start3A_82] : memref<10000x128xf32, #tpu.memory_space<vmem_shared>> -> memref<10000x128xf32, #tpu.memory_space<vmem_shared>>
    tpu.enqueue_indirect_dma source(%arg6 : memref<128x128xf32, #tpu.memory_space<vmem>>) target(%dma_start3A_83 : memref<10000x128xf32, #tpu.memory_space<vmem_shared>>) offsets(%dma_start3A_80 : memref<128xi32, #tpu.memory_space<vmem>>) semaphore(%arg9 : memref<!tpu.dma_semaphore, #tpu.memory_space<semaphore_mem>>) {add = true}
    %dma_start3A_84 = arith.constant 5 : i32
    %dma_start3A_85 = arith.constant 0 : i32
    %dma_start3A_86 = arith.constant 0 : i32
    %dma_start3A_87 = tpu.memref_slice %arg7[%dma_start3A_84, %dma_start3A_85, %dma_start3A_86] : memref<80x1x128xi32, #tpu.memory_space<vmem>> -> memref<1x1x128xi32, #tpu.memory_space<vmem>>
    %dma_start3A_88 = tpu.memref_squeeze %dma_start3A_87 : memref<1x1x128xi32, #tpu.memory_space<vmem>> -> memref<128xi32, #tpu.memory_space<vmem>>
    %dma_start3A_89 = arith.constant 0 : i32
    %dma_start3A_90 = arith.constant 0 : i32
    %dma_start3A_91 = tpu.memref_slice %arg5[%dma_start3A_89, %dma_start3A_90] : memref<10000x128xf32, #tpu.memory_space<vmem_shared>> -> memref<10000x128xf32, #tpu.memory_space<vmem_shared>>
    tpu.enqueue_indirect_dma source(%arg6 : memref<128x128xf32, #tpu.memory_space<vmem>>) target(%dma_start3A_91 : memref<10000x128xf32, #tpu.memory_space<vmem_shared>>) offsets(%dma_start3A_88 : memref<128xi32, #tpu.memory_space<vmem>>) semaphore(%arg9 : memref<!tpu.dma_semaphore, #tpu.memory_space<semaphore_mem>>) {add = true}
    %scan3A_92 = arith.constant 0 : i32
    %scan3A_93 = arith.constant 0 : i32
    %scan3A_94 = arith.constant 12 : i32
    %scan3A_95 = arith.addi %scan3A_93, %scan3A_94 : i32
    %scan3A_96 = arith.constant 1 : i32
    %scan3A_97 = scf.for %scan3A_149 = %scan3A_93 to %scan3A_95 step %scan3A_96 iter_args(%scan3A_150 = %scan3A_92) -> (i32)  : i32 {
      %mul3A_151 = arith.constant 2 : i32
      %mul3A_152 = arith.muli %mul3A_151, %scan3A_149 : i32
      %dma_wait3A_153 = arith.constant 0 : i32
      %dma_wait3A_154 = arith.constant 0 : i32
      %dma_wait3A_155 = tpu.memref_slice %arg3[%dma_wait3A_153, %dma_wait3A_154] : memref<128x128xf32, #tpu.memory_space<hbm>> -> memref<128x128xf32, #tpu.memory_space<hbm>>
      %dma_wait3A_156 = arith.constant 0 : i32
      %dma_wait3A_157 = arith.constant 0 : i32
      %dma_wait3A_158 = tpu.memref_slice %arg3[%dma_wait3A_156, %dma_wait3A_157] : memref<128x128xf32, #tpu.memory_space<hbm>> -> memref<128x128xf32, #tpu.memory_space<hbm>>
      tpu.wait_dma2 semaphore(%arg8 : memref<!tpu.dma_semaphore, #tpu.memory_space<semaphore_mem>>) src(%dma_wait3A_158 : memref<128x128xf32, #tpu.memory_space<hbm>>) dst(%arg6 : memref<128x128xf32, #tpu.memory_space<vmem>>)
      %dma_wait3A_159 = arith.constant 0 : i32
      %dma_wait3A_160 = arith.constant 0 : i32
      %dma_wait3A_161 = tpu.memref_slice %arg3[%dma_wait3A_159, %dma_wait3A_160] : memref<128x128xf32, #tpu.memory_space<hbm>> -> memref<128x128xf32, #tpu.memory_space<hbm>>
      %dma_wait3A_162 = arith.constant 0 : i32
      %dma_wait3A_163 = arith.constant 0 : i32
      %dma_wait3A_164 = tpu.memref_slice %arg3[%dma_wait3A_162, %dma_wait3A_163] : memref<128x128xf32, #tpu.memory_space<hbm>> -> memref<128x128xf32, #tpu.memory_space<hbm>>
      tpu.wait_dma2 semaphore(%arg8 : memref<!tpu.dma_semaphore, #tpu.memory_space<semaphore_mem>>) src(%dma_wait3A_164 : memref<128x128xf32, #tpu.memory_space<hbm>>) dst(%arg6 : memref<128x128xf32, #tpu.memory_space<vmem>>)
      %dma_wait3A_165 = arith.constant 0 : i32
      %dma_wait3A_166 = arith.constant 0 : i32
      %dma_wait3A_167 = tpu.memref_slice %arg3[%dma_wait3A_165, %dma_wait3A_166] : memref<128x128xf32, #tpu.memory_space<hbm>> -> memref<128x128xf32, #tpu.memory_space<hbm>>
      %dma_wait3A_168 = arith.constant 0 : i32
      %dma_wait3A_169 = arith.constant 0 : i32
      %dma_wait3A_170 = tpu.memref_slice %arg3[%dma_wait3A_168, %dma_wait3A_169] : memref<128x128xf32, #tpu.memory_space<hbm>> -> memref<128x128xf32, #tpu.memory_space<hbm>>
      tpu.wait_dma2 semaphore(%arg8 : memref<!tpu.dma_semaphore, #tpu.memory_space<semaphore_mem>>) src(%dma_wait3A_170 : memref<128x128xf32, #tpu.memory_space<hbm>>) dst(%arg6 : memref<128x128xf32, #tpu.memory_space<vmem>>)
      %add3A_171 = arith.constant 2 : i32
      %add3A_172 = arith.addi %mul3A_152, %add3A_171 : i32
      %mul3A_173 = arith.constant 3 : i32
      %mul3A_174 = arith.muli %add3A_172, %mul3A_173 : i32
      %add3A_175 = arith.constant 0 : i32
      %add3A_176 = arith.addi %mul3A_174, %add3A_175 : i32
      %dma_start3A_177 = arith.constant 0 : i32
      %dma_start3A_178 = arith.constant 0 : i32
      %dma_start3A_179 = tpu.memref_slice %arg7[%add3A_176, %dma_start3A_177, %dma_start3A_178] : memref<80x1x128xi32, #tpu.memory_space<vmem>> -> memref<1x1x128xi32, #tpu.memory_space<vmem>>
      %dma_start3A_180 = tpu.memref_squeeze %dma_start3A_179 : memref<1x1x128xi32, #tpu.memory_space<vmem>> -> memref<128xi32, #tpu.memory_space<vmem>>
      %dma_start3A_181 = arith.constant 0 : i32
      %dma_start3A_182 = arith.constant 0 : i32
      %dma_start3A_183 = tpu.memref_slice %arg5[%dma_start3A_181, %dma_start3A_182] : memref<10000x128xf32, #tpu.memory_space<vmem_shared>> -> memref<10000x128xf32, #tpu.memory_space<vmem_shared>>
      tpu.enqueue_indirect_dma source(%arg6 : memref<128x128xf32, #tpu.memory_space<vmem>>) target(%dma_start3A_183 : memref<10000x128xf32, #tpu.memory_space<vmem_shared>>) offsets(%dma_start3A_180 : memref<128xi32, #tpu.memory_space<vmem>>) semaphore(%arg8 : memref<!tpu.dma_semaphore, #tpu.memory_space<semaphore_mem>>) {add = true}
      %mul3A_184 = arith.constant 3 : i32
      %mul3A_185 = arith.muli %add3A_172, %mul3A_184 : i32
      %add3A_186 = arith.constant 1 : i32
      %add3A_187 = arith.addi %mul3A_185, %add3A_186 : i32
      %dma_start3A_188 = arith.constant 0 : i32
      %dma_start3A_189 = arith.constant 0 : i32
      %dma_start3A_190 = tpu.memref_slice %arg7[%add3A_187, %dma_start3A_188, %dma_start3A_189] : memref<80x1x128xi32, #tpu.memory_space<vmem>> -> memref<1x1x128xi32, #tpu.memory_space<vmem>>
      %dma_start3A_191 = tpu.memref_squeeze %dma_start3A_190 : memref<1x1x128xi32, #tpu.memory_space<vmem>> -> memref<128xi32, #tpu.memory_space<vmem>>
      %dma_start3A_192 = arith.constant 0 : i32
      %dma_start3A_193 = arith.constant 0 : i32
      %dma_start3A_194 = tpu.memref_slice %arg5[%dma_start3A_192, %dma_start3A_193] : memref<10000x128xf32, #tpu.memory_space<vmem_shared>> -> memref<10000x128xf32, #tpu.memory_space<vmem_shared>>
      tpu.enqueue_indirect_dma source(%arg6 : memref<128x128xf32, #tpu.memory_space<vmem>>) target(%dma_start3A_194 : memref<10000x128xf32, #tpu.memory_space<vmem_shared>>) offsets(%dma_start3A_191 : memref<128xi32, #tpu.memory_space<vmem>>) semaphore(%arg8 : memref<!tpu.dma_semaphore, #tpu.memory_space<semaphore_mem>>) {add = true}
      %mul3A_195 = arith.constant 3 : i32
      %mul3A_196 = arith.muli %add3A_172, %mul3A_195 : i32
      %add3A_197 = arith.constant 2 : i32
      %add3A_198 = arith.addi %mul3A_196, %add3A_197 : i32
      %dma_start3A_199 = arith.constant 0 : i32
      %dma_start3A_200 = arith.constant 0 : i32
      %dma_start3A_201 = tpu.memref_slice %arg7[%add3A_198, %dma_start3A_199, %dma_start3A_200] : memref<80x1x128xi32, #tpu.memory_space<vmem>> -> memref<1x1x128xi32, #tpu.memory_space<vmem>>
      %dma_start3A_202 = tpu.memref_squeeze %dma_start3A_201 : memref<1x1x128xi32, #tpu.memory_space<vmem>> -> memref<128xi32, #tpu.memory_space<vmem>>
      %dma_start3A_203 = arith.constant 0 : i32
      %dma_start3A_204 = arith.constant 0 : i32
      %dma_start3A_205 = tpu.memref_slice %arg5[%dma_start3A_203, %dma_start3A_204] : memref<10000x128xf32, #tpu.memory_space<vmem_shared>> -> memref<10000x128xf32, #tpu.memory_space<vmem_shared>>
      tpu.enqueue_indirect_dma source(%arg6 : memref<128x128xf32, #tpu.memory_space<vmem>>) target(%dma_start3A_205 : memref<10000x128xf32, #tpu.memory_space<vmem_shared>>) offsets(%dma_start3A_202 : memref<128xi32, #tpu.memory_space<vmem>>) semaphore(%arg8 : memref<!tpu.dma_semaphore, #tpu.memory_space<semaphore_mem>>) {add = true}
      %dma_wait3A_206 = arith.constant 0 : i32
      %dma_wait3A_207 = arith.constant 0 : i32
      %dma_wait3A_208 = tpu.memref_slice %arg3[%dma_wait3A_206, %dma_wait3A_207] : memref<128x128xf32, #tpu.memory_space<hbm>> -> memref<128x128xf32, #tpu.memory_space<hbm>>
      %dma_wait3A_209 = arith.constant 0 : i32
      %dma_wait3A_210 = arith.constant 0 : i32
      %dma_wait3A_211 = tpu.memref_slice %arg3[%dma_wait3A_209, %dma_wait3A_210] : memref<128x128xf32, #tpu.memory_space<hbm>> -> memref<128x128xf32, #tpu.memory_space<hbm>>
      tpu.wait_dma2 semaphore(%arg9 : memref<!tpu.dma_semaphore, #tpu.memory_space<semaphore_mem>>) src(%dma_wait3A_211 : memref<128x128xf32, #tpu.memory_space<hbm>>) dst(%arg6 : memref<128x128xf32, #tpu.memory_space<vmem>>)
      %dma_wait3A_212 = arith.constant 0 : i32
      %dma_wait3A_213 = arith.constant 0 : i32
      %dma_wait3A_214 = tpu.memref_slice %arg3[%dma_wait3A_212, %dma_wait3A_213] : memref<128x128xf32, #tpu.memory_space<hbm>> -> memref<128x128xf32, #tpu.memory_space<hbm>>
      %dma_wait3A_215 = arith.constant 0 : i32
      %dma_wait3A_216 = arith.constant 0 : i32
      %dma_wait3A_217 = tpu.memref_slice %arg3[%dma_wait3A_215, %dma_wait3A_216] : memref<128x128xf32, #tpu.memory_space<hbm>> -> memref<128x128xf32, #tpu.memory_space<hbm>>
      tpu.wait_dma2 semaphore(%arg9 : memref<!tpu.dma_semaphore, #tpu.memory_space<semaphore_mem>>) src(%dma_wait3A_217 : memref<128x128xf32, #tpu.memory_space<hbm>>) dst(%arg6 : memref<128x128xf32, #tpu.memory_space<vmem>>)
      %dma_wait3A_218 = arith.constant 0 : i32
      %dma_wait3A_219 = arith.constant 0 : i32
      %dma_wait3A_220 = tpu.memref_slice %arg3[%dma_wait3A_218, %dma_wait3A_219] : memref<128x128xf32, #tpu.memory_space<hbm>> -> memref<128x128xf32, #tpu.memory_space<hbm>>
      %dma_wait3A_221 = arith.constant 0 : i32
      %dma_wait3A_222 = arith.constant 0 : i32
      %dma_wait3A_223 = tpu.memref_slice %arg3[%dma_wait3A_221, %dma_wait3A_222] : memref<128x128xf32, #tpu.memory_space<hbm>> -> memref<128x128xf32, #tpu.memory_space<hbm>>
      tpu.wait_dma2 semaphore(%arg9 : memref<!tpu.dma_semaphore, #tpu.memory_space<semaphore_mem>>) src(%dma_wait3A_223 : memref<128x128xf32, #tpu.memory_space<hbm>>) dst(%arg6 : memref<128x128xf32, #tpu.memory_space<vmem>>)
      %add3A_224 = arith.constant 3 : i32
      %add3A_225 = arith.addi %mul3A_152, %add3A_224 : i32
      %mul3A_226 = arith.constant 3 : i32
      %mul3A_227 = arith.muli %add3A_225, %mul3A_226 : i32
      %add3A_228 = arith.constant 0 : i32
      %add3A_229 = arith.addi %mul3A_227, %add3A_228 : i32
      %dma_start3A_230 = arith.constant 0 : i32
      %dma_start3A_231 = arith.constant 0 : i32
      %dma_start3A_232 = tpu.memref_slice %arg7[%add3A_229, %dma_start3A_230, %dma_start3A_231] : memref<80x1x128xi32, #tpu.memory_space<vmem>> -> memref<1x1x128xi32, #tpu.memory_space<vmem>>
      %dma_start3A_233 = tpu.memref_squeeze %dma_start3A_232 : memref<1x1x128xi32, #tpu.memory_space<vmem>> -> memref<128xi32, #tpu.memory_space<vmem>>
      %dma_start3A_234 = arith.constant 0 : i32
      %dma_start3A_235 = arith.constant 0 : i32
      %dma_start3A_236 = tpu.memref_slice %arg5[%dma_start3A_234, %dma_start3A_235] : memref<10000x128xf32, #tpu.memory_space<vmem_shared>> -> memref<10000x128xf32, #tpu.memory_space<vmem_shared>>
      tpu.enqueue_indirect_dma source(%arg6 : memref<128x128xf32, #tpu.memory_space<vmem>>) target(%dma_start3A_236 : memref<10000x128xf32, #tpu.memory_space<vmem_shared>>) offsets(%dma_start3A_233 : memref<128xi32, #tpu.memory_space<vmem>>) semaphore(%arg9 : memref<!tpu.dma_semaphore, #tpu.memory_space<semaphore_mem>>) {add = true}
      %mul3A_237 = arith.constant 3 : i32
      %mul3A_238 = arith.muli %add3A_225, %mul3A_237 : i32
      %add3A_239 = arith.constant 1 : i32
      %add3A_240 = arith.addi %mul3A_238, %add3A_239 : i32
      %dma_start3A_241 = arith.constant 0 : i32
      %dma_start3A_242 = arith.constant 0 : i32
      %dma_start3A_243 = tpu.memref_slice %arg7[%add3A_240, %dma_start3A_241, %dma_start3A_242] : memref<80x1x128xi32, #tpu.memory_space<vmem>> -> memref<1x1x128xi32, #tpu.memory_space<vmem>>
      %dma_start3A_244 = tpu.memref_squeeze %dma_start3A_243 : memref<1x1x128xi32, #tpu.memory_space<vmem>> -> memref<128xi32, #tpu.memory_space<vmem>>
      %dma_start3A_245 = arith.constant 0 : i32
      %dma_start3A_246 = arith.constant 0 : i32
      %dma_start3A_247 = tpu.memref_slice %arg5[%dma_start3A_245, %dma_start3A_246] : memref<10000x128xf32, #tpu.memory_space<vmem_shared>> -> memref<10000x128xf32, #tpu.memory_space<vmem_shared>>
      tpu.enqueue_indirect_dma source(%arg6 : memref<128x128xf32, #tpu.memory_space<vmem>>) target(%dma_start3A_247 : memref<10000x128xf32, #tpu.memory_space<vmem_shared>>) offsets(%dma_start3A_244 : memref<128xi32, #tpu.memory_space<vmem>>) semaphore(%arg9 : memref<!tpu.dma_semaphore, #tpu.memory_space<semaphore_mem>>) {add = true}
      %mul3A_248 = arith.constant 3 : i32
      %mul3A_249 = arith.muli %add3A_225, %mul3A_248 : i32
      %add3A_250 = arith.constant 2 : i32
      %add3A_251 = arith.addi %mul3A_249, %add3A_250 : i32
      %dma_start3A_252 = arith.constant 0 : i32
      %dma_start3A_253 = arith.constant 0 : i32
      %dma_start3A_254 = tpu.memref_slice %arg7[%add3A_251, %dma_start3A_252, %dma_start3A_253] : memref<80x1x128xi32, #tpu.memory_space<vmem>> -> memref<1x1x128xi32, #tpu.memory_space<vmem>>
      %dma_start3A_255 = tpu.memref_squeeze %dma_start3A_254 : memref<1x1x128xi32, #tpu.memory_space<vmem>> -> memref<128xi32, #tpu.memory_space<vmem>>
      %dma_start3A_256 = arith.constant 0 : i32
      %dma_start3A_257 = arith.constant 0 : i32
      %dma_start3A_258 = tpu.memref_slice %arg5[%dma_start3A_256, %dma_start3A_257] : memref<10000x128xf32, #tpu.memory_space<vmem_shared>> -> memref<10000x128xf32, #tpu.memory_space<vmem_shared>>
      tpu.enqueue_indirect_dma source(%arg6 : memref<128x128xf32, #tpu.memory_space<vmem>>) target(%dma_start3A_258 : memref<10000x128xf32, #tpu.memory_space<vmem_shared>>) offsets(%dma_start3A_255 : memref<128xi32, #tpu.memory_space<vmem>>) semaphore(%arg9 : memref<!tpu.dma_semaphore, #tpu.memory_space<semaphore_mem>>) {add = true}
      %scan3A_259 = arith.constant 0 : i32
      scf.yield %scan3A_259 : i32
    }
    %scan3A_98 = arith.constant 12 : i32
    %dma_wait3A = arith.constant 0 : i32
    %dma_wait3A_99 = arith.constant 0 : i32
    %dma_wait3A_100 = tpu.memref_slice %arg3[%dma_wait3A, %dma_wait3A_99] : memref<128x128xf32, #tpu.memory_space<hbm>> -> memref<128x128xf32, #tpu.memory_space<hbm>>
    %dma_wait3A_101 = arith.constant 0 : i32
    %dma_wait3A_102 = arith.constant 0 : i32
    %dma_wait3A_103 = tpu.memref_slice %arg3[%dma_wait3A_101, %dma_wait3A_102] : memref<128x128xf32, #tpu.memory_space<hbm>> -> memref<128x128xf32, #tpu.memory_space<hbm>>
    tpu.wait_dma2 semaphore(%arg8 : memref<!tpu.dma_semaphore, #tpu.memory_space<semaphore_mem>>) src(%dma_wait3A_103 : memref<128x128xf32, #tpu.memory_space<hbm>>) dst(%arg6 : memref<128x128xf32, #tpu.memory_space<vmem>>)
    %dma_wait3A_104 = arith.constant 0 : i32
    %dma_wait3A_105 = arith.constant 0 : i32
    %dma_wait3A_106 = tpu.memref_slice %arg3[%dma_wait3A_104, %dma_wait3A_105] : memref<128x128xf32, #tpu.memory_space<hbm>> -> memref<128x128xf32, #tpu.memory_space<hbm>>
    %dma_wait3A_107 = arith.constant 0 : i32
    %dma_wait3A_108 = arith.constant 0 : i32
    %dma_wait3A_109 = tpu.memref_slice %arg3[%dma_wait3A_107, %dma_wait3A_108] : memref<128x128xf32, #tpu.memory_space<hbm>> -> memref<128x128xf32, #tpu.memory_space<hbm>>
    tpu.wait_dma2 semaphore(%arg8 : memref<!tpu.dma_semaphore, #tpu.memory_space<semaphore_mem>>) src(%dma_wait3A_109 : memref<128x128xf32, #tpu.memory_space<hbm>>) dst(%arg6 : memref<128x128xf32, #tpu.memory_space<vmem>>)
    %dma_wait3A_110 = arith.constant 0 : i32
    %dma_wait3A_111 = arith.constant 0 : i32
    %dma_wait3A_112 = tpu.memref_slice %arg3[%dma_wait3A_110, %dma_wait3A_111] : memref<128x128xf32, #tpu.memory_space<hbm>> -> memref<128x128xf32, #tpu.memory_space<hbm>>
    %dma_wait3A_113 = arith.constant 0 : i32
    %dma_wait3A_114 = arith.constant 0 : i32
    %dma_wait3A_115 = tpu.memref_slice %arg3[%dma_wait3A_113, %dma_wait3A_114] : memref<128x128xf32, #tpu.memory_space<hbm>> -> memref<128x128xf32, #tpu.memory_space<hbm>>
    tpu.wait_dma2 semaphore(%arg8 : memref<!tpu.dma_semaphore, #tpu.memory_space<semaphore_mem>>) src(%dma_wait3A_115 : memref<128x128xf32, #tpu.memory_space<hbm>>) dst(%arg6 : memref<128x128xf32, #tpu.memory_space<vmem>>)
    %dma_wait3A_116 = arith.constant 0 : i32
    %dma_wait3A_117 = arith.constant 0 : i32
    %dma_wait3A_118 = tpu.memref_slice %arg3[%dma_wait3A_116, %dma_wait3A_117] : memref<128x128xf32, #tpu.memory_space<hbm>> -> memref<128x128xf32, #tpu.memory_space<hbm>>
    %dma_wait3A_119 = arith.constant 0 : i32
    %dma_wait3A_120 = arith.constant 0 : i32
    %dma_wait3A_121 = tpu.memref_slice %arg3[%dma_wait3A_119, %dma_wait3A_120] : memref<128x128xf32, #tpu.memory_space<hbm>> -> memref<128x128xf32, #tpu.memory_space<hbm>>
    tpu.wait_dma2 semaphore(%arg9 : memref<!tpu.dma_semaphore, #tpu.memory_space<semaphore_mem>>) src(%dma_wait3A_121 : memref<128x128xf32, #tpu.memory_space<hbm>>) dst(%arg6 : memref<128x128xf32, #tpu.memory_space<vmem>>)
    %dma_wait3A_122 = arith.constant 0 : i32
    %dma_wait3A_123 = arith.constant 0 : i32
    %dma_wait3A_124 = tpu.memref_slice %arg3[%dma_wait3A_122, %dma_wait3A_123] : memref<128x128xf32, #tpu.memory_space<hbm>> -> memref<128x128xf32, #tpu.memory_space<hbm>>
    %dma_wait3A_125 = arith.constant 0 : i32
    %dma_wait3A_126 = arith.constant 0 : i32
    %dma_wait3A_127 = tpu.memref_slice %arg3[%dma_wait3A_125, %dma_wait3A_126] : memref<128x128xf32, #tpu.memory_space<hbm>> -> memref<128x128xf32, #tpu.memory_space<hbm>>
    tpu.wait_dma2 semaphore(%arg9 : memref<!tpu.dma_semaphore, #tpu.memory_space<semaphore_mem>>) src(%dma_wait3A_127 : memref<128x128xf32, #tpu.memory_space<hbm>>) dst(%arg6 : memref<128x128xf32, #tpu.memory_space<vmem>>)
    %dma_wait3A_128 = arith.constant 0 : i32
    %dma_wait3A_129 = arith.constant 0 : i32
    %dma_wait3A_130 = tpu.memref_slice %arg3[%dma_wait3A_128, %dma_wait3A_129] : memref<128x128xf32, #tpu.memory_space<hbm>> -> memref<128x128xf32, #tpu.memory_space<hbm>>
    %dma_wait3A_131 = arith.constant 0 : i32
    %dma_wait3A_132 = arith.constant 0 : i32
    %dma_wait3A_133 = tpu.memref_slice %arg3[%dma_wait3A_131, %dma_wait3A_132] : memref<128x128xf32, #tpu.memory_space<hbm>> -> memref<128x128xf32, #tpu.memory_space<hbm>>
    tpu.wait_dma2 semaphore(%arg9 : memref<!tpu.dma_semaphore, #tpu.memory_space<semaphore_mem>>) src(%dma_wait3A_133 : memref<128x128xf32, #tpu.memory_space<hbm>>) dst(%arg6 : memref<128x128xf32, #tpu.memory_space<vmem>>)
    %lt3A_134 = arith.constant 2 : i32
    %lt3A_135 = arith.cmpi slt, %arg1, %lt3A_134 : i32
    %convert_element_type3A_136 = arith.extui %lt3A_135 : i1 to i32
    %cond3A_137 = arith.constant 0 : i32
    %cond3A_138 = arith.cmpi ne, %convert_element_type3A_136, %cond3A_137 : i32
    scf.if %cond3A_138 {
      %dma_start3A_149 = arith.constant 78 : i32
      %dma_start3A_150 = arith.constant 0 : i32
      %dma_start3A_151 = arith.constant 0 : i32
      %dma_start3A_152 = tpu.memref_slice %arg7[%dma_start3A_149, %dma_start3A_150, %dma_start3A_151] : memref<80x1x128xi32, #tpu.memory_space<vmem>> -> memref<1x1x128xi32, #tpu.memory_space<vmem>>
      %dma_start3A_153 = tpu.memref_squeeze %dma_start3A_152 : memref<1x1x128xi32, #tpu.memory_space<vmem>> -> memref<128xi32, #tpu.memory_space<vmem>>
      %dma_start3A_154 = arith.constant 0 : i32
      %dma_start3A_155 = arith.constant 0 : i32
      %dma_start3A_156 = tpu.memref_slice %arg5[%dma_start3A_154, %dma_start3A_155] : memref<10000x128xf32, #tpu.memory_space<vmem_shared>> -> memref<10000x128xf32, #tpu.memory_space<vmem_shared>>
      tpu.enqueue_indirect_dma source(%arg6 : memref<128x128xf32, #tpu.memory_space<vmem>>) target(%dma_start3A_156 : memref<10000x128xf32, #tpu.memory_space<vmem_shared>>) offsets(%dma_start3A_153 : memref<128xi32, #tpu.memory_space<vmem>>) semaphore(%arg8 : memref<!tpu.dma_semaphore, #tpu.memory_space<semaphore_mem>>) {add = true}
      %dma_wait3A_157 = arith.constant 0 : i32
      %dma_wait3A_158 = arith.constant 0 : i32
      %dma_wait3A_159 = tpu.memref_slice %arg3[%dma_wait3A_157, %dma_wait3A_158] : memref<128x128xf32, #tpu.memory_space<hbm>> -> memref<128x128xf32, #tpu.memory_space<hbm>>
      %dma_wait3A_160 = arith.constant 0 : i32
      %dma_wait3A_161 = arith.constant 0 : i32
      %dma_wait3A_162 = tpu.memref_slice %arg3[%dma_wait3A_160, %dma_wait3A_161] : memref<128x128xf32, #tpu.memory_space<hbm>> -> memref<128x128xf32, #tpu.memory_space<hbm>>
      tpu.wait_dma2 semaphore(%arg8 : memref<!tpu.dma_semaphore, #tpu.memory_space<semaphore_mem>>) src(%dma_wait3A_162 : memref<128x128xf32, #tpu.memory_space<hbm>>) dst(%arg6 : memref<128x128xf32, #tpu.memory_space<vmem>>)
    } else {
    }
    %barrier3A_139 = arith.constant 0 : index
    tpu.barrier barrier_id(%barrier3A_139)
    %mul3A_140 = arith.constant 624 : i32
    %mul3A_141 = arith.muli %arg1, %mul3A_140 : i32
    %mul3A_142 = arith.constant 624 : i32
    %mul3A_143 = arith.muli %arg1, %mul3A_142 : i32
    "tpu.region"() ({
      %run_scoped3A_149 = tpu.sem_alloc : memref<!tpu.dma_semaphore, #tpu.memory_space<semaphore_mem>>
      %dma_start3A_150 = arith.constant 0 : i32
      %dma_start3A_151 = tpu.memref_slice %arg4[%arg0, %mul3A_143, %dma_start3A_150] : memref<2x10000x128xf32, #tpu.memory_space<hbm>> -> memref<1x624x128xf32, #tpu.memory_space<hbm>>
      %dma_start3A_152 = tpu.memref_squeeze %dma_start3A_151 : memref<1x624x128xf32, #tpu.memory_space<hbm>> -> memref<624x128xf32, #tpu.memory_space<hbm>>
      %dma_start3A_153 = arith.constant 0 : i32
      %dma_start3A_154 = tpu.memref_slice %arg5[%mul3A_141, %dma_start3A_153] : memref<10000x128xf32, #tpu.memory_space<vmem_shared>> -> memref<624x128xf32, #tpu.memory_space<vmem_shared>>
      tpu.enqueue_dma source(%dma_start3A_154 : memref<624x128xf32, #tpu.memory_space<vmem_shared>>) target(%dma_start3A_152 : memref<624x128xf32, #tpu.memory_space<hbm>>) target_semaphore(%run_scoped3A_149 : memref<!tpu.dma_semaphore, #tpu.memory_space<semaphore_mem>>)
      %dma_wait3A_155 = arith.constant 0 : i32
      %dma_wait3A_156 = tpu.memref_slice %arg4[%arg0, %mul3A_143, %dma_wait3A_155] : memref<2x10000x128xf32, #tpu.memory_space<hbm>> -> memref<1x624x128xf32, #tpu.memory_space<hbm>>
      %dma_wait3A_157 = tpu.memref_squeeze %dma_wait3A_156 : memref<1x624x128xf32, #tpu.memory_space<hbm>> -> memref<624x128xf32, #tpu.memory_space<hbm>>
      %dma_wait3A_158 = arith.constant 0 : i32
      %dma_wait3A_159 = tpu.memref_slice %arg5[%mul3A_141, %dma_wait3A_158] : memref<10000x128xf32, #tpu.memory_space<vmem_shared>> -> memref<624x128xf32, #tpu.memory_space<vmem_shared>>
      tpu.wait_dma2 semaphore(%run_scoped3A_149 : memref<!tpu.dma_semaphore, #tpu.memory_space<semaphore_mem>>) src(%dma_wait3A_159 : memref<624x128xf32, #tpu.memory_space<vmem_shared>>) dst(%dma_wait3A_157 : memref<624x128xf32, #tpu.memory_space<hbm>>)
      tpu.yield
    }) : () -> ()
    %eq3A_144 = arith.constant 0 : i32
    %eq3A_145 = arith.cmpi eq, %arg1, %eq3A_144 : i32
    %convert_element_type3A_146 = arith.extui %eq3A_145 : i1 to i32
    %cond3A_147 = arith.constant 0 : i32
    %cond3A_148 = arith.cmpi ne, %convert_element_type3A_146, %cond3A_147 : i32
    scf.if %cond3A_148 {
      "tpu.region"() ({
        %run_scoped3A_149 = tpu.sem_alloc : memref<!tpu.dma_semaphore, #tpu.memory_space<semaphore_mem>>
        %dma_start3A_150 = arith.constant 9984 : i32
        %dma_start3A_151 = arith.constant 0 : i32
        %dma_start3A_152 = tpu.memref_slice %arg4[%arg0, %dma_start3A_150, %dma_start3A_151] : memref<2x10000x128xf32, #tpu.memory_space<hbm>> -> memref<1x16x128xf32, #tpu.memory_space<hbm>>
        %dma_start3A_153 = tpu.memref_squeeze %dma_start3A_152 : memref<1x16x128xf32, #tpu.memory_space<hbm>> -> memref<16x128xf32, #tpu.memory_space<hbm>>
        %dma_start3A_154 = arith.constant 9984 : i32
        %dma_start3A_155 = arith.constant 0 : i32
        %dma_start3A_156 = tpu.memref_slice %arg5[%dma_start3A_154, %dma_start3A_155] : memref<10000x128xf32, #tpu.memory_space<vmem_shared>> -> memref<16x128xf32, #tpu.memory_space<vmem_shared>>
        tpu.enqueue_dma source(%dma_start3A_156 : memref<16x128xf32, #tpu.memory_space<vmem_shared>>) target(%dma_start3A_153 : memref<16x128xf32, #tpu.memory_space<hbm>>) target_semaphore(%run_scoped3A_149 : memref<!tpu.dma_semaphore, #tpu.memory_space<semaphore_mem>>)
        %dma_wait3A_157 = arith.constant 9984 : i32
        %dma_wait3A_158 = arith.constant 0 : i32
        %dma_wait3A_159 = tpu.memref_slice %arg4[%arg0, %dma_wait3A_157, %dma_wait3A_158] : memref<2x10000x128xf32, #tpu.memory_space<hbm>> -> memref<1x16x128xf32, #tpu.memory_space<hbm>>
        %dma_wait3A_160 = tpu.memref_squeeze %dma_wait3A_159 : memref<1x16x128xf32, #tpu.memory_space<hbm>> -> memref<16x128xf32, #tpu.memory_space<hbm>>
        %dma_wait3A_161 = arith.constant 9984 : i32
        %dma_wait3A_162 = arith.constant 0 : i32
        %dma_wait3A_163 = tpu.memref_slice %arg5[%dma_wait3A_161, %dma_wait3A_162] : memref<10000x128xf32, #tpu.memory_space<vmem_shared>> -> memref<16x128xf32, #tpu.memory_space<vmem_shared>>
        tpu.wait_dma2 semaphore(%run_scoped3A_149 : memref<!tpu.dma_semaphore, #tpu.memory_space<semaphore_mem>>) src(%dma_wait3A_163 : memref<16x128xf32, #tpu.memory_space<vmem_shared>>) dst(%dma_wait3A_160 : memref<16x128xf32, #tpu.memory_space<hbm>>)
        tpu.yield
      }) : () -> ()
    } else {
    }
    return
  }
}

module attributes {stable_mosaic.version = 14 : i64} {
  func.func @body(%arg0: i32, %arg1: memref<2000x128xf32, #tpu.memory_space<vmem>>, %arg2: memref<128x128xf32, #tpu.memory_space<vmem>>, %arg3: memref<2x2000x128xf32, #tpu.memory_space<vmem>>, %arg4: memref<2000x128xf32, #tpu.memory_space<vmem>>, %arg5: memref<2000x128xf32, #tpu.memory_space<vmem>>) attributes {dimension_semantics = [#tpu.dimension_semantics<arbitrary>], iteration_bounds = array<i64: 5>, scalar_prefetch = 0 : i64, scratch_operands = 0 : i64, tpu.core_type = #tpu.core_type<tc>, window_params = [{transform_indices = @transform_0, window_bounds = array<i64: 2000, 128>}, {pipeline_mode = #tpu.pipeline_mode<synchronous>, transform_indices = @transform_1, window_bounds = array<i64: 128, 128>}, {transform_indices = @transform_2, window_bounds = array<i64: 2, 2000, 128>}, {transform_indices = @transform_3, window_bounds = array<i64: 2000, 128>}, {transform_indices = @transform_4, window_bounds = array<i64: 2000, 128>}]} {
    %get3A = arith.constant 0 : index
    %get3A_0 = arith.constant 0 : index
    %get3A_1 = arith.constant 0 : index
    %get3A_2 = vector.load %arg3[%get3A, %get3A_0, %get3A_1] : memref<2x2000x128xf32, #tpu.memory_space<vmem>>, vector<1x2000x1xf32>
    %get3A_3 = vector.shape_cast %get3A_2 : vector<1x2000x1xf32> to vector<2000x1xf32>
    %add3A = arith.constant 1.000000e+00 : f32
    %add3A_4 = vector.broadcast %add3A : f32 to vector<2000x1xf32>
    %add3A_5 = arith.addf %add3A_4, %get3A_3 : vector<2000x1xf32>
    %get3A_6 = arith.constant 1 : index
    %get3A_7 = arith.constant 0 : index
    %get3A_8 = arith.constant 0 : index
    %get3A_9 = vector.load %arg3[%get3A_6, %get3A_7, %get3A_8] : memref<2x2000x128xf32, #tpu.memory_space<vmem>>, vector<1x2000x1xf32>
    %get3A_10 = vector.shape_cast %get3A_9 : vector<1x2000x1xf32> to vector<2000x1xf32>
    %add3A_11 = arith.addf %add3A_5, %get3A_10 : vector<2000x1xf32>
    %rsqrt3A = math.rsqrt %add3A_11 : vector<2000x1xf32>
    %get3A_12 = arith.constant 0 : index
    %get3A_13 = arith.constant 0 : index
    %get3A_14 = vector.load %arg1[%get3A_12, %get3A_13] : memref<2000x128xf32, #tpu.memory_space<vmem>>, vector<2000x128xf32>
    %get3A_15 = arith.constant 0 : index
    %get3A_16 = arith.constant 0 : index
    %get3A_17 = vector.load %arg2[%get3A_15, %get3A_16] : memref<128x128xf32, #tpu.memory_space<vmem>>, vector<128x128xf32>
    %dot_general3A = arith.constant dense<0.000000e+00> : vector<2000x128xf32>
    %dot_general3A_18 = tpu.matmul %get3A_14, %get3A_17, %dot_general3A {dimension_numbers = #tpu.dot_dimension_numbers<[1], [0], [0], [1], [0, 0, 1, 1], [], []>, transpose_lhs_hint = false} : vector<2000x128xf32>, vector<128x128xf32>, vector<2000x128xf32> -> vector<2000x128xf32>
    %mul3A = vector.broadcast %rsqrt3A : vector<2000x1xf32> to vector<2000x128xf32>
    %mul3A_19 = arith.mulf %dot_general3A_18, %mul3A : vector<2000x128xf32>
    %swap3A = arith.constant 0 : index
    %swap3A_20 = arith.constant 0 : index
    %swap3A_21 = vector.load %arg4[%swap3A, %swap3A_20] : memref<2000x128xf32, #tpu.memory_space<vmem>>, vector<2000x128xf32>
    tpu.vector_store %arg4[%swap3A, %swap3A_20], %mul3A_19 {strides = array<i32>} : memref<2000x128xf32, #tpu.memory_space<vmem>>, vector<2000x128xf32>,
    %broadcast_in_dim3A = vector.shape_cast %rsqrt3A : vector<2000x1xf32> to vector<2000x1xf32>
    %broadcast_in_dim3A_22 = vector.broadcast %broadcast_in_dim3A : vector<2000x1xf32> to vector<2000x128xf32>
    %swap3A_23 = arith.constant 0 : index
    %swap3A_24 = arith.constant 0 : index
    %swap3A_25 = vector.load %arg5[%swap3A_23, %swap3A_24] : memref<2000x128xf32, #tpu.memory_space<vmem>>, vector<2000x128xf32>
    tpu.vector_store %arg5[%swap3A_23, %swap3A_24], %broadcast_in_dim3A_22 {strides = array<i32>} : memref<2000x128xf32, #tpu.memory_space<vmem>>, vector<2000x128xf32>,
    return
  }
  func.func @transform_0(%arg0: i32) -> (i32, i32) {
    %c0_i32 = arith.constant 0 : i32
    %c0_i32_0 = arith.constant 0 : i32
    return %arg0, %c0_i32 : i32, i32
  }
  func.func @transform_1(%arg0: i32) -> (i32, i32) {
    %c0_i32 = arith.constant 0 : i32
    %c0_i32_0 = arith.constant 0 : i32
    %c0_i32_1 = arith.constant 0 : i32
    return %c0_i32, %c0_i32_0 : i32, i32
  }
  func.func @transform_2(%arg0: i32) -> (i32, i32, i32) {
    %c0_i32 = arith.constant 0 : i32
    %c0_i32_0 = arith.constant 0 : i32
    %c0_i32_1 = arith.constant 0 : i32
    return %c0_i32, %arg0, %c0_i32_0 : i32, i32, i32
  }
  func.func @transform_3(%arg0: i32) -> (i32, i32) {
    %c0_i32 = arith.constant 0 : i32
    %c0_i32_0 = arith.constant 0 : i32
    return %arg0, %c0_i32 : i32, i32
  }
  func.func @transform_4(%arg0: i32) -> (i32, i32) {
    %c0_i32 = arith.constant 0 : i32
    %c0_i32_0 = arith.constant 0 : i32
    return %arg0, %c0_i32 : i32, i32
  }
}

module attributes {stable_mosaic.version = 14 : i64} {
  func.func @body(%arg0: i32, %arg1: memref<2x2000x128xf32, #tpu.memory_space<vmem>>, %arg2: memref<2000x128xf32, #tpu.memory_space<vmem>>, %arg3: memref<2000x128xf32, #tpu.memory_space<vmem>>, %arg4: memref<1x128xf32, #tpu.memory_space<vmem>>, %arg5: memref<128x128xf32, #tpu.memory_space<vmem>>, %arg6: memref<2000x128xf32, #tpu.memory_space<vmem>>) attributes {dimension_semantics = [#tpu.dimension_semantics<arbitrary>], iteration_bounds = array<i64: 5>, scalar_prefetch = 0 : i64, scratch_operands = 0 : i64, tpu.core_type = #tpu.core_type<tc>, window_params = [{transform_indices = @transform_0, window_bounds = array<i64: 2, 2000, 128>}, {transform_indices = @transform_1, window_bounds = array<i64: 2000, 128>}, {transform_indices = @transform_2, window_bounds = array<i64: 2000, 128>}, {pipeline_mode = #tpu.pipeline_mode<synchronous>, transform_indices = @transform_3, window_bounds = array<i64: 1, 128>}, {pipeline_mode = #tpu.pipeline_mode<synchronous>, transform_indices = @transform_4, window_bounds = array<i64: 128, 128>}, {transform_indices = @transform_5, window_bounds = array<i64: 2000, 128>}]} {
    %get3A = arith.constant 0 : index
    %get3A_0 = arith.constant 0 : index
    %get3A_1 = vector.load %arg3[%get3A, %get3A_0] : memref<2000x128xf32, #tpu.memory_space<vmem>>, vector<2000x128xf32>
    %get3A_2 = arith.constant 0 : index
    %get3A_3 = arith.constant 0 : index
    %get3A_4 = arith.constant 0 : index
    %get3A_5 = vector.load %arg1[%get3A_2, %get3A_3, %get3A_4] : memref<2x2000x128xf32, #tpu.memory_space<vmem>>, vector<1x2000x128xf32>
    %get3A_6 = vector.shape_cast %get3A_5 : vector<1x2000x128xf32> to vector<2000x128xf32>
    %get3A_7 = arith.constant 1 : index
    %get3A_8 = arith.constant 0 : index
    %get3A_9 = arith.constant 0 : index
    %get3A_10 = vector.load %arg1[%get3A_7, %get3A_8, %get3A_9] : memref<2x2000x128xf32, #tpu.memory_space<vmem>>, vector<1x2000x128xf32>
    %get3A_11 = vector.shape_cast %get3A_10 : vector<1x2000x128xf32> to vector<2000x128xf32>
    %add3A = arith.addf %get3A_6, %get3A_11 : vector<2000x128xf32>
    %get3A_12 = arith.constant 0 : index
    %get3A_13 = arith.constant 0 : index
    %get3A_14 = vector.load %arg2[%get3A_12, %get3A_13] : memref<2000x128xf32, #tpu.memory_space<vmem>>, vector<2000x128xf32>
    %add3A_15 = arith.addf %add3A, %get3A_14 : vector<2000x128xf32>
    %mul3A = arith.mulf %add3A_15, %get3A_1 : vector<2000x128xf32>
    %get3A_16 = arith.constant 0 : index
    %get3A_17 = arith.constant 0 : index
    %get3A_18 = vector.load %arg4[%get3A_16, %get3A_17] : memref<1x128xf32, #tpu.memory_space<vmem>>, vector<1x128xf32>
    %add3A_19 = vector.broadcast %get3A_18 : vector<1x128xf32> to vector<2000x128xf32>
    %add3A_20 = arith.addf %mul3A, %add3A_19 : vector<2000x128xf32>
    %max3A = arith.constant 0.000000e+00 : f32
    %max3A_21 = vector.broadcast %max3A : f32 to vector<2000x128xf32>
    %max3A_22 = arith.maximumf %add3A_20, %max3A_21 : vector<2000x128xf32>
    %get3A_23 = arith.constant 0 : index
    %get3A_24 = arith.constant 0 : index
    %get3A_25 = vector.load %arg5[%get3A_23, %get3A_24] : memref<128x128xf32, #tpu.memory_space<vmem>>, vector<128x128xf32>
    %dot_general3A = arith.constant dense<0.000000e+00> : vector<2000x128xf32>
    %dot_general3A_26 = tpu.matmul %max3A_22, %get3A_25, %dot_general3A {dimension_numbers = #tpu.dot_dimension_numbers<[1], [0], [0], [1], [0, 0, 1, 1], [], []>, transpose_lhs_hint = false} : vector<2000x128xf32>, vector<128x128xf32>, vector<2000x128xf32> -> vector<2000x128xf32>
    %mul3A_27 = arith.mulf %dot_general3A_26, %get3A_1 : vector<2000x128xf32>
    %swap3A = arith.constant 0 : index
    %swap3A_28 = arith.constant 0 : index
    %swap3A_29 = vector.load %arg6[%swap3A, %swap3A_28] : memref<2000x128xf32, #tpu.memory_space<vmem>>, vector<2000x128xf32>
    tpu.vector_store %arg6[%swap3A, %swap3A_28], %mul3A_27 {strides = array<i32>} : memref<2000x128xf32, #tpu.memory_space<vmem>>, vector<2000x128xf32>,
    return
  }
  func.func @transform_0(%arg0: i32) -> (i32, i32, i32) {
    %c0_i32 = arith.constant 0 : i32
    %c0_i32_0 = arith.constant 0 : i32
    %c0_i32_1 = arith.constant 0 : i32
    return %c0_i32, %arg0, %c0_i32_0 : i32, i32, i32
  }
  func.func @transform_1(%arg0: i32) -> (i32, i32) {
    %c0_i32 = arith.constant 0 : i32
    %c0_i32_0 = arith.constant 0 : i32
    return %arg0, %c0_i32 : i32, i32
  }
  func.func @transform_2(%arg0: i32) -> (i32, i32) {
    %c0_i32 = arith.constant 0 : i32
    %c0_i32_0 = arith.constant 0 : i32
    return %arg0, %c0_i32 : i32, i32
  }
  func.func @transform_3(%arg0: i32) -> (i32, i32) {
    %c0_i32 = arith.constant 0 : i32
    %c0_i32_0 = arith.constant 0 : i32
    %c0_i32_1 = arith.constant 0 : i32
    return %c0_i32, %c0_i32_0 : i32, i32
  }
  func.func @transform_4(%arg0: i32) -> (i32, i32) {
    %c0_i32 = arith.constant 0 : i32
    %c0_i32_0 = arith.constant 0 : i32
    %c0_i32_1 = arith.constant 0 : i32
    return %c0_i32, %c0_i32_0 : i32, i32
  }
  func.func @transform_5(%arg0: i32) -> (i32, i32) {
    %c0_i32 = arith.constant 0 : i32
    %c0_i32_0 = arith.constant 0 : i32
    return %arg0, %c0_i32 : i32, i32
  }
}

module attributes {stable_mosaic.version = 14 : i64} {
  func.func @body(%arg0: i32, %arg1: memref<2x2000x128xf32, #tpu.memory_space<vmem>>, %arg2: memref<2000x128xf32, #tpu.memory_space<vmem>>, %arg3: memref<2000x128xf32, #tpu.memory_space<vmem>>, %arg4: memref<1x128xf32, #tpu.memory_space<vmem>>, %arg5: memref<2000x128xf32, #tpu.memory_space<vmem>>) attributes {dimension_semantics = [#tpu.dimension_semantics<arbitrary>], iteration_bounds = array<i64: 5>, scalar_prefetch = 0 : i64, scratch_operands = 0 : i64, tpu.core_type = #tpu.core_type<tc>, window_params = [{transform_indices = @transform_0, window_bounds = array<i64: 2, 2000, 128>}, {transform_indices = @transform_1, window_bounds = array<i64: 2000, 128>}, {transform_indices = @transform_2, window_bounds = array<i64: 2000, 128>}, {pipeline_mode = #tpu.pipeline_mode<synchronous>, transform_indices = @transform_3, window_bounds = array<i64: 1, 128>}, {transform_indices = @transform_4, window_bounds = array<i64: 2000, 128>}]} {
    %get3A = arith.constant 0 : index
    %get3A_0 = arith.constant 0 : index
    %get3A_1 = arith.constant 0 : index
    %get3A_2 = vector.load %arg1[%get3A, %get3A_0, %get3A_1] : memref<2x2000x128xf32, #tpu.memory_space<vmem>>, vector<1x2000x128xf32>
    %get3A_3 = vector.shape_cast %get3A_2 : vector<1x2000x128xf32> to vector<2000x128xf32>
    %get3A_4 = arith.constant 1 : index
    %get3A_5 = arith.constant 0 : index
    %get3A_6 = arith.constant 0 : index
    %get3A_7 = vector.load %arg1[%get3A_4, %get3A_5, %get3A_6] : memref<2x2000x128xf32, #tpu.memory_space<vmem>>, vector<1x2000x128xf32>
    %get3A_8 = vector.shape_cast %get3A_7 : vector<1x2000x128xf32> to vector<2000x128xf32>
    %add3A = arith.addf %get3A_3, %get3A_8 : vector<2000x128xf32>
    %get3A_9 = arith.constant 0 : index
    %get3A_10 = arith.constant 0 : index
    %get3A_11 = vector.load %arg2[%get3A_9, %get3A_10] : memref<2000x128xf32, #tpu.memory_space<vmem>>, vector<2000x128xf32>
    %add3A_12 = arith.addf %add3A, %get3A_11 : vector<2000x128xf32>
    %get3A_13 = arith.constant 0 : index
    %get3A_14 = arith.constant 0 : index
    %get3A_15 = vector.load %arg3[%get3A_13, %get3A_14] : memref<2000x128xf32, #tpu.memory_space<vmem>>, vector<2000x128xf32>
    %mul3A = arith.mulf %add3A_12, %get3A_15 : vector<2000x128xf32>
    %get3A_16 = arith.constant 0 : index
    %get3A_17 = arith.constant 0 : index
    %get3A_18 = vector.load %arg4[%get3A_16, %get3A_17] : memref<1x128xf32, #tpu.memory_space<vmem>>, vector<1x128xf32>
    %add3A_19 = vector.broadcast %get3A_18 : vector<1x128xf32> to vector<2000x128xf32>
    %add3A_20 = arith.addf %mul3A, %add3A_19 : vector<2000x128xf32>
    %swap3A = arith.constant 0 : index
    %swap3A_21 = arith.constant 0 : index
    %swap3A_22 = vector.load %arg5[%swap3A, %swap3A_21] : memref<2000x128xf32, #tpu.memory_space<vmem>>, vector<2000x128xf32>
    tpu.vector_store %arg5[%swap3A, %swap3A_21], %add3A_20 {strides = array<i32>} : memref<2000x128xf32, #tpu.memory_space<vmem>>, vector<2000x128xf32>,
    return
  }
  func.func @transform_0(%arg0: i32) -> (i32, i32, i32) {
    %c0_i32 = arith.constant 0 : i32
    %c0_i32_0 = arith.constant 0 : i32
    %c0_i32_1 = arith.constant 0 : i32
    return %c0_i32, %arg0, %c0_i32_0 : i32, i32, i32
  }
  func.func @transform_1(%arg0: i32) -> (i32, i32) {
    %c0_i32 = arith.constant 0 : i32
    %c0_i32_0 = arith.constant 0 : i32
    return %arg0, %c0_i32 : i32, i32
  }
  func.func @transform_2(%arg0: i32) -> (i32, i32) {
    %c0_i32 = arith.constant 0 : i32
    %c0_i32_0 = arith.constant 0 : i32
    return %arg0, %c0_i32 : i32, i32
  }
  func.func @transform_3(%arg0: i32) -> (i32, i32) {
    %c0_i32 = arith.constant 0 : i32
    %c0_i32_0 = arith.constant 0 : i32
    %c0_i32_1 = arith.constant 0 : i32
    return %c0_i32, %c0_i32_0 : i32, i32
  }
  func.func @transform_4(%arg0: i32) -> (i32, i32) {
    %c0_i32 = arith.constant 0 : i32
    %c0_i32_0 = arith.constant 0 : i32
    return %arg0, %c0_i32 : i32, i32
  }
}

</mosaic_0001>

<sc_bundles>
// kernel: kernel.11.cloned.1.call-start
scs
__scs_entry_jumppad:
0x0: {  	(pc) =	sbr.rel $0x88, $3  }
0x1: {  	(tag) =	ssettag $0x0;
	lr =	simm.s32 $0x1  }
0x2: {  	[smem:$0x3F9B] =	sst lr;
	_ =	strace $0xD0000000  }
0x3: {  	_ = 	snop  }
0x4: {  	_ = 	snop  }
0x5: {  	_ = 	snop  }
0x6: {  	_ = 	snop  }
0x7: {  	_ = 	snop  }
__scs_overlays_trampoline_lowered:
0x8: {  	[smem:$0x3FAA] =	sst s0  }
0x9: {  	[smem:$0x3FAB] =	sst s1  }
0xa: {  	[smem:$0x3FAC] =	sst s2  }
0xb: {  	[smem:$0x3FAD] =	sst s3  }
0xc: {  	[smem:$0x3FAE] =	sst s4  }
0xd: {  	[smem:$0x3FAF] =	sst s5  }
0xe: {  	[smem:$0x3FB0] =	sst s6  }
0xf: {  	[smem:$0x3FB1] =	sst s7  }
0x10: {  	[smem:$0x3FB2] =	sst s8  }
0x11: {  	[smem:$0x3FB3] =	sst s9;
	s0 =	simm.s32 @!p0 $0x0  }
0x12: {  	s1 =	sld [smem:$0x3F99];
	s0 =	simm.s32 @p0 $0x1  }
0x13: {  	[smem:$0x3FB4] =	sst s0;
	s0 =	simm.s32 @!p1 $0x0  }
0x14: {  	s2 =	sld [smem:$0x3F98];
	s0 =	simm.s32 @p1 $0x1  }
0x15: {  	[smem:$0x3FB5] =	sst s0;
	s0 =	simm.s32 @!p2 $0x0  }
0x16: {  	s3 =	sld [smem:$0x3FDB];
	s0 =	simm.s32 @p2 $0x1  }
0x17: {  	s4 =	simm.s32 $0x1BF5;
	[smem:$0x3FB7] =	sst s0  }
0x18: {  	s0 =	sld [smem:$0x3F9A];
	_ =	swait.ge [sflag:s4], $0x0  }
0x19: {  	s7 =	sld [smem:$0x3F9B]  }
0x1a: {  	s8 =	sadd.s32 $0xFFFFE003, lr  }
0x1b: {  	s9 =	sadd.s32 $0xFFFFFEF7, lr;
	s5 =	simm.s32 $0xFFFFFFFF;
	p2 =	slt.u32 s8, $0xFFFFF086  }
0x1c: {  	p1 =	slt.u32 s9, $0xF7A;
	s5 =	simm.s32 @!p2 $0x0  }
0x1d: {  	s5 =	simm.s32 @p1 $0x1;
	p0 =	seq.s32 s7, s2  }
0x1e: {  	s7 =	smul.u32 @!p0 $0xF7A, s2;
	p2 =	seq.s32 @!p0 s5, $0x0  }
0x1f: {  	s9 =	smul.u32 $0xF7A, s1;
	s8 =	simm.s32 @!p0 $0x1BF5;
	p2 =	por !p2, p0  }
0x20: {  	[sflag:s8] =	ssyncset.s32 @!p0 $0xFFFFF086;
	s6 =	sadd.s32 @!p0 s3, s7;
	s7 =	simm.s32 @!p0 $0x108  }
0x21: {  	s3 =	sadd.s32 s3, s9;
	s6 =	sadd.s32 @!p0 $0x88, s6;
	s7 =	simm.s32 @p2 $0x1082  }
0x22: {  	[simem:s7], [sflag:s8] =	dma.local @!p0 [hbm:s6], $0xF7A  }
0x23: {  	s9 =	sor.u32 $0xD0000000, s2;
	s6 =	simm.s32 $0x108;
	_ =	swait.ge @!p0 [sflag:s8], $0x0  }
0x24: {  	s3 =	sadd.s32 $0x88, s3;
	s6 =	simm.s32 @!p1 $0x1082;
	[sflag:s4] =	ssyncset.s32 $0xFFFFF086  }
0x25: {  	[simem:s6], [sflag:s4] =	dma.local [hbm:s3], $0xF7A  }
0x26: {  	[smem:$0x3F9B] =	sst s1;
	(tag) =	ssettag s2;
	_ =	strace s9  }
0x27: {  	s1 =	sld [smem:$0x3FAB]  }
0x28: {  	s2 =	sld [smem:$0x3FAC]  }
0x29: {  	s4 =	sld [smem:$0x3FAE]  }
0x2a: {  	p0 =	seq.s32 s5, $0x0;
	s5 =	sld [smem:$0x3FAF]  }
0x2b: {  	s6 =	sld [smem:$0x3FB0]  }
0x2c: {  	s7 =	sld [smem:$0x3FB1]  }
0x2d: {  	s3 =	simm.s32 $0x108;
	s8 =	sld [smem:$0x3FB2]  }
0x2e: {  	s3 =	simm.s32 @!p0 $0x1082;
	s9 =	sld [smem:$0x3FB3]  }
0x2f: {  	lr =	sadd.s32 s0, s3;
	s0 =	sld [smem:$0x3FAA]  }
0x30: {  	s3 =	sld [smem:$0x3FAD]  }
0x31: {  	[smem:$0x3FB6] =	sst s10  }
0x32: {  	s10 =	sld [smem:$0x3FB4];
	_ =	sdelay $0x3  }
0x33: {  	p0 =	seq.s32 s10, $0x1;
	s10 =	sld [smem:$0x3FB6];
	_ =	sdelay $0x3  }
0x34: {  	[smem:$0x3FB6] =	sst s10  }
0x35: {  	s10 =	sld [smem:$0x3FB5];
	_ =	sdelay $0x3  }
0x36: {  	p1 =	seq.s32 s10, $0x1;
	s10 =	sld [smem:$0x3FB6];
	_ =	sdelay $0x3  }
0x37: {  	[smem:$0x3FB6] =	sst s10  }
0x38: {  	s10 =	sld [smem:$0x3FB7]  }
0x39: {  	_ = 	snop;
	(pc) =	sbr.ind lr, $3  }
0x3a: {  	_ = 	snop  }
0x3b: {  	_ = 	snop  }
0x3c: {  	p2 =	seq.s32 s10, $0x1;
	s10 =	sld [smem:$0x3FB6]  }
0x3d: {  	_ =	shalt  }
0x3e: {  	_ =	shalt  }
0x3f: {  	_ =	shalt  }
0x40: {  	_ =	shalt  }
0x41: {  	_ =	shalt  }
0x42: {  	_ =	shalt  }
0x43: {  	_ =	shalt  }
0x44: {  	_ =	shalt  }
0x45: {  	_ =	shalt  }
0x46: {  	_ =	shalt  }
0x47: {  	_ =	shalt  }
0x48: {  	_ =	shalt  }
0x49: {  	_ =	shalt  }
0x4a: {  	_ =	shalt  }
0x4b: {  	_ =	shalt  }
0x4c: {  	_ =	shalt  }
0x4d: {  	_ =	shalt  }
0x4e: {  	_ =	shalt  }
0x4f: {  	_ =	shalt  }
0x50: {  	_ =	shalt  }
0x51: {  	_ =	shalt  }
0x52: {  	_ =	shalt  }
0x53: {  	_ =	shalt  }
0x54: {  	_ =	shalt  }
0x55: {  	_ =	shalt  }
0x56: {  	_ =	shalt  }
0x57: {  	_ =	shalt  }
0x58: {  	_ =	shalt  }
0x59: {  	_ =	shalt  }
0x5a: {  	_ =	shalt  }
0x5b: {  	_ =	shalt  }
0x5c: {  	_ =	shalt  }
0x5d: {  	_ =	shalt  }
0x5e: {  	_ =	shalt  }
0x5f: {  	_ =	shalt  }
0x60: {  	_ =	shalt  }
0x61: {  	_ =	shalt  }
0x62: {  	_ =	shalt  }
0x63: {  	_ =	shalt  }
0x64: {  	_ =	shalt  }
0x65: {  	_ =	shalt  }
0x66: {  	_ =	shalt  }
0x67: {  	_ =	shalt  }
0x68: {  	_ =	shalt  }
0x69: {  	_ =	shalt  }
0x6a: {  	_ =	shalt  }
0x6b: {  	_ =	shalt  }
0x6c: {  	_ =	shalt  }
0x6d: {  	_ =	shalt  }
0x6e: {  	_ =	shalt  }
0x6f: {  	_ =	shalt  }
0x70: {  	_ =	shalt  }
0x71: {  	_ =	shalt  }
0x72: {  	_ =	shalt  }
0x73: {  	_ =	shalt  }
0x74: {  	_ =	shalt  }
0x75: {  	_ =	shalt  }
0x76: {  	_ =	shalt  }
0x77: {  	_ =	shalt  }
0x78: {  	_ =	shalt  }
0x79: {  	_ =	shalt  }
0x7a: {  	_ =	shalt  }
0x7b: {  	_ =	shalt  }
0x7c: {  	_ =	shalt  }
0x7d: {  	_ =	shalt  }
0x7e: {  	_ =	shalt  }
0x7f: {  	_ =	shalt  }
0x80: {  	_ =	shalt  }
0x81: {  	_ =	shalt  }
0x82: {  	_ =	shalt  }
0x83: {  	_ =	shalt  }
0x84: {  	_ =	shalt  }
0x85: {  	_ =	shalt  }
0x86: {  	_ =	shalt  }
0x87: {  	_ =	shalt  }
.Lfunc_end0:
.L_simem_size_0:
called_computation.1_lowered:
.L_overlay_start_0:
0x88: {  	s2 =	sld [smem:$0x3FD9]  }
0x89: {  	s3 =	sld [smem:$0x3FFE];
	_ =	sdelay $0x1  }
0x8a: {  	s1 =	srdreg.scid  }
0x8b: {  	s0 =	sand.u32 $0x1, s1  }
0x8c: {  	s17 =	sshll.u32 s0, $0xA;
	s2 =	sadd.s32 s3, s2  }
0x8d: {  	s2 =	sadd.s32 s2, s17  }
0x8e: {  	[smem:$0x3FC2] =	sst s2  }
0x8f: {  	_ = 	snop  }
0x90: {  	s2 =	sld [smem:$0x3FD0];
	(tm) =	ssettm $0x1  }
0x91: {  	s18 =	sld [smem:$0x3FFB];
	_ =	sdelay $0x3  }
0x92: {  	_ =	strace s18  }
0x93: {  	s3 =	sld [smem:$0x3FFC];
	_ =	sdelay $0x3  }
0x94: {  	_ =	strace s3  }
0x95: {  	s3 =	sld [smem:$0x3FFD];
	_ =	sdelay $0x3  }
0x96: {  	_ =	strace s3  }
0x97: {  	_ =	strace $0x8FFFFFFF  }
0x98: {  	s19 =	sld [smem:$0x3FDB];
	_ =	sdelay $0x1  }
0x99: {  	s4 =	simm.s32 $_scs_section_size  }
0x9a: {  	s5 =	simm.s32 $_size__tile_overlayer_lowered;
	s6 =	simm.s32 $_tile_overlayer_lowered  }
0x9b: {  	s22 =	simm.s32 $0x1BFF;
	s21 =	sshll.u32 s6, $0x1;
	s3 =	sadd.s32 s4, s19  }
0x9c: {  	s7 =	simm.s32 $0x0;
	s20 =	sshll.u32 s5, $0x1;
	s5 =	sadd.s32 s21, s3  }
0x9d: {  	[timem:s7], [sflag:s22] =	dma.local [hbm:s5], s20  }
0x9e: {  	_ =	swait.ge [sflag:s22], s20  }
0x9f: {  	s4 =	ssub.s32 $0x0, s20;
	[sflag:s22] =	ssyncset.done $0x0  }
0xa0: {  	[sflag:s22] =	ssyncadd.s32 s4;
	_ =	sdelay $0x1  }
0xa1: {  	s23 =	simm.s32 $0x1B8B  }
0xa2: {  	_ =	swait.ge [sflag:s23], $0x1  }
0xa3: {  	[sflag:s23] =	ssyncset.done $0x0  }
0xa4: {  	s25 =	simm.s32 $0x1B8E;
	s24 =	sld [smem:$0x3FFE];
	[sflag:s23] =	ssyncadd.s32 $0xFFFFFFFF  }
0xa5: {  	s26 =	simm.s32 $execute0_lowered;
	[smem:$0x3FD2] =	sst s25  }
0xa6: {  	s5 =	sshll.u32 s26, $0x1;
	_ =	strace $0x80000049;
	[dreg:$0x1] =	wrdreg $0xFFFFFFFF  }
0xa7: {  	s28 =	simm.s32 $_size_execute0_lowered;
	s3 =	sadd.s32 s3, s5;
	[dreg:$0x0] =	wrdreg $0x0  }
0xa8: {  	s5 =	sshll.u32 s28, $0x1;
	[dreg:$0x2] =	wrdreg s3  }
0xa9: {  	[dreg:$0x3] =	wrdreg s5  }
0xaa: {  	[dreg:$0x4] =	wrdreg $0xC0  }
0xab: {  	_ =	task [dreg:s7], $0x5FFFF  }
0xac: {  	[dreg:$0x1] =	wrdreg $0xFFFFFFFF  }
0xad: {  	[dreg:$0x0] =	wrdreg $0x60  }
0xae: {  	[dreg:$0x2] =	wrdreg s2  }
0xaf: {  	[dreg:$0x3] =	wrdreg s24  }
0xb0: {  	[dreg:$0x4] =	wrdreg $0x0  }
0xb1: {  	[dreg:$0x5] =	wrdreg $0x9  }
0xb2: {  	_ =	task.clear_ibuf [dreg:s7], $0x6FFFF;
	_ =	strace $0x90000049  }
0xb3: {  	s29 =	simm.s32 $0x9;
	_ =	strace $0x8000004B  }
0xb4: {  	_ =	swait.ge [sflag:s29], $0x1  }
0xb5: {  	[sflag:s29] =	ssyncadd.s32 $0xFFFFFFFF  }
0xb6: {  	_ =	strace $0x9000004B  }
0xb7: {  	_ =	sfence  }
0xb8: {  	s30 =	sld [smem:$0x0];
	_ =	sdelay $0x2  }
0xb9: {  	s31 =	sshll.u32 s1, $0xD;
	s1 =	sshrl.u32 s1, $0x2  }
0xba: {  	s3 =	sand.u32 $0x4000, s31;
	s1 =	sadd.s32 s1, s30  }
0xbb: {  	s0 =	sor.u32 s3, s0;
	s1 =	sshll.u32 s1, $0x11  }
0xbc: {  	s0 =	sor.u32 s1, s0  }
0xbd: {  	s0 =	sadd.s32 $0x8F2B, s0  }
0xbe: {  	[sflag:s0] =	ssyncadd.remote.s32 $0x1  }
0xbf: {  	_ =	sfence.sel $0xFFFF  }
0xc0: {  	[dreg:$0x0] =	wrdreg $0xFFFFFFFF;
	(pc) =	sbr.abs _section_cstart, $3  }
0xc1: {  	[dreg:$0x1] =	wrdreg $0xFFFFFFFF  }
0xc2: {  	_ =	task.clear_ibuf [dreg:s7], $0x2FFFF;
	_ =	strace $0x9FFFFFFF  }
0xc3: {  	(tm) =	ssettm $0x7FFFFFFF  }
tec
execute0_lowered:
.L_overlay_start_1:
0x0: {  	(tag) =	ssettag $0x1  }
0x1: {  	s1 =	rddreg [dreg:$0x0]  }
0x2: {  	s0 =	rddreg [dreg:$0x1]  }
0x3: {  	s2 =	rddreg [dreg:$0x2]  }
0x4: {  	s3 =	simm.s32 $0x0;
	s26 =	stileid.u32;
	s19 =	srdreg.scid  }
0x5: {  	s28 =	simm.s32 $0x1;
	s29 =	simm.s32 $0x3;
	s30 =	simm.s32 $0x2  }
0x6: {  	s31 =	simm.s32 $0x4;
	[smem:$0x7FF] =	sst s3;
	s4 =	smul.u32 $0x4E000, s26  }
0x7: {  	s6 =	sadd.s32 $0x2800, s0;
	s3 =	sand.u32 $0x1, s19;
	s20 =	smul.u32 $0x4E, s26  }
0x8: {  	s0 =	sadd.s32 $0x16200, s0;
	s10 =	sadd.s32 $0x138000, s2;
	s16 =	smul.u32 $0x13800, s26  }
0x9: {  	p0 =	sne.s32 s26, $0x0;
	p1 =	sgt.u32 s26, $0x1;
	_ =	strace $0x8000004A  }
0xa: {  	s7 =	ssub.s32 $0x2, s3;
	s12 =	smul.u32 $0x4E2, s3;
	s4 =	sshrl.u32 s4, $0x2  }
0xb: {  	s3 =	smul.u32 $0x138800, s3;
	s8 =	sshrl.u32 s7, $0x1;
	s5 =	sadd.s32 s4, s2  }
0xc: {  	s19 =	ssub.s32 s7, s8;
	s4 =	sadd.s32 s20, s12;
	s23 =	sadd.s32 s26, s12  }
0xd: {  	s24 =	sadd.s32 s16, s3;
	s3 =	sshrl.u32 s3, $0x3;
	s20 =	simm.s32 $0x13880  }
0xe: {  	s26 =	simm.s32 $0x17880;
	s21 =	sadd.s32 $0x4000, s5;
	s22 =	sadd.s32 $0x8000, s5  }
0xf: {  	s8 =	sadd.s32 $0xC000, s5;
	s9 =	sadd.s32 $0x10000, s5;
	s4 =	sshll.u32 s4, $0x4  }
0x10: {  	s25 =	sshrl.u32 s24, $0x3;
	s3 =	sadd.s32 s0, s3;
	[dreg:$0x4] =	wrdreg s21  }
0x11: {  	s19 =	smax.u32 s19, $0x1;
	s24 =	simm.s32 $0x80;
	[dreg:$0x5] =	wrdreg s22  }
0x12: {  	s11 =	sadd.s32 s6, s4;
	s4 =	sshll.u32 s23, $0x4;
	s17 =	sadd.s32 s0, s25  }
0x13: {  	s18 =	sadd.s32 $0x27000, s3;
	s21 =	simm.s32 $0x5;
	s22 =	simm.s32 $0x1B880  }
0x14: {  	s23 =	simm.s32 $0x1CC80;
	s25 =	simm.s32 $0x1B900;
	s12 =	sadd.s32 $0x9C40, s11  }
0x15: {  	s13 =	sadd.s32 $0x280, s11;
	s14 =	sadd.s32 $0x9EC0, s11;
	s4 =	sadd.s32 s6, s4  }
0x16: {  	v0 =	vimm.f32 $0.0e+00;
	s15 =	sadd.s32 $0x4E00, s4;
	s16 =	sadd.s32 $0xEA40, s4;
	s4 =	simm.s32 $0x0  }
.LBB2_1:
0x17: {  	s3 =	simm.s32 $0x0  }
0x18: {  	s0 =	sand.u32 $0xFE00, s3  }
0x19: {  	s3 =	sand.u32 $0x70, s3;
	s6 =	sshrl.u32 s0, $0x2  }
0x1a: {  	s0 =	simm.s32 $0x40;
	s6 =	sor.u32 s3, s6;
	s3 =	simm.s32 $0x0  }
.LBB2_2:
0x1b: {  	p2 =	sne.s32 s0, $0xFFC0  }
0x1c: {  	[tilespmem:s6+$0x13880] =	vst v0;
	s3 =	sadd.s32 $0x10, s3;
	s6 =	smov.u32 s0;
	s0 =	sadd.s32 $0x40, s0  }
.Ltmp0:
0x1d: {  	(pc) =	sbr.rel @p2 .LBB2_2-.Ltmp0, $4  }
0x1e: {  	_ = 	snop  }
0x1f: {  	s6 =	sand.u32 $0xFE00, s6  }
0x20: {  	s7 =	sand.u32 $0x70, s3;
	s6 =	sshrl.u32 s6, $0x2  }
0x21: {  	s6 =	sor.u32 s7, s6  }
0x22: {  	[tilespmem:s6+$0x13880] =	vst v0  }
0x23: {  	[spmem:s5] =	stream.linear.scatter [tilespmem:s20], [sflag:$0x5], $0x4000, $0x38;
	[tilespmem:$0x1E080] =	vst v63  }
0x24: {  	_ =	swait.ge [sflag:s21], $0x4000  }
0x25: {  	[sflag:s21] =	ssyncset.done $0x0  }
0x26: {  	s0 =	rddreg [dreg:$0x4];
	[sflag:s21] =	ssyncadd.s32 $0xFFFFC000  }
0x27: {  	[spmem:s0] =	stream.linear.scatter [tilespmem:s20], [sflag:$0x5], $0x4000, $0x38;
	[tilespmem:$0x1E080] =	vst v63  }
0x28: {  	_ =	swait.ge [sflag:s21], $0x4000  }
0x29: {  	[sflag:s21] =	ssyncset.done $0x0  }
0x2a: {  	s6 =	rddreg [dreg:$0x5];
	[sflag:s21] =	ssyncadd.s32 $0xFFFFC000  }
0x2b: {  	[spmem:s6] =	stream.linear.scatter [tilespmem:s20], [sflag:$0x5], $0x4000, $0x38;
	[tilespmem:$0x1E080] =	vst v63  }
0x2c: {  	_ =	swait.ge [sflag:s21], $0x4000  }
0x2d: {  	[sflag:s21] =	ssyncset.done $0x0  }
0x2e: {  	[sflag:s21] =	ssyncadd.s32 $0xFFFFC000  }
0x2f: {  	[spmem:s8] =	stream.linear.scatter [tilespmem:s20], [sflag:$0x5], $0x4000, $0x38;
	[tilespmem:$0x1E080] =	vst v63  }
0x30: {  	_ =	swait.ge [sflag:s21], $0x4000  }
0x31: {  	[sflag:s21] =	ssyncset.done $0x0  }
0x32: {  	[sflag:s21] =	ssyncadd.s32 $0xFFFFC000  }
0x33: {  	[spmem:s9] =	stream.linear.scatter [tilespmem:s20], [sflag:$0x5], $0x3800, $0x38;
	[tilespmem:$0x1E080] =	vst v63  }
0x34: {  	_ =	swait.ge [sflag:s21], $0x3800  }
0x35: {  	[sflag:s21] =	ssyncset.done $0x0  }
0x36: {  	s0 =	simm.s32 @!p0 $0x13880;
	[sflag:s21] =	ssyncadd.s32 $0xFFFFC800  }
0x37: {  	[spmem:s10] =	stream.linear.scatter @!p0 [tilespmem:s0], [sflag:$0x5], $0x800, $0x38;
	[tilespmem:$0x1E080] =	vst v63  }
0x38: {  	s0 =	simm.s32 @!p0 $0x5  }
0x39: {  	_ =	swait.ge @!p0 [sflag:s0], $0x800  }
0x3a: {  	[sflag:s0] =	ssyncset.done @!p0 $0x0  }
0x3b: {  	[sflag:s0] =	ssyncadd.s32 @!p0 $0xFFFFF800  }
0x3c: {  	s7 =	simm.s32 $0x0;
	[bflag:$0x0] =	sbarrier.arrive $0xFFFF  }
0x3d: {  	[tilespmem:s22], [sflag:$0x5] =	stream.linear.gather [hbm4b:s11+s7], $0x1400, $0x38;
	[tilespmem:$0x1E080] =	vst v63  }
0x3e: {  	_ =	swait.ge [sflag:s21], $0x1400  }
0x3f: {  	[sflag:s21] =	ssyncset.done $0x0  }
0x40: {  	[sflag:s21] =	ssyncadd.s32 $0xFFFFEC00  }
0x41: {  	[tilespmem:s23], [sflag:$0x5] =	stream.linear.gather [hbm4b:s12+s7], $0x1400, $0x38;
	[tilespmem:$0x1E080] =	vst v63  }
0x42: {  	_ =	swait.ge [sflag:s21], $0x1400  }
0x43: {  	[sflag:s21] =	ssyncset.done $0x0  }
0x44: {  	[sflag:s21] =	ssyncadd.s32 $0xFFFFEC00  }
0x45: {  	[tilespmem:s20], [sflag:$0x1] =	stream.indirect.gather [hbm4b:s1+s24], $0x80, s22, s24, $0xb8;
	[tilespmem:$0x1E080] =	vst v63  }
0x46: {  	_ = 	snop  }
0x47: {  	[tilespmem:s26], [sflag:$0x2] =	stream.indirect.gather [hbm4b:s1+s24], $0x80, s25, s24, $0xb8;
	[tilespmem:$0x1E080] =	vst v63  }
0x48: {  	_ =	swait.ge [sflag:s28], $0x4000  }
0x49: {  	[sflag:s28] =	ssyncset.done $0x0  }
0x4a: {  	s3 =	simm.s32 $0x1CC80;
	[sflag:s28] =	ssyncadd.s32 $0xFFFFC000  }
0x4b: {  	[spmem:s2] =	stream.indirect.scatter.add.f32 [tilespmem:s20], [sflag:$0x3], $0x80, s3, s24, $0xb8;
	[tilespmem:$0x1E080] =	vst v63  }
0x4c: {  	_ =	swait.ge [sflag:s29], $0x4000  }
0x4d: {  	[sflag:s29] =	ssyncset.done $0x0  }
0x4e: {  	s6 =	simm.s32 $0x1B980;
	[sflag:s29] =	ssyncadd.s32 $0xFFFFC000  }
0x4f: {  	[tilespmem:s20], [sflag:$0x1] =	stream.indirect.gather [hbm4b:s1+s24], $0x80, s6, s24, $0xb8;
	[tilespmem:$0x1E080] =	vst v63  }
0x50: {  	_ =	swait.ge [sflag:s30], $0x4000  }
0x51: {  	[sflag:s30] =	ssyncset.done $0x0  }
0x52: {  	s7 =	simm.s32 $0x1CD00;
	[sflag:s30] =	ssyncadd.s32 $0xFFFFC000  }
0x53: {  	[spmem:s2] =	stream.indirect.scatter.add.f32 [tilespmem:s26], [sflag:$0x4], $0x80, s7, s24, $0xb8;
	[tilespmem:$0x1E080] =	vst v63  }
0x54: {  	_ =	swait.ge [sflag:s31], $0x4000  }
0x55: {  	[sflag:s31] =	ssyncset.done $0x0  }
0x56: {  	s0 =	simm.s32 $0x400;
	s3 =	simm.s32 $0x1BA00;
	[sflag:s31] =	ssyncadd.s32 $0xFFFFC000  }
.LBB2_4:
0x57: {  	[tilespmem:s26], [sflag:$0x2] =	stream.indirect.gather [hbm4b:s1+s24], $0x80, s3, s24, $0xb8;
	[tilespmem:$0x1E080] =	vst v63  }
0x58: {  	s3 =	smov.u32 s0  }
0x59: {  	p2 =	sne.s32 s0, $0x4800;
	s0 =	sadd.s32 $0x400, s0;
	_ =	swait.ge [sflag:s28], $0x4000  }
0x5a: {  	s3 =	sshra.s32 s3, $0x2;
	[sflag:s28] =	ssyncset.done $0x0  }
0x5b: {  	s6 =	sadd.s32 $0x1CC80, s3;
	[sflag:s28] =	ssyncadd.s32 $0xFFFFC000  }
0x5c: {  	[spmem:s2] =	stream.indirect.scatter.add.f32 [tilespmem:s20], [sflag:$0x3], $0x80, s6, s24, $0xb8;
	[tilespmem:$0x1E080] =	vst v63  }
0x5d: {  	_ =	swait.ge [sflag:s29], $0x4000  }
0x5e: {  	[sflag:s29] =	ssyncset.done $0x0  }
0x5f: {  	s6 =	sadd.s32 $0x1B980, s3;
	[sflag:s29] =	ssyncadd.s32 $0xFFFFC000  }
0x60: {  	[tilespmem:s20], [sflag:$0x1] =	stream.indirect.gather [hbm4b:s1+s24], $0x80, s6, s24, $0xb8;
	[tilespmem:$0x1E080] =	vst v63  }
0x61: {  	_ =	swait.ge [sflag:s30], $0x4000  }
0x62: {  	[sflag:s30] =	ssyncset.done $0x0  }
.Ltmp1:
0x63: {  	s6 =	sadd.s32 $0x1CD00, s3;
	[sflag:s30] =	ssyncadd.s32 $0xFFFFC000;
	(pc) =	sbr.rel @p2 .LBB2_4-.Ltmp1, $4  }
0x64: {  	[spmem:s2] =	stream.indirect.scatter.add.f32 [tilespmem:s26], [sflag:$0x4], $0x80, s6, s24, $0xb8;
	[tilespmem:$0x1E080] =	vst v63  }
0x65: {  	_ =	swait.ge [sflag:s31], $0x4000  }
0x66: {  	[sflag:s31] =	ssyncset.done $0x0  }
0x67: {  	s3 =	sadd.s32 $0x1BA00, s3;
	[sflag:s31] =	ssyncadd.s32 $0xFFFFC000  }
0x68: {  	[tilespmem:s26], [sflag:$0x2] =	stream.indirect.gather [hbm4b:s1+s24], $0x80, s3, s24, $0xb8;
	[tilespmem:$0x1E080] =	vst v63  }
0x69: {  	_ =	swait.ge [sflag:s28], $0x4000  }
0x6a: {  	[sflag:s28] =	ssyncset.done $0x0  }
0x6b: {  	s0 =	simm.s32 $0x1DF80;
	[sflag:s28] =	ssyncadd.s32 $0xFFFFC000  }
0x6c: {  	[spmem:s2] =	stream.indirect.scatter.add.f32 [tilespmem:s20], [sflag:$0x3], $0x80, s0, s24, $0xb8;
	[tilespmem:$0x1E080] =	vst v63  }
0x6d: {  	_ =	swait.ge [sflag:s30], $0x4000  }
0x6e: {  	[sflag:s30] =	ssyncset.done $0x0  }
0x6f: {  	s6 =	simm.s32 $0x1E000;
	[sflag:s30] =	ssyncadd.s32 $0xFFFFC000  }
0x70: {  	[spmem:s2] =	stream.indirect.scatter.add.f32 [tilespmem:s26], [sflag:$0x4], $0x80, s6, s24, $0xb8;
	[tilespmem:$0x1E080] =	vst v63  }
0x71: {  	_ =	swait.ge [sflag:s29], $0x4000  }
0x72: {  	[sflag:s29] =	ssyncset.done $0x0  }
0x73: {  	[sflag:s29] =	ssyncadd.s32 $0xFFFFC000  }
0x74: {  	_ =	swait.ge [sflag:s31], $0x4000  }
0x75: {  	[sflag:s31] =	ssyncset.done $0x0  }
0x76: {  	s7 =	simm.s32 $0x0;
	[sflag:s31] =	ssyncadd.s32 $0xFFFFC000  }
0x77: {  	[tilespmem:s22], [sflag:$0x5] =	stream.linear.gather [hbm4b:s13+s7], $0x1300, $0x38;
	[tilespmem:$0x1E080] =	vst v63  }
0x78: {  	_ =	swait.ge [sflag:s21], $0x1300  }
0x79: {  	[sflag:s21] =	ssyncset.done $0x0  }
0x7a: {  	[sflag:s21] =	ssyncadd.s32 $0xFFFFED00  }
0x7b: {  	[tilespmem:s23], [sflag:$0x5] =	stream.linear.gather [hbm4b:s14+s7], $0x1300, $0x38;
	[tilespmem:$0x1E080] =	vst v63  }
0x7c: {  	_ =	swait.ge [sflag:s21], $0x1300  }
0x7d: {  	[sflag:s21] =	ssyncset.done $0x0  }
0x7e: {  	[sflag:s21] =	ssyncadd.s32 $0xFFFFED00  }
0x7f: {  	[tilespmem:s20], [sflag:$0x1] =	stream.indirect.gather [hbm4b:s1+s24], $0x80, s22, s24, $0xb8;
	[tilespmem:$0x1E080] =	vst v63  }
0x80: {  	_ = 	snop  }
0x81: {  	[tilespmem:s26], [sflag:$0x2] =	stream.indirect.gather [hbm4b:s1+s24], $0x80, s25, s24, $0xb8;
	[tilespmem:$0x1E080] =	vst v63  }
0x82: {  	_ =	swait.ge [sflag:s28], $0x4000  }
0x83: {  	[sflag:s28] =	ssyncset.done $0x0  }
0x84: {  	s3 =	simm.s32 $0x1CC80;
	[sflag:s28] =	ssyncadd.s32 $0xFFFFC000  }
0x85: {  	[spmem:s2] =	stream.indirect.scatter.add.f32 [tilespmem:s20], [sflag:$0x3], $0x80, s3, s24, $0xb8;
	[tilespmem:$0x1E080] =	vst v63  }
0x86: {  	_ =	swait.ge [sflag:s29], $0x4000  }
0x87: {  	[sflag:s29] =	ssyncset.done $0x0  }
0x88: {  	s6 =	simm.s32 $0x1B980;
	[sflag:s29] =	ssyncadd.s32 $0xFFFFC000  }
0x89: {  	[tilespmem:s20], [sflag:$0x1] =	stream.indirect.gather [hbm4b:s1+s24], $0x80, s6, s24, $0xb8;
	[tilespmem:$0x1E080] =	vst v63  }
0x8a: {  	_ =	swait.ge [sflag:s30], $0x4000  }
0x8b: {  	[sflag:s30] =	ssyncset.done $0x0  }
0x8c: {  	s7 =	simm.s32 $0x1CD00;
	[sflag:s30] =	ssyncadd.s32 $0xFFFFC000  }
0x8d: {  	[spmem:s2] =	stream.indirect.scatter.add.f32 [tilespmem:s26], [sflag:$0x4], $0x80, s7, s24, $0xb8;
	[tilespmem:$0x1E080] =	vst v63  }
0x8e: {  	_ =	swait.ge [sflag:s31], $0x4000  }
0x8f: {  	[sflag:s31] =	ssyncset.done $0x0  }
0x90: {  	s0 =	simm.s32 $0x400;
	s3 =	simm.s32 $0x1BA00;
	[sflag:s31] =	ssyncadd.s32 $0xFFFFC000  }
.LBB2_6:
0x91: {  	[tilespmem:s26], [sflag:$0x2] =	stream.indirect.gather [hbm4b:s1+s24], $0x80, s3, s24, $0xb8;
	[tilespmem:$0x1E080] =	vst v63  }
0x92: {  	s3 =	smov.u32 s0  }
0x93: {  	p2 =	sne.s32 s0, $0x4400;
	s0 =	sadd.s32 $0x400, s0;
	_ =	swait.ge [sflag:s28], $0x4000  }
0x94: {  	s3 =	sshra.s32 s3, $0x2;
	[sflag:s28] =	ssyncset.done $0x0  }
0x95: {  	s6 =	sadd.s32 $0x1CC80, s3;
	[sflag:s28] =	ssyncadd.s32 $0xFFFFC000  }
0x96: {  	[spmem:s2] =	stream.indirect.scatter.add.f32 [tilespmem:s20], [sflag:$0x3], $0x80, s6, s24, $0xb8;
	[tilespmem:$0x1E080] =	vst v63  }
0x97: {  	_ =	swait.ge [sflag:s29], $0x4000  }
0x98: {  	[sflag:s29] =	ssyncset.done $0x0  }
0x99: {  	s6 =	sadd.s32 $0x1B980, s3;
	[sflag:s29] =	ssyncadd.s32 $0xFFFFC000  }
0x9a: {  	[tilespmem:s20], [sflag:$0x1] =	stream.indirect.gather [hbm4b:s1+s24], $0x80, s6, s24, $0xb8;
	[tilespmem:$0x1E080] =	vst v63  }
0x9b: {  	_ =	swait.ge [sflag:s30], $0x4000  }
0x9c: {  	[sflag:s30] =	ssyncset.done $0x0  }
.Ltmp2:
0x9d: {  	s6 =	sadd.s32 $0x1CD00, s3;
	[sflag:s30] =	ssyncadd.s32 $0xFFFFC000;
	(pc) =	sbr.rel @p2 .LBB2_6-.Ltmp2, $4  }
0x9e: {  	[spmem:s2] =	stream.indirect.scatter.add.f32 [tilespmem:s26], [sflag:$0x4], $0x80, s6, s24, $0xb8;
	[tilespmem:$0x1E080] =	vst v63  }
0x9f: {  	_ =	swait.ge [sflag:s31], $0x4000  }
0xa0: {  	[sflag:s31] =	ssyncset.done $0x0  }
0xa1: {  	s3 =	sadd.s32 $0x1BA00, s3;
	[sflag:s31] =	ssyncadd.s32 $0xFFFFC000  }
0xa2: {  	[tilespmem:s26], [sflag:$0x2] =	stream.indirect.gather [hbm4b:s1+s24], $0x80, s3, s24, $0xb8;
	[tilespmem:$0x1E080] =	vst v63  }
0xa3: {  	_ =	swait.ge [sflag:s28], $0x4000  }
0xa4: {  	[sflag:s28] =	ssyncset.done $0x0  }
0xa5: {  	s0 =	simm.s32 $0x1DE80;
	[sflag:s28] =	ssyncadd.s32 $0xFFFFC000  }
0xa6: {  	[spmem:s2] =	stream.indirect.scatter.add.f32 [tilespmem:s20], [sflag:$0x3], $0x80, s0, s24, $0xb8;
	[tilespmem:$0x1E080] =	vst v63  }
0xa7: {  	_ =	swait.ge [sflag:s30], $0x4000  }
0xa8: {  	[sflag:s30] =	ssyncset.done $0x0  }
0xa9: {  	s3 =	simm.s32 $0x1DF00;
	[sflag:s30] =	ssyncadd.s32 $0xFFFFC000  }
0xaa: {  	[spmem:s2] =	stream.indirect.scatter.add.f32 [tilespmem:s26], [sflag:$0x4], $0x80, s3, s24, $0xb8;
	[tilespmem:$0x1E080] =	vst v63  }
0xab: {  	_ =	swait.ge [sflag:s29], $0x4000  }
0xac: {  	[sflag:s29] =	ssyncset.done $0x0  }
0xad: {  	[sflag:s29] =	ssyncadd.s32 $0xFFFFC000  }
0xae: {  	_ =	swait.ge [sflag:s31], $0x4000  }
0xaf: {  	s6 =	simm.s32 @!p1 $0x5;
	[sflag:s31] =	ssyncset.done $0x0  }
0xb0: {  	s0 =	simm.s32 @!p1 $0x0;
	s3 =	simm.s32 @!p1 $0x1B880;
	[sflag:s31] =	ssyncadd.s32 $0xFFFFC000  }
0xb1: {  	[tilespmem:s3], [sflag:$0x5] =	stream.linear.gather @!p1 [hbm4b:s15+s0], $0x80, $0x38;
	[tilespmem:$0x1E080] =	vst v63  }
0xb2: {  	_ =	swait.ge @!p1 [sflag:s6], $0x80  }
0xb3: {  	[sflag:s6] =	ssyncset.done @!p1 $0x0  }
0xb4: {  	s7 =	simm.s32 @!p1 $0x1CC80;
	[sflag:s6] =	ssyncadd.s32 @!p1 $0xFFFFFF80  }
0xb5: {  	[tilespmem:s7], [sflag:$0x5] =	stream.linear.gather @!p1 [hbm4b:s16+s0], $0x80, $0x38;
	[tilespmem:$0x1E080] =	vst v63  }
0xb6: {  	_ =	swait.ge @!p1 [sflag:s6], $0x80  }
0xb7: {  	[sflag:s6] =	ssyncset.done @!p1 $0x0  }
0xb8: {  	s0 =	simm.s32 @!p1 $0x80;
	[sflag:s6] =	ssyncadd.s32 @!p1 $0xFFFFFF80;
	s6 =	simm.s32 @!p1 $0x13880  }
0xb9: {  	[tilespmem:s6], [sflag:$0x1] =	stream.indirect.gather @!p1 [hbm4b:s1+s0], $0x80, s3, s0, $0xb8;
	[tilespmem:$0x1E080] =	vst v63  }
0xba: {  	s3 =	simm.s32 @!p1 $0x1  }
0xbb: {  	_ =	swait.ge @!p1 [sflag:s3], $0x4000  }
0xbc: {  	[sflag:s3] =	ssyncset.done @!p1 $0x0  }
0xbd: {  	[sflag:s3] =	ssyncadd.s32 @!p1 $0xFFFFC000  }
0xbe: {  	[spmem:s2] =	stream.indirect.scatter.add.f32 @!p1 [tilespmem:s6], [sflag:$0x3], $0x80, s7, s0, $0xb8;
	[tilespmem:$0x1E080] =	vst v63  }
0xbf: {  	s0 =	simm.s32 @!p1 $0x3  }
0xc0: {  	_ =	swait.ge @!p1 [sflag:s0], $0x4000  }
0xc1: {  	s6 =	stileid.u32;
	[sflag:s0] =	ssyncset.done @!p1 $0x0  }
0xc2: {  	[sflag:s0] =	ssyncadd.s32 @!p1 $0xFFFFC000;
	s0 =	sshll.u32 s6, $0x6  }
0xc3: {  	s7 =	sshrl.u32 s5, $0x3;
	[bflag:$0x0] =	sbarrier.arrive $0xFFFF;
	s0 =	sor.u32 $0x1C05, s0  }
0xc4: {  	[hbm:s17], [sflag:s0] =	dma.local [spmem:s7], $0x2700  }
0xc5: {  	_ =	swait.ge [sflag:s21], $0x2700  }
0xc6: {  	s4 =	sadd.s32 $0x1, s4;
	[sflag:s21] =	ssyncset.done $0x0  }
0xc7: {  	p2 =	sne.s32 s4, s19;
	s3 =	sshrl.u32 @!p0 s10, $0x3;
	[sflag:s21] =	ssyncadd.s32 $0xFFFFD900  }
0xc8: {  	[hbm:s18], [sflag:s0] =	dma.local @!p0 [spmem:s3], $0x100  }
.Ltmp3:
0xc9: {  	_ = 	snop;
	(pc) =	sbr.rel @p2 .LBB2_1-.Ltmp3, $4  }
0xca: {  	s0 =	simm.s32 @!p0 $0x5  }
0xcb: {  	_ =	swait.ge @!p0 [sflag:s0], $0x100  }
0xcc: {  	[sflag:s0] =	ssyncset.done @!p0 $0x0  }
0xcd: {  	[sflag:s0] =	ssyncadd.s32 @!p0 $0xFFFFFF00  }
0xce: {  	_ =	sfence.sel $0x180000  }
0xcf: {  	[bflag:$0x0] =	sbarrier.arrive $0xFFFF  }
0xd0: {  	_ =	strace $0x9000004A  }
0xd1: {  	[bflag:$0x2] =	sbarrier.arrive $0xFFFF  }
0xd2: {  	s0 =	rddreg [dreg:$0x3]  }
0xd3: {  	s0 =	sadd.s32 @!p0 $0x100000, s0  }
0xd4: {  	[sflag:s0] =	ssyncadd.tile.s32 @!p0 $0x1;
	_ =	shalt  }
.Lfunc_end2:
_tile_overlayer_lowered:
.L_overlay_start_2:
0xd5: {  	(tag) =	ssettag $0x2  }
0xd6: {  	s0 =	rddreg [dreg:$0x0];
	s2 =	stileid.u32  }
0xd7: {  	s1 =	rddreg [dreg:$0x1];
	p0 =	sne.s32 s2, $0x0  }
0xd8: {  	s3 =	rddreg [dreg:$0x2];
	[bflag:$0x3] =	sbarrier.arrive $0xFFFF;
	s2 =	simm.s32 @!p0 $0x1C05  }
0xd9: {  	[timem:s3], [sflag:s2] =	dma.local @!p0 [hbm:s0], s1  }
0xda: {  	s0 =	simm.s32 @!p0 $0x5  }
0xdb: {  	_ =	swait.ge @!p0 [sflag:s0], s1  }
0xdc: {  	s1 =	ssub.s32 @!p0 $0x0, s1;
	[sflag:s0] =	ssyncset.done @!p0 $0x0  }
0xdd: {  	[sflag:s0] =	ssyncadd.s32 @!p0 s1  }
0xde: {  	[bflag:$0x3] =	sbarrier.arrive $0xFFFF  }
0xdf: {  	_ =	shalt  }

// kernel: kernel.14.cloned.1.call-start
scs
__scs_entry_jumppad:
0x0: {  	(pc) =	sbr.rel $0x88, $3  }
0x1: {  	(tag) =	ssettag $0x0;
	lr =	simm.s32 $0x1  }
0x2: {  	[smem:$0x3F9B] =	sst lr;
	_ =	strace $0xD0000000  }
0x3: {  	_ = 	snop  }
0x4: {  	_ = 	snop  }
0x5: {  	_ = 	snop  }
0x6: {  	_ = 	snop  }
0x7: {  	_ = 	snop  }
__scs_overlays_trampoline_lowered:
0x8: {  	[smem:$0x3FAA] =	sst s0  }
0x9: {  	[smem:$0x3FAB] =	sst s1  }
0xa: {  	[smem:$0x3FAC] =	sst s2  }
0xb: {  	[smem:$0x3FAD] =	sst s3  }
0xc: {  	[smem:$0x3FAE] =	sst s4  }
0xd: {  	[smem:$0x3FAF] =	sst s5  }
0xe: {  	[smem:$0x3FB0] =	sst s6  }
0xf: {  	[smem:$0x3FB1] =	sst s7  }
0x10: {  	[smem:$0x3FB2] =	sst s8  }
0x11: {  	[smem:$0x3FB3] =	sst s9;
	s0 =	simm.s32 @!p0 $0x0  }
0x12: {  	s1 =	sld [smem:$0x3F99];
	s0 =	simm.s32 @p0 $0x1  }
0x13: {  	[smem:$0x3FB4] =	sst s0;
	s0 =	simm.s32 @!p1 $0x0  }
0x14: {  	s2 =	sld [smem:$0x3F98];
	s0 =	simm.s32 @p1 $0x1  }
0x15: {  	[smem:$0x3FB5] =	sst s0;
	s0 =	simm.s32 @!p2 $0x0  }
0x16: {  	s3 =	sld [smem:$0x3FDB];
	s0 =	simm.s32 @p2 $0x1  }
0x17: {  	s4 =	simm.s32 $0x1BF5;
	[smem:$0x3FB7] =	sst s0  }
0x18: {  	s0 =	sld [smem:$0x3F9A];
	_ =	swait.ge [sflag:s4], $0x0  }
0x19: {  	s7 =	sld [smem:$0x3F9B]  }
0x1a: {  	s8 =	sadd.s32 $0xFFFFE003, lr  }
0x1b: {  	s9 =	sadd.s32 $0xFFFFFEF7, lr;
	s5 =	simm.s32 $0xFFFFFFFF;
	p2 =	slt.u32 s8, $0xFFFFF086  }
0x1c: {  	p1 =	slt.u32 s9, $0xF7A;
	s5 =	simm.s32 @!p2 $0x0  }
0x1d: {  	s5 =	simm.s32 @p1 $0x1;
	p0 =	seq.s32 s7, s2  }
0x1e: {  	s7 =	smul.u32 @!p0 $0xF7A, s2;
	p2 =	seq.s32 @!p0 s5, $0x0  }
0x1f: {  	s9 =	smul.u32 $0xF7A, s1;
	s8 =	simm.s32 @!p0 $0x1BF5;
	p2 =	por !p2, p0  }
0x20: {  	[sflag:s8] =	ssyncset.s32 @!p0 $0xFFFFF086;
	s6 =	sadd.s32 @!p0 s3, s7;
	s7 =	simm.s32 @!p0 $0x108  }
0x21: {  	s3 =	sadd.s32 s3, s9;
	s6 =	sadd.s32 @!p0 $0x88, s6;
	s7 =	simm.s32 @p2 $0x1082  }
0x22: {  	[simem:s7], [sflag:s8] =	dma.local @!p0 [hbm:s6], $0xF7A  }
0x23: {  	s9 =	sor.u32 $0xD0000000, s2;
	s6 =	simm.s32 $0x108;
	_ =	swait.ge @!p0 [sflag:s8], $0x0  }
0x24: {  	s3 =	sadd.s32 $0x88, s3;
	s6 =	simm.s32 @!p1 $0x1082;
	[sflag:s4] =	ssyncset.s32 $0xFFFFF086  }
0x25: {  	[simem:s6], [sflag:s4] =	dma.local [hbm:s3], $0xF7A  }
0x26: {  	[smem:$0x3F9B] =	sst s1;
	(tag) =	ssettag s2;
	_ =	strace s9  }
0x27: {  	s1 =	sld [smem:$0x3FAB]  }
0x28: {  	s2 =	sld [smem:$0x3FAC]  }
0x29: {  	s4 =	sld [smem:$0x3FAE]  }
0x2a: {  	p0 =	seq.s32 s5, $0x0;
	s5 =	sld [smem:$0x3FAF]  }
0x2b: {  	s6 =	sld [smem:$0x3FB0]  }
0x2c: {  	s7 =	sld [smem:$0x3FB1]  }
0x2d: {  	s3 =	simm.s32 $0x108;
	s8 =	sld [smem:$0x3FB2]  }
0x2e: {  	s3 =	simm.s32 @!p0 $0x1082;
	s9 =	sld [smem:$0x3FB3]  }
0x2f: {  	lr =	sadd.s32 s0, s3;
	s0 =	sld [smem:$0x3FAA]  }
0x30: {  	s3 =	sld [smem:$0x3FAD]  }
0x31: {  	[smem:$0x3FB6] =	sst s10  }
0x32: {  	s10 =	sld [smem:$0x3FB4];
	_ =	sdelay $0x3  }
0x33: {  	p0 =	seq.s32 s10, $0x1;
	s10 =	sld [smem:$0x3FB6];
	_ =	sdelay $0x3  }
0x34: {  	[smem:$0x3FB6] =	sst s10  }
0x35: {  	s10 =	sld [smem:$0x3FB5];
	_ =	sdelay $0x3  }
0x36: {  	p1 =	seq.s32 s10, $0x1;
	s10 =	sld [smem:$0x3FB6];
	_ =	sdelay $0x3  }
0x37: {  	[smem:$0x3FB6] =	sst s10  }
0x38: {  	s10 =	sld [smem:$0x3FB7]  }
0x39: {  	_ = 	snop;
	(pc) =	sbr.ind lr, $3  }
0x3a: {  	_ = 	snop  }
0x3b: {  	_ = 	snop  }
0x3c: {  	p2 =	seq.s32 s10, $0x1;
	s10 =	sld [smem:$0x3FB6]  }
0x3d: {  	_ =	shalt  }
0x3e: {  	_ =	shalt  }
0x3f: {  	_ =	shalt  }
0x40: {  	_ =	shalt  }
0x41: {  	_ =	shalt  }
0x42: {  	_ =	shalt  }
0x43: {  	_ =	shalt  }
0x44: {  	_ =	shalt  }
0x45: {  	_ =	shalt  }
0x46: {  	_ =	shalt  }
0x47: {  	_ =	shalt  }
0x48: {  	_ =	shalt  }
0x49: {  	_ =	shalt  }
0x4a: {  	_ =	shalt  }
0x4b: {  	_ =	shalt  }
0x4c: {  	_ =	shalt  }
0x4d: {  	_ =	shalt  }
0x4e: {  	_ =	shalt  }
0x4f: {  	_ =	shalt  }
0x50: {  	_ =	shalt  }
0x51: {  	_ =	shalt  }
0x52: {  	_ =	shalt  }
0x53: {  	_ =	shalt  }
0x54: {  	_ =	shalt  }
0x55: {  	_ =	shalt  }
0x56: {  	_ =	shalt  }
0x57: {  	_ =	shalt  }
0x58: {  	_ =	shalt  }
0x59: {  	_ =	shalt  }
0x5a: {  	_ =	shalt  }
0x5b: {  	_ =	shalt  }
0x5c: {  	_ =	shalt  }
0x5d: {  	_ =	shalt  }
0x5e: {  	_ =	shalt  }
0x5f: {  	_ =	shalt  }
0x60: {  	_ =	shalt  }
0x61: {  	_ =	shalt  }
0x62: {  	_ =	shalt  }
0x63: {  	_ =	shalt  }
0x64: {  	_ =	shalt  }
0x65: {  	_ =	shalt  }
0x66: {  	_ =	shalt  }
0x67: {  	_ =	shalt  }
0x68: {  	_ =	shalt  }
0x69: {  	_ =	shalt  }
0x6a: {  	_ =	shalt  }
0x6b: {  	_ =	shalt  }
0x6c: {  	_ =	shalt  }
0x6d: {  	_ =	shalt  }
0x6e: {  	_ =	shalt  }
0x6f: {  	_ =	shalt  }
0x70: {  	_ =	shalt  }
0x71: {  	_ =	shalt  }
0x72: {  	_ =	shalt  }
0x73: {  	_ =	shalt  }
0x74: {  	_ =	shalt  }
0x75: {  	_ =	shalt  }
0x76: {  	_ =	shalt  }
0x77: {  	_ =	shalt  }
0x78: {  	_ =	shalt  }
0x79: {  	_ =	shalt  }
0x7a: {  	_ =	shalt  }
0x7b: {  	_ =	shalt  }
0x7c: {  	_ =	shalt  }
0x7d: {  	_ =	shalt  }
0x7e: {  	_ =	shalt  }
0x7f: {  	_ =	shalt  }
0x80: {  	_ =	shalt  }
0x81: {  	_ =	shalt  }
0x82: {  	_ =	shalt  }
0x83: {  	_ =	shalt  }
0x84: {  	_ =	shalt  }
0x85: {  	_ =	shalt  }
0x86: {  	_ =	shalt  }
0x87: {  	_ =	shalt  }
.Lfunc_end0:
.L_simem_size_0:
called_computation.2_lowered:
.L_overlay_start_0:
0x88: {  	s2 =	sld [smem:$0x3FD9]  }
0x89: {  	s3 =	sld [smem:$0x3FFE];
	_ =	sdelay $0x1  }
0x8a: {  	s1 =	srdreg.scid  }
0x8b: {  	s0 =	sand.u32 $0x1, s1  }
0x8c: {  	s17 =	sshll.u32 s0, $0xA;
	s2 =	sadd.s32 s3, s2  }
0x8d: {  	s2 =	sadd.s32 s2, s17  }
0x8e: {  	[smem:$0x3FC2] =	sst s2  }
0x8f: {  	_ = 	snop  }
0x90: {  	s2 =	sld [smem:$0x3FD0];
	(tm) =	ssettm $0x1  }
0x91: {  	s18 =	sld [smem:$0x3FFB];
	_ =	sdelay $0x3  }
0x92: {  	_ =	strace s18  }
0x93: {  	s3 =	sld [smem:$0x3FFC];
	_ =	sdelay $0x3  }
0x94: {  	_ =	strace s3  }
0x95: {  	s3 =	sld [smem:$0x3FFD];
	_ =	sdelay $0x3  }
0x96: {  	_ =	strace s3  }
0x97: {  	_ =	strace $0x8FFFFFFF  }
0x98: {  	s19 =	sld [smem:$0x3FDB];
	_ =	sdelay $0x1  }
0x99: {  	s4 =	simm.s32 $_scs_section_size  }
0x9a: {  	s5 =	simm.s32 $_size__tile_overlayer_lowered;
	s6 =	simm.s32 $_tile_overlayer_lowered  }
0x9b: {  	s22 =	simm.s32 $0x1BFF;
	s21 =	sshll.u32 s6, $0x1;
	s3 =	sadd.s32 s4, s19  }
0x9c: {  	s7 =	simm.s32 $0x0;
	s20 =	sshll.u32 s5, $0x1;
	s5 =	sadd.s32 s21, s3  }
0x9d: {  	[timem:s7], [sflag:s22] =	dma.local [hbm:s5], s20  }
0x9e: {  	_ =	swait.ge [sflag:s22], s20  }
0x9f: {  	s4 =	ssub.s32 $0x0, s20;
	[sflag:s22] =	ssyncset.done $0x0  }
0xa0: {  	[sflag:s22] =	ssyncadd.s32 s4;
	_ =	sdelay $0x1  }
0xa1: {  	s23 =	simm.s32 $0x1B8B  }
0xa2: {  	_ =	swait.ge [sflag:s23], $0x1  }
0xa3: {  	[sflag:s23] =	ssyncset.done $0x0  }
0xa4: {  	s25 =	simm.s32 $0x1B8E;
	s24 =	sld [smem:$0x3FFE];
	[sflag:s23] =	ssyncadd.s32 $0xFFFFFFFF  }
0xa5: {  	s26 =	simm.s32 $execute0_lowered;
	[smem:$0x3FD2] =	sst s25  }
0xa6: {  	s5 =	sshll.u32 s26, $0x1;
	_ =	strace $0x8000004C;
	[dreg:$0x1] =	wrdreg $0xFFFFFFFF  }
0xa7: {  	s28 =	simm.s32 $_size_execute0_lowered;
	s3 =	sadd.s32 s3, s5;
	[dreg:$0x0] =	wrdreg $0x0  }
0xa8: {  	s5 =	sshll.u32 s28, $0x1;
	[dreg:$0x2] =	wrdreg s3  }
0xa9: {  	[dreg:$0x3] =	wrdreg s5  }
0xaa: {  	[dreg:$0x4] =	wrdreg $0xC0  }
0xab: {  	_ =	task [dreg:s7], $0x5FFFF  }
0xac: {  	[dreg:$0x1] =	wrdreg $0xFFFFFFFF  }
0xad: {  	[dreg:$0x0] =	wrdreg $0x60  }
0xae: {  	[dreg:$0x2] =	wrdreg s2  }
0xaf: {  	[dreg:$0x3] =	wrdreg s24  }
0xb0: {  	[dreg:$0x4] =	wrdreg $0x0  }
0xb1: {  	[dreg:$0x5] =	wrdreg $0x9  }
0xb2: {  	_ =	task.clear_ibuf [dreg:s7], $0x6FFFF;
	_ =	strace $0x9000004C  }
0xb3: {  	s29 =	simm.s32 $0x9;
	_ =	strace $0x8000004E  }
0xb4: {  	_ =	swait.ge [sflag:s29], $0x1  }
0xb5: {  	[sflag:s29] =	ssyncadd.s32 $0xFFFFFFFF  }
0xb6: {  	_ =	strace $0x9000004E  }
0xb7: {  	_ =	sfence  }
0xb8: {  	s30 =	sld [smem:$0x0];
	_ =	sdelay $0x2  }
0xb9: {  	s31 =	sshll.u32 s1, $0xD;
	s1 =	sshrl.u32 s1, $0x2  }
0xba: {  	s3 =	sand.u32 $0x4000, s31;
	s1 =	sadd.s32 s1, s30  }
0xbb: {  	s0 =	sor.u32 s3, s0;
	s1 =	sshll.u32 s1, $0x11  }
0xbc: {  	s0 =	sor.u32 s1, s0  }
0xbd: {  	s0 =	sadd.s32 $0x8F2B, s0  }
0xbe: {  	[sflag:s0] =	ssyncadd.remote.s32 $0x1  }
0xbf: {  	_ =	sfence.sel $0xFFFF  }
0xc0: {  	[dreg:$0x0] =	wrdreg $0xFFFFFFFF;
	(pc) =	sbr.abs _section_cstart, $3  }
0xc1: {  	[dreg:$0x1] =	wrdreg $0xFFFFFFFF  }
0xc2: {  	_ =	task.clear_ibuf [dreg:s7], $0x2FFFF;
	_ =	strace $0x9FFFFFFF  }
0xc3: {  	(tm) =	ssettm $0x7FFFFFFF  }
tec
execute0_lowered:
.L_overlay_start_1:
0x0: {  	(tag) =	ssettag $0x1  }
0x1: {  	s1 =	rddreg [dreg:$0x0]  }
0x2: {  	s0 =	rddreg [dreg:$0x1]  }
0x3: {  	s2 =	rddreg [dreg:$0x2]  }
0x4: {  	s3 =	simm.s32 $0x0;
	s26 =	stileid.u32;
	s19 =	srdreg.scid  }
0x5: {  	s28 =	simm.s32 $0x1;
	s29 =	simm.s32 $0x3;
	s30 =	simm.s32 $0x2  }
0x6: {  	s31 =	simm.s32 $0x4;
	[smem:$0x7FF] =	sst s3;
	s4 =	smul.u32 $0x4E000, s26  }
0x7: {  	s6 =	sadd.s32 $0x2800, s0;
	s3 =	sand.u32 $0x1, s19;
	s20 =	smul.u32 $0x4E, s26  }
0x8: {  	s0 =	sadd.s32 $0x16200, s0;
	s10 =	sadd.s32 $0x138000, s2;
	s16 =	smul.u32 $0x13800, s26  }
0x9: {  	p0 =	sne.s32 s26, $0x0;
	p1 =	sgt.u32 s26, $0x1;
	_ =	strace $0x8000004D  }
0xa: {  	s7 =	ssub.s32 $0x2, s3;
	s12 =	smul.u32 $0x4E2, s3;
	s4 =	sshrl.u32 s4, $0x2  }
0xb: {  	s3 =	smul.u32 $0x138800, s3;
	s8 =	sshrl.u32 s7, $0x1;
	s5 =	sadd.s32 s4, s2  }
0xc: {  	s19 =	ssub.s32 s7, s8;
	s4 =	sadd.s32 s20, s12;
	s23 =	sadd.s32 s26, s12  }
0xd: {  	s24 =	sadd.s32 s16, s3;
	s3 =	sshrl.u32 s3, $0x3;
	s20 =	simm.s32 $0x13880  }
0xe: {  	s26 =	simm.s32 $0x17880;
	s21 =	sadd.s32 $0x4000, s5;
	s22 =	sadd.s32 $0x8000, s5  }
0xf: {  	s8 =	sadd.s32 $0xC000, s5;
	s9 =	sadd.s32 $0x10000, s5;
	s4 =	sshll.u32 s4, $0x4  }
0x10: {  	s25 =	sshrl.u32 s24, $0x3;
	s3 =	sadd.s32 s0, s3;
	[dreg:$0x4] =	wrdreg s21  }
0x11: {  	s19 =	smax.u32 s19, $0x1;
	s24 =	simm.s32 $0x80;
	[dreg:$0x5] =	wrdreg s22  }
0x12: {  	s11 =	sadd.s32 s6, s4;
	s4 =	sshll.u32 s23, $0x4;
	s17 =	sadd.s32 s0, s25  }
0x13: {  	s18 =	sadd.s32 $0x27000, s3;
	s21 =	simm.s32 $0x5;
	s22 =	simm.s32 $0x1B880  }
0x14: {  	s23 =	simm.s32 $0x1CC80;
	s25 =	simm.s32 $0x1B900;
	s12 =	sadd.s32 $0x9C40, s11  }
0x15: {  	s13 =	sadd.s32 $0x280, s11;
	s14 =	sadd.s32 $0x9EC0, s11;
	s4 =	sadd.s32 s6, s4  }
0x16: {  	v0 =	vimm.f32 $0.0e+00;
	s15 =	sadd.s32 $0x4E00, s4;
	s16 =	sadd.s32 $0xEA40, s4;
	s4 =	simm.s32 $0x0  }
.LBB2_1:
0x17: {  	s3 =	simm.s32 $0x0  }
0x18: {  	s0 =	sand.u32 $0xFE00, s3  }
0x19: {  	s3 =	sand.u32 $0x70, s3;
	s6 =	sshrl.u32 s0, $0x2  }
0x1a: {  	s0 =	simm.s32 $0x40;
	s6 =	sor.u32 s3, s6;
	s3 =	simm.s32 $0x0  }
.LBB2_2:
0x1b: {  	p2 =	sne.s32 s0, $0xFFC0  }
0x1c: {  	[tilespmem:s6+$0x13880] =	vst v0;
	s3 =	sadd.s32 $0x10, s3;
	s6 =	smov.u32 s0;
	s0 =	sadd.s32 $0x40, s0  }
.Ltmp0:
0x1d: {  	(pc) =	sbr.rel @p2 .LBB2_2-.Ltmp0, $4  }
0x1e: {  	_ = 	snop  }
0x1f: {  	s6 =	sand.u32 $0xFE00, s6  }
0x20: {  	s7 =	sand.u32 $0x70, s3;
	s6 =	sshrl.u32 s6, $0x2  }
0x21: {  	s6 =	sor.u32 s7, s6  }
0x22: {  	[tilespmem:s6+$0x13880] =	vst v0  }
0x23: {  	[spmem:s5] =	stream.linear.scatter [tilespmem:s20], [sflag:$0x5], $0x4000, $0x38;
	[tilespmem:$0x1E080] =	vst v63  }
0x24: {  	_ =	swait.ge [sflag:s21], $0x4000  }
0x25: {  	[sflag:s21] =	ssyncset.done $0x0  }
0x26: {  	s0 =	rddreg [dreg:$0x4];
	[sflag:s21] =	ssyncadd.s32 $0xFFFFC000  }
0x27: {  	[spmem:s0] =	stream.linear.scatter [tilespmem:s20], [sflag:$0x5], $0x4000, $0x38;
	[tilespmem:$0x1E080] =	vst v63  }
0x28: {  	_ =	swait.ge [sflag:s21], $0x4000  }
0x29: {  	[sflag:s21] =	ssyncset.done $0x0  }
0x2a: {  	s6 =	rddreg [dreg:$0x5];
	[sflag:s21] =	ssyncadd.s32 $0xFFFFC000  }
0x2b: {  	[spmem:s6] =	stream.linear.scatter [tilespmem:s20], [sflag:$0x5], $0x4000, $0x38;
	[tilespmem:$0x1E080] =	vst v63  }
0x2c: {  	_ =	swait.ge [sflag:s21], $0x4000  }
0x2d: {  	[sflag:s21] =	ssyncset.done $0x0  }
0x2e: {  	[sflag:s21] =	ssyncadd.s32 $0xFFFFC000  }
0x2f: {  	[spmem:s8] =	stream.linear.scatter [tilespmem:s20], [sflag:$0x5], $0x4000, $0x38;
	[tilespmem:$0x1E080] =	vst v63  }
0x30: {  	_ =	swait.ge [sflag:s21], $0x4000  }
0x31: {  	[sflag:s21] =	ssyncset.done $0x0  }
0x32: {  	[sflag:s21] =	ssyncadd.s32 $0xFFFFC000  }
0x33: {  	[spmem:s9] =	stream.linear.scatter [tilespmem:s20], [sflag:$0x5], $0x3800, $0x38;
	[tilespmem:$0x1E080] =	vst v63  }
0x34: {  	_ =	swait.ge [sflag:s21], $0x3800  }
0x35: {  	[sflag:s21] =	ssyncset.done $0x0  }
0x36: {  	s0 =	simm.s32 @!p0 $0x13880;
	[sflag:s21] =	ssyncadd.s32 $0xFFFFC800  }
0x37: {  	[spmem:s10] =	stream.linear.scatter @!p0 [tilespmem:s0], [sflag:$0x5], $0x800, $0x38;
	[tilespmem:$0x1E080] =	vst v63  }
0x38: {  	s0 =	simm.s32 @!p0 $0x5  }
0x39: {  	_ =	swait.ge @!p0 [sflag:s0], $0x800  }
0x3a: {  	[sflag:s0] =	ssyncset.done @!p0 $0x0  }
0x3b: {  	[sflag:s0] =	ssyncadd.s32 @!p0 $0xFFFFF800  }
0x3c: {  	s7 =	simm.s32 $0x0;
	[bflag:$0x0] =	sbarrier.arrive $0xFFFF  }
0x3d: {  	[tilespmem:s22], [sflag:$0x5] =	stream.linear.gather [hbm4b:s11+s7], $0x1400, $0x38;
	[tilespmem:$0x1E080] =	vst v63  }
0x3e: {  	_ =	swait.ge [sflag:s21], $0x1400  }
0x3f: {  	[sflag:s21] =	ssyncset.done $0x0  }
0x40: {  	[sflag:s21] =	ssyncadd.s32 $0xFFFFEC00  }
0x41: {  	[tilespmem:s23], [sflag:$0x5] =	stream.linear.gather [hbm4b:s12+s7], $0x1400, $0x38;
	[tilespmem:$0x1E080] =	vst v63  }
0x42: {  	_ =	swait.ge [sflag:s21], $0x1400  }
0x43: {  	[sflag:s21] =	ssyncset.done $0x0  }
0x44: {  	[sflag:s21] =	ssyncadd.s32 $0xFFFFEC00  }
0x45: {  	[tilespmem:s20], [sflag:$0x1] =	stream.indirect.gather [hbm4b:s1+s24], $0x80, s22, s24, $0xb8;
	[tilespmem:$0x1E080] =	vst v63  }
0x46: {  	_ = 	snop  }
0x47: {  	[tilespmem:s26], [sflag:$0x2] =	stream.indirect.gather [hbm4b:s1+s24], $0x80, s25, s24, $0xb8;
	[tilespmem:$0x1E080] =	vst v63  }
0x48: {  	_ =	swait.ge [sflag:s28], $0x4000  }
0x49: {  	[sflag:s28] =	ssyncset.done $0x0  }
0x4a: {  	s3 =	simm.s32 $0x1CC80;
	[sflag:s28] =	ssyncadd.s32 $0xFFFFC000  }
0x4b: {  	[spmem:s2] =	stream.indirect.scatter.add.f32 [tilespmem:s20], [sflag:$0x3], $0x80, s3, s24, $0xb8;
	[tilespmem:$0x1E080] =	vst v63  }
0x4c: {  	_ =	swait.ge [sflag:s29], $0x4000  }
0x4d: {  	[sflag:s29] =	ssyncset.done $0x0  }
0x4e: {  	s6 =	simm.s32 $0x1B980;
	[sflag:s29] =	ssyncadd.s32 $0xFFFFC000  }
0x4f: {  	[tilespmem:s20], [sflag:$0x1] =	stream.indirect.gather [hbm4b:s1+s24], $0x80, s6, s24, $0xb8;
	[tilespmem:$0x1E080] =	vst v63  }
0x50: {  	_ =	swait.ge [sflag:s30], $0x4000  }
0x51: {  	[sflag:s30] =	ssyncset.done $0x0  }
0x52: {  	s7 =	simm.s32 $0x1CD00;
	[sflag:s30] =	ssyncadd.s32 $0xFFFFC000  }
0x53: {  	[spmem:s2] =	stream.indirect.scatter.add.f32 [tilespmem:s26], [sflag:$0x4], $0x80, s7, s24, $0xb8;
	[tilespmem:$0x1E080] =	vst v63  }
0x54: {  	_ =	swait.ge [sflag:s31], $0x4000  }
0x55: {  	[sflag:s31] =	ssyncset.done $0x0  }
0x56: {  	s0 =	simm.s32 $0x400;
	s3 =	simm.s32 $0x1BA00;
	[sflag:s31] =	ssyncadd.s32 $0xFFFFC000  }
.LBB2_4:
0x57: {  	[tilespmem:s26], [sflag:$0x2] =	stream.indirect.gather [hbm4b:s1+s24], $0x80, s3, s24, $0xb8;
	[tilespmem:$0x1E080] =	vst v63  }
0x58: {  	s3 =	smov.u32 s0  }
0x59: {  	p2 =	sne.s32 s0, $0x4800;
	s0 =	sadd.s32 $0x400, s0;
	_ =	swait.ge [sflag:s28], $0x4000  }
0x5a: {  	s3 =	sshra.s32 s3, $0x2;
	[sflag:s28] =	ssyncset.done $0x0  }
0x5b: {  	s6 =	sadd.s32 $0x1CC80, s3;
	[sflag:s28] =	ssyncadd.s32 $0xFFFFC000  }
0x5c: {  	[spmem:s2] =	stream.indirect.scatter.add.f32 [tilespmem:s20], [sflag:$0x3], $0x80, s6, s24, $0xb8;
	[tilespmem:$0x1E080] =	vst v63  }
0x5d: {  	_ =	swait.ge [sflag:s29], $0x4000  }
0x5e: {  	[sflag:s29] =	ssyncset.done $0x0  }
0x5f: {  	s6 =	sadd.s32 $0x1B980, s3;
	[sflag:s29] =	ssyncadd.s32 $0xFFFFC000  }
0x60: {  	[tilespmem:s20], [sflag:$0x1] =	stream.indirect.gather [hbm4b:s1+s24], $0x80, s6, s24, $0xb8;
	[tilespmem:$0x1E080] =	vst v63  }
0x61: {  	_ =	swait.ge [sflag:s30], $0x4000  }
0x62: {  	[sflag:s30] =	ssyncset.done $0x0  }
.Ltmp1:
0x63: {  	s6 =	sadd.s32 $0x1CD00, s3;
	[sflag:s30] =	ssyncadd.s32 $0xFFFFC000;
	(pc) =	sbr.rel @p2 .LBB2_4-.Ltmp1, $4  }
0x64: {  	[spmem:s2] =	stream.indirect.scatter.add.f32 [tilespmem:s26], [sflag:$0x4], $0x80, s6, s24, $0xb8;
	[tilespmem:$0x1E080] =	vst v63  }
0x65: {  	_ =	swait.ge [sflag:s31], $0x4000  }
0x66: {  	[sflag:s31] =	ssyncset.done $0x0  }
0x67: {  	s3 =	sadd.s32 $0x1BA00, s3;
	[sflag:s31] =	ssyncadd.s32 $0xFFFFC000  }
0x68: {  	[tilespmem:s26], [sflag:$0x2] =	stream.indirect.gather [hbm4b:s1+s24], $0x80, s3, s24, $0xb8;
	[tilespmem:$0x1E080] =	vst v63  }
0x69: {  	_ =	swait.ge [sflag:s28], $0x4000  }
0x6a: {  	[sflag:s28] =	ssyncset.done $0x0  }
0x6b: {  	s0 =	simm.s32 $0x1DF80;
	[sflag:s28] =	ssyncadd.s32 $0xFFFFC000  }
0x6c: {  	[spmem:s2] =	stream.indirect.scatter.add.f32 [tilespmem:s20], [sflag:$0x3], $0x80, s0, s24, $0xb8;
	[tilespmem:$0x1E080] =	vst v63  }
0x6d: {  	_ =	swait.ge [sflag:s30], $0x4000  }
0x6e: {  	[sflag:s30] =	ssyncset.done $0x0  }
0x6f: {  	s6 =	simm.s32 $0x1E000;
	[sflag:s30] =	ssyncadd.s32 $0xFFFFC000  }
0x70: {  	[spmem:s2] =	stream.indirect.scatter.add.f32 [tilespmem:s26], [sflag:$0x4], $0x80, s6, s24, $0xb8;
	[tilespmem:$0x1E080] =	vst v63  }
0x71: {  	_ =	swait.ge [sflag:s29], $0x4000  }
0x72: {  	[sflag:s29] =	ssyncset.done $0x0  }
0x73: {  	[sflag:s29] =	ssyncadd.s32 $0xFFFFC000  }
0x74: {  	_ =	swait.ge [sflag:s31], $0x4000  }
0x75: {  	[sflag:s31] =	ssyncset.done $0x0  }
0x76: {  	s7 =	simm.s32 $0x0;
	[sflag:s31] =	ssyncadd.s32 $0xFFFFC000  }
0x77: {  	[tilespmem:s22], [sflag:$0x5] =	stream.linear.gather [hbm4b:s13+s7], $0x1300, $0x38;
	[tilespmem:$0x1E080] =	vst v63  }
0x78: {  	_ =	swait.ge [sflag:s21], $0x1300  }
0x79: {  	[sflag:s21] =	ssyncset.done $0x0  }
0x7a: {  	[sflag:s21] =	ssyncadd.s32 $0xFFFFED00  }
0x7b: {  	[tilespmem:s23], [sflag:$0x5] =	stream.linear.gather [hbm4b:s14+s7], $0x1300, $0x38;
	[tilespmem:$0x1E080] =	vst v63  }
0x7c: {  	_ =	swait.ge [sflag:s21], $0x1300  }
0x7d: {  	[sflag:s21] =	ssyncset.done $0x0  }
0x7e: {  	[sflag:s21] =	ssyncadd.s32 $0xFFFFED00  }
0x7f: {  	[tilespmem:s20], [sflag:$0x1] =	stream.indirect.gather [hbm4b:s1+s24], $0x80, s22, s24, $0xb8;
	[tilespmem:$0x1E080] =	vst v63  }
0x80: {  	_ = 	snop  }
0x81: {  	[tilespmem:s26], [sflag:$0x2] =	stream.indirect.gather [hbm4b:s1+s24], $0x80, s25, s24, $0xb8;
	[tilespmem:$0x1E080] =	vst v63  }
0x82: {  	_ =	swait.ge [sflag:s28], $0x4000  }
0x83: {  	[sflag:s28] =	ssyncset.done $0x0  }
0x84: {  	s3 =	simm.s32 $0x1CC80;
	[sflag:s28] =	ssyncadd.s32 $0xFFFFC000  }
0x85: {  	[spmem:s2] =	stream.indirect.scatter.add.f32 [tilespmem:s20], [sflag:$0x3], $0x80, s3, s24, $0xb8;
	[tilespmem:$0x1E080] =	vst v63  }
0x86: {  	_ =	swait.ge [sflag:s29], $0x4000  }
0x87: {  	[sflag:s29] =	ssyncset.done $0x0  }
0x88: {  	s6 =	simm.s32 $0x1B980;
	[sflag:s29] =	ssyncadd.s32 $0xFFFFC000  }
0x89: {  	[tilespmem:s20], [sflag:$0x1] =	stream.indirect.gather [hbm4b:s1+s24], $0x80, s6, s24, $0xb8;
	[tilespmem:$0x1E080] =	vst v63  }
0x8a: {  	_ =	swait.ge [sflag:s30], $0x4000  }
0x8b: {  	[sflag:s30] =	ssyncset.done $0x0  }
0x8c: {  	s7 =	simm.s32 $0x1CD00;
	[sflag:s30] =	ssyncadd.s32 $0xFFFFC000  }
0x8d: {  	[spmem:s2] =	stream.indirect.scatter.add.f32 [tilespmem:s26], [sflag:$0x4], $0x80, s7, s24, $0xb8;
	[tilespmem:$0x1E080] =	vst v63  }
0x8e: {  	_ =	swait.ge [sflag:s31], $0x4000  }
0x8f: {  	[sflag:s31] =	ssyncset.done $0x0  }
0x90: {  	s0 =	simm.s32 $0x400;
	s3 =	simm.s32 $0x1BA00;
	[sflag:s31] =	ssyncadd.s32 $0xFFFFC000  }
.LBB2_6:
0x91: {  	[tilespmem:s26], [sflag:$0x2] =	stream.indirect.gather [hbm4b:s1+s24], $0x80, s3, s24, $0xb8;
	[tilespmem:$0x1E080] =	vst v63  }
0x92: {  	s3 =	smov.u32 s0  }
0x93: {  	p2 =	sne.s32 s0, $0x4400;
	s0 =	sadd.s32 $0x400, s0;
	_ =	swait.ge [sflag:s28], $0x4000  }
0x94: {  	s3 =	sshra.s32 s3, $0x2;
	[sflag:s28] =	ssyncset.done $0x0  }
0x95: {  	s6 =	sadd.s32 $0x1CC80, s3;
	[sflag:s28] =	ssyncadd.s32 $0xFFFFC000  }
0x96: {  	[spmem:s2] =	stream.indirect.scatter.add.f32 [tilespmem:s20], [sflag:$0x3], $0x80, s6, s24, $0xb8;
	[tilespmem:$0x1E080] =	vst v63  }
0x97: {  	_ =	swait.ge [sflag:s29], $0x4000  }
0x98: {  	[sflag:s29] =	ssyncset.done $0x0  }
0x99: {  	s6 =	sadd.s32 $0x1B980, s3;
	[sflag:s29] =	ssyncadd.s32 $0xFFFFC000  }
0x9a: {  	[tilespmem:s20], [sflag:$0x1] =	stream.indirect.gather [hbm4b:s1+s24], $0x80, s6, s24, $0xb8;
	[tilespmem:$0x1E080] =	vst v63  }
0x9b: {  	_ =	swait.ge [sflag:s30], $0x4000  }
0x9c: {  	[sflag:s30] =	ssyncset.done $0x0  }
.Ltmp2:
0x9d: {  	s6 =	sadd.s32 $0x1CD00, s3;
	[sflag:s30] =	ssyncadd.s32 $0xFFFFC000;
	(pc) =	sbr.rel @p2 .LBB2_6-.Ltmp2, $4  }
0x9e: {  	[spmem:s2] =	stream.indirect.scatter.add.f32 [tilespmem:s26], [sflag:$0x4], $0x80, s6, s24, $0xb8;
	[tilespmem:$0x1E080] =	vst v63  }
0x9f: {  	_ =	swait.ge [sflag:s31], $0x4000  }
0xa0: {  	[sflag:s31] =	ssyncset.done $0x0  }
0xa1: {  	s3 =	sadd.s32 $0x1BA00, s3;
	[sflag:s31] =	ssyncadd.s32 $0xFFFFC000  }
0xa2: {  	[tilespmem:s26], [sflag:$0x2] =	stream.indirect.gather [hbm4b:s1+s24], $0x80, s3, s24, $0xb8;
	[tilespmem:$0x1E080] =	vst v63  }
0xa3: {  	_ =	swait.ge [sflag:s28], $0x4000  }
0xa4: {  	[sflag:s28] =	ssyncset.done $0x0  }
0xa5: {  	s0 =	simm.s32 $0x1DE80;
	[sflag:s28] =	ssyncadd.s32 $0xFFFFC000  }
0xa6: {  	[spmem:s2] =	stream.indirect.scatter.add.f32 [tilespmem:s20], [sflag:$0x3], $0x80, s0, s24, $0xb8;
	[tilespmem:$0x1E080] =	vst v63  }
0xa7: {  	_ =	swait.ge [sflag:s30], $0x4000  }
0xa8: {  	[sflag:s30] =	ssyncset.done $0x0  }
0xa9: {  	s3 =	simm.s32 $0x1DF00;
	[sflag:s30] =	ssyncadd.s32 $0xFFFFC000  }
0xaa: {  	[spmem:s2] =	stream.indirect.scatter.add.f32 [tilespmem:s26], [sflag:$0x4], $0x80, s3, s24, $0xb8;
	[tilespmem:$0x1E080] =	vst v63  }
0xab: {  	_ =	swait.ge [sflag:s29], $0x4000  }
0xac: {  	[sflag:s29] =	ssyncset.done $0x0  }
0xad: {  	[sflag:s29] =	ssyncadd.s32 $0xFFFFC000  }
0xae: {  	_ =	swait.ge [sflag:s31], $0x4000  }
0xaf: {  	s6 =	simm.s32 @!p1 $0x5;
	[sflag:s31] =	ssyncset.done $0x0  }
0xb0: {  	s0 =	simm.s32 @!p1 $0x0;
	s3 =	simm.s32 @!p1 $0x1B880;
	[sflag:s31] =	ssyncadd.s32 $0xFFFFC000  }
0xb1: {  	[tilespmem:s3], [sflag:$0x5] =	stream.linear.gather @!p1 [hbm4b:s15+s0], $0x80, $0x38;
	[tilespmem:$0x1E080] =	vst v63  }
0xb2: {  	_ =	swait.ge @!p1 [sflag:s6], $0x80  }
0xb3: {  	[sflag:s6] =	ssyncset.done @!p1 $0x0  }
0xb4: {  	s7 =	simm.s32 @!p1 $0x1CC80;
	[sflag:s6] =	ssyncadd.s32 @!p1 $0xFFFFFF80  }
0xb5: {  	[tilespmem:s7], [sflag:$0x5] =	stream.linear.gather @!p1 [hbm4b:s16+s0], $0x80, $0x38;
	[tilespmem:$0x1E080] =	vst v63  }
0xb6: {  	_ =	swait.ge @!p1 [sflag:s6], $0x80  }
0xb7: {  	[sflag:s6] =	ssyncset.done @!p1 $0x0  }
0xb8: {  	s0 =	simm.s32 @!p1 $0x80;
	[sflag:s6] =	ssyncadd.s32 @!p1 $0xFFFFFF80;
	s6 =	simm.s32 @!p1 $0x13880  }
0xb9: {  	[tilespmem:s6], [sflag:$0x1] =	stream.indirect.gather @!p1 [hbm4b:s1+s0], $0x80, s3, s0, $0xb8;
	[tilespmem:$0x1E080] =	vst v63  }
0xba: {  	s3 =	simm.s32 @!p1 $0x1  }
0xbb: {  	_ =	swait.ge @!p1 [sflag:s3], $0x4000  }
0xbc: {  	[sflag:s3] =	ssyncset.done @!p1 $0x0  }
0xbd: {  	[sflag:s3] =	ssyncadd.s32 @!p1 $0xFFFFC000  }
0xbe: {  	[spmem:s2] =	stream.indirect.scatter.add.f32 @!p1 [tilespmem:s6], [sflag:$0x3], $0x80, s7, s0, $0xb8;
	[tilespmem:$0x1E080] =	vst v63  }
0xbf: {  	s0 =	simm.s32 @!p1 $0x3  }
0xc0: {  	_ =	swait.ge @!p1 [sflag:s0], $0x4000  }
0xc1: {  	s6 =	stileid.u32;
	[sflag:s0] =	ssyncset.done @!p1 $0x0  }
0xc2: {  	[sflag:s0] =	ssyncadd.s32 @!p1 $0xFFFFC000;
	s0 =	sshll.u32 s6, $0x6  }
0xc3: {  	s7 =	sshrl.u32 s5, $0x3;
	[bflag:$0x0] =	sbarrier.arrive $0xFFFF;
	s0 =	sor.u32 $0x1C05, s0  }
0xc4: {  	[hbm:s17], [sflag:s0] =	dma.local [spmem:s7], $0x2700  }
0xc5: {  	_ =	swait.ge [sflag:s21], $0x2700  }
0xc6: {  	s4 =	sadd.s32 $0x1, s4;
	[sflag:s21] =	ssyncset.done $0x0  }
0xc7: {  	p2 =	sne.s32 s4, s19;
	s3 =	sshrl.u32 @!p0 s10, $0x3;
	[sflag:s21] =	ssyncadd.s32 $0xFFFFD900  }
0xc8: {  	[hbm:s18], [sflag:s0] =	dma.local @!p0 [spmem:s3], $0x100  }
.Ltmp3:
0xc9: {  	_ = 	snop;
	(pc) =	sbr.rel @p2 .LBB2_1-.Ltmp3, $4  }
0xca: {  	s0 =	simm.s32 @!p0 $0x5  }
0xcb: {  	_ =	swait.ge @!p0 [sflag:s0], $0x100  }
0xcc: {  	[sflag:s0] =	ssyncset.done @!p0 $0x0  }
0xcd: {  	[sflag:s0] =	ssyncadd.s32 @!p0 $0xFFFFFF00  }
0xce: {  	_ =	sfence.sel $0x180000  }
0xcf: {  	[bflag:$0x0] =	sbarrier.arrive $0xFFFF  }
0xd0: {  	_ =	strace $0x9000004D  }
0xd1: {  	[bflag:$0x2] =	sbarrier.arrive $0xFFFF  }
0xd2: {  	s0 =	rddreg [dreg:$0x3]  }
0xd3: {  	s0 =	sadd.s32 @!p0 $0x100000, s0  }
0xd4: {  	[sflag:s0] =	ssyncadd.tile.s32 @!p0 $0x1;
	_ =	shalt  }
.Lfunc_end2:
_tile_overlayer_lowered:
.L_overlay_start_2:
0xd5: {  	(tag) =	ssettag $0x2  }
0xd6: {  	s0 =	rddreg [dreg:$0x0];
	s2 =	stileid.u32  }
0xd7: {  	s1 =	rddreg [dreg:$0x1];
	p0 =	sne.s32 s2, $0x0  }
0xd8: {  	s3 =	rddreg [dreg:$0x2];
	[bflag:$0x3] =	sbarrier.arrive $0xFFFF;
	s2 =	simm.s32 @!p0 $0x1C05  }
0xd9: {  	[timem:s3], [sflag:s2] =	dma.local @!p0 [hbm:s0], s1  }
0xda: {  	s0 =	simm.s32 @!p0 $0x5  }
0xdb: {  	_ =	swait.ge @!p0 [sflag:s0], s1  }
0xdc: {  	s1 =	ssub.s32 @!p0 $0x0, s1;
	[sflag:s0] =	ssyncset.done @!p0 $0x0  }
0xdd: {  	[sflag:s0] =	ssyncadd.s32 @!p0 s1  }
0xde: {  	[bflag:$0x3] =	sbarrier.arrive $0xFFFF  }
0xdf: {  	_ =	shalt  }

// kernel: kernel.8.cloned.1.call-start
scs
__scs_entry_jumppad:
0x0: {  	(pc) =	sbr.rel $0x88, $3  }
0x1: {  	(tag) =	ssettag $0x0;
	lr =	simm.s32 $0x1  }
0x2: {  	[smem:$0x3F9B] =	sst lr;
	_ =	strace $0xD0000000  }
0x3: {  	_ = 	snop  }
0x4: {  	_ = 	snop  }
0x5: {  	_ = 	snop  }
0x6: {  	_ = 	snop  }
0x7: {  	_ = 	snop  }
__scs_overlays_trampoline_lowered:
0x8: {  	[smem:$0x3FAA] =	sst s0  }
0x9: {  	[smem:$0x3FAB] =	sst s1  }
0xa: {  	[smem:$0x3FAC] =	sst s2  }
0xb: {  	[smem:$0x3FAD] =	sst s3  }
0xc: {  	[smem:$0x3FAE] =	sst s4  }
0xd: {  	[smem:$0x3FAF] =	sst s5  }
0xe: {  	[smem:$0x3FB0] =	sst s6  }
0xf: {  	[smem:$0x3FB1] =	sst s7  }
0x10: {  	[smem:$0x3FB2] =	sst s8  }
0x11: {  	[smem:$0x3FB3] =	sst s9;
	s0 =	simm.s32 @!p0 $0x0  }
0x12: {  	s1 =	sld [smem:$0x3F99];
	s0 =	simm.s32 @p0 $0x1  }
0x13: {  	[smem:$0x3FB4] =	sst s0;
	s0 =	simm.s32 @!p1 $0x0  }
0x14: {  	s2 =	sld [smem:$0x3F98];
	s0 =	simm.s32 @p1 $0x1  }
0x15: {  	[smem:$0x3FB5] =	sst s0;
	s0 =	simm.s32 @!p2 $0x0  }
0x16: {  	s3 =	sld [smem:$0x3FDB];
	s0 =	simm.s32 @p2 $0x1  }
0x17: {  	s4 =	simm.s32 $0x1BF5;
	[smem:$0x3FB7] =	sst s0  }
0x18: {  	s0 =	sld [smem:$0x3F9A];
	_ =	swait.ge [sflag:s4], $0x0  }
0x19: {  	s7 =	sld [smem:$0x3F9B]  }
0x1a: {  	s8 =	sadd.s32 $0xFFFFE003, lr  }
0x1b: {  	s9 =	sadd.s32 $0xFFFFFEF7, lr;
	s5 =	simm.s32 $0xFFFFFFFF;
	p2 =	slt.u32 s8, $0xFFFFF086  }
0x1c: {  	p1 =	slt.u32 s9, $0xF7A;
	s5 =	simm.s32 @!p2 $0x0  }
0x1d: {  	s5 =	simm.s32 @p1 $0x1;
	p0 =	seq.s32 s7, s2  }
0x1e: {  	s7 =	smul.u32 @!p0 $0xF7A, s2;
	p2 =	seq.s32 @!p0 s5, $0x0  }
0x1f: {  	s9 =	smul.u32 $0xF7A, s1;
	s8 =	simm.s32 @!p0 $0x1BF5;
	p2 =	por !p2, p0  }
0x20: {  	[sflag:s8] =	ssyncset.s32 @!p0 $0xFFFFF086;
	s6 =	sadd.s32 @!p0 s3, s7;
	s7 =	simm.s32 @!p0 $0x108  }
0x21: {  	s3 =	sadd.s32 s3, s9;
	s6 =	sadd.s32 @!p0 $0x88, s6;
	s7 =	simm.s32 @p2 $0x1082  }
0x22: {  	[simem:s7], [sflag:s8] =	dma.local @!p0 [hbm:s6], $0xF7A  }
0x23: {  	s9 =	sor.u32 $0xD0000000, s2;
	s6 =	simm.s32 $0x108;
	_ =	swait.ge @!p0 [sflag:s8], $0x0  }
0x24: {  	s3 =	sadd.s32 $0x88, s3;
	s6 =	simm.s32 @!p1 $0x1082;
	[sflag:s4] =	ssyncset.s32 $0xFFFFF086  }
0x25: {  	[simem:s6], [sflag:s4] =	dma.local [hbm:s3], $0xF7A  }
0x26: {  	[smem:$0x3F9B] =	sst s1;
	(tag) =	ssettag s2;
	_ =	strace s9  }
0x27: {  	s1 =	sld [smem:$0x3FAB]  }
0x28: {  	s2 =	sld [smem:$0x3FAC]  }
0x29: {  	s4 =	sld [smem:$0x3FAE]  }
0x2a: {  	p0 =	seq.s32 s5, $0x0;
	s5 =	sld [smem:$0x3FAF]  }
0x2b: {  	s6 =	sld [smem:$0x3FB0]  }
0x2c: {  	s7 =	sld [smem:$0x3FB1]  }
0x2d: {  	s3 =	simm.s32 $0x108;
	s8 =	sld [smem:$0x3FB2]  }
0x2e: {  	s3 =	simm.s32 @!p0 $0x1082;
	s9 =	sld [smem:$0x3FB3]  }
0x2f: {  	lr =	sadd.s32 s0, s3;
	s0 =	sld [smem:$0x3FAA]  }
0x30: {  	s3 =	sld [smem:$0x3FAD]  }
0x31: {  	[smem:$0x3FB6] =	sst s10  }
0x32: {  	s10 =	sld [smem:$0x3FB4];
	_ =	sdelay $0x3  }
0x33: {  	p0 =	seq.s32 s10, $0x1;
	s10 =	sld [smem:$0x3FB6];
	_ =	sdelay $0x3  }
0x34: {  	[smem:$0x3FB6] =	sst s10  }
0x35: {  	s10 =	sld [smem:$0x3FB5];
	_ =	sdelay $0x3  }
0x36: {  	p1 =	seq.s32 s10, $0x1;
	s10 =	sld [smem:$0x3FB6];
	_ =	sdelay $0x3  }
0x37: {  	[smem:$0x3FB6] =	sst s10  }
0x38: {  	s10 =	sld [smem:$0x3FB7]  }
0x39: {  	_ = 	snop;
	(pc) =	sbr.ind lr, $3  }
0x3a: {  	_ = 	snop  }
0x3b: {  	_ = 	snop  }
0x3c: {  	p2 =	seq.s32 s10, $0x1;
	s10 =	sld [smem:$0x3FB6]  }
0x3d: {  	_ =	shalt  }
0x3e: {  	_ =	shalt  }
0x3f: {  	_ =	shalt  }
0x40: {  	_ =	shalt  }
0x41: {  	_ =	shalt  }
0x42: {  	_ =	shalt  }
0x43: {  	_ =	shalt  }
0x44: {  	_ =	shalt  }
0x45: {  	_ =	shalt  }
0x46: {  	_ =	shalt  }
0x47: {  	_ =	shalt  }
0x48: {  	_ =	shalt  }
0x49: {  	_ =	shalt  }
0x4a: {  	_ =	shalt  }
0x4b: {  	_ =	shalt  }
0x4c: {  	_ =	shalt  }
0x4d: {  	_ =	shalt  }
0x4e: {  	_ =	shalt  }
0x4f: {  	_ =	shalt  }
0x50: {  	_ =	shalt  }
0x51: {  	_ =	shalt  }
0x52: {  	_ =	shalt  }
0x53: {  	_ =	shalt  }
0x54: {  	_ =	shalt  }
0x55: {  	_ =	shalt  }
0x56: {  	_ =	shalt  }
0x57: {  	_ =	shalt  }
0x58: {  	_ =	shalt  }
0x59: {  	_ =	shalt  }
0x5a: {  	_ =	shalt  }
0x5b: {  	_ =	shalt  }
0x5c: {  	_ =	shalt  }
0x5d: {  	_ =	shalt  }
0x5e: {  	_ =	shalt  }
0x5f: {  	_ =	shalt  }
0x60: {  	_ =	shalt  }
0x61: {  	_ =	shalt  }
0x62: {  	_ =	shalt  }
0x63: {  	_ =	shalt  }
0x64: {  	_ =	shalt  }
0x65: {  	_ =	shalt  }
0x66: {  	_ =	shalt  }
0x67: {  	_ =	shalt  }
0x68: {  	_ =	shalt  }
0x69: {  	_ =	shalt  }
0x6a: {  	_ =	shalt  }
0x6b: {  	_ =	shalt  }
0x6c: {  	_ =	shalt  }
0x6d: {  	_ =	shalt  }
0x6e: {  	_ =	shalt  }
0x6f: {  	_ =	shalt  }
0x70: {  	_ =	shalt  }
0x71: {  	_ =	shalt  }
0x72: {  	_ =	shalt  }
0x73: {  	_ =	shalt  }
0x74: {  	_ =	shalt  }
0x75: {  	_ =	shalt  }
0x76: {  	_ =	shalt  }
0x77: {  	_ =	shalt  }
0x78: {  	_ =	shalt  }
0x79: {  	_ =	shalt  }
0x7a: {  	_ =	shalt  }
0x7b: {  	_ =	shalt  }
0x7c: {  	_ =	shalt  }
0x7d: {  	_ =	shalt  }
0x7e: {  	_ =	shalt  }
0x7f: {  	_ =	shalt  }
0x80: {  	_ =	shalt  }
0x81: {  	_ =	shalt  }
0x82: {  	_ =	shalt  }
0x83: {  	_ =	shalt  }
0x84: {  	_ =	shalt  }
0x85: {  	_ =	shalt  }
0x86: {  	_ =	shalt  }
0x87: {  	_ =	shalt  }
.Lfunc_end0:
.L_simem_size_0:
called_computation_lowered:
.L_overlay_start_0:
0x88: {  	s2 =	sld [smem:$0x3FD9]  }
0x89: {  	s3 =	sld [smem:$0x3FFE];
	_ =	sdelay $0x1  }
0x8a: {  	s1 =	srdreg.scid  }
0x8b: {  	s0 =	sand.u32 $0x1, s1  }
0x8c: {  	s16 =	sshll.u32 s0, $0xA;
	s2 =	sadd.s32 s3, s2  }
0x8d: {  	s2 =	sadd.s32 s2, s16  }
0x8e: {  	[smem:$0x3FC2] =	sst s2  }
0x8f: {  	_ = 	snop  }
0x90: {  	(tm) =	ssettm $0x1  }
0x91: {  	s17 =	sld [smem:$0x3FFB];
	_ =	sdelay $0x3  }
0x92: {  	_ =	strace s17  }
0x93: {  	s2 =	sld [smem:$0x3FFC];
	_ =	sdelay $0x3  }
0x94: {  	_ =	strace s2  }
0x95: {  	s2 =	sld [smem:$0x3FFD];
	_ =	sdelay $0x3  }
0x96: {  	_ =	strace s2  }
0x97: {  	_ =	strace $0x8FFFFFFF  }
0x98: {  	s18 =	sld [smem:$0x3FDB];
	_ =	sdelay $0x1  }
0x99: {  	s19 =	simm.s32 $_scs_section_size  }
0x9a: {  	s4 =	simm.s32 $_size__tile_overlayer_lowered;
	s5 =	simm.s32 $_tile_overlayer_lowered  }
0x9b: {  	s22 =	simm.s32 $0x1BFF;
	s21 =	sshll.u32 s5, $0x1;
	s2 =	sadd.s32 s19, s18  }
0x9c: {  	s6 =	simm.s32 $0x0;
	s20 =	sshll.u32 s4, $0x1;
	s4 =	sadd.s32 s21, s2  }
0x9d: {  	[timem:s6], [sflag:s22] =	dma.local [hbm:s4], s20  }
0x9e: {  	_ =	swait.ge [sflag:s22], s20  }
0x9f: {  	s3 =	ssub.s32 $0x0, s20;
	[sflag:s22] =	ssyncset.done $0x0  }
0xa0: {  	[sflag:s22] =	ssyncadd.s32 s3;
	_ =	sdelay $0x1  }
0xa1: {  	s23 =	simm.s32 $0x1B8B  }
0xa2: {  	_ =	swait.ge [sflag:s23], $0x1  }
0xa3: {  	[sflag:s23] =	ssyncset.done $0x0  }
0xa4: {  	s25 =	simm.s32 $0x1B8E;
	s24 =	sld [smem:$0x3FFE];
	[sflag:s23] =	ssyncadd.s32 $0xFFFFFFFF  }
0xa5: {  	s26 =	simm.s32 $execute0_lowered;
	[smem:$0x3FD2] =	sst s25  }
0xa6: {  	s4 =	sshll.u32 s26, $0x1;
	_ =	strace $0x80000046;
	[dreg:$0x1] =	wrdreg $0xFFFFFFFF  }
0xa7: {  	s28 =	simm.s32 $_size_execute0_lowered;
	s2 =	sadd.s32 s2, s4;
	[dreg:$0x0] =	wrdreg $0x0  }
0xa8: {  	s4 =	sshll.u32 s28, $0x1;
	[dreg:$0x2] =	wrdreg s2  }
0xa9: {  	[dreg:$0x3] =	wrdreg s4  }
0xaa: {  	[dreg:$0x4] =	wrdreg $0xC0  }
0xab: {  	_ =	task [dreg:s6], $0x5FFFF  }
0xac: {  	[dreg:$0x1] =	wrdreg $0xFFFFFFFF  }
0xad: {  	[dreg:$0x0] =	wrdreg $0x60  }
0xae: {  	[dreg:$0x2] =	wrdreg s24  }
0xaf: {  	[dreg:$0x3] =	wrdreg $0x0  }
0xb0: {  	[dreg:$0x4] =	wrdreg $0x9  }
0xb1: {  	_ =	task.clear_ibuf [dreg:s6], $0x5FFFF;
	_ =	strace $0x90000046  }
0xb2: {  	s29 =	simm.s32 $0x9;
	_ =	strace $0x80000048  }
0xb3: {  	_ =	swait.ge [sflag:s29], $0x1  }
0xb4: {  	[sflag:s29] =	ssyncadd.s32 $0xFFFFFFFF  }
0xb5: {  	_ =	strace $0x90000048  }
0xb6: {  	_ =	sfence  }
0xb7: {  	s30 =	sld [smem:$0x0];
	_ =	sdelay $0x2  }
0xb8: {  	s31 =	sshll.u32 s1, $0xD;
	s1 =	sshrl.u32 s1, $0x2  }
0xb9: {  	s3 =	sand.u32 $0x4000, s31;
	s1 =	sadd.s32 s1, s30  }
0xba: {  	s0 =	sor.u32 s3, s0;
	s1 =	sshll.u32 s1, $0x11  }
0xbb: {  	s0 =	sor.u32 s1, s0  }
0xbc: {  	s0 =	sadd.s32 $0x8F2B, s0  }
0xbd: {  	[sflag:s0] =	ssyncadd.remote.s32 $0x1  }
0xbe: {  	_ =	sfence.sel $0xFFFF  }
0xbf: {  	[dreg:$0x0] =	wrdreg $0xFFFFFFFF;
	(pc) =	sbr.abs _section_cstart, $3  }
0xc0: {  	[dreg:$0x1] =	wrdreg $0xFFFFFFFF  }
0xc1: {  	_ =	task.clear_ibuf [dreg:s6], $0x2FFFF;
	_ =	strace $0x9FFFFFFF  }
0xc2: {  	(tm) =	ssettm $0x7FFFFFFF  }
0xc3: {  	_ =	shalt  }
tec
execute0_lowered:
.L_overlay_start_1:
0x0: {  	(tag) =	ssettag $0x1  }
0x1: {  	s9 =	rddreg [dreg:$0x0]  }
0x2: {  	s1 =	rddreg [dreg:$0x1]  }
0x3: {  	s0 =	rddreg [dreg:$0x2]  }
0x4: {  	s2 =	simm.s32 $0x0;
	s4 =	srdreg.scid;
	s3 =	stileid.u32  }
0x5: {  	s17 =	simm.s32 $0x17880;
	s18 =	simm.s32 $0x80;
	s19 =	simm.s32 $0x17900  }
0x6: {  	s20 =	simm.s32 $0x17980;
	s21 =	simm.s32 $0x17A00;
	s22 =	simm.s32 $0x17A80  }
0x7: {  	s23 =	simm.s32 $0x17B00;
	s24 =	simm.s32 $0x1;
	s25 =	simm.s32 $0x2  }
0x8: {  	s26 =	simm.s32 $0x0;
	[smem:$0x7FF] =	sst s2;
	s28 =	smul.u32 $0x4E000, s3  }
0x9: {  	s10 =	sand.u32 $0x1, s4;
	s12 =	sadd.s32 $0x16200, s9;
	s13 =	smul.u32 $0x4E, s3  }
0xa: {  	s30 =	sadd.s32 $0xC440, s9;
	s16 =	smul.u32 $0x13800, s3;
	s9 =	sadd.s32 $0x138000, s1  }
0xb: {  	p0 =	sne.s32 s3, $0x0;
	p1 =	sgt.u32 s3, $0x1;
	s5 =	ssub.s32 $0x2, s10  }
0xc: {  	_ =	strace $0x80000047;
	s11 =	smul.u32 $0x4E2, s10;
	s6 =	sshrl.u32 s5, $0x1  }
0xd: {  	s15 =	smul.u32 $0x138800, s10;
	s4 =	sshrl.u32 s28, $0x2;
	s14 =	ssub.s32 s5, s6  }
0xe: {  	s4 =	sadd.s32 s4, s1;
	s13 =	sadd.s32 s13, s11;
	s11 =	sadd.s32 s3, s11  }
0xf: {  	s16 =	sadd.s32 s16, s15;
	s15 =	sshrl.u32 s15, $0x3;
	s5 =	sadd.s32 $0x4000, s4  }
0x10: {  	s6 =	sadd.s32 $0x8000, s4;
	s7 =	sadd.s32 $0xC000, s4;
	s8 =	sadd.s32 $0x10000, s4  }
0x11: {  	s29 =	sshll.u32 s13, $0x4;
	s11 =	sshll.u32 s11, $0x4;
	s31 =	sshrl.u32 s16, $0x3  }
0x12: {  	s15 =	sadd.s32 s12, s15;
	s14 =	smax.u32 s14, $0x1;
	s16 =	simm.s32 $0x3  }
0x13: {  	s10 =	sadd.s32 s29, s30;
	s11 =	sadd.s32 s30, s11;
	s12 =	sadd.s32 s12, s31  }
0x14: {  	v0 =	vimm.f32 $0.0e+00;
	v1 =	vimm.f32 $1.000000000e+00;
	s13 =	sadd.s32 $0x27000, s15;
	s15 =	simm.s32 $0x13880;
	s11 =	sadd.s32 $0x4E00, s11  }
.LBB2_1:
0x15: {  	s28 =	sand.u32 $0xFE00, s2  }
0x16: {  	s29 =	sand.u32 $0x70, s2;
	s30 =	sshrl.u32 s28, $0x2  }
0x17: {  	s28 =	simm.s32 $0x40;
	s30 =	sor.u32 s29, s30;
	s29 =	simm.s32 $0x0  }
.LBB2_2:
0x18: {  	p2 =	sne.s32 s28, $0xFFC0  }
0x19: {  	[tilespmem:s30+$0x13880] =	vst v0;
	s29 =	sadd.s32 $0x10, s29;
	s30 =	smov.u32 s28;
	s28 =	sadd.s32 $0x40, s28  }
.Ltmp0:
0x1a: {  	(pc) =	sbr.rel @p2 .LBB2_2-.Ltmp0, $4  }
0x1b: {  	_ = 	snop  }
0x1c: {  	s30 =	sand.u32 $0xFE00, s30  }
0x1d: {  	s31 =	sand.u32 $0x70, s29;
	s30 =	sshrl.u32 s30, $0x2  }
0x1e: {  	s30 =	sor.u32 s31, s30  }
0x1f: {  	[tilespmem:s30+$0x13880] =	vst v0  }
0x20: {  	[spmem:s4] =	stream.linear.scatter [tilespmem:s15], [sflag:$0x3], $0x4000, $0x38;
	[tilespmem:$0x1A080] =	vst v63  }
0x21: {  	_ =	swait.ge [sflag:s16], $0x4000  }
0x22: {  	[sflag:s16] =	ssyncset.done $0x0  }
0x23: {  	[sflag:s16] =	ssyncadd.s32 $0xFFFFC000  }
0x24: {  	[spmem:s5] =	stream.linear.scatter [tilespmem:s15], [sflag:$0x3], $0x4000, $0x38;
	[tilespmem:$0x1A080] =	vst v63  }
0x25: {  	_ =	swait.ge [sflag:s16], $0x4000  }
0x26: {  	[sflag:s16] =	ssyncset.done $0x0  }
0x27: {  	[sflag:s16] =	ssyncadd.s32 $0xFFFFC000  }
0x28: {  	[spmem:s6] =	stream.linear.scatter [tilespmem:s15], [sflag:$0x3], $0x4000, $0x38;
	[tilespmem:$0x1A080] =	vst v63  }
0x29: {  	_ =	swait.ge [sflag:s16], $0x4000  }
0x2a: {  	[sflag:s16] =	ssyncset.done $0x0  }
0x2b: {  	[sflag:s16] =	ssyncadd.s32 $0xFFFFC000  }
0x2c: {  	[spmem:s7] =	stream.linear.scatter [tilespmem:s15], [sflag:$0x3], $0x4000, $0x38;
	[tilespmem:$0x1A080] =	vst v63  }
0x2d: {  	_ =	swait.ge [sflag:s16], $0x4000  }
0x2e: {  	[sflag:s16] =	ssyncset.done $0x0  }
0x2f: {  	[sflag:s16] =	ssyncadd.s32 $0xFFFFC000  }
0x30: {  	[spmem:s8] =	stream.linear.scatter [tilespmem:s15], [sflag:$0x3], $0x3800, $0x38;
	[tilespmem:$0x1A080] =	vst v63  }
0x31: {  	_ =	swait.ge [sflag:s16], $0x3800  }
0x32: {  	[sflag:s16] =	ssyncset.done $0x0  }
0x33: {  	s28 =	simm.s32 @!p0 $0x13880;
	[sflag:s16] =	ssyncadd.s32 $0xFFFFC800  }
0x34: {  	[spmem:s9] =	stream.linear.scatter @!p0 [tilespmem:s28], [sflag:$0x3], $0x800, $0x38;
	[tilespmem:$0x1A080] =	vst v63  }
0x35: {  	s29 =	simm.s32 @!p0 $0x3;
	s28 =	simm.s32 $0x0  }
0x36: {  	_ =	swait.ge @!p0 [sflag:s29], $0x800;
	s30 =	sand.u32 $0xFE00, s28  }
0x37: {  	s31 =	sand.u32 $0x70, s28;
	[sflag:s29] =	ssyncset.done @!p0 $0x0;
	s30 =	sshrl.u32 s30, $0x2  }
0x38: {  	[sflag:s29] =	ssyncadd.s32 @!p0 $0xFFFFF800;
	s29 =	simm.s32 $0x40;
	s30 =	sor.u32 s31, s30  }
.LBB2_4:
0x39: {  	p2 =	sne.s32 s29, $0xFFC0  }
0x3a: {  	[tilespmem:s30+$0x13880] =	vst v1;
	s28 =	sadd.s32 $0x10, s28;
	s30 =	smov.u32 s29;
	s29 =	sadd.s32 $0x40, s29  }
.Ltmp1:
0x3b: {  	(pc) =	sbr.rel @p2 .LBB2_4-.Ltmp1, $4  }
0x3c: {  	_ = 	snop  }
0x3d: {  	s30 =	sand.u32 $0xFE00, s30  }
0x3e: {  	s31 =	sand.u32 $0x70, s28;
	s30 =	sshrl.u32 s30, $0x2  }
0x3f: {  	s30 =	sor.u32 s31, s30  }
0x40: {  	[tilespmem:s30+$0x13880] =	vst v1  }
0x41: {  	[tilespmem:s17], [sflag:$0x3] =	stream.linear.gather [hbm4b:s10+s2], $0x2700, $0x38;
	[tilespmem:$0x1A080] =	vst v63  }
0x42: {  	_ =	swait.ge [sflag:s16], $0x2700  }
0x43: {  	[sflag:s16] =	ssyncset.done $0x0  }
0x44: {  	s28 =	simm.s32 @!p1 $0x0;
	s29 =	simm.s32 @!p1 $0x19F80;
	[sflag:s16] =	ssyncadd.s32 $0xFFFFD900  }
0x45: {  	[tilespmem:s29], [sflag:$0x3] =	stream.linear.gather @!p1 [hbm4b:s11+s28], $0x80, $0x38;
	[tilespmem:$0x1A080] =	vst v63  }
0x46: {  	s28 =	simm.s32 @!p1 $0x3  }
0x47: {  	_ =	swait.ge @!p1 [sflag:s28], $0x80  }
0x48: {  	[sflag:s28] =	ssyncset.done @!p1 $0x0  }
0x49: {  	[sflag:s28] =	ssyncadd.s32 @!p1 $0xFFFFFF80  }
0x4a: {  	[bflag:$0x0] =	sbarrier.arrive $0xFFFF  }
0x4b: {  	[spmem:s1] =	stream.indirect.scatter.add.f32 [tilespmem:s15], [sflag:$0x1], $0x80, s17, s18, $0xb8;
	[tilespmem:$0x1A080] =	vst v63  }
0x4c: {  	_ = 	snop  }
0x4d: {  	[spmem:s1] =	stream.indirect.scatter.add.f32 [tilespmem:s15], [sflag:$0x1], $0x80, s19, s18, $0xb8;
	[tilespmem:$0x1A080] =	vst v63  }
0x4e: {  	_ = 	snop  }
0x4f: {  	[spmem:s1] =	stream.indirect.scatter.add.f32 [tilespmem:s15], [sflag:$0x1], $0x80, s20, s18, $0xb8;
	[tilespmem:$0x1A080] =	vst v63  }
0x50: {  	_ = 	snop  }
0x51: {  	[spmem:s1] =	stream.indirect.scatter.add.f32 [tilespmem:s15], [sflag:$0x2], $0x80, s21, s18, $0xb8;
	[tilespmem:$0x1A080] =	vst v63  }
0x52: {  	_ = 	snop  }
0x53: {  	[spmem:s1] =	stream.indirect.scatter.add.f32 [tilespmem:s15], [sflag:$0x2], $0x80, s22, s18, $0xb8;
	[tilespmem:$0x1A080] =	vst v63  }
0x54: {  	_ = 	snop  }
0x55: {  	[spmem:s1] =	stream.indirect.scatter.add.f32 [tilespmem:s15], [sflag:$0x2], $0x80, s23, s18, $0xb8;
	[tilespmem:$0x1A080] =	vst v63  }
0x56: {  	_ =	swait.ge [sflag:s24], $0x4000  }
0x57: {  	[sflag:s24] =	ssyncset.done $0x0  }
0x58: {  	[sflag:s24] =	ssyncadd.s32 $0xFFFFC000  }
0x59: {  	_ =	swait.ge [sflag:s24], $0x4000  }
0x5a: {  	[sflag:s24] =	ssyncset.done $0x0  }
0x5b: {  	[sflag:s24] =	ssyncadd.s32 $0xFFFFC000  }
0x5c: {  	_ =	swait.ge [sflag:s24], $0x4000  }
0x5d: {  	[sflag:s24] =	ssyncset.done $0x0  }
0x5e: {  	s28 =	simm.s32 $0x17B80;
	[sflag:s24] =	ssyncadd.s32 $0xFFFFC000  }
0x5f: {  	[spmem:s1] =	stream.indirect.scatter.add.f32 [tilespmem:s15], [sflag:$0x1], $0x80, s28, s18, $0xb8;
	[tilespmem:$0x1A080] =	vst v63  }
0x60: {  	s28 =	simm.s32 $0x17C00  }
0x61: {  	[spmem:s1] =	stream.indirect.scatter.add.f32 [tilespmem:s15], [sflag:$0x1], $0x80, s28, s18, $0xb8;
	[tilespmem:$0x1A080] =	vst v63  }
0x62: {  	s28 =	simm.s32 $0x17C80  }
0x63: {  	[spmem:s1] =	stream.indirect.scatter.add.f32 [tilespmem:s15], [sflag:$0x1], $0x80, s28, s18, $0xb8;
	[tilespmem:$0x1A080] =	vst v63  }
0x64: {  	_ =	swait.ge [sflag:s25], $0x4000  }
0x65: {  	[sflag:s25] =	ssyncset.done $0x0  }
0x66: {  	[sflag:s25] =	ssyncadd.s32 $0xFFFFC000  }
0x67: {  	_ =	swait.ge [sflag:s25], $0x4000  }
0x68: {  	[sflag:s25] =	ssyncset.done $0x0  }
0x69: {  	[sflag:s25] =	ssyncadd.s32 $0xFFFFC000  }
0x6a: {  	_ =	swait.ge [sflag:s25], $0x4000  }
0x6b: {  	[sflag:s25] =	ssyncset.done $0x0  }
0x6c: {  	s28 =	simm.s32 $0x17D00;
	[sflag:s25] =	ssyncadd.s32 $0xFFFFC000  }
0x6d: {  	[spmem:s1] =	stream.indirect.scatter.add.f32 [tilespmem:s15], [sflag:$0x2], $0x80, s28, s18, $0xb8;
	[tilespmem:$0x1A080] =	vst v63  }
0x6e: {  	s28 =	simm.s32 $0x17D80  }
0x6f: {  	[spmem:s1] =	stream.indirect.scatter.add.f32 [tilespmem:s15], [sflag:$0x2], $0x80, s28, s18, $0xb8;
	[tilespmem:$0x1A080] =	vst v63  }
0x70: {  	s29 =	simm.s32 $0x17E00;
	s28 =	simm.s32 $0xC00  }
.LBB2_6:
0x71: {  	[spmem:s1] =	stream.indirect.scatter.add.f32 [tilespmem:s15], [sflag:$0x2], $0x80, s29, s18, $0xb8;
	[tilespmem:$0x1A080] =	vst v63  }
0x72: {  	s29 =	smov.u32 s28  }
0x73: {  	p2 =	sne.s32 s28, $0x8400;
	s28 =	sadd.s32 $0xC00, s28;
	_ =	swait.ge [sflag:s24], $0x4000  }
0x74: {  	[sflag:s24] =	ssyncset.done $0x0  }
0x75: {  	[sflag:s24] =	ssyncadd.s32 $0xFFFFC000  }
0x76: {  	_ =	swait.ge [sflag:s24], $0x4000  }
0x77: {  	[sflag:s24] =	ssyncset.done $0x0  }
0x78: {  	[sflag:s24] =	ssyncadd.s32 $0xFFFFC000  }
0x79: {  	_ =	swait.ge [sflag:s24], $0x4000  }
0x7a: {  	s29 =	sshra.s32 s29, $0x2;
	[sflag:s24] =	ssyncset.done $0x0  }
0x7b: {  	s30 =	sadd.s32 $0x17B80, s29;
	[sflag:s24] =	ssyncadd.s32 $0xFFFFC000  }
0x7c: {  	[spmem:s1] =	stream.indirect.scatter.add.f32 [tilespmem:s15], [sflag:$0x1], $0x80, s30, s18, $0xb8;
	[tilespmem:$0x1A080] =	vst v63  }
0x7d: {  	s30 =	sadd.s32 $0x17C00, s29  }
0x7e: {  	[spmem:s1] =	stream.indirect.scatter.add.f32 [tilespmem:s15], [sflag:$0x1], $0x80, s30, s18, $0xb8;
	[tilespmem:$0x1A080] =	vst v63  }
0x7f: {  	s30 =	sadd.s32 $0x17C80, s29  }
0x80: {  	[spmem:s1] =	stream.indirect.scatter.add.f32 [tilespmem:s15], [sflag:$0x1], $0x80, s30, s18, $0xb8;
	[tilespmem:$0x1A080] =	vst v63  }
0x81: {  	_ =	swait.ge [sflag:s25], $0x4000  }
0x82: {  	[sflag:s25] =	ssyncset.done $0x0  }
0x83: {  	[sflag:s25] =	ssyncadd.s32 $0xFFFFC000  }
0x84: {  	_ =	swait.ge [sflag:s25], $0x4000  }
0x85: {  	[sflag:s25] =	ssyncset.done $0x0  }
0x86: {  	[sflag:s25] =	ssyncadd.s32 $0xFFFFC000  }
0x87: {  	_ =	swait.ge [sflag:s25], $0x4000  }
0x88: {  	[sflag:s25] =	ssyncset.done $0x0  }
.Ltmp2:
0x89: {  	s30 =	sadd.s32 $0x17D00, s29;
	[sflag:s25] =	ssyncadd.s32 $0xFFFFC000;
	(pc) =	sbr.rel @p2 .LBB2_6-.Ltmp2, $4  }
0x8a: {  	[spmem:s1] =	stream.indirect.scatter.add.f32 [tilespmem:s15], [sflag:$0x2], $0x80, s30, s18, $0xb8;
	[tilespmem:$0x1A080] =	vst v63  }
0x8b: {  	s30 =	sadd.s32 $0x17D80, s29  }
0x8c: {  	[spmem:s1] =	stream.indirect.scatter.add.f32 [tilespmem:s15], [sflag:$0x2], $0x80, s30, s18, $0xb8;
	[tilespmem:$0x1A080] =	vst v63  }
0x8d: {  	s29 =	sadd.s32 $0x17E00, s29  }
0x8e: {  	[spmem:s1] =	stream.indirect.scatter.add.f32 [tilespmem:s15], [sflag:$0x2], $0x80, s29, s18, $0xb8;
	[tilespmem:$0x1A080] =	vst v63  }
0x8f: {  	_ =	swait.ge [sflag:s24], $0x4000  }
0x90: {  	[sflag:s24] =	ssyncset.done $0x0  }
0x91: {  	[sflag:s24] =	ssyncadd.s32 $0xFFFFC000  }
0x92: {  	_ =	swait.ge [sflag:s24], $0x4000  }
0x93: {  	[sflag:s24] =	ssyncset.done $0x0  }
0x94: {  	[sflag:s24] =	ssyncadd.s32 $0xFFFFC000  }
0x95: {  	_ =	swait.ge [sflag:s24], $0x4000  }
0x96: {  	[sflag:s24] =	ssyncset.done $0x0  }
0x97: {  	[sflag:s24] =	ssyncadd.s32 $0xFFFFC000  }
0x98: {  	_ =	swait.ge [sflag:s25], $0x4000  }
0x99: {  	[sflag:s25] =	ssyncset.done $0x0  }
0x9a: {  	[sflag:s25] =	ssyncadd.s32 $0xFFFFC000  }
0x9b: {  	_ =	swait.ge [sflag:s25], $0x4000  }
0x9c: {  	[sflag:s25] =	ssyncset.done $0x0  }
0x9d: {  	[sflag:s25] =	ssyncadd.s32 $0xFFFFC000  }
0x9e: {  	_ =	swait.ge [sflag:s25], $0x4000  }
0x9f: {  	s28 =	simm.s32 @!p1 $0x80;
	[sflag:s25] =	ssyncset.done $0x0  }
0xa0: {  	s29 =	simm.s32 @!p1 $0x19F80;
	s30 =	simm.s32 @!p1 $0x13880;
	[sflag:s25] =	ssyncadd.s32 $0xFFFFC000  }
0xa1: {  	[spmem:s1] =	stream.indirect.scatter.add.f32 @!p1 [tilespmem:s30], [sflag:$0x1], $0x80, s29, s28, $0xb8;
	[tilespmem:$0x1A080] =	vst v63  }
0xa2: {  	s28 =	simm.s32 @!p1 $0x1  }
0xa3: {  	_ =	swait.ge @!p1 [sflag:s28], $0x4000  }
0xa4: {  	[sflag:s28] =	ssyncset.done @!p1 $0x0  }
0xa5: {  	s30 =	sshll.u32 s3, $0x6;
	[sflag:s28] =	ssyncadd.s32 @!p1 $0xFFFFC000  }
0xa6: {  	s31 =	sshrl.u32 s4, $0x3;
	s28 =	sor.u32 $0x1C03, s30;
	[bflag:$0x0] =	sbarrier.arrive $0xFFFF  }
0xa7: {  	[hbm:s12], [sflag:s28] =	dma.local [spmem:s31], $0x2700  }
0xa8: {  	_ =	swait.ge [sflag:s16], $0x2700  }
0xa9: {  	s26 =	sadd.s32 $0x1, s26;
	[sflag:s16] =	ssyncset.done $0x0  }
0xaa: {  	p2 =	sne.s32 s26, s14;
	s29 =	sshrl.u32 @!p0 s9, $0x3;
	[sflag:s16] =	ssyncadd.s32 $0xFFFFD900  }
0xab: {  	[hbm:s13], [sflag:s28] =	dma.local @!p0 [spmem:s29], $0x100  }
.Ltmp3:
0xac: {  	_ = 	snop;
	(pc) =	sbr.rel @p2 .LBB2_1-.Ltmp3, $4  }
0xad: {  	s28 =	simm.s32 @!p0 $0x3  }
0xae: {  	_ =	swait.ge @!p0 [sflag:s28], $0x100  }
0xaf: {  	[sflag:s28] =	ssyncset.done @!p0 $0x0  }
0xb0: {  	[sflag:s28] =	ssyncadd.s32 @!p0 $0xFFFFFF00  }
0xb1: {  	_ =	sfence.sel $0x180000  }
0xb2: {  	[bflag:$0x0] =	sbarrier.arrive $0xFFFF  }
0xb3: {  	_ =	strace $0x90000047  }
0xb4: {  	s0 =	sadd.s32 @!p0 $0x100000, s0;
	[bflag:$0x2] =	sbarrier.arrive $0xFFFF  }
0xb5: {  	[sflag:s0] =	ssyncadd.tile.s32 @!p0 $0x1;
	_ =	shalt  }
.Lfunc_end2:
_tile_overlayer_lowered:
.L_overlay_start_2:
0xb6: {  	(tag) =	ssettag $0x2  }
0xb7: {  	s0 =	rddreg [dreg:$0x0];
	s2 =	stileid.u32  }
0xb8: {  	s1 =	rddreg [dreg:$0x1];
	p0 =	sne.s32 s2, $0x0  }
0xb9: {  	s3 =	rddreg [dreg:$0x2];
	[bflag:$0x3] =	sbarrier.arrive $0xFFFF;
	s2 =	simm.s32 @!p0 $0x1C03  }
0xba: {  	[timem:s3], [sflag:s2] =	dma.local @!p0 [hbm:s0], s1  }
0xbb: {  	s0 =	simm.s32 @!p0 $0x3  }
0xbc: {  	_ =	swait.ge @!p0 [sflag:s0], s1  }
0xbd: {  	s1 =	ssub.s32 @!p0 $0x0, s1;
	[sflag:s0] =	ssyncset.done @!p0 $0x0  }
0xbe: {  	[sflag:s0] =	ssyncadd.s32 @!p0 s1  }
0xbf: {  	[bflag:$0x3] =	sbarrier.arrive $0xFFFF  }
0xc0: {  	_ =	shalt  }

</sc_bundles>
